<compile_context>
chip_gen: v7x
topology: tpu7x:2x2x1
jax: 0.10.2.dev20260603
libtpu: 0.0.44.dev20260713+nightly
codegen_flags: <defaults>
</compile_context>

<pallas_src>
import functools

import jax
import jax.numpy as jnp
from jax import lax
from jax.experimental import pallas as pl
from jax.experimental.pallas import tpu as pltpu
from jax.experimental.pallas import tpu_sc as plsc

N, C, K = 10000, 128, 32
G = 4
NK = N * K
EPS = 1e-5

NC, NS = 2, 16
NW = NC * NS
NPAD = 10240
NPW = NPAD // NW
CH = 4
CK = CH * K
NCHUNK = NPW // CH
C16 = C // 16
VSTG = NPAD // NS


def _enc_key(x):
    b = lax.bitcast_convert_type(x, jnp.uint32)
    r = ((b + jnp.uint32(0x7FFF) + ((b >> 16) & jnp.uint32(1))) >> 16)
    r = r & jnp.uint32(0xFFFF)
    return jnp.where(r & jnp.uint32(0x8000) != 0,
                     r ^ jnp.uint32(0xFFFF), r | jnp.uint32(0x8000))


def _conv1_body(xf_ref, w_ref, b_ref, o_ref):
    v = jnp.dot(xf_ref[...], w_ref[...], preferred_element_type=jnp.float32)
    v = v + b_ref[...]
    rows = lax.broadcasted_iota(jnp.int32, (NPAD, C), 0)
    v = jnp.where(rows < N, v, 0.0)
    o_ref[...] = v


def _conv1(xf_pad, w1bd, b1r):
    return pl.pallas_call(
        _conv1_body,
        out_shape=jax.ShapeDtypeStruct((NPAD, C), jnp.float32),
    )(xf_pad, w1bd, b1r)


NBUF = 2
XMB = 4


def _sc_body(v_hbm, e_hbm, zc_hbm, xmax_hbm, cnt_hbm,
             idx_all, v_sh, cnt_sh, r0, r1, x0, x1, x2, x3, ones_v,
             sm0, sm1, xs0, xs1, xs2, xs3):
    rows = [r0, r1]
    sems = [sm0, sm1]
    xms = [x0, x1, x2, x3]
    xsems = [xs0, xs1, xs2, xs3]
    cid = lax.axis_index("c")
    sid = lax.axis_index("s")
    wid = sid * NC + cid
    base = wid * NPW

    pltpu.sync_copy(v_hbm.at[pl.ds(sid * VSTG, VSTG)],
                    v_sh.at[pl.ds(sid * VSTG, VSTG)])

    @pl.when(sid == 0)
    def _():
        pltpu.sync_copy(zc_hbm, cnt_sh)

    pltpu.sync_copy(e_hbm.at[wid], idx_all)
    for c in range(CK // 16):
        ones_v[pl.ds(c * 16, 16)] = jnp.full((16,), 1, jnp.int32)
    plsc.subcore_barrier()

    def hist(h, carry):
        pltpu.sync_copy(ones_v, cnt_sh.at[idx_all.at[h]], add=True)
        return carry

    lax.fori_loop(0, NCHUNK, hist, 0)
    plsc.subcore_barrier()

    @pl.when(sid == 0)
    def _():
        pltpu.sync_copy(cnt_sh, cnt_hbm.at[cid])

    def start(i, b):
        pltpu.async_copy(v_sh.at[idx_all.at[i]], rows[b], sems[b])

    def wait(b):
        pltpu.make_async_copy(v_sh.at[idx_all.at[0]], rows[b], sems[b]).wait()

    def xm_wait(xb):
        pltpu.make_async_copy(
            xms[xb], xmax_hbm.at[pl.ds(base, CH)], xsems[xb]).wait()

    start(0, 0)


    def outer(it, carry):
        for xb in range(XMB):
            i = it * XMB + xb
            b = xb % NBUF

            @pl.when(i + 1 < NCHUNK)
            def _():
                start(i + 1, (b + 1) % NBUF)

            wait(b)

            @pl.when(it > 0)
            def _():
                xm_wait(xb)

            rv = rows[b]
            for j in range(CH):
                r0_ = j * K
                acc = [rv[r0_, pl.ds(c * 16, 16)] for c in range(C16)]

                def k_body(k, t):
                    return tuple(
                        jnp.maximum(t[c], rv[r0_ + k, pl.ds(c * 16, 16)])
                        for c in range(C16))

                res = lax.fori_loop(1, K, k_body, tuple(acc))
                for c in range(C16):
                    xms[xb][j, pl.ds(c * 16, 16)] = res[c]
            pltpu.async_copy(
                xms[xb], xmax_hbm.at[pl.ds(base + i * CH, CH)], xsems[xb])
        return carry

    lax.fori_loop(0, NCHUNK // XMB, outer, 0)
    for xb in range(XMB):
        xm_wait(xb)


def _sc_gather_max(v_pk, e_r, zcnt):
    mesh = plsc.VectorSubcoreMesh(core_axis_name="c", subcore_axis_name="s")
    fn = functools.partial(
        pl.kernel, mesh=mesh,
        out_type=(jax.ShapeDtypeStruct((NPAD, C), jnp.float32),
                  jax.ShapeDtypeStruct((NC, NPAD), jnp.int32)),
        scratch_types=[pltpu.VMEM((NCHUNK, CK), jnp.int32),
                       pltpu.VMEM_SHARED((NPAD, C), jnp.float32),
                       pltpu.VMEM_SHARED((NPAD,), jnp.int32)]
                      + [pltpu.VMEM((CK, C), jnp.float32)] * NBUF
                      + [pltpu.VMEM((CH, C), jnp.float32)] * XMB
                      + [pltpu.VMEM((CK,), jnp.int32)]
                      + [pltpu.SemaphoreType.DMA] * (NBUF + XMB),
    )(_sc_body)
    return fn(v_pk, e_r, zcnt)


def _dec_key(key):
    u = jnp.where(key & jnp.uint32(0x8000) != 0,
                  key ^ jnp.uint32(0x8000), key ^ jnp.uint32(0xFFFF))
    return lax.bitcast_convert_type(u << 16, jnp.float32)


def _fin_body(xst_ref, xm_ref, cnt_ref, v_ref, w2a_ref, w2b_ref,
              b2_ref, g1_ref, be1_ref, g2_ref, be2_ref, o_ref):
    cntf = jnp.sum(cnt_ref[...], axis=0, keepdims=True).astype(jnp.float32)
    vv = v_ref[...]
    S1 = jnp.dot(cntf, vv, preferred_element_type=jnp.float32)
    S2 = jnp.dot(cntf, vv * vv, preferred_element_type=jnp.float32)
    mean1 = S1 / NK
    var1 = S2 / NK - mean1 * mean1
    a1 = g1_ref[...] * lax.rsqrt(var1 + EPS)
    d1 = be1_ref[...] - a1 * mean1
    xj = jnp.maximum(a1 * xm_ref[0:N, :] + d1, 0.0)

    za = lax.dot_general(xst_ref[...], w2a_ref[...],
                         (((0,), (0,)), ((), ())),
                         preferred_element_type=jnp.float32)
    zb = jnp.dot(xj, w2b_ref[...], preferred_element_type=jnp.float32)
    z2 = jnp.concatenate([za, zb], axis=1) + b2_ref[...]
    mean2 = jnp.mean(z2, axis=0, keepdims=True)
    zc = z2 - mean2
    var2 = jnp.mean(zc * zc, axis=0, keepdims=True)
    o_ref[...] = jnp.maximum(
        g2_ref[...] * zc * lax.rsqrt(var2 + EPS) + be2_ref[...], 0.0)


def _finalize(xst, xmax, cnt, v_bf, w2a, w2b, b2r, g1r, be1r, g2r, be2r):
    return pl.pallas_call(
        _fin_body,
        out_shape=jax.ShapeDtypeStruct((N, C), jnp.float32),
    )(xst, xmax, cnt, v_bf, w2a, w2b, b2r, g1r, be1r, g2r, be2r)


def kernel(x, edge_index, y, W1, b1, g1, be1, W2, b2, g2, be2):
    xf = lax.reshape(y, (N, C), dimensions=(1, 0))
    xf_pad = jnp.pad(xf, ((0, NPAD - N), (0, 0)))

    cig = C // G
    w1bd = jnp.zeros((C, C), jnp.float32)
    for g in range(G):
        w1bd = w1bd.at[g * cig:(g + 1) * cig, g * cig:(g + 1) * cig].set(
            W1[g * cig:(g + 1) * cig, :].T)
    cig2 = 2 * C // G
    cog2 = C // G
    w2a = jnp.zeros((C, C // 2), jnp.float32)
    w2b = jnp.zeros((C, C // 2), jnp.float32)
    for g in range(G):
        blk = W2[g * cog2:(g + 1) * cog2, :].T
        if g < 2:
            w2a = w2a.at[g * cig2:(g + 1) * cig2,
                         g * cog2:(g + 1) * cog2].set(blk)
        else:
            w2b = w2b.at[(g - 2) * cig2:(g - 1) * cig2,
                         (g - 2) * cog2:(g - 1) * cog2].set(blk)

    e = edge_index[0]
    e_r = jnp.concatenate(
        [e, jnp.full((NPAD - N, K), N, jnp.int32)],
        axis=0).reshape(NW, NCHUNK, CK)
    zcnt = jnp.zeros((NPAD,), jnp.int32)

    v_f32 = _conv1(xf_pad, w1bd, b1.reshape(1, C))
    xmax_pad, cnt = _sc_gather_max(v_f32, e_r, zcnt)

    out = _finalize(x.reshape(C, N), xmax_pad, cnt, v_f32, w2a, w2b,
                    b2.reshape(1, C), g1.reshape(1, C), be1.reshape(1, C),
                    g2.reshape(1, C), be2.reshape(1, C))
    return out.T.reshape(1, C, N, 1)

# --- scband reference (transcript-rebuilt; emitter-appended) ---
"""Pipeline reference for scband-graph-sage-81638738362645 (READ-ONLY COPY).

The authoritative reference and input builder live on the scoring server;
editing this copy changes nothing except your own understanding.
"""

import jax, jax.numpy as jnp
import numpy as np

GROUPS = 4


def batched_index_select(x, idx):
    # x: [N, C]  (must be 2D so trailing dims collapse correctly)
    # idx: [N, k]
    x = x[None, ..., None]  # [1, N, C, 1]
    batch_size = x.shape[0]
    num_vertices_reduced = x.shape[1]
    num_dims = x.shape[2]
    idx = idx[None]  # [1, N, k]
    _, num_vertices, k = idx.shape
    idx_base = jnp.arange(0, batch_size, dtype=idx.dtype).reshape(-1, 1, 1) * num_vertices_reduced
    idx = idx + idx_base
    idx = idx.reshape(-1)
    xt = jnp.swapaxes(x, 2, 1)  # [1, C, N, 1]  (matches torch transpose(2,1))
    xf = xt.reshape(batch_size * num_vertices_reduced, -1)  # [N, C] row-major of transposed tensor (faithful to torch view)
    feature = xf[idx, :]  # gather [N*k, C]
    feature = feature.reshape(batch_size, num_vertices, k, num_dims).transpose(0, 3, 1, 2)
    return feature  # [1, C, N, k]


def grouped_conv1x1(x, W, b):
    # x: [B, Cin, H, Wd]; W: [Cout, Cin//groups]; b: [Cout]
    B, Cin, H, Wd = x.shape
    Cout = W.shape[0]
    cig = Cin // GROUPS
    cog = Cout // GROUPS
    xg = x.reshape(B, GROUPS, cig, H, Wd)
    Wg = W.reshape(GROUPS, cog, cig)
    out = jnp.einsum('bgihw,goi->bgohw', xg, Wg).reshape(B, Cout, H, Wd)
    return out + b[None, :, None, None]


def batchnorm2d_train(x, gamma, beta, eps=1e-5):
    # Fresh torch module is in train mode: normalize with batch stats (biased var)
    mean = jnp.mean(x, axis=(0, 2, 3), keepdims=True)
    var = jnp.var(x, axis=(0, 2, 3), keepdims=True)
    xhat = (x - mean) / jnp.sqrt(var + eps)
    return xhat * gamma[None, :, None, None] + beta[None, :, None, None]


def setup_inputs(seed: int = 0) -> dict:
    key = jax.random.key(seed)
    ks = jax.random.split(key, 6)
    N, C, K = 10000, 128, 32
    x = jax.random.normal(ks[0], (1, C, N, 1), dtype=jnp.float32)
    edge_index = jax.random.randint(ks[1], (2, N, K), 0, N, dtype=jnp.int32)
    y = jax.random.normal(ks[2], (N, C), dtype=jnp.float32)
    W1 = jax.random.normal(ks[3], (C, C // GROUPS), dtype=jnp.float32) * 0.05
    b1 = jnp.zeros((C,), dtype=jnp.float32)
    g1 = jnp.ones((C,), dtype=jnp.float32)
    be1 = jnp.zeros((C,), dtype=jnp.float32)
    W2 = jax.random.normal(ks[4], (C, 2 * C // GROUPS), dtype=jnp.float32) * 0.05
    b2 = jnp.zeros((C,), dtype=jnp.float32)
    g2 = jnp.ones((C,), dtype=jnp.float32)
    be2 = jnp.zeros((C,), dtype=jnp.float32)
    return {"x": x, "edge_index": edge_index, "y": y,
            "W1": W1, "b1": b1, "g1": g1, "be1": be1,
            "W2": W2, "b2": b2, "g2": g2, "be2": be2}


def reference(x, edge_index, y, W1, b1, g1, be1, W2, b2, g2, be2):
    x_j = batched_index_select(y, edge_index[0])          # [1, C, N, k]
    h = grouped_conv1x1(x_j, W1, b1)                      # nn1 conv
    h = batchnorm2d_train(h, g1, be1)
    h = jax.nn.relu(h)
    x_j = jnp.max(h, axis=-1, keepdims=True)              # [1, C, N, 1]
    z = jnp.concatenate([x, x_j], axis=1)                 # [1, 2C, N, 1]
    z = grouped_conv1x1(z, W2, b2)                        # nn2 conv
    z = batchnorm2d_train(z, g2, be2)
    return jax.nn.relu(z)

if __name__ == "__main__":
    import jax
    _d = setup_inputs()
    print(jax.jit(kernel)(*tuple(_d.values())))

</pallas_src>

<mosaic_0001>
#map = affine_map<(d0, d1) -> (0, 0)>
#map1 = affine_map<(d0, d1) -> (0, 0, 0)>
#map2 = affine_map<(d0, d1) -> (0)>
module attributes {stable_mosaic.version = 14 : i64} {
  func.func @_sc_body(%arg0: i32, %arg1: i32, %arg2: memref<10240x128xf32, #tpu.memory_space<hbm>>, %arg3: memref<32x80x128xi32, #tpu.memory_space<hbm>>, %arg4: memref<10240xi32, #tpu.memory_space<hbm>>, %arg5: memref<10240x128xf32, #tpu.memory_space<hbm>>, %arg6: memref<2x10240xi32, #tpu.memory_space<hbm>>, %arg7: memref<80x128xi32, #tpu.memory_space<vmem>>, %arg8: memref<10240x128xf32, #tpu.memory_space<vmem_shared>>, %arg9: memref<10240xi32, #tpu.memory_space<vmem_shared>>, %arg10: memref<128x128xf32, #tpu.memory_space<vmem>>, %arg11: memref<128x128xf32, #tpu.memory_space<vmem>>, %arg12: memref<4x128xf32, #tpu.memory_space<vmem>>, %arg13: memref<4x128xf32, #tpu.memory_space<vmem>>, %arg14: memref<4x128xf32, #tpu.memory_space<vmem>>, %arg15: memref<4x128xf32, #tpu.memory_space<vmem>>, %arg16: memref<128xi32, #tpu.memory_space<vmem>>, %arg17: memref<!tpu.dma_semaphore, #tpu.memory_space<semaphore_mem>>, %arg18: memref<!tpu.dma_semaphore, #tpu.memory_space<semaphore_mem>>, %arg19: memref<!tpu.dma_semaphore, #tpu.memory_space<semaphore_mem>>, %arg20: memref<!tpu.dma_semaphore, #tpu.memory_space<semaphore_mem>>, %arg21: memref<!tpu.dma_semaphore, #tpu.memory_space<semaphore_mem>>, %arg22: memref<!tpu.dma_semaphore, #tpu.memory_space<semaphore_mem>>) attributes {dimension_semantics = [#tpu.dimension_semantics<core_parallel>, #tpu.dimension_semantics<subcore_parallel>], iteration_bounds = array<i64: 2, 16>, scalar_prefetch = 0 : i64, scratch_operands = 16 : i64, tpu.core_type = #tpu.core_type<sc_vector_subcore>, window_params = [{transform_indices = #map}, {transform_indices = #map1}, {transform_indices = #map2}, {transform_indices = #map}, {transform_indices = #map}]} {
    %mul3A = arith.constant 2 : i32
    %mul3A_0 = arith.muli %arg1, %mul3A : i32
    %add3A = arith.addi %mul3A_0, %arg0 : i32
    %mul3A_1 = arith.constant 320 : i32
    %mul3A_2 = arith.muli %add3A, %mul3A_1 : i32
    %mul3A_3 = arith.constant 640 : i32
    %mul3A_4 = arith.muli %arg1, %mul3A_3 : i32
    %mul3A_5 = arith.constant 640 : i32
    %mul3A_6 = arith.muli %arg1, %mul3A_5 : i32
    "tpu.region"() ({
      %run_scoped3A = tpu.sem_alloc : memref<!tpu.dma_semaphore, #tpu.memory_space<semaphore_mem>>
      %dma_start3A_93 = arith.constant 0 : i32
      %dma_start3A_94 = tpu.memref_slice %arg8[%mul3A_6, %dma_start3A_93] : memref<10240x128xf32, #tpu.memory_space<vmem_shared>> -> memref<640x128xf32, #tpu.memory_space<vmem_shared>>
      %dma_start3A_95 = arith.constant 0 : i32
      %dma_start3A_96 = tpu.memref_slice %arg2[%mul3A_4, %dma_start3A_95] : memref<10240x128xf32, #tpu.memory_space<hbm>> -> memref<640x128xf32, #tpu.memory_space<hbm>>
      tpu.enqueue_dma source(%dma_start3A_96 : memref<640x128xf32, #tpu.memory_space<hbm>>) target(%dma_start3A_94 : memref<640x128xf32, #tpu.memory_space<vmem_shared>>) target_semaphore(%run_scoped3A : memref<!tpu.dma_semaphore, #tpu.memory_space<semaphore_mem>>)
      %dma_wait3A_97 = arith.constant 0 : i32
      %dma_wait3A_98 = tpu.memref_slice %arg8[%mul3A_6, %dma_wait3A_97] : memref<10240x128xf32, #tpu.memory_space<vmem_shared>> -> memref<640x128xf32, #tpu.memory_space<vmem_shared>>
      %dma_wait3A_99 = arith.constant 0 : i32
      %dma_wait3A_100 = tpu.memref_slice %arg2[%mul3A_4, %dma_wait3A_99] : memref<10240x128xf32, #tpu.memory_space<hbm>> -> memref<640x128xf32, #tpu.memory_space<hbm>>
      tpu.wait_dma2 semaphore(%run_scoped3A : memref<!tpu.dma_semaphore, #tpu.memory_space<semaphore_mem>>) src(%dma_wait3A_100 : memref<640x128xf32, #tpu.memory_space<hbm>>) dst(%dma_wait3A_98 : memref<640x128xf32, #tpu.memory_space<vmem_shared>>)
      tpu.yield
    }) : () -> ()
    %eq3A = arith.constant 0 : i32
    %eq3A_7 = arith.cmpi eq, %arg1, %eq3A : i32
    %convert_element_type3A = arith.extui %eq3A_7 : i1 to i32
    %cond3A = arith.constant 0 : i32
    %cond3A_8 = arith.cmpi ne, %convert_element_type3A, %cond3A : i32
    scf.if %cond3A_8 {
      "tpu.region"() ({
        %run_scoped3A = tpu.sem_alloc : memref<!tpu.dma_semaphore, #tpu.memory_space<semaphore_mem>>
        tpu.enqueue_dma source(%arg4 : memref<10240xi32, #tpu.memory_space<hbm>>) target(%arg9 : memref<10240xi32, #tpu.memory_space<vmem_shared>>) target_semaphore(%run_scoped3A : memref<!tpu.dma_semaphore, #tpu.memory_space<semaphore_mem>>)
        tpu.wait_dma2 semaphore(%run_scoped3A : memref<!tpu.dma_semaphore, #tpu.memory_space<semaphore_mem>>) src(%arg4 : memref<10240xi32, #tpu.memory_space<hbm>>) dst(%arg9 : memref<10240xi32, #tpu.memory_space<vmem_shared>>)
        tpu.yield
      }) : () -> ()
    } else {
    }
    "tpu.region"() ({
      %run_scoped3A = tpu.sem_alloc : memref<!tpu.dma_semaphore, #tpu.memory_space<semaphore_mem>>
      %dma_start3A_93 = arith.constant 0 : i32
      %dma_start3A_94 = arith.constant 0 : i32
      %dma_start3A_95 = tpu.memref_slice %arg3[%add3A, %dma_start3A_93, %dma_start3A_94] : memref<32x80x128xi32, #tpu.memory_space<hbm>> -> memref<1x80x128xi32, #tpu.memory_space<hbm>>
      %dma_start3A_96 = tpu.memref_squeeze %dma_start3A_95 : memref<1x80x128xi32, #tpu.memory_space<hbm>> -> memref<80x128xi32, #tpu.memory_space<hbm>>
      %dma_start3A_97 = arith.constant 0 : i32
      %dma_start3A_98 = arith.constant 0 : i32
      %dma_start3A_99 = tpu.memref_slice %arg3[%add3A, %dma_start3A_97, %dma_start3A_98] : memref<32x80x128xi32, #tpu.memory_space<hbm>> -> memref<1x80x128xi32, #tpu.memory_space<hbm>>
      %dma_start3A_100 = tpu.memref_squeeze %dma_start3A_99 : memref<1x80x128xi32, #tpu.memory_space<hbm>> -> memref<80x128xi32, #tpu.memory_space<hbm>>
      tpu.enqueue_dma source(%dma_start3A_100 : memref<80x128xi32, #tpu.memory_space<hbm>>) target(%arg7 : memref<80x128xi32, #tpu.memory_space<vmem>>) target_semaphore(%run_scoped3A : memref<!tpu.dma_semaphore, #tpu.memory_space<semaphore_mem>>)
      %dma_wait3A_101 = arith.constant 0 : i32
      %dma_wait3A_102 = arith.constant 0 : i32
      %dma_wait3A_103 = tpu.memref_slice %arg3[%add3A, %dma_wait3A_101, %dma_wait3A_102] : memref<32x80x128xi32, #tpu.memory_space<hbm>> -> memref<1x80x128xi32, #tpu.memory_space<hbm>>
      %dma_wait3A_104 = tpu.memref_squeeze %dma_wait3A_103 : memref<1x80x128xi32, #tpu.memory_space<hbm>> -> memref<80x128xi32, #tpu.memory_space<hbm>>
      %dma_wait3A_105 = arith.constant 0 : i32
      %dma_wait3A_106 = arith.constant 0 : i32
      %dma_wait3A_107 = tpu.memref_slice %arg3[%add3A, %dma_wait3A_105, %dma_wait3A_106] : memref<32x80x128xi32, #tpu.memory_space<hbm>> -> memref<1x80x128xi32, #tpu.memory_space<hbm>>
      %dma_wait3A_108 = tpu.memref_squeeze %dma_wait3A_107 : memref<1x80x128xi32, #tpu.memory_space<hbm>> -> memref<80x128xi32, #tpu.memory_space<hbm>>
      tpu.wait_dma2 semaphore(%run_scoped3A : memref<!tpu.dma_semaphore, #tpu.memory_space<semaphore_mem>>) src(%dma_wait3A_108 : memref<80x128xi32, #tpu.memory_space<hbm>>) dst(%arg7 : memref<80x128xi32, #tpu.memory_space<vmem>>)
      tpu.yield
    }) : () -> ()
    %broadcast_in_dim3A = arith.constant 1 : i32
    %broadcast_in_dim3A_9 = vector.broadcast %broadcast_in_dim3A : i32 to vector<16xi32>
    %swap3A = arith.constant 0 : index
    %swap3A_10 = tpu.vector_load %arg16[%swap3A] {strides = array<i32>} : memref<128xi32, #tpu.memory_space<vmem>>, vector<16xi32>,
    %swap3A_11 = vector.shape_cast %swap3A_10 : vector<16xi32> to vector<16xi32>
    %swap3A_12 = vector.shape_cast %broadcast_in_dim3A_9 : vector<16xi32> to vector<16xi32>
    tpu.vector_store %arg16[%swap3A], %swap3A_12 {strides = array<i32>} : memref<128xi32, #tpu.memory_space<vmem>>, vector<16xi32>,
    %broadcast_in_dim3A_13 = arith.constant 1 : i32
    %broadcast_in_dim3A_14 = vector.broadcast %broadcast_in_dim3A_13 : i32 to vector<16xi32>
    %swap3A_15 = arith.constant 16 : index
    %swap3A_16 = tpu.vector_load %arg16[%swap3A_15] {strides = array<i32>} : memref<128xi32, #tpu.memory_space<vmem>>, vector<16xi32>,
    %swap3A_17 = vector.shape_cast %swap3A_16 : vector<16xi32> to vector<16xi32>
    %swap3A_18 = vector.shape_cast %broadcast_in_dim3A_14 : vector<16xi32> to vector<16xi32>
    tpu.vector_store %arg16[%swap3A_15], %swap3A_18 {strides = array<i32>} : memref<128xi32, #tpu.memory_space<vmem>>, vector<16xi32>,
    %broadcast_in_dim3A_19 = arith.constant 1 : i32
    %broadcast_in_dim3A_20 = vector.broadcast %broadcast_in_dim3A_19 : i32 to vector<16xi32>
    %swap3A_21 = arith.constant 32 : index
    %swap3A_22 = tpu.vector_load %arg16[%swap3A_21] {strides = array<i32>} : memref<128xi32, #tpu.memory_space<vmem>>, vector<16xi32>,
    %swap3A_23 = vector.shape_cast %swap3A_22 : vector<16xi32> to vector<16xi32>
    %swap3A_24 = vector.shape_cast %broadcast_in_dim3A_20 : vector<16xi32> to vector<16xi32>
    tpu.vector_store %arg16[%swap3A_21], %swap3A_24 {strides = array<i32>} : memref<128xi32, #tpu.memory_space<vmem>>, vector<16xi32>,
    %broadcast_in_dim3A_25 = arith.constant 1 : i32
    %broadcast_in_dim3A_26 = vector.broadcast %broadcast_in_dim3A_25 : i32 to vector<16xi32>
    %swap3A_27 = arith.constant 48 : index
    %swap3A_28 = tpu.vector_load %arg16[%swap3A_27] {strides = array<i32>} : memref<128xi32, #tpu.memory_space<vmem>>, vector<16xi32>,
    %swap3A_29 = vector.shape_cast %swap3A_28 : vector<16xi32> to vector<16xi32>
    %swap3A_30 = vector.shape_cast %broadcast_in_dim3A_26 : vector<16xi32> to vector<16xi32>
    tpu.vector_store %arg16[%swap3A_27], %swap3A_30 {strides = array<i32>} : memref<128xi32, #tpu.memory_space<vmem>>, vector<16xi32>,
    %broadcast_in_dim3A_31 = arith.constant 1 : i32
    %broadcast_in_dim3A_32 = vector.broadcast %broadcast_in_dim3A_31 : i32 to vector<16xi32>
    %swap3A_33 = arith.constant 64 : index
    %swap3A_34 = tpu.vector_load %arg16[%swap3A_33] {strides = array<i32>} : memref<128xi32, #tpu.memory_space<vmem>>, vector<16xi32>,
    %swap3A_35 = vector.shape_cast %swap3A_34 : vector<16xi32> to vector<16xi32>
    %swap3A_36 = vector.shape_cast %broadcast_in_dim3A_32 : vector<16xi32> to vector<16xi32>
    tpu.vector_store %arg16[%swap3A_33], %swap3A_36 {strides = array<i32>} : memref<128xi32, #tpu.memory_space<vmem>>, vector<16xi32>,
    %broadcast_in_dim3A_37 = arith.constant 1 : i32
    %broadcast_in_dim3A_38 = vector.broadcast %broadcast_in_dim3A_37 : i32 to vector<16xi32>
    %swap3A_39 = arith.constant 80 : index
    %swap3A_40 = tpu.vector_load %arg16[%swap3A_39] {strides = array<i32>} : memref<128xi32, #tpu.memory_space<vmem>>, vector<16xi32>,
    %swap3A_41 = vector.shape_cast %swap3A_40 : vector<16xi32> to vector<16xi32>
    %swap3A_42 = vector.shape_cast %broadcast_in_dim3A_38 : vector<16xi32> to vector<16xi32>
    tpu.vector_store %arg16[%swap3A_39], %swap3A_42 {strides = array<i32>} : memref<128xi32, #tpu.memory_space<vmem>>, vector<16xi32>,
    %broadcast_in_dim3A_43 = arith.constant 1 : i32
    %broadcast_in_dim3A_44 = vector.broadcast %broadcast_in_dim3A_43 : i32 to vector<16xi32>
    %swap3A_45 = arith.constant 96 : index
    %swap3A_46 = tpu.vector_load %arg16[%swap3A_45] {strides = array<i32>} : memref<128xi32, #tpu.memory_space<vmem>>, vector<16xi32>,
    %swap3A_47 = vector.shape_cast %swap3A_46 : vector<16xi32> to vector<16xi32>
    %swap3A_48 = vector.shape_cast %broadcast_in_dim3A_44 : vector<16xi32> to vector<16xi32>
    tpu.vector_store %arg16[%swap3A_45], %swap3A_48 {strides = array<i32>} : memref<128xi32, #tpu.memory_space<vmem>>, vector<16xi32>,
    %broadcast_in_dim3A_49 = arith.constant 1 : i32
    %broadcast_in_dim3A_50 = vector.broadcast %broadcast_in_dim3A_49 : i32 to vector<16xi32>
    %swap3A_51 = arith.constant 112 : index
    %swap3A_52 = tpu.vector_load %arg16[%swap3A_51] {strides = array<i32>} : memref<128xi32, #tpu.memory_space<vmem>>, vector<16xi32>,
    %swap3A_53 = vector.shape_cast %swap3A_52 : vector<16xi32> to vector<16xi32>
    %swap3A_54 = vector.shape_cast %broadcast_in_dim3A_50 : vector<16xi32> to vector<16xi32>
    tpu.vector_store %arg16[%swap3A_51], %swap3A_54 {strides = array<i32>} : memref<128xi32, #tpu.memory_space<vmem>>, vector<16xi32>,
    %barrier3A = arith.constant 0 : index
    tpu.barrier barrier_id(%barrier3A)
    %scan3A = arith.constant 0 : i32
    %scan3A_55 = arith.constant 0 : i32
    %scan3A_56 = arith.constant 80 : i32
    %scan3A_57 = arith.addi %scan3A_55, %scan3A_56 : i32
    %scan3A_58 = arith.constant 1 : i32
    scf.for %scan3A_93 = %scan3A_55 to %scan3A_57 step %scan3A_58  : i32 {
      "tpu.region"() ({
        %run_scoped3A = tpu.sem_alloc : memref<!tpu.dma_semaphore, #tpu.memory_space<semaphore_mem>>
        %dma_start3A_94 = arith.constant 0 : i32
        %dma_start3A_95 = tpu.memref_slice %arg7[%scan3A_93, %dma_start3A_94] : memref<80x128xi32, #tpu.memory_space<vmem>> -> memref<1x128xi32, #tpu.memory_space<vmem>>
        %dma_start3A_96 = tpu.memref_squeeze %dma_start3A_95 : memref<1x128xi32, #tpu.memory_space<vmem>> -> memref<128xi32, #tpu.memory_space<vmem>>
        %dma_start3A_97 = arith.constant 0 : i32
        %dma_start3A_98 = tpu.memref_slice %arg9[%dma_start3A_97] : memref<10240xi32, #tpu.memory_space<vmem_shared>> -> memref<10240xi32, #tpu.memory_space<vmem_shared>>
        tpu.enqueue_indirect_dma source(%arg16 : memref<128xi32, #tpu.memory_space<vmem>>) target(%dma_start3A_98 : memref<10240xi32, #tpu.memory_space<vmem_shared>>) offsets(%dma_start3A_96 : memref<128xi32, #tpu.memory_space<vmem>>) semaphore(%run_scoped3A : memref<!tpu.dma_semaphore, #tpu.memory_space<semaphore_mem>>) {add = true}
        %dma_wait3A_99 = arith.constant 0 : i32
        %dma_wait3A_100 = tpu.memref_slice %arg7[%scan3A_93, %dma_wait3A_99] : memref<80x128xi32, #tpu.memory_space<vmem>> -> memref<1x128xi32, #tpu.memory_space<vmem>>
        %dma_wait3A_101 = tpu.memref_squeeze %dma_wait3A_100 : memref<1x128xi32, #tpu.memory_space<vmem>> -> memref<128xi32, #tpu.memory_space<vmem>>
        %dma_wait3A_102 = arith.constant 0 : i32
        %dma_wait3A_103 = tpu.memref_slice %arg9[%dma_wait3A_102] : memref<10240xi32, #tpu.memory_space<vmem_shared>> -> memref<10240xi32, #tpu.memory_space<vmem_shared>>
        tpu.wait_indirect_dma semaphore(%run_scoped3A : memref<!tpu.dma_semaphore, #tpu.memory_space<semaphore_mem>>) src(%arg16 : memref<128xi32, #tpu.memory_space<vmem>>) dst(%dma_wait3A_103 : memref<10240xi32, #tpu.memory_space<vmem_shared>>)
        tpu.yield
      }) : () -> ()
    }
    %scan3A_59 = arith.constant 80 : i32
    %barrier3A_60 = arith.constant 0 : index
    tpu.barrier barrier_id(%barrier3A_60)
    %eq3A_61 = arith.constant 0 : i32
    %eq3A_62 = arith.cmpi eq, %arg1, %eq3A_61 : i32
    %convert_element_type3A_63 = arith.extui %eq3A_62 : i1 to i32
    %cond3A_64 = arith.constant 0 : i32
    %cond3A_65 = arith.cmpi ne, %convert_element_type3A_63, %cond3A_64 : i32
    scf.if %cond3A_65 {
      "tpu.region"() ({
        %run_scoped3A = tpu.sem_alloc : memref<!tpu.dma_semaphore, #tpu.memory_space<semaphore_mem>>
        %dma_start3A_93 = arith.constant 0 : i32
        %dma_start3A_94 = tpu.memref_slice %arg6[%arg0, %dma_start3A_93] : memref<2x10240xi32, #tpu.memory_space<hbm>> -> memref<1x10240xi32, #tpu.memory_space<hbm>>
        %dma_start3A_95 = tpu.memref_squeeze %dma_start3A_94 : memref<1x10240xi32, #tpu.memory_space<hbm>> -> memref<10240xi32, #tpu.memory_space<hbm>>
        tpu.enqueue_dma source(%arg9 : memref<10240xi32, #tpu.memory_space<vmem_shared>>) target(%dma_start3A_95 : memref<10240xi32, #tpu.memory_space<hbm>>) target_semaphore(%run_scoped3A : memref<!tpu.dma_semaphore, #tpu.memory_space<semaphore_mem>>)
        %dma_wait3A_96 = arith.constant 0 : i32
        %dma_wait3A_97 = tpu.memref_slice %arg6[%arg0, %dma_wait3A_96] : memref<2x10240xi32, #tpu.memory_space<hbm>> -> memref<1x10240xi32, #tpu.memory_space<hbm>>
        %dma_wait3A_98 = tpu.memref_squeeze %dma_wait3A_97 : memref<1x10240xi32, #tpu.memory_space<hbm>> -> memref<10240xi32, #tpu.memory_space<hbm>>
        tpu.wait_dma2 semaphore(%run_scoped3A : memref<!tpu.dma_semaphore, #tpu.memory_space<semaphore_mem>>) src(%arg9 : memref<10240xi32, #tpu.memory_space<vmem_shared>>) dst(%dma_wait3A_98 : memref<10240xi32, #tpu.memory_space<hbm>>)
        tpu.yield
      }) : () -> ()
    } else {
    }
    %dma_start3A = arith.constant 0 : i32
    %dma_start3A_66 = arith.constant 0 : i32
    %dma_start3A_67 = tpu.memref_slice %arg7[%dma_start3A, %dma_start3A_66] : memref<80x128xi32, #tpu.memory_space<vmem>> -> memref<1x128xi32, #tpu.memory_space<vmem>>
    %dma_start3A_68 = tpu.memref_squeeze %dma_start3A_67 : memref<1x128xi32, #tpu.memory_space<vmem>> -> memref<128xi32, #tpu.memory_space<vmem>>
    %dma_start3A_69 = arith.constant 0 : i32
    %dma_start3A_70 = arith.constant 0 : i32
    %dma_start3A_71 = tpu.memref_slice %arg8[%dma_start3A_69, %dma_start3A_70] : memref<10240x128xf32, #tpu.memory_space<vmem_shared>> -> memref<10240x128xf32, #tpu.memory_space<vmem_shared>>
    tpu.enqueue_indirect_dma source(%dma_start3A_71 : memref<10240x128xf32, #tpu.memory_space<vmem_shared>>) target(%arg10 : memref<128x128xf32, #tpu.memory_space<vmem>>) offsets(%dma_start3A_68 : memref<128xi32, #tpu.memory_space<vmem>>) semaphore(%arg17 : memref<!tpu.dma_semaphore, #tpu.memory_space<semaphore_mem>>)
    %scan3A_72 = arith.constant 0 : i32
    %scan3A_73 = arith.constant 0 : i32
    %scan3A_74 = arith.constant 20 : i32
    %scan3A_75 = arith.addi %scan3A_73, %scan3A_74 : i32
    %scan3A_76 = arith.constant 1 : i32
    scf.for %scan3A_93 = %scan3A_73 to %scan3A_75 step %scan3A_76  : i32 {
      %mul3A_94 = arith.constant 4 : i32
      %mul3A_95 = arith.muli %scan3A_93, %mul3A_94 : i32
      %add3A_96 = arith.constant 0 : i32
      %add3A_97 = arith.addi %mul3A_95, %add3A_96 : i32
      %add3A_98 = arith.constant 1 : i32
      %add3A_99 = arith.addi %add3A_97, %add3A_98 : i32
      %lt3A = arith.constant 80 : i32
      %lt3A_100 = arith.cmpi slt, %add3A_99, %lt3A : i32
      %convert_element_type3A_101 = arith.extui %lt3A_100 : i1 to i32
      %cond3A_102 = arith.constant 0 : i32
      %cond3A_103 = arith.cmpi ne, %convert_element_type3A_101, %cond3A_102 : i32
      scf.if %cond3A_103 {
        %add3A_1715 = arith.constant 1 : i32
        %add3A_1716 = arith.addi %add3A_97, %add3A_1715 : i32
        %dma_start3A_1717 = arith.constant 0 : i32
        %dma_start3A_1718 = tpu.memref_slice %arg7[%add3A_1716, %dma_start3A_1717] : memref<80x128xi32, #tpu.memory_space<vmem>> -> memref<1x128xi32, #tpu.memory_space<vmem>>
        %dma_start3A_1719 = tpu.memref_squeeze %dma_start3A_1718 : memref<1x128xi32, #tpu.memory_space<vmem>> -> memref<128xi32, #tpu.memory_space<vmem>>
        %dma_start3A_1720 = arith.constant 0 : i32
        %dma_start3A_1721 = arith.constant 0 : i32
        %dma_start3A_1722 = tpu.memref_slice %arg8[%dma_start3A_1720, %dma_start3A_1721] : memref<10240x128xf32, #tpu.memory_space<vmem_shared>> -> memref<10240x128xf32, #tpu.memory_space<vmem_shared>>
        tpu.enqueue_indirect_dma source(%dma_start3A_1722 : memref<10240x128xf32, #tpu.memory_space<vmem_shared>>) target(%arg11 : memref<128x128xf32, #tpu.memory_space<vmem>>) offsets(%dma_start3A_1719 : memref<128xi32, #tpu.memory_space<vmem>>) semaphore(%arg18 : memref<!tpu.dma_semaphore, #tpu.memory_space<semaphore_mem>>)
      } else {
      }
      %dma_wait3A_104 = arith.constant 0 : i32
      %dma_wait3A_105 = arith.constant 0 : i32
      %dma_wait3A_106 = tpu.memref_slice %arg7[%dma_wait3A_104, %dma_wait3A_105] : memref<80x128xi32, #tpu.memory_space<vmem>> -> memref<1x128xi32, #tpu.memory_space<vmem>>
      %dma_wait3A_107 = tpu.memref_squeeze %dma_wait3A_106 : memref<1x128xi32, #tpu.memory_space<vmem>> -> memref<128xi32, #tpu.memory_space<vmem>>
      %dma_wait3A_108 = arith.constant 0 : i32
      %dma_wait3A_109 = arith.constant 0 : i32
      %dma_wait3A_110 = tpu.memref_slice %arg8[%dma_wait3A_108, %dma_wait3A_109] : memref<10240x128xf32, #tpu.memory_space<vmem_shared>> -> memref<10240x128xf32, #tpu.memory_space<vmem_shared>>
      tpu.wait_indirect_dma semaphore(%arg17 : memref<!tpu.dma_semaphore, #tpu.memory_space<semaphore_mem>>) src(%dma_wait3A_110 : memref<10240x128xf32, #tpu.memory_space<vmem_shared>>) dst(%arg10 : memref<128x128xf32, #tpu.memory_space<vmem>>)
      %gt3A = arith.constant 0 : i32
      %gt3A_111 = arith.cmpi sgt, %scan3A_93, %gt3A : i32
      %convert_element_type3A_112 = arith.extui %gt3A_111 : i1 to i32
      %cond3A_113 = arith.constant 0 : i32
      %cond3A_114 = arith.cmpi ne, %convert_element_type3A_112, %cond3A_113 : i32
      scf.if %cond3A_114 {
        %dma_wait3A_1715 = arith.constant 0 : i32
        %dma_wait3A_1716 = tpu.memref_slice %arg5[%mul3A_2, %dma_wait3A_1715] : memref<10240x128xf32, #tpu.memory_space<hbm>> -> memref<4x128xf32, #tpu.memory_space<hbm>>
        %dma_wait3A_1717 = arith.constant 0 : i32
        %dma_wait3A_1718 = tpu.memref_slice %arg5[%mul3A_2, %dma_wait3A_1717] : memref<10240x128xf32, #tpu.memory_space<hbm>> -> memref<4x128xf32, #tpu.memory_space<hbm>>
        tpu.wait_dma2 semaphore(%arg19 : memref<!tpu.dma_semaphore, #tpu.memory_space<semaphore_mem>>) src(%arg12 : memref<4x128xf32, #tpu.memory_space<vmem>>) dst(%dma_wait3A_1718 : memref<4x128xf32, #tpu.memory_space<hbm>>)
      } else {
      }
      %get3A = arith.constant 0 : i32
      %get3A_115 = arith.index_cast %get3A : i32 to index
      %get3A_116 = arith.constant 0 : index
      %get3A_117 = tpu.vector_load %arg10[%get3A_115, %get3A_116] {strides = array<i32>} : memref<128x128xf32, #tpu.memory_space<vmem>>, vector<1x16xf32>,
      %get3A_118 = vector.shape_cast %get3A_117 : vector<1x16xf32> to vector<16xf32>
      %get3A_119 = arith.constant 0 : i32
      %get3A_120 = arith.index_cast %get3A_119 : i32 to index
      %get3A_121 = arith.constant 16 : index
      %get3A_122 = tpu.vector_load %arg10[%get3A_120, %get3A_121] {strides = array<i32>} : memref<128x128xf32, #tpu.memory_space<vmem>>, vector<1x16xf32>,
      %get3A_123 = vector.shape_cast %get3A_122 : vector<1x16xf32> to vector<16xf32>
      %get3A_124 = arith.constant 0 : i32
      %get3A_125 = arith.index_cast %get3A_124 : i32 to index
      %get3A_126 = arith.constant 32 : index
      %get3A_127 = tpu.vector_load %arg10[%get3A_125, %get3A_126] {strides = array<i32>} : memref<128x128xf32, #tpu.memory_space<vmem>>, vector<1x16xf32>,
      %get3A_128 = vector.shape_cast %get3A_127 : vector<1x16xf32> to vector<16xf32>
      %get3A_129 = arith.constant 0 : i32
      %get3A_130 = arith.index_cast %get3A_129 : i32 to index
      %get3A_131 = arith.constant 48 : index
      %get3A_132 = tpu.vector_load %arg10[%get3A_130, %get3A_131] {strides = array<i32>} : memref<128x128xf32, #tpu.memory_space<vmem>>, vector<1x16xf32>,
      %get3A_133 = vector.shape_cast %get3A_132 : vector<1x16xf32> to vector<16xf32>
      %get3A_134 = arith.constant 0 : i32
      %get3A_135 = arith.index_cast %get3A_134 : i32 to index
      %get3A_136 = arith.constant 64 : index
      %get3A_137 = tpu.vector_load %arg10[%get3A_135, %get3A_136] {strides = array<i32>} : memref<128x128xf32, #tpu.memory_space<vmem>>, vector<1x16xf32>,
      %get3A_138 = vector.shape_cast %get3A_137 : vector<1x16xf32> to vector<16xf32>
      %get3A_139 = arith.constant 0 : i32
      %get3A_140 = arith.index_cast %get3A_139 : i32 to index
      %get3A_141 = arith.constant 80 : index
      %get3A_142 = tpu.vector_load %arg10[%get3A_140, %get3A_141] {strides = array<i32>} : memref<128x128xf32, #tpu.memory_space<vmem>>, vector<1x16xf32>,
      %get3A_143 = vector.shape_cast %get3A_142 : vector<1x16xf32> to vector<16xf32>
      %get3A_144 = arith.constant 0 : i32
      %get3A_145 = arith.index_cast %get3A_144 : i32 to index
      %get3A_146 = arith.constant 96 : index
      %get3A_147 = tpu.vector_load %arg10[%get3A_145, %get3A_146] {strides = array<i32>} : memref<128x128xf32, #tpu.memory_space<vmem>>, vector<1x16xf32>,
      %get3A_148 = vector.shape_cast %get3A_147 : vector<1x16xf32> to vector<16xf32>
      %get3A_149 = arith.constant 0 : i32
      %get3A_150 = arith.index_cast %get3A_149 : i32 to index
      %get3A_151 = arith.constant 112 : index
      %get3A_152 = tpu.vector_load %arg10[%get3A_150, %get3A_151] {strides = array<i32>} : memref<128x128xf32, #tpu.memory_space<vmem>>, vector<1x16xf32>,
      %get3A_153 = vector.shape_cast %get3A_152 : vector<1x16xf32> to vector<16xf32>
      %scan3A_154 = arith.constant 1 : i32
      %scan3A_155 = arith.constant 31 : i32
      %scan3A_156 = arith.addi %scan3A_154, %scan3A_155 : i32
      %scan3A_157 = arith.constant 1 : i32
      %scan3A_158:8 = scf.for %scan3A_1715 = %scan3A_154 to %scan3A_156 step %scan3A_157 iter_args(%scan3A_1716 = %get3A_118, %scan3A_1717 = %get3A_123, %scan3A_1718 = %get3A_128, %scan3A_1719 = %get3A_133, %scan3A_1720 = %get3A_138, %scan3A_1721 = %get3A_143, %scan3A_1722 = %get3A_148, %scan3A_1723 = %get3A_153) -> (vector<16xf32>, vector<16xf32>, vector<16xf32>, vector<16xf32>, vector<16xf32>, vector<16xf32>, vector<16xf32>, vector<16xf32>)  : i32 {
        %add3A_1724 = arith.constant 0 : i32
        %add3A_1725 = arith.addi %add3A_1724, %scan3A_1715 : i32
        %get3A_1726 = arith.index_cast %add3A_1725 : i32 to index
        %get3A_1727 = arith.constant 0 : index
        %get3A_1728 = tpu.vector_load %arg10[%get3A_1726, %get3A_1727] {strides = array<i32>} : memref<128x128xf32, #tpu.memory_space<vmem>>, vector<1x16xf32>,
        %get3A_1729 = vector.shape_cast %get3A_1728 : vector<1x16xf32> to vector<16xf32>
        %max3A = arith.maximumf %scan3A_1716, %get3A_1729 : vector<16xf32>
        %add3A_1730 = arith.constant 0 : i32
        %add3A_1731 = arith.addi %add3A_1730, %scan3A_1715 : i32
        %get3A_1732 = arith.index_cast %add3A_1731 : i32 to index
        %get3A_1733 = arith.constant 16 : index
        %get3A_1734 = tpu.vector_load %arg10[%get3A_1732, %get3A_1733] {strides = array<i32>} : memref<128x128xf32, #tpu.memory_space<vmem>>, vector<1x16xf32>,
        %get3A_1735 = vector.shape_cast %get3A_1734 : vector<1x16xf32> to vector<16xf32>
        %max3A_1736 = arith.maximumf %scan3A_1717, %get3A_1735 : vector<16xf32>
        %add3A_1737 = arith.constant 0 : i32
        %add3A_1738 = arith.addi %add3A_1737, %scan3A_1715 : i32
        %get3A_1739 = arith.index_cast %add3A_1738 : i32 to index
        %get3A_1740 = arith.constant 32 : index
        %get3A_1741 = tpu.vector_load %arg10[%get3A_1739, %get3A_1740] {strides = array<i32>} : memref<128x128xf32, #tpu.memory_space<vmem>>, vector<1x16xf32>,
        %get3A_1742 = vector.shape_cast %get3A_1741 : vector<1x16xf32> to vector<16xf32>
        %max3A_1743 = arith.maximumf %scan3A_1718, %get3A_1742 : vector<16xf32>
        %add3A_1744 = arith.constant 0 : i32
        %add3A_1745 = arith.addi %add3A_1744, %scan3A_1715 : i32
        %get3A_1746 = arith.index_cast %add3A_1745 : i32 to index
        %get3A_1747 = arith.constant 48 : index
        %get3A_1748 = tpu.vector_load %arg10[%get3A_1746, %get3A_1747] {strides = array<i32>} : memref<128x128xf32, #tpu.memory_space<vmem>>, vector<1x16xf32>,
        %get3A_1749 = vector.shape_cast %get3A_1748 : vector<1x16xf32> to vector<16xf32>
        %max3A_1750 = arith.maximumf %scan3A_1719, %get3A_1749 : vector<16xf32>
        %add3A_1751 = arith.constant 0 : i32
        %add3A_1752 = arith.addi %add3A_1751, %scan3A_1715 : i32
        %get3A_1753 = arith.index_cast %add3A_1752 : i32 to index
        %get3A_1754 = arith.constant 64 : index
        %get3A_1755 = tpu.vector_load %arg10[%get3A_1753, %get3A_1754] {strides = array<i32>} : memref<128x128xf32, #tpu.memory_space<vmem>>, vector<1x16xf32>,
        %get3A_1756 = vector.shape_cast %get3A_1755 : vector<1x16xf32> to vector<16xf32>
        %max3A_1757 = arith.maximumf %scan3A_1720, %get3A_1756 : vector<16xf32>
        %add3A_1758 = arith.constant 0 : i32
        %add3A_1759 = arith.addi %add3A_1758, %scan3A_1715 : i32
        %get3A_1760 = arith.index_cast %add3A_1759 : i32 to index
        %get3A_1761 = arith.constant 80 : index
        %get3A_1762 = tpu.vector_load %arg10[%get3A_1760, %get3A_1761] {strides = array<i32>} : memref<128x128xf32, #tpu.memory_space<vmem>>, vector<1x16xf32>,
        %get3A_1763 = vector.shape_cast %get3A_1762 : vector<1x16xf32> to vector<16xf32>
        %max3A_1764 = arith.maximumf %scan3A_1721, %get3A_1763 : vector<16xf32>
        %add3A_1765 = arith.constant 0 : i32
        %add3A_1766 = arith.addi %add3A_1765, %scan3A_1715 : i32
        %get3A_1767 = arith.index_cast %add3A_1766 : i32 to index
        %get3A_1768 = arith.constant 96 : index
        %get3A_1769 = tpu.vector_load %arg10[%get3A_1767, %get3A_1768] {strides = array<i32>} : memref<128x128xf32, #tpu.memory_space<vmem>>, vector<1x16xf32>,
        %get3A_1770 = vector.shape_cast %get3A_1769 : vector<1x16xf32> to vector<16xf32>
        %max3A_1771 = arith.maximumf %scan3A_1722, %get3A_1770 : vector<16xf32>
        %add3A_1772 = arith.constant 0 : i32
        %add3A_1773 = arith.addi %add3A_1772, %scan3A_1715 : i32
        %get3A_1774 = arith.index_cast %add3A_1773 : i32 to index
        %get3A_1775 = arith.constant 112 : index
        %get3A_1776 = tpu.vector_load %arg10[%get3A_1774, %get3A_1775] {strides = array<i32>} : memref<128x128xf32, #tpu.memory_space<vmem>>, vector<1x16xf32>,
        %get3A_1777 = vector.shape_cast %get3A_1776 : vector<1x16xf32> to vector<16xf32>
        %max3A_1778 = arith.maximumf %scan3A_1723, %get3A_1777 : vector<16xf32>
        scf.yield %max3A, %max3A_1736, %max3A_1743, %max3A_1750, %max3A_1757, %max3A_1764, %max3A_1771, %max3A_1778 : vector<16xf32>, vector<16xf32>, vector<16xf32>, vector<16xf32>, vector<16xf32>, vector<16xf32>, vector<16xf32>, vector<16xf32>
      }
      %scan3A_159 = arith.constant 31 : i32
      %swap3A_160 = arith.constant 0 : i32
      %swap3A_161 = arith.index_cast %swap3A_160 : i32 to index
      %swap3A_162 = arith.constant 0 : index
      %swap3A_163 = tpu.vector_load %arg12[%swap3A_161, %swap3A_162] {strides = array<i32>} : memref<4x128xf32, #tpu.memory_space<vmem>>, vector<1x16xf32>,
      %swap3A_164 = vector.shape_cast %swap3A_163 : vector<1x16xf32> to vector<16xf32>
      %swap3A_165 = vector.shape_cast %scan3A_158#0 : vector<16xf32> to vector<1x16xf32>
      tpu.vector_store %arg12[%swap3A_161, %swap3A_162], %swap3A_165 {strides = array<i32>} : memref<4x128xf32, #tpu.memory_space<vmem>>, vector<1x16xf32>,
      %swap3A_166 = arith.constant 0 : i32
      %swap3A_167 = arith.index_cast %swap3A_166 : i32 to index
      %swap3A_168 = arith.constant 16 : index
      %swap3A_169 = tpu.vector_load %arg12[%swap3A_167, %swap3A_168] {strides = array<i32>} : memref<4x128xf32, #tpu.memory_space<vmem>>, vector<1x16xf32>,
      %swap3A_170 = vector.shape_cast %swap3A_169 : vector<1x16xf32> to vector<16xf32>
      %swap3A_171 = vector.shape_cast %scan3A_158#1 : vector<16xf32> to vector<1x16xf32>
      tpu.vector_store %arg12[%swap3A_167, %swap3A_168], %swap3A_171 {strides = array<i32>} : memref<4x128xf32, #tpu.memory_space<vmem>>, vector<1x16xf32>,
      %swap3A_172 = arith.constant 0 : i32
      %swap3A_173 = arith.index_cast %swap3A_172 : i32 to index
      %swap3A_174 = arith.constant 32 : index
      %swap3A_175 = tpu.vector_load %arg12[%swap3A_173, %swap3A_174] {strides = array<i32>} : memref<4x128xf32, #tpu.memory_space<vmem>>, vector<1x16xf32>,
      %swap3A_176 = vector.shape_cast %swap3A_175 : vector<1x16xf32> to vector<16xf32>
      %swap3A_177 = vector.shape_cast %scan3A_158#2 : vector<16xf32> to vector<1x16xf32>
      tpu.vector_store %arg12[%swap3A_173, %swap3A_174], %swap3A_177 {strides = array<i32>} : memref<4x128xf32, #tpu.memory_space<vmem>>, vector<1x16xf32>,
      %swap3A_178 = arith.constant 0 : i32
      %swap3A_179 = arith.index_cast %swap3A_178 : i32 to index
      %swap3A_180 = arith.constant 48 : index
      %swap3A_181 = tpu.vector_load %arg12[%swap3A_179, %swap3A_180] {strides = array<i32>} : memref<4x128xf32, #tpu.memory_space<vmem>>, vector<1x16xf32>,
      %swap3A_182 = vector.shape_cast %swap3A_181 : vector<1x16xf32> to vector<16xf32>
      %swap3A_183 = vector.shape_cast %scan3A_158#3 : vector<16xf32> to vector<1x16xf32>
      tpu.vector_store %arg12[%swap3A_179, %swap3A_180], %swap3A_183 {strides = array<i32>} : memref<4x128xf32, #tpu.memory_space<vmem>>, vector<1x16xf32>,
      %swap3A_184 = arith.constant 0 : i32
      %swap3A_185 = arith.index_cast %swap3A_184 : i32 to index
      %swap3A_186 = arith.constant 64 : index
      %swap3A_187 = tpu.vector_load %arg12[%swap3A_185, %swap3A_186] {strides = array<i32>} : memref<4x128xf32, #tpu.memory_space<vmem>>, vector<1x16xf32>,
      %swap3A_188 = vector.shape_cast %swap3A_187 : vector<1x16xf32> to vector<16xf32>
      %swap3A_189 = vector.shape_cast %scan3A_158#4 : vector<16xf32> to vector<1x16xf32>
      tpu.vector_store %arg12[%swap3A_185, %swap3A_186], %swap3A_189 {strides = array<i32>} : memref<4x128xf32, #tpu.memory_space<vmem>>, vector<1x16xf32>,
      %swap3A_190 = arith.constant 0 : i32
      %swap3A_191 = arith.index_cast %swap3A_190 : i32 to index
      %swap3A_192 = arith.constant 80 : index
      %swap3A_193 = tpu.vector_load %arg12[%swap3A_191, %swap3A_192] {strides = array<i32>} : memref<4x128xf32, #tpu.memory_space<vmem>>, vector<1x16xf32>,
      %swap3A_194 = vector.shape_cast %swap3A_193 : vector<1x16xf32> to vector<16xf32>
      %swap3A_195 = vector.shape_cast %scan3A_158#5 : vector<16xf32> to vector<1x16xf32>
      tpu.vector_store %arg12[%swap3A_191, %swap3A_192], %swap3A_195 {strides = array<i32>} : memref<4x128xf32, #tpu.memory_space<vmem>>, vector<1x16xf32>,
      %swap3A_196 = arith.constant 0 : i32
      %swap3A_197 = arith.index_cast %swap3A_196 : i32 to index
      %swap3A_198 = arith.constant 96 : index
      %swap3A_199 = tpu.vector_load %arg12[%swap3A_197, %swap3A_198] {strides = array<i32>} : memref<4x128xf32, #tpu.memory_space<vmem>>, vector<1x16xf32>,
      %swap3A_200 = vector.shape_cast %swap3A_199 : vector<1x16xf32> to vector<16xf32>
      %swap3A_201 = vector.shape_cast %scan3A_158#6 : vector<16xf32> to vector<1x16xf32>
      tpu.vector_store %arg12[%swap3A_197, %swap3A_198], %swap3A_201 {strides = array<i32>} : memref<4x128xf32, #tpu.memory_space<vmem>>, vector<1x16xf32>,
      %swap3A_202 = arith.constant 0 : i32
      %swap3A_203 = arith.index_cast %swap3A_202 : i32 to index
      %swap3A_204 = arith.constant 112 : index
      %swap3A_205 = tpu.vector_load %arg12[%swap3A_203, %swap3A_204] {strides = array<i32>} : memref<4x128xf32, #tpu.memory_space<vmem>>, vector<1x16xf32>,
      %swap3A_206 = vector.shape_cast %swap3A_205 : vector<1x16xf32> to vector<16xf32>
      %swap3A_207 = vector.shape_cast %scan3A_158#7 : vector<16xf32> to vector<1x16xf32>
      tpu.vector_store %arg12[%swap3A_203, %swap3A_204], %swap3A_207 {strides = array<i32>} : memref<4x128xf32, #tpu.memory_space<vmem>>, vector<1x16xf32>,
      %get3A_208 = arith.constant 32 : i32
      %get3A_209 = arith.index_cast %get3A_208 : i32 to index
      %get3A_210 = arith.constant 0 : index
      %get3A_211 = tpu.vector_load %arg10[%get3A_209, %get3A_210] {strides = array<i32>} : memref<128x128xf32, #tpu.memory_space<vmem>>, vector<1x16xf32>,
      %get3A_212 = vector.shape_cast %get3A_211 : vector<1x16xf32> to vector<16xf32>
      %get3A_213 = arith.constant 32 : i32
      %get3A_214 = arith.index_cast %get3A_213 : i32 to index
      %get3A_215 = arith.constant 16 : index
      %get3A_216 = tpu.vector_load %arg10[%get3A_214, %get3A_215] {strides = array<i32>} : memref<128x128xf32, #tpu.memory_space<vmem>>, vector<1x16xf32>,
      %get3A_217 = vector.shape_cast %get3A_216 : vector<1x16xf32> to vector<16xf32>
      %get3A_218 = arith.constant 32 : i32
      %get3A_219 = arith.index_cast %get3A_218 : i32 to index
      %get3A_220 = arith.constant 32 : index
      %get3A_221 = tpu.vector_load %arg10[%get3A_219, %get3A_220] {strides = array<i32>} : memref<128x128xf32, #tpu.memory_space<vmem>>, vector<1x16xf32>,
      %get3A_222 = vector.shape_cast %get3A_221 : vector<1x16xf32> to vector<16xf32>
      %get3A_223 = arith.constant 32 : i32
      %get3A_224 = arith.index_cast %get3A_223 : i32 to index
      %get3A_225 = arith.constant 48 : index
      %get3A_226 = tpu.vector_load %arg10[%get3A_224, %get3A_225] {strides = array<i32>} : memref<128x128xf32, #tpu.memory_space<vmem>>, vector<1x16xf32>,
      %get3A_227 = vector.shape_cast %get3A_226 : vector<1x16xf32> to vector<16xf32>
      %get3A_228 = arith.constant 32 : i32
      %get3A_229 = arith.index_cast %get3A_228 : i32 to index
      %get3A_230 = arith.constant 64 : index
      %get3A_231 = tpu.vector_load %arg10[%get3A_229, %get3A_230] {strides = array<i32>} : memref<128x128xf32, #tpu.memory_space<vmem>>, vector<1x16xf32>,
      %get3A_232 = vector.shape_cast %get3A_231 : vector<1x16xf32> to vector<16xf32>
      %get3A_233 = arith.constant 32 : i32
      %get3A_234 = arith.index_cast %get3A_233 : i32 to index
      %get3A_235 = arith.constant 80 : index
      %get3A_236 = tpu.vector_load %arg10[%get3A_234, %get3A_235] {strides = array<i32>} : memref<128x128xf32, #tpu.memory_space<vmem>>, vector<1x16xf32>,
      %get3A_237 = vector.shape_cast %get3A_236 : vector<1x16xf32> to vector<16xf32>
      %get3A_238 = arith.constant 32 : i32
      %get3A_239 = arith.index_cast %get3A_238 : i32 to index
      %get3A_240 = arith.constant 96 : index
      %get3A_241 = tpu.vector_load %arg10[%get3A_239, %get3A_240] {strides = array<i32>} : memref<128x128xf32, #tpu.memory_space<vmem>>, vector<1x16xf32>,
      %get3A_242 = vector.shape_cast %get3A_241 : vector<1x16xf32> to vector<16xf32>
      %get3A_243 = arith.constant 32 : i32
      %get3A_244 = arith.index_cast %get3A_243 : i32 to index
      %get3A_245 = arith.constant 112 : index
      %get3A_246 = tpu.vector_load %arg10[%get3A_244, %get3A_245] {strides = array<i32>} : memref<128x128xf32, #tpu.memory_space<vmem>>, vector<1x16xf32>,
      %get3A_247 = vector.shape_cast %get3A_246 : vector<1x16xf32> to vector<16xf32>
      %scan3A_248 = arith.constant 1 : i32
      %scan3A_249 = arith.constant 31 : i32
      %scan3A_250 = arith.addi %scan3A_248, %scan3A_249 : i32
      %scan3A_251 = arith.constant 1 : i32
      %scan3A_252:8 = scf.for %scan3A_1715 = %scan3A_248 to %scan3A_250 step %scan3A_251 iter_args(%scan3A_1716 = %get3A_212, %scan3A_1717 = %get3A_217, %scan3A_1718 = %get3A_222, %scan3A_1719 = %get3A_227, %scan3A_1720 = %get3A_232, %scan3A_1721 = %get3A_237, %scan3A_1722 = %get3A_242, %scan3A_1723 = %get3A_247) -> (vector<16xf32>, vector<16xf32>, vector<16xf32>, vector<16xf32>, vector<16xf32>, vector<16xf32>, vector<16xf32>, vector<16xf32>)  : i32 {
        %add3A_1724 = arith.constant 32 : i32
        %add3A_1725 = arith.addi %add3A_1724, %scan3A_1715 : i32
        %get3A_1726 = arith.index_cast %add3A_1725 : i32 to index
        %get3A_1727 = arith.constant 0 : index
        %get3A_1728 = tpu.vector_load %arg10[%get3A_1726, %get3A_1727] {strides = array<i32>} : memref<128x128xf32, #tpu.memory_space<vmem>>, vector<1x16xf32>,
        %get3A_1729 = vector.shape_cast %get3A_1728 : vector<1x16xf32> to vector<16xf32>
        %max3A = arith.maximumf %scan3A_1716, %get3A_1729 : vector<16xf32>
        %add3A_1730 = arith.constant 32 : i32
        %add3A_1731 = arith.addi %add3A_1730, %scan3A_1715 : i32
        %get3A_1732 = arith.index_cast %add3A_1731 : i32 to index
        %get3A_1733 = arith.constant 16 : index
        %get3A_1734 = tpu.vector_load %arg10[%get3A_1732, %get3A_1733] {strides = array<i32>} : memref<128x128xf32, #tpu.memory_space<vmem>>, vector<1x16xf32>,
        %get3A_1735 = vector.shape_cast %get3A_1734 : vector<1x16xf32> to vector<16xf32>
        %max3A_1736 = arith.maximumf %scan3A_1717, %get3A_1735 : vector<16xf32>
        %add3A_1737 = arith.constant 32 : i32
        %add3A_1738 = arith.addi %add3A_1737, %scan3A_1715 : i32
        %get3A_1739 = arith.index_cast %add3A_1738 : i32 to index
        %get3A_1740 = arith.constant 32 : index
        %get3A_1741 = tpu.vector_load %arg10[%get3A_1739, %get3A_1740] {strides = array<i32>} : memref<128x128xf32, #tpu.memory_space<vmem>>, vector<1x16xf32>,
        %get3A_1742 = vector.shape_cast %get3A_1741 : vector<1x16xf32> to vector<16xf32>
        %max3A_1743 = arith.maximumf %scan3A_1718, %get3A_1742 : vector<16xf32>
        %add3A_1744 = arith.constant 32 : i32
        %add3A_1745 = arith.addi %add3A_1744, %scan3A_1715 : i32
        %get3A_1746 = arith.index_cast %add3A_1745 : i32 to index
        %get3A_1747 = arith.constant 48 : index
        %get3A_1748 = tpu.vector_load %arg10[%get3A_1746, %get3A_1747] {strides = array<i32>} : memref<128x128xf32, #tpu.memory_space<vmem>>, vector<1x16xf32>,
        %get3A_1749 = vector.shape_cast %get3A_1748 : vector<1x16xf32> to vector<16xf32>
        %max3A_1750 = arith.maximumf %scan3A_1719, %get3A_1749 : vector<16xf32>
        %add3A_1751 = arith.constant 32 : i32
        %add3A_1752 = arith.addi %add3A_1751, %scan3A_1715 : i32
        %get3A_1753 = arith.index_cast %add3A_1752 : i32 to index
        %get3A_1754 = arith.constant 64 : index
        %get3A_1755 = tpu.vector_load %arg10[%get3A_1753, %get3A_1754] {strides = array<i32>} : memref<128x128xf32, #tpu.memory_space<vmem>>, vector<1x16xf32>,
        %get3A_1756 = vector.shape_cast %get3A_1755 : vector<1x16xf32> to vector<16xf32>
        %max3A_1757 = arith.maximumf %scan3A_1720, %get3A_1756 : vector<16xf32>
        %add3A_1758 = arith.constant 32 : i32
        %add3A_1759 = arith.addi %add3A_1758, %scan3A_1715 : i32
        %get3A_1760 = arith.index_cast %add3A_1759 : i32 to index
        %get3A_1761 = arith.constant 80 : index
        %get3A_1762 = tpu.vector_load %arg10[%get3A_1760, %get3A_1761] {strides = array<i32>} : memref<128x128xf32, #tpu.memory_space<vmem>>, vector<1x16xf32>,
        %get3A_1763 = vector.shape_cast %get3A_1762 : vector<1x16xf32> to vector<16xf32>
        %max3A_1764 = arith.maximumf %scan3A_1721, %get3A_1763 : vector<16xf32>
        %add3A_1765 = arith.constant 32 : i32
        %add3A_1766 = arith.addi %add3A_1765, %scan3A_1715 : i32
        %get3A_1767 = arith.index_cast %add3A_1766 : i32 to index
        %get3A_1768 = arith.constant 96 : index
        %get3A_1769 = tpu.vector_load %arg10[%get3A_1767, %get3A_1768] {strides = array<i32>} : memref<128x128xf32, #tpu.memory_space<vmem>>, vector<1x16xf32>,
        %get3A_1770 = vector.shape_cast %get3A_1769 : vector<1x16xf32> to vector<16xf32>
        %max3A_1771 = arith.maximumf %scan3A_1722, %get3A_1770 : vector<16xf32>
        %add3A_1772 = arith.constant 32 : i32
        %add3A_1773 = arith.addi %add3A_1772, %scan3A_1715 : i32
        %get3A_1774 = arith.index_cast %add3A_1773 : i32 to index
        %get3A_1775 = arith.constant 112 : index
        %get3A_1776 = tpu.vector_load %arg10[%get3A_1774, %get3A_1775] {strides = array<i32>} : memref<128x128xf32, #tpu.memory_space<vmem>>, vector<1x16xf32>,
        %get3A_1777 = vector.shape_cast %get3A_1776 : vector<1x16xf32> to vector<16xf32>
        %max3A_1778 = arith.maximumf %scan3A_1723, %get3A_1777 : vector<16xf32>
        scf.yield %max3A, %max3A_1736, %max3A_1743, %max3A_1750, %max3A_1757, %max3A_1764, %max3A_1771, %max3A_1778 : vector<16xf32>, vector<16xf32>, vector<16xf32>, vector<16xf32>, vector<16xf32>, vector<16xf32>, vector<16xf32>, vector<16xf32>
      }
      %scan3A_253 = arith.constant 31 : i32
      %swap3A_254 = arith.constant 1 : i32
      %swap3A_255 = arith.index_cast %swap3A_254 : i32 to index
      %swap3A_256 = arith.constant 0 : index
      %swap3A_257 = tpu.vector_load %arg12[%swap3A_255, %swap3A_256] {strides = array<i32>} : memref<4x128xf32, #tpu.memory_space<vmem>>, vector<1x16xf32>,
      %swap3A_258 = vector.shape_cast %swap3A_257 : vector<1x16xf32> to vector<16xf32>
      %swap3A_259 = vector.shape_cast %scan3A_252#0 : vector<16xf32> to vector<1x16xf32>
      tpu.vector_store %arg12[%swap3A_255, %swap3A_256], %swap3A_259 {strides = array<i32>} : memref<4x128xf32, #tpu.memory_space<vmem>>, vector<1x16xf32>,
      %swap3A_260 = arith.constant 1 : i32
      %swap3A_261 = arith.index_cast %swap3A_260 : i32 to index
      %swap3A_262 = arith.constant 16 : index
      %swap3A_263 = tpu.vector_load %arg12[%swap3A_261, %swap3A_262] {strides = array<i32>} : memref<4x128xf32, #tpu.memory_space<vmem>>, vector<1x16xf32>,
      %swap3A_264 = vector.shape_cast %swap3A_263 : vector<1x16xf32> to vector<16xf32>
      %swap3A_265 = vector.shape_cast %scan3A_252#1 : vector<16xf32> to vector<1x16xf32>
      tpu.vector_store %arg12[%swap3A_261, %swap3A_262], %swap3A_265 {strides = array<i32>} : memref<4x128xf32, #tpu.memory_space<vmem>>, vector<1x16xf32>,
      %swap3A_266 = arith.constant 1 : i32
      %swap3A_267 = arith.index_cast %swap3A_266 : i32 to index
      %swap3A_268 = arith.constant 32 : index
      %swap3A_269 = tpu.vector_load %arg12[%swap3A_267, %swap3A_268] {strides = array<i32>} : memref<4x128xf32, #tpu.memory_space<vmem>>, vector<1x16xf32>,
      %swap3A_270 = vector.shape_cast %swap3A_269 : vector<1x16xf32> to vector<16xf32>
      %swap3A_271 = vector.shape_cast %scan3A_252#2 : vector<16xf32> to vector<1x16xf32>
      tpu.vector_store %arg12[%swap3A_267, %swap3A_268], %swap3A_271 {strides = array<i32>} : memref<4x128xf32, #tpu.memory_space<vmem>>, vector<1x16xf32>,
      %swap3A_272 = arith.constant 1 : i32
      %swap3A_273 = arith.index_cast %swap3A_272 : i32 to index
      %swap3A_274 = arith.constant 48 : index
      %swap3A_275 = tpu.vector_load %arg12[%swap3A_273, %swap3A_274] {strides = array<i32>} : memref<4x128xf32, #tpu.memory_space<vmem>>, vector<1x16xf32>,
      %swap3A_276 = vector.shape_cast %swap3A_275 : vector<1x16xf32> to vector<16xf32>
      %swap3A_277 = vector.shape_cast %scan3A_252#3 : vector<16xf32> to vector<1x16xf32>
      tpu.vector_store %arg12[%swap3A_273, %swap3A_274], %swap3A_277 {strides = array<i32>} : memref<4x128xf32, #tpu.memory_space<vmem>>, vector<1x16xf32>,
      %swap3A_278 = arith.constant 1 : i32
      %swap3A_279 = arith.index_cast %swap3A_278 : i32 to index
      %swap3A_280 = arith.constant 64 : index
      %swap3A_281 = tpu.vector_load %arg12[%swap3A_279, %swap3A_280] {strides = array<i32>} : memref<4x128xf32, #tpu.memory_space<vmem>>, vector<1x16xf32>,
      %swap3A_282 = vector.shape_cast %swap3A_281 : vector<1x16xf32> to vector<16xf32>
      %swap3A_283 = vector.shape_cast %scan3A_252#4 : vector<16xf32> to vector<1x16xf32>
      tpu.vector_store %arg12[%swap3A_279, %swap3A_280], %swap3A_283 {strides = array<i32>} : memref<4x128xf32, #tpu.memory_space<vmem>>, vector<1x16xf32>,
      %swap3A_284 = arith.constant 1 : i32
      %swap3A_285 = arith.index_cast %swap3A_284 : i32 to index
      %swap3A_286 = arith.constant 80 : index
      %swap3A_287 = tpu.vector_load %arg12[%swap3A_285, %swap3A_286] {strides = array<i32>} : memref<4x128xf32, #tpu.memory_space<vmem>>, vector<1x16xf32>,
      %swap3A_288 = vector.shape_cast %swap3A_287 : vector<1x16xf32> to vector<16xf32>
      %swap3A_289 = vector.shape_cast %scan3A_252#5 : vector<16xf32> to vector<1x16xf32>
      tpu.vector_store %arg12[%swap3A_285, %swap3A_286], %swap3A_289 {strides = array<i32>} : memref<4x128xf32, #tpu.memory_space<vmem>>, vector<1x16xf32>,
      %swap3A_290 = arith.constant 1 : i32
      %swap3A_291 = arith.index_cast %swap3A_290 : i32 to index
      %swap3A_292 = arith.constant 96 : index
      %swap3A_293 = tpu.vector_load %arg12[%swap3A_291, %swap3A_292] {strides = array<i32>} : memref<4x128xf32, #tpu.memory_space<vmem>>, vector<1x16xf32>,
      %swap3A_294 = vector.shape_cast %swap3A_293 : vector<1x16xf32> to vector<16xf32>
      %swap3A_295 = vector.shape_cast %scan3A_252#6 : vector<16xf32> to vector<1x16xf32>
      tpu.vector_store %arg12[%swap3A_291, %swap3A_292], %swap3A_295 {strides = array<i32>} : memref<4x128xf32, #tpu.memory_space<vmem>>, vector<1x16xf32>,
      %swap3A_296 = arith.constant 1 : i32
      %swap3A_297 = arith.index_cast %swap3A_296 : i32 to index
      %swap3A_298 = arith.constant 112 : index
      %swap3A_299 = tpu.vector_load %arg12[%swap3A_297, %swap3A_298] {strides = array<i32>} : memref<4x128xf32, #tpu.memory_space<vmem>>, vector<1x16xf32>,
      %swap3A_300 = vector.shape_cast %swap3A_299 : vector<1x16xf32> to vector<16xf32>
      %swap3A_301 = vector.shape_cast %scan3A_252#7 : vector<16xf32> to vector<1x16xf32>
      tpu.vector_store %arg12[%swap3A_297, %swap3A_298], %swap3A_301 {strides = array<i32>} : memref<4x128xf32, #tpu.memory_space<vmem>>, vector<1x16xf32>,
      %get3A_302 = arith.constant 64 : i32
      %get3A_303 = arith.index_cast %get3A_302 : i32 to index
      %get3A_304 = arith.constant 0 : index
      %get3A_305 = tpu.vector_load %arg10[%get3A_303, %get3A_304] {strides = array<i32>} : memref<128x128xf32, #tpu.memory_space<vmem>>, vector<1x16xf32>,
      %get3A_306 = vector.shape_cast %get3A_305 : vector<1x16xf32> to vector<16xf32>
      %get3A_307 = arith.constant 64 : i32
      %get3A_308 = arith.index_cast %get3A_307 : i32 to index
      %get3A_309 = arith.constant 16 : index
      %get3A_310 = tpu.vector_load %arg10[%get3A_308, %get3A_309] {strides = array<i32>} : memref<128x128xf32, #tpu.memory_space<vmem>>, vector<1x16xf32>,
      %get3A_311 = vector.shape_cast %get3A_310 : vector<1x16xf32> to vector<16xf32>
      %get3A_312 = arith.constant 64 : i32
      %get3A_313 = arith.index_cast %get3A_312 : i32 to index
      %get3A_314 = arith.constant 32 : index
      %get3A_315 = tpu.vector_load %arg10[%get3A_313, %get3A_314] {strides = array<i32>} : memref<128x128xf32, #tpu.memory_space<vmem>>, vector<1x16xf32>,
      %get3A_316 = vector.shape_cast %get3A_315 : vector<1x16xf32> to vector<16xf32>
      %get3A_317 = arith.constant 64 : i32
      %get3A_318 = arith.index_cast %get3A_317 : i32 to index
      %get3A_319 = arith.constant 48 : index
      %get3A_320 = tpu.vector_load %arg10[%get3A_318, %get3A_319] {strides = array<i32>} : memref<128x128xf32, #tpu.memory_space<vmem>>, vector<1x16xf32>,
      %get3A_321 = vector.shape_cast %get3A_320 : vector<1x16xf32> to vector<16xf32>
      %get3A_322 = arith.constant 64 : i32
      %get3A_323 = arith.index_cast %get3A_322 : i32 to index
      %get3A_324 = arith.constant 64 : index
      %get3A_325 = tpu.vector_load %arg10[%get3A_323, %get3A_324] {strides = array<i32>} : memref<128x128xf32, #tpu.memory_space<vmem>>, vector<1x16xf32>,
      %get3A_326 = vector.shape_cast %get3A_325 : vector<1x16xf32> to vector<16xf32>
      %get3A_327 = arith.constant 64 : i32
      %get3A_328 = arith.index_cast %get3A_327 : i32 to index
      %get3A_329 = arith.constant 80 : index
      %get3A_330 = tpu.vector_load %arg10[%get3A_328, %get3A_329] {strides = array<i32>} : memref<128x128xf32, #tpu.memory_space<vmem>>, vector<1x16xf32>,
      %get3A_331 = vector.shape_cast %get3A_330 : vector<1x16xf32> to vector<16xf32>
      %get3A_332 = arith.constant 64 : i32
      %get3A_333 = arith.index_cast %get3A_332 : i32 to index
      %get3A_334 = arith.constant 96 : index
      %get3A_335 = tpu.vector_load %arg10[%get3A_333, %get3A_334] {strides = array<i32>} : memref<128x128xf32, #tpu.memory_space<vmem>>, vector<1x16xf32>,
      %get3A_336 = vector.shape_cast %get3A_335 : vector<1x16xf32> to vector<16xf32>
      %get3A_337 = arith.constant 64 : i32
      %get3A_338 = arith.index_cast %get3A_337 : i32 to index
      %get3A_339 = arith.constant 112 : index
      %get3A_340 = tpu.vector_load %arg10[%get3A_338, %get3A_339] {strides = array<i32>} : memref<128x128xf32, #tpu.memory_space<vmem>>, vector<1x16xf32>,
      %get3A_341 = vector.shape_cast %get3A_340 : vector<1x16xf32> to vector<16xf32>
      %scan3A_342 = arith.constant 1 : i32
      %scan3A_343 = arith.constant 31 : i32
      %scan3A_344 = arith.addi %scan3A_342, %scan3A_343 : i32
      %scan3A_345 = arith.constant 1 : i32
      %scan3A_346:8 = scf.for %scan3A_1715 = %scan3A_342 to %scan3A_344 step %scan3A_345 iter_args(%scan3A_1716 = %get3A_306, %scan3A_1717 = %get3A_311, %scan3A_1718 = %get3A_316, %scan3A_1719 = %get3A_321, %scan3A_1720 = %get3A_326, %scan3A_1721 = %get3A_331, %scan3A_1722 = %get3A_336, %scan3A_1723 = %get3A_341) -> (vector<16xf32>, vector<16xf32>, vector<16xf32>, vector<16xf32>, vector<16xf32>, vector<16xf32>, vector<16xf32>, vector<16xf32>)  : i32 {
        %add3A_1724 = arith.constant 64 : i32
        %add3A_1725 = arith.addi %add3A_1724, %scan3A_1715 : i32
        %get3A_1726 = arith.index_cast %add3A_1725 : i32 to index
        %get3A_1727 = arith.constant 0 : index
        %get3A_1728 = tpu.vector_load %arg10[%get3A_1726, %get3A_1727] {strides = array<i32>} : memref<128x128xf32, #tpu.memory_space<vmem>>, vector<1x16xf32>,
        %get3A_1729 = vector.shape_cast %get3A_1728 : vector<1x16xf32> to vector<16xf32>
        %max3A = arith.maximumf %scan3A_1716, %get3A_1729 : vector<16xf32>
        %add3A_1730 = arith.constant 64 : i32
        %add3A_1731 = arith.addi %add3A_1730, %scan3A_1715 : i32
        %get3A_1732 = arith.index_cast %add3A_1731 : i32 to index
        %get3A_1733 = arith.constant 16 : index
        %get3A_1734 = tpu.vector_load %arg10[%get3A_1732, %get3A_1733] {strides = array<i32>} : memref<128x128xf32, #tpu.memory_space<vmem>>, vector<1x16xf32>,
        %get3A_1735 = vector.shape_cast %get3A_1734 : vector<1x16xf32> to vector<16xf32>
        %max3A_1736 = arith.maximumf %scan3A_1717, %get3A_1735 : vector<16xf32>
        %add3A_1737 = arith.constant 64 : i32
        %add3A_1738 = arith.addi %add3A_1737, %scan3A_1715 : i32
        %get3A_1739 = arith.index_cast %add3A_1738 : i32 to index
        %get3A_1740 = arith.constant 32 : index
        %get3A_1741 = tpu.vector_load %arg10[%get3A_1739, %get3A_1740] {strides = array<i32>} : memref<128x128xf32, #tpu.memory_space<vmem>>, vector<1x16xf32>,
        %get3A_1742 = vector.shape_cast %get3A_1741 : vector<1x16xf32> to vector<16xf32>
        %max3A_1743 = arith.maximumf %scan3A_1718, %get3A_1742 : vector<16xf32>
        %add3A_1744 = arith.constant 64 : i32
        %add3A_1745 = arith.addi %add3A_1744, %scan3A_1715 : i32
        %get3A_1746 = arith.index_cast %add3A_1745 : i32 to index
        %get3A_1747 = arith.constant 48 : index
        %get3A_1748 = tpu.vector_load %arg10[%get3A_1746, %get3A_1747] {strides = array<i32>} : memref<128x128xf32, #tpu.memory_space<vmem>>, vector<1x16xf32>,
        %get3A_1749 = vector.shape_cast %get3A_1748 : vector<1x16xf32> to vector<16xf32>
        %max3A_1750 = arith.maximumf %scan3A_1719, %get3A_1749 : vector<16xf32>
        %add3A_1751 = arith.constant 64 : i32
        %add3A_1752 = arith.addi %add3A_1751, %scan3A_1715 : i32
        %get3A_1753 = arith.index_cast %add3A_1752 : i32 to index
        %get3A_1754 = arith.constant 64 : index
        %get3A_1755 = tpu.vector_load %arg10[%get3A_1753, %get3A_1754] {strides = array<i32>} : memref<128x128xf32, #tpu.memory_space<vmem>>, vector<1x16xf32>,
        %get3A_1756 = vector.shape_cast %get3A_1755 : vector<1x16xf32> to vector<16xf32>
        %max3A_1757 = arith.maximumf %scan3A_1720, %get3A_1756 : vector<16xf32>
        %add3A_1758 = arith.constant 64 : i32
        %add3A_1759 = arith.addi %add3A_1758, %scan3A_1715 : i32
        %get3A_1760 = arith.index_cast %add3A_1759 : i32 to index
        %get3A_1761 = arith.constant 80 : index
        %get3A_1762 = tpu.vector_load %arg10[%get3A_1760, %get3A_1761] {strides = array<i32>} : memref<128x128xf32, #tpu.memory_space<vmem>>, vector<1x16xf32>,
        %get3A_1763 = vector.shape_cast %get3A_1762 : vector<1x16xf32> to vector<16xf32>
        %max3A_1764 = arith.maximumf %scan3A_1721, %get3A_1763 : vector<16xf32>
        %add3A_1765 = arith.constant 64 : i32
        %add3A_1766 = arith.addi %add3A_1765, %scan3A_1715 : i32
        %get3A_1767 = arith.index_cast %add3A_1766 : i32 to index
        %get3A_1768 = arith.constant 96 : index
        %get3A_1769 = tpu.vector_load %arg10[%get3A_1767, %get3A_1768] {strides = array<i32>} : memref<128x128xf32, #tpu.memory_space<vmem>>, vector<1x16xf32>,
        %get3A_1770 = vector.shape_cast %get3A_1769 : vector<1x16xf32> to vector<16xf32>
        %max3A_1771 = arith.maximumf %scan3A_1722, %get3A_1770 : vector<16xf32>
        %add3A_1772 = arith.constant 64 : i32
        %add3A_1773 = arith.addi %add3A_1772, %scan3A_1715 : i32
        %get3A_1774 = arith.index_cast %add3A_1773 : i32 to index
        %get3A_1775 = arith.constant 112 : index
        %get3A_1776 = tpu.vector_load %arg10[%get3A_1774, %get3A_1775] {strides = array<i32>} : memref<128x128xf32, #tpu.memory_space<vmem>>, vector<1x16xf32>,
        %get3A_1777 = vector.shape_cast %get3A_1776 : vector<1x16xf32> to vector<16xf32>
        %max3A_1778 = arith.maximumf %scan3A_1723, %get3A_1777 : vector<16xf32>
        scf.yield %max3A, %max3A_1736, %max3A_1743, %max3A_1750, %max3A_1757, %max3A_1764, %max3A_1771, %max3A_1778 : vector<16xf32>, vector<16xf32>, vector<16xf32>, vector<16xf32>, vector<16xf32>, vector<16xf32>, vector<16xf32>, vector<16xf32>
      }
      %scan3A_347 = arith.constant 31 : i32
      %swap3A_348 = arith.constant 2 : i32
      %swap3A_349 = arith.index_cast %swap3A_348 : i32 to index
      %swap3A_350 = arith.constant 0 : index
      %swap3A_351 = tpu.vector_load %arg12[%swap3A_349, %swap3A_350] {strides = array<i32>} : memref<4x128xf32, #tpu.memory_space<vmem>>, vector<1x16xf32>,
      %swap3A_352 = vector.shape_cast %swap3A_351 : vector<1x16xf32> to vector<16xf32>
      %swap3A_353 = vector.shape_cast %scan3A_346#0 : vector<16xf32> to vector<1x16xf32>
      tpu.vector_store %arg12[%swap3A_349, %swap3A_350], %swap3A_353 {strides = array<i32>} : memref<4x128xf32, #tpu.memory_space<vmem>>, vector<1x16xf32>,
      %swap3A_354 = arith.constant 2 : i32
      %swap3A_355 = arith.index_cast %swap3A_354 : i32 to index
      %swap3A_356 = arith.constant 16 : index
      %swap3A_357 = tpu.vector_load %arg12[%swap3A_355, %swap3A_356] {strides = array<i32>} : memref<4x128xf32, #tpu.memory_space<vmem>>, vector<1x16xf32>,
      %swap3A_358 = vector.shape_cast %swap3A_357 : vector<1x16xf32> to vector<16xf32>
      %swap3A_359 = vector.shape_cast %scan3A_346#1 : vector<16xf32> to vector<1x16xf32>
      tpu.vector_store %arg12[%swap3A_355, %swap3A_356], %swap3A_359 {strides = array<i32>} : memref<4x128xf32, #tpu.memory_space<vmem>>, vector<1x16xf32>,
      %swap3A_360 = arith.constant 2 : i32
      %swap3A_361 = arith.index_cast %swap3A_360 : i32 to index
      %swap3A_362 = arith.constant 32 : index
      %swap3A_363 = tpu.vector_load %arg12[%swap3A_361, %swap3A_362] {strides = array<i32>} : memref<4x128xf32, #tpu.memory_space<vmem>>, vector<1x16xf32>,
      %swap3A_364 = vector.shape_cast %swap3A_363 : vector<1x16xf32> to vector<16xf32>
      %swap3A_365 = vector.shape_cast %scan3A_346#2 : vector<16xf32> to vector<1x16xf32>
      tpu.vector_store %arg12[%swap3A_361, %swap3A_362], %swap3A_365 {strides = array<i32>} : memref<4x128xf32, #tpu.memory_space<vmem>>, vector<1x16xf32>,
      %swap3A_366 = arith.constant 2 : i32
      %swap3A_367 = arith.index_cast %swap3A_366 : i32 to index
      %swap3A_368 = arith.constant 48 : index
      %swap3A_369 = tpu.vector_load %arg12[%swap3A_367, %swap3A_368] {strides = array<i32>} : memref<4x128xf32, #tpu.memory_space<vmem>>, vector<1x16xf32>,
      %swap3A_370 = vector.shape_cast %swap3A_369 : vector<1x16xf32> to vector<16xf32>
      %swap3A_371 = vector.shape_cast %scan3A_346#3 : vector<16xf32> to vector<1x16xf32>
      tpu.vector_store %arg12[%swap3A_367, %swap3A_368], %swap3A_371 {strides = array<i32>} : memref<4x128xf32, #tpu.memory_space<vmem>>, vector<1x16xf32>,
      %swap3A_372 = arith.constant 2 : i32
      %swap3A_373 = arith.index_cast %swap3A_372 : i32 to index
      %swap3A_374 = arith.constant 64 : index
      %swap3A_375 = tpu.vector_load %arg12[%swap3A_373, %swap3A_374] {strides = array<i32>} : memref<4x128xf32, #tpu.memory_space<vmem>>, vector<1x16xf32>,
      %swap3A_376 = vector.shape_cast %swap3A_375 : vector<1x16xf32> to vector<16xf32>
      %swap3A_377 = vector.shape_cast %scan3A_346#4 : vector<16xf32> to vector<1x16xf32>
      tpu.vector_store %arg12[%swap3A_373, %swap3A_374], %swap3A_377 {strides = array<i32>} : memref<4x128xf32, #tpu.memory_space<vmem>>, vector<1x16xf32>,
      %swap3A_378 = arith.constant 2 : i32
      %swap3A_379 = arith.index_cast %swap3A_378 : i32 to index
      %swap3A_380 = arith.constant 80 : index
      %swap3A_381 = tpu.vector_load %arg12[%swap3A_379, %swap3A_380] {strides = array<i32>} : memref<4x128xf32, #tpu.memory_space<vmem>>, vector<1x16xf32>,
      %swap3A_382 = vector.shape_cast %swap3A_381 : vector<1x16xf32> to vector<16xf32>
      %swap3A_383 = vector.shape_cast %scan3A_346#5 : vector<16xf32> to vector<1x16xf32>
      tpu.vector_store %arg12[%swap3A_379, %swap3A_380], %swap3A_383 {strides = array<i32>} : memref<4x128xf32, #tpu.memory_space<vmem>>, vector<1x16xf32>,
      %swap3A_384 = arith.constant 2 : i32
      %swap3A_385 = arith.index_cast %swap3A_384 : i32 to index
      %swap3A_386 = arith.constant 96 : index
      %swap3A_387 = tpu.vector_load %arg12[%swap3A_385, %swap3A_386] {strides = array<i32>} : memref<4x128xf32, #tpu.memory_space<vmem>>, vector<1x16xf32>,
      %swap3A_388 = vector.shape_cast %swap3A_387 : vector<1x16xf32> to vector<16xf32>
      %swap3A_389 = vector.shape_cast %scan3A_346#6 : vector<16xf32> to vector<1x16xf32>
      tpu.vector_store %arg12[%swap3A_385, %swap3A_386], %swap3A_389 {strides = array<i32>} : memref<4x128xf32, #tpu.memory_space<vmem>>, vector<1x16xf32>,
      %swap3A_390 = arith.constant 2 : i32
      %swap3A_391 = arith.index_cast %swap3A_390 : i32 to index
      %swap3A_392 = arith.constant 112 : index
      %swap3A_393 = tpu.vector_load %arg12[%swap3A_391, %swap3A_392] {strides = array<i32>} : memref<4x128xf32, #tpu.memory_space<vmem>>, vector<1x16xf32>,
      %swap3A_394 = vector.shape_cast %swap3A_393 : vector<1x16xf32> to vector<16xf32>
      %swap3A_395 = vector.shape_cast %scan3A_346#7 : vector<16xf32> to vector<1x16xf32>
      tpu.vector_store %arg12[%swap3A_391, %swap3A_392], %swap3A_395 {strides = array<i32>} : memref<4x128xf32, #tpu.memory_space<vmem>>, vector<1x16xf32>,
      %get3A_396 = arith.constant 96 : i32
      %get3A_397 = arith.index_cast %get3A_396 : i32 to index
      %get3A_398 = arith.constant 0 : index
      %get3A_399 = tpu.vector_load %arg10[%get3A_397, %get3A_398] {strides = array<i32>} : memref<128x128xf32, #tpu.memory_space<vmem>>, vector<1x16xf32>,
      %get3A_400 = vector.shape_cast %get3A_399 : vector<1x16xf32> to vector<16xf32>
      %get3A_401 = arith.constant 96 : i32
      %get3A_402 = arith.index_cast %get3A_401 : i32 to index
      %get3A_403 = arith.constant 16 : index
      %get3A_404 = tpu.vector_load %arg10[%get3A_402, %get3A_403] {strides = array<i32>} : memref<128x128xf32, #tpu.memory_space<vmem>>, vector<1x16xf32>,
      %get3A_405 = vector.shape_cast %get3A_404 : vector<1x16xf32> to vector<16xf32>
      %get3A_406 = arith.constant 96 : i32
      %get3A_407 = arith.index_cast %get3A_406 : i32 to index
      %get3A_408 = arith.constant 32 : index
      %get3A_409 = tpu.vector_load %arg10[%get3A_407, %get3A_408] {strides = array<i32>} : memref<128x128xf32, #tpu.memory_space<vmem>>, vector<1x16xf32>,
      %get3A_410 = vector.shape_cast %get3A_409 : vector<1x16xf32> to vector<16xf32>
      %get3A_411 = arith.constant 96 : i32
      %get3A_412 = arith.index_cast %get3A_411 : i32 to index
      %get3A_413 = arith.constant 48 : index
      %get3A_414 = tpu.vector_load %arg10[%get3A_412, %get3A_413] {strides = array<i32>} : memref<128x128xf32, #tpu.memory_space<vmem>>, vector<1x16xf32>,
      %get3A_415 = vector.shape_cast %get3A_414 : vector<1x16xf32> to vector<16xf32>
      %get3A_416 = arith.constant 96 : i32
      %get3A_417 = arith.index_cast %get3A_416 : i32 to index
      %get3A_418 = arith.constant 64 : index
      %get3A_419 = tpu.vector_load %arg10[%get3A_417, %get3A_418] {strides = array<i32>} : memref<128x128xf32, #tpu.memory_space<vmem>>, vector<1x16xf32>,
      %get3A_420 = vector.shape_cast %get3A_419 : vector<1x16xf32> to vector<16xf32>
      %get3A_421 = arith.constant 96 : i32
      %get3A_422 = arith.index_cast %get3A_421 : i32 to index
      %get3A_423 = arith.constant 80 : index
      %get3A_424 = tpu.vector_load %arg10[%get3A_422, %get3A_423] {strides = array<i32>} : memref<128x128xf32, #tpu.memory_space<vmem>>, vector<1x16xf32>,
      %get3A_425 = vector.shape_cast %get3A_424 : vector<1x16xf32> to vector<16xf32>
      %get3A_426 = arith.constant 96 : i32
      %get3A_427 = arith.index_cast %get3A_426 : i32 to index
      %get3A_428 = arith.constant 96 : index
      %get3A_429 = tpu.vector_load %arg10[%get3A_427, %get3A_428] {strides = array<i32>} : memref<128x128xf32, #tpu.memory_space<vmem>>, vector<1x16xf32>,
      %get3A_430 = vector.shape_cast %get3A_429 : vector<1x16xf32> to vector<16xf32>
      %get3A_431 = arith.constant 96 : i32
      %get3A_432 = arith.index_cast %get3A_431 : i32 to index
      %get3A_433 = arith.constant 112 : index
      %get3A_434 = tpu.vector_load %arg10[%get3A_432, %get3A_433] {strides = array<i32>} : memref<128x128xf32, #tpu.memory_space<vmem>>, vector<1x16xf32>,
      %get3A_435 = vector.shape_cast %get3A_434 : vector<1x16xf32> to vector<16xf32>
      %scan3A_436 = arith.constant 1 : i32
      %scan3A_437 = arith.constant 31 : i32
      %scan3A_438 = arith.addi %scan3A_436, %scan3A_437 : i32
      %scan3A_439 = arith.constant 1 : i32
      %scan3A_440:8 = scf.for %scan3A_1715 = %scan3A_436 to %scan3A_438 step %scan3A_439 iter_args(%scan3A_1716 = %get3A_400, %scan3A_1717 = %get3A_405, %scan3A_1718 = %get3A_410, %scan3A_1719 = %get3A_415, %scan3A_1720 = %get3A_420, %scan3A_1721 = %get3A_425, %scan3A_1722 = %get3A_430, %scan3A_1723 = %get3A_435) -> (vector<16xf32>, vector<16xf32>, vector<16xf32>, vector<16xf32>, vector<16xf32>, vector<16xf32>, vector<16xf32>, vector<16xf32>)  : i32 {
        %add3A_1724 = arith.constant 96 : i32
        %add3A_1725 = arith.addi %add3A_1724, %scan3A_1715 : i32
        %get3A_1726 = arith.index_cast %add3A_1725 : i32 to index
        %get3A_1727 = arith.constant 0 : index
        %get3A_1728 = tpu.vector_load %arg10[%get3A_1726, %get3A_1727] {strides = array<i32>} : memref<128x128xf32, #tpu.memory_space<vmem>>, vector<1x16xf32>,
        %get3A_1729 = vector.shape_cast %get3A_1728 : vector<1x16xf32> to vector<16xf32>
        %max3A = arith.maximumf %scan3A_1716, %get3A_1729 : vector<16xf32>
        %add3A_1730 = arith.constant 96 : i32
        %add3A_1731 = arith.addi %add3A_1730, %scan3A_1715 : i32
        %get3A_1732 = arith.index_cast %add3A_1731 : i32 to index
        %get3A_1733 = arith.constant 16 : index
        %get3A_1734 = tpu.vector_load %arg10[%get3A_1732, %get3A_1733] {strides = array<i32>} : memref<128x128xf32, #tpu.memory_space<vmem>>, vector<1x16xf32>,
        %get3A_1735 = vector.shape_cast %get3A_1734 : vector<1x16xf32> to vector<16xf32>
        %max3A_1736 = arith.maximumf %scan3A_1717, %get3A_1735 : vector<16xf32>
        %add3A_1737 = arith.constant 96 : i32
        %add3A_1738 = arith.addi %add3A_1737, %scan3A_1715 : i32
        %get3A_1739 = arith.index_cast %add3A_1738 : i32 to index
        %get3A_1740 = arith.constant 32 : index
        %get3A_1741 = tpu.vector_load %arg10[%get3A_1739, %get3A_1740] {strides = array<i32>} : memref<128x128xf32, #tpu.memory_space<vmem>>, vector<1x16xf32>,
        %get3A_1742 = vector.shape_cast %get3A_1741 : vector<1x16xf32> to vector<16xf32>
        %max3A_1743 = arith.maximumf %scan3A_1718, %get3A_1742 : vector<16xf32>
        %add3A_1744 = arith.constant 96 : i32
        %add3A_1745 = arith.addi %add3A_1744, %scan3A_1715 : i32
        %get3A_1746 = arith.index_cast %add3A_1745 : i32 to index
        %get3A_1747 = arith.constant 48 : index
        %get3A_1748 = tpu.vector_load %arg10[%get3A_1746, %get3A_1747] {strides = array<i32>} : memref<128x128xf32, #tpu.memory_space<vmem>>, vector<1x16xf32>,
        %get3A_1749 = vector.shape_cast %get3A_1748 : vector<1x16xf32> to vector<16xf32>
        %max3A_1750 = arith.maximumf %scan3A_1719, %get3A_1749 : vector<16xf32>
        %add3A_1751 = arith.constant 96 : i32
        %add3A_1752 = arith.addi %add3A_1751, %scan3A_1715 : i32
        %get3A_1753 = arith.index_cast %add3A_1752 : i32 to index
        %get3A_1754 = arith.constant 64 : index
        %get3A_1755 = tpu.vector_load %arg10[%get3A_1753, %get3A_1754] {strides = array<i32>} : memref<128x128xf32, #tpu.memory_space<vmem>>, vector<1x16xf32>,
        %get3A_1756 = vector.shape_cast %get3A_1755 : vector<1x16xf32> to vector<16xf32>
        %max3A_1757 = arith.maximumf %scan3A_1720, %get3A_1756 : vector<16xf32>
        %add3A_1758 = arith.constant 96 : i32
        %add3A_1759 = arith.addi %add3A_1758, %scan3A_1715 : i32
        %get3A_1760 = arith.index_cast %add3A_1759 : i32 to index
        %get3A_1761 = arith.constant 80 : index
        %get3A_1762 = tpu.vector_load %arg10[%get3A_1760, %get3A_1761] {strides = array<i32>} : memref<128x128xf32, #tpu.memory_space<vmem>>, vector<1x16xf32>,
        %get3A_1763 = vector.shape_cast %get3A_1762 : vector<1x16xf32> to vector<16xf32>
        %max3A_1764 = arith.maximumf %scan3A_1721, %get3A_1763 : vector<16xf32>
        %add3A_1765 = arith.constant 96 : i32
        %add3A_1766 = arith.addi %add3A_1765, %scan3A_1715 : i32
        %get3A_1767 = arith.index_cast %add3A_1766 : i32 to index
        %get3A_1768 = arith.constant 96 : index
        %get3A_1769 = tpu.vector_load %arg10[%get3A_1767, %get3A_1768] {strides = array<i32>} : memref<128x128xf32, #tpu.memory_space<vmem>>, vector<1x16xf32>,
        %get3A_1770 = vector.shape_cast %get3A_1769 : vector<1x16xf32> to vector<16xf32>
        %max3A_1771 = arith.maximumf %scan3A_1722, %get3A_1770 : vector<16xf32>
        %add3A_1772 = arith.constant 96 : i32
        %add3A_1773 = arith.addi %add3A_1772, %scan3A_1715 : i32
        %get3A_1774 = arith.index_cast %add3A_1773 : i32 to index
        %get3A_1775 = arith.constant 112 : index
        %get3A_1776 = tpu.vector_load %arg10[%get3A_1774, %get3A_1775] {strides = array<i32>} : memref<128x128xf32, #tpu.memory_space<vmem>>, vector<1x16xf32>,
        %get3A_1777 = vector.shape_cast %get3A_1776 : vector<1x16xf32> to vector<16xf32>
        %max3A_1778 = arith.maximumf %scan3A_1723, %get3A_1777 : vector<16xf32>
        scf.yield %max3A, %max3A_1736, %max3A_1743, %max3A_1750, %max3A_1757, %max3A_1764, %max3A_1771, %max3A_1778 : vector<16xf32>, vector<16xf32>, vector<16xf32>, vector<16xf32>, vector<16xf32>, vector<16xf32>, vector<16xf32>, vector<16xf32>
      }
      %scan3A_441 = arith.constant 31 : i32
      %swap3A_442 = arith.constant 3 : i32
      %swap3A_443 = arith.index_cast %swap3A_442 : i32 to index
      %swap3A_444 = arith.constant 0 : index
      %swap3A_445 = tpu.vector_load %arg12[%swap3A_443, %swap3A_444] {strides = array<i32>} : memref<4x128xf32, #tpu.memory_space<vmem>>, vector<1x16xf32>,
      %swap3A_446 = vector.shape_cast %swap3A_445 : vector<1x16xf32> to vector<16xf32>
      %swap3A_447 = vector.shape_cast %scan3A_440#0 : vector<16xf32> to vector<1x16xf32>
      tpu.vector_store %arg12[%swap3A_443, %swap3A_444], %swap3A_447 {strides = array<i32>} : memref<4x128xf32, #tpu.memory_space<vmem>>, vector<1x16xf32>,
      %swap3A_448 = arith.constant 3 : i32
      %swap3A_449 = arith.index_cast %swap3A_448 : i32 to index
      %swap3A_450 = arith.constant 16 : index
      %swap3A_451 = tpu.vector_load %arg12[%swap3A_449, %swap3A_450] {strides = array<i32>} : memref<4x128xf32, #tpu.memory_space<vmem>>, vector<1x16xf32>,
      %swap3A_452 = vector.shape_cast %swap3A_451 : vector<1x16xf32> to vector<16xf32>
      %swap3A_453 = vector.shape_cast %scan3A_440#1 : vector<16xf32> to vector<1x16xf32>
      tpu.vector_store %arg12[%swap3A_449, %swap3A_450], %swap3A_453 {strides = array<i32>} : memref<4x128xf32, #tpu.memory_space<vmem>>, vector<1x16xf32>,
      %swap3A_454 = arith.constant 3 : i32
      %swap3A_455 = arith.index_cast %swap3A_454 : i32 to index
      %swap3A_456 = arith.constant 32 : index
      %swap3A_457 = tpu.vector_load %arg12[%swap3A_455, %swap3A_456] {strides = array<i32>} : memref<4x128xf32, #tpu.memory_space<vmem>>, vector<1x16xf32>,
      %swap3A_458 = vector.shape_cast %swap3A_457 : vector<1x16xf32> to vector<16xf32>
      %swap3A_459 = vector.shape_cast %scan3A_440#2 : vector<16xf32> to vector<1x16xf32>
      tpu.vector_store %arg12[%swap3A_455, %swap3A_456], %swap3A_459 {strides = array<i32>} : memref<4x128xf32, #tpu.memory_space<vmem>>, vector<1x16xf32>,
      %swap3A_460 = arith.constant 3 : i32
      %swap3A_461 = arith.index_cast %swap3A_460 : i32 to index
      %swap3A_462 = arith.constant 48 : index
      %swap3A_463 = tpu.vector_load %arg12[%swap3A_461, %swap3A_462] {strides = array<i32>} : memref<4x128xf32, #tpu.memory_space<vmem>>, vector<1x16xf32>,
      %swap3A_464 = vector.shape_cast %swap3A_463 : vector<1x16xf32> to vector<16xf32>
      %swap3A_465 = vector.shape_cast %scan3A_440#3 : vector<16xf32> to vector<1x16xf32>
      tpu.vector_store %arg12[%swap3A_461, %swap3A_462], %swap3A_465 {strides = array<i32>} : memref<4x128xf32, #tpu.memory_space<vmem>>, vector<1x16xf32>,
      %swap3A_466 = arith.constant 3 : i32
      %swap3A_467 = arith.index_cast %swap3A_466 : i32 to index
      %swap3A_468 = arith.constant 64 : index
      %swap3A_469 = tpu.vector_load %arg12[%swap3A_467, %swap3A_468] {strides = array<i32>} : memref<4x128xf32, #tpu.memory_space<vmem>>, vector<1x16xf32>,
      %swap3A_470 = vector.shape_cast %swap3A_469 : vector<1x16xf32> to vector<16xf32>
      %swap3A_471 = vector.shape_cast %scan3A_440#4 : vector<16xf32> to vector<1x16xf32>
      tpu.vector_store %arg12[%swap3A_467, %swap3A_468], %swap3A_471 {strides = array<i32>} : memref<4x128xf32, #tpu.memory_space<vmem>>, vector<1x16xf32>,
      %swap3A_472 = arith.constant 3 : i32
      %swap3A_473 = arith.index_cast %swap3A_472 : i32 to index
      %swap3A_474 = arith.constant 80 : index
      %swap3A_475 = tpu.vector_load %arg12[%swap3A_473, %swap3A_474] {strides = array<i32>} : memref<4x128xf32, #tpu.memory_space<vmem>>, vector<1x16xf32>,
      %swap3A_476 = vector.shape_cast %swap3A_475 : vector<1x16xf32> to vector<16xf32>
      %swap3A_477 = vector.shape_cast %scan3A_440#5 : vector<16xf32> to vector<1x16xf32>
      tpu.vector_store %arg12[%swap3A_473, %swap3A_474], %swap3A_477 {strides = array<i32>} : memref<4x128xf32, #tpu.memory_space<vmem>>, vector<1x16xf32>,
      %swap3A_478 = arith.constant 3 : i32
      %swap3A_479 = arith.index_cast %swap3A_478 : i32 to index
      %swap3A_480 = arith.constant 96 : index
      %swap3A_481 = tpu.vector_load %arg12[%swap3A_479, %swap3A_480] {strides = array<i32>} : memref<4x128xf32, #tpu.memory_space<vmem>>, vector<1x16xf32>,
      %swap3A_482 = vector.shape_cast %swap3A_481 : vector<1x16xf32> to vector<16xf32>
      %swap3A_483 = vector.shape_cast %scan3A_440#6 : vector<16xf32> to vector<1x16xf32>
      tpu.vector_store %arg12[%swap3A_479, %swap3A_480], %swap3A_483 {strides = array<i32>} : memref<4x128xf32, #tpu.memory_space<vmem>>, vector<1x16xf32>,
      %swap3A_484 = arith.constant 3 : i32
      %swap3A_485 = arith.index_cast %swap3A_484 : i32 to index
      %swap3A_486 = arith.constant 112 : index
      %swap3A_487 = tpu.vector_load %arg12[%swap3A_485, %swap3A_486] {strides = array<i32>} : memref<4x128xf32, #tpu.memory_space<vmem>>, vector<1x16xf32>,
      %swap3A_488 = vector.shape_cast %swap3A_487 : vector<1x16xf32> to vector<16xf32>
      %swap3A_489 = vector.shape_cast %scan3A_440#7 : vector<16xf32> to vector<1x16xf32>
      tpu.vector_store %arg12[%swap3A_485, %swap3A_486], %swap3A_489 {strides = array<i32>} : memref<4x128xf32, #tpu.memory_space<vmem>>, vector<1x16xf32>,
      %mul3A_490 = arith.constant 4 : i32
      %mul3A_491 = arith.muli %add3A_97, %mul3A_490 : i32
      %add3A_492 = arith.addi %mul3A_2, %mul3A_491 : i32
      %dma_start3A_493 = arith.constant 0 : i32
      %dma_start3A_494 = tpu.memref_slice %arg5[%add3A_492, %dma_start3A_493] : memref<10240x128xf32, #tpu.memory_space<hbm>> -> memref<4x128xf32, #tpu.memory_space<hbm>>
      %dma_start3A_495 = arith.constant 0 : i32
      %dma_start3A_496 = tpu.memref_slice %arg5[%add3A_492, %dma_start3A_495] : memref<10240x128xf32, #tpu.memory_space<hbm>> -> memref<4x128xf32, #tpu.memory_space<hbm>>
      tpu.enqueue_dma source(%arg12 : memref<4x128xf32, #tpu.memory_space<vmem>>) target(%dma_start3A_496 : memref<4x128xf32, #tpu.memory_space<hbm>>) target_semaphore(%arg19 : memref<!tpu.dma_semaphore, #tpu.memory_space<semaphore_mem>>)
      %mul3A_497 = arith.constant 4 : i32
      %mul3A_498 = arith.muli %scan3A_93, %mul3A_497 : i32
      %add3A_499 = arith.constant 1 : i32
      %add3A_500 = arith.addi %mul3A_498, %add3A_499 : i32
      %add3A_501 = arith.constant 1 : i32
      %add3A_502 = arith.addi %add3A_500, %add3A_501 : i32
      %lt3A_503 = arith.constant 80 : i32
      %lt3A_504 = arith.cmpi slt, %add3A_502, %lt3A_503 : i32
      %convert_element_type3A_505 = arith.extui %lt3A_504 : i1 to i32
      %cond3A_506 = arith.constant 0 : i32
      %cond3A_507 = arith.cmpi ne, %convert_element_type3A_505, %cond3A_506 : i32
      scf.if %cond3A_507 {
        %add3A_1715 = arith.constant 1 : i32
        %add3A_1716 = arith.addi %add3A_500, %add3A_1715 : i32
        %dma_start3A_1717 = arith.constant 0 : i32
        %dma_start3A_1718 = tpu.memref_slice %arg7[%add3A_1716, %dma_start3A_1717] : memref<80x128xi32, #tpu.memory_space<vmem>> -> memref<1x128xi32, #tpu.memory_space<vmem>>
        %dma_start3A_1719 = tpu.memref_squeeze %dma_start3A_1718 : memref<1x128xi32, #tpu.memory_space<vmem>> -> memref<128xi32, #tpu.memory_space<vmem>>
        %dma_start3A_1720 = arith.constant 0 : i32
        %dma_start3A_1721 = arith.constant 0 : i32
        %dma_start3A_1722 = tpu.memref_slice %arg8[%dma_start3A_1720, %dma_start3A_1721] : memref<10240x128xf32, #tpu.memory_space<vmem_shared>> -> memref<10240x128xf32, #tpu.memory_space<vmem_shared>>
        tpu.enqueue_indirect_dma source(%dma_start3A_1722 : memref<10240x128xf32, #tpu.memory_space<vmem_shared>>) target(%arg10 : memref<128x128xf32, #tpu.memory_space<vmem>>) offsets(%dma_start3A_1719 : memref<128xi32, #tpu.memory_space<vmem>>) semaphore(%arg17 : memref<!tpu.dma_semaphore, #tpu.memory_space<semaphore_mem>>)
      } else {
      }
      %dma_wait3A_508 = arith.constant 0 : i32
      %dma_wait3A_509 = arith.constant 0 : i32
      %dma_wait3A_510 = tpu.memref_slice %arg7[%dma_wait3A_508, %dma_wait3A_509] : memref<80x128xi32, #tpu.memory_space<vmem>> -> memref<1x128xi32, #tpu.memory_space<vmem>>
      %dma_wait3A_511 = tpu.memref_squeeze %dma_wait3A_510 : memref<1x128xi32, #tpu.memory_space<vmem>> -> memref<128xi32, #tpu.memory_space<vmem>>
      %dma_wait3A_512 = arith.constant 0 : i32
      %dma_wait3A_513 = arith.constant 0 : i32
      %dma_wait3A_514 = tpu.memref_slice %arg8[%dma_wait3A_512, %dma_wait3A_513] : memref<10240x128xf32, #tpu.memory_space<vmem_shared>> -> memref<10240x128xf32, #tpu.memory_space<vmem_shared>>
      tpu.wait_indirect_dma semaphore(%arg18 : memref<!tpu.dma_semaphore, #tpu.memory_space<semaphore_mem>>) src(%dma_wait3A_514 : memref<10240x128xf32, #tpu.memory_space<vmem_shared>>) dst(%arg11 : memref<128x128xf32, #tpu.memory_space<vmem>>)
      %gt3A_515 = arith.constant 0 : i32
      %gt3A_516 = arith.cmpi sgt, %scan3A_93, %gt3A_515 : i32
      %convert_element_type3A_517 = arith.extui %gt3A_516 : i1 to i32
      %cond3A_518 = arith.constant 0 : i32
      %cond3A_519 = arith.cmpi ne, %convert_element_type3A_517, %cond3A_518 : i32
      scf.if %cond3A_519 {
        %dma_wait3A_1715 = arith.constant 0 : i32
        %dma_wait3A_1716 = tpu.memref_slice %arg5[%mul3A_2, %dma_wait3A_1715] : memref<10240x128xf32, #tpu.memory_space<hbm>> -> memref<4x128xf32, #tpu.memory_space<hbm>>
        %dma_wait3A_1717 = arith.constant 0 : i32
        %dma_wait3A_1718 = tpu.memref_slice %arg5[%mul3A_2, %dma_wait3A_1717] : memref<10240x128xf32, #tpu.memory_space<hbm>> -> memref<4x128xf32, #tpu.memory_space<hbm>>
        tpu.wait_dma2 semaphore(%arg20 : memref<!tpu.dma_semaphore, #tpu.memory_space<semaphore_mem>>) src(%arg13 : memref<4x128xf32, #tpu.memory_space<vmem>>) dst(%dma_wait3A_1718 : memref<4x128xf32, #tpu.memory_space<hbm>>)
      } else {
      }
      %get3A_520 = arith.constant 0 : i32
      %get3A_521 = arith.index_cast %get3A_520 : i32 to index
      %get3A_522 = arith.constant 0 : index
      %get3A_523 = tpu.vector_load %arg11[%get3A_521, %get3A_522] {strides = array<i32>} : memref<128x128xf32, #tpu.memory_space<vmem>>, vector<1x16xf32>,
      %get3A_524 = vector.shape_cast %get3A_523 : vector<1x16xf32> to vector<16xf32>
      %get3A_525 = arith.constant 0 : i32
      %get3A_526 = arith.index_cast %get3A_525 : i32 to index
      %get3A_527 = arith.constant 16 : index
      %get3A_528 = tpu.vector_load %arg11[%get3A_526, %get3A_527] {strides = array<i32>} : memref<128x128xf32, #tpu.memory_space<vmem>>, vector<1x16xf32>,
      %get3A_529 = vector.shape_cast %get3A_528 : vector<1x16xf32> to vector<16xf32>
      %get3A_530 = arith.constant 0 : i32
      %get3A_531 = arith.index_cast %get3A_530 : i32 to index
      %get3A_532 = arith.constant 32 : index
      %get3A_533 = tpu.vector_load %arg11[%get3A_531, %get3A_532] {strides = array<i32>} : memref<128x128xf32, #tpu.memory_space<vmem>>, vector<1x16xf32>,
      %get3A_534 = vector.shape_cast %get3A_533 : vector<1x16xf32> to vector<16xf32>
      %get3A_535 = arith.constant 0 : i32
      %get3A_536 = arith.index_cast %get3A_535 : i32 to index
      %get3A_537 = arith.constant 48 : index
      %get3A_538 = tpu.vector_load %arg11[%get3A_536, %get3A_537] {strides = array<i32>} : memref<128x128xf32, #tpu.memory_space<vmem>>, vector<1x16xf32>,
      %get3A_539 = vector.shape_cast %get3A_538 : vector<1x16xf32> to vector<16xf32>
      %get3A_540 = arith.constant 0 : i32
      %get3A_541 = arith.index_cast %get3A_540 : i32 to index
      %get3A_542 = arith.constant 64 : index
      %get3A_543 = tpu.vector_load %arg11[%get3A_541, %get3A_542] {strides = array<i32>} : memref<128x128xf32, #tpu.memory_space<vmem>>, vector<1x16xf32>,
      %get3A_544 = vector.shape_cast %get3A_543 : vector<1x16xf32> to vector<16xf32>
      %get3A_545 = arith.constant 0 : i32
      %get3A_546 = arith.index_cast %get3A_545 : i32 to index
      %get3A_547 = arith.constant 80 : index
      %get3A_548 = tpu.vector_load %arg11[%get3A_546, %get3A_547] {strides = array<i32>} : memref<128x128xf32, #tpu.memory_space<vmem>>, vector<1x16xf32>,
      %get3A_549 = vector.shape_cast %get3A_548 : vector<1x16xf32> to vector<16xf32>
      %get3A_550 = arith.constant 0 : i32
      %get3A_551 = arith.index_cast %get3A_550 : i32 to index
      %get3A_552 = arith.constant 96 : index
      %get3A_553 = tpu.vector_load %arg11[%get3A_551, %get3A_552] {strides = array<i32>} : memref<128x128xf32, #tpu.memory_space<vmem>>, vector<1x16xf32>,
      %get3A_554 = vector.shape_cast %get3A_553 : vector<1x16xf32> to vector<16xf32>
      %get3A_555 = arith.constant 0 : i32
      %get3A_556 = arith.index_cast %get3A_555 : i32 to index
      %get3A_557 = arith.constant 112 : index
      %get3A_558 = tpu.vector_load %arg11[%get3A_556, %get3A_557] {strides = array<i32>} : memref<128x128xf32, #tpu.memory_space<vmem>>, vector<1x16xf32>,
      %get3A_559 = vector.shape_cast %get3A_558 : vector<1x16xf32> to vector<16xf32>
      %scan3A_560 = arith.constant 1 : i32
      %scan3A_561 = arith.constant 31 : i32
      %scan3A_562 = arith.addi %scan3A_560, %scan3A_561 : i32
      %scan3A_563 = arith.constant 1 : i32
      %scan3A_564:8 = scf.for %scan3A_1715 = %scan3A_560 to %scan3A_562 step %scan3A_563 iter_args(%scan3A_1716 = %get3A_524, %scan3A_1717 = %get3A_529, %scan3A_1718 = %get3A_534, %scan3A_1719 = %get3A_539, %scan3A_1720 = %get3A_544, %scan3A_1721 = %get3A_549, %scan3A_1722 = %get3A_554, %scan3A_1723 = %get3A_559) -> (vector<16xf32>, vector<16xf32>, vector<16xf32>, vector<16xf32>, vector<16xf32>, vector<16xf32>, vector<16xf32>, vector<16xf32>)  : i32 {
        %add3A_1724 = arith.constant 0 : i32
        %add3A_1725 = arith.addi %add3A_1724, %scan3A_1715 : i32
        %get3A_1726 = arith.index_cast %add3A_1725 : i32 to index
        %get3A_1727 = arith.constant 0 : index
        %get3A_1728 = tpu.vector_load %arg11[%get3A_1726, %get3A_1727] {strides = array<i32>} : memref<128x128xf32, #tpu.memory_space<vmem>>, vector<1x16xf32>,
        %get3A_1729 = vector.shape_cast %get3A_1728 : vector<1x16xf32> to vector<16xf32>
        %max3A = arith.maximumf %scan3A_1716, %get3A_1729 : vector<16xf32>
        %add3A_1730 = arith.constant 0 : i32
        %add3A_1731 = arith.addi %add3A_1730, %scan3A_1715 : i32
        %get3A_1732 = arith.index_cast %add3A_1731 : i32 to index
        %get3A_1733 = arith.constant 16 : index
        %get3A_1734 = tpu.vector_load %arg11[%get3A_1732, %get3A_1733] {strides = array<i32>} : memref<128x128xf32, #tpu.memory_space<vmem>>, vector<1x16xf32>,
        %get3A_1735 = vector.shape_cast %get3A_1734 : vector<1x16xf32> to vector<16xf32>
        %max3A_1736 = arith.maximumf %scan3A_1717, %get3A_1735 : vector<16xf32>
        %add3A_1737 = arith.constant 0 : i32
        %add3A_1738 = arith.addi %add3A_1737, %scan3A_1715 : i32
        %get3A_1739 = arith.index_cast %add3A_1738 : i32 to index
        %get3A_1740 = arith.constant 32 : index
        %get3A_1741 = tpu.vector_load %arg11[%get3A_1739, %get3A_1740] {strides = array<i32>} : memref<128x128xf32, #tpu.memory_space<vmem>>, vector<1x16xf32>,
        %get3A_1742 = vector.shape_cast %get3A_1741 : vector<1x16xf32> to vector<16xf32>
        %max3A_1743 = arith.maximumf %scan3A_1718, %get3A_1742 : vector<16xf32>
        %add3A_1744 = arith.constant 0 : i32
        %add3A_1745 = arith.addi %add3A_1744, %scan3A_1715 : i32
        %get3A_1746 = arith.index_cast %add3A_1745 : i32 to index
        %get3A_1747 = arith.constant 48 : index
        %get3A_1748 = tpu.vector_load %arg11[%get3A_1746, %get3A_1747] {strides = array<i32>} : memref<128x128xf32, #tpu.memory_space<vmem>>, vector<1x16xf32>,
        %get3A_1749 = vector.shape_cast %get3A_1748 : vector<1x16xf32> to vector<16xf32>
        %max3A_1750 = arith.maximumf %scan3A_1719, %get3A_1749 : vector<16xf32>
        %add3A_1751 = arith.constant 0 : i32
        %add3A_1752 = arith.addi %add3A_1751, %scan3A_1715 : i32
        %get3A_1753 = arith.index_cast %add3A_1752 : i32 to index
        %get3A_1754 = arith.constant 64 : index
        %get3A_1755 = tpu.vector_load %arg11[%get3A_1753, %get3A_1754] {strides = array<i32>} : memref<128x128xf32, #tpu.memory_space<vmem>>, vector<1x16xf32>,
        %get3A_1756 = vector.shape_cast %get3A_1755 : vector<1x16xf32> to vector<16xf32>
        %max3A_1757 = arith.maximumf %scan3A_1720, %get3A_1756 : vector<16xf32>
        %add3A_1758 = arith.constant 0 : i32
        %add3A_1759 = arith.addi %add3A_1758, %scan3A_1715 : i32
        %get3A_1760 = arith.index_cast %add3A_1759 : i32 to index
        %get3A_1761 = arith.constant 80 : index
        %get3A_1762 = tpu.vector_load %arg11[%get3A_1760, %get3A_1761] {strides = array<i32>} : memref<128x128xf32, #tpu.memory_space<vmem>>, vector<1x16xf32>,
        %get3A_1763 = vector.shape_cast %get3A_1762 : vector<1x16xf32> to vector<16xf32>
        %max3A_1764 = arith.maximumf %scan3A_1721, %get3A_1763 : vector<16xf32>
        %add3A_1765 = arith.constant 0 : i32
        %add3A_1766 = arith.addi %add3A_1765, %scan3A_1715 : i32
        %get3A_1767 = arith.index_cast %add3A_1766 : i32 to index
        %get3A_1768 = arith.constant 96 : index
        %get3A_1769 = tpu.vector_load %arg11[%get3A_1767, %get3A_1768] {strides = array<i32>} : memref<128x128xf32, #tpu.memory_space<vmem>>, vector<1x16xf32>,
        %get3A_1770 = vector.shape_cast %get3A_1769 : vector<1x16xf32> to vector<16xf32>
        %max3A_1771 = arith.maximumf %scan3A_1722, %get3A_1770 : vector<16xf32>
        %add3A_1772 = arith.constant 0 : i32
        %add3A_1773 = arith.addi %add3A_1772, %scan3A_1715 : i32
        %get3A_1774 = arith.index_cast %add3A_1773 : i32 to index
        %get3A_1775 = arith.constant 112 : index
        %get3A_1776 = tpu.vector_load %arg11[%get3A_1774, %get3A_1775] {strides = array<i32>} : memref<128x128xf32, #tpu.memory_space<vmem>>, vector<1x16xf32>,
        %get3A_1777 = vector.shape_cast %get3A_1776 : vector<1x16xf32> to vector<16xf32>
        %max3A_1778 = arith.maximumf %scan3A_1723, %get3A_1777 : vector<16xf32>
        scf.yield %max3A, %max3A_1736, %max3A_1743, %max3A_1750, %max3A_1757, %max3A_1764, %max3A_1771, %max3A_1778 : vector<16xf32>, vector<16xf32>, vector<16xf32>, vector<16xf32>, vector<16xf32>, vector<16xf32>, vector<16xf32>, vector<16xf32>
      }
      %scan3A_565 = arith.constant 31 : i32
      %swap3A_566 = arith.constant 0 : i32
      %swap3A_567 = arith.index_cast %swap3A_566 : i32 to index
      %swap3A_568 = arith.constant 0 : index
      %swap3A_569 = tpu.vector_load %arg13[%swap3A_567, %swap3A_568] {strides = array<i32>} : memref<4x128xf32, #tpu.memory_space<vmem>>, vector<1x16xf32>,
      %swap3A_570 = vector.shape_cast %swap3A_569 : vector<1x16xf32> to vector<16xf32>
      %swap3A_571 = vector.shape_cast %scan3A_564#0 : vector<16xf32> to vector<1x16xf32>
      tpu.vector_store %arg13[%swap3A_567, %swap3A_568], %swap3A_571 {strides = array<i32>} : memref<4x128xf32, #tpu.memory_space<vmem>>, vector<1x16xf32>,
      %swap3A_572 = arith.constant 0 : i32
      %swap3A_573 = arith.index_cast %swap3A_572 : i32 to index
      %swap3A_574 = arith.constant 16 : index
      %swap3A_575 = tpu.vector_load %arg13[%swap3A_573, %swap3A_574] {strides = array<i32>} : memref<4x128xf32, #tpu.memory_space<vmem>>, vector<1x16xf32>,
      %swap3A_576 = vector.shape_cast %swap3A_575 : vector<1x16xf32> to vector<16xf32>
      %swap3A_577 = vector.shape_cast %scan3A_564#1 : vector<16xf32> to vector<1x16xf32>
      tpu.vector_store %arg13[%swap3A_573, %swap3A_574], %swap3A_577 {strides = array<i32>} : memref<4x128xf32, #tpu.memory_space<vmem>>, vector<1x16xf32>,
      %swap3A_578 = arith.constant 0 : i32
      %swap3A_579 = arith.index_cast %swap3A_578 : i32 to index
      %swap3A_580 = arith.constant 32 : index
      %swap3A_581 = tpu.vector_load %arg13[%swap3A_579, %swap3A_580] {strides = array<i32>} : memref<4x128xf32, #tpu.memory_space<vmem>>, vector<1x16xf32>,
      %swap3A_582 = vector.shape_cast %swap3A_581 : vector<1x16xf32> to vector<16xf32>
      %swap3A_583 = vector.shape_cast %scan3A_564#2 : vector<16xf32> to vector<1x16xf32>
      tpu.vector_store %arg13[%swap3A_579, %swap3A_580], %swap3A_583 {strides = array<i32>} : memref<4x128xf32, #tpu.memory_space<vmem>>, vector<1x16xf32>,
      %swap3A_584 = arith.constant 0 : i32
      %swap3A_585 = arith.index_cast %swap3A_584 : i32 to index
      %swap3A_586 = arith.constant 48 : index
      %swap3A_587 = tpu.vector_load %arg13[%swap3A_585, %swap3A_586] {strides = array<i32>} : memref<4x128xf32, #tpu.memory_space<vmem>>, vector<1x16xf32>,
      %swap3A_588 = vector.shape_cast %swap3A_587 : vector<1x16xf32> to vector<16xf32>
      %swap3A_589 = vector.shape_cast %scan3A_564#3 : vector<16xf32> to vector<1x16xf32>
      tpu.vector_store %arg13[%swap3A_585, %swap3A_586], %swap3A_589 {strides = array<i32>} : memref<4x128xf32, #tpu.memory_space<vmem>>, vector<1x16xf32>,
      %swap3A_590 = arith.constant 0 : i32
      %swap3A_591 = arith.index_cast %swap3A_590 : i32 to index
      %swap3A_592 = arith.constant 64 : index
      %swap3A_593 = tpu.vector_load %arg13[%swap3A_591, %swap3A_592] {strides = array<i32>} : memref<4x128xf32, #tpu.memory_space<vmem>>, vector<1x16xf32>,
      %swap3A_594 = vector.shape_cast %swap3A_593 : vector<1x16xf32> to vector<16xf32>
      %swap3A_595 = vector.shape_cast %scan3A_564#4 : vector<16xf32> to vector<1x16xf32>
      tpu.vector_store %arg13[%swap3A_591, %swap3A_592], %swap3A_595 {strides = array<i32>} : memref<4x128xf32, #tpu.memory_space<vmem>>, vector<1x16xf32>,
      %swap3A_596 = arith.constant 0 : i32
      %swap3A_597 = arith.index_cast %swap3A_596 : i32 to index
      %swap3A_598 = arith.constant 80 : index
      %swap3A_599 = tpu.vector_load %arg13[%swap3A_597, %swap3A_598] {strides = array<i32>} : memref<4x128xf32, #tpu.memory_space<vmem>>, vector<1x16xf32>,
      %swap3A_600 = vector.shape_cast %swap3A_599 : vector<1x16xf32> to vector<16xf32>
      %swap3A_601 = vector.shape_cast %scan3A_564#5 : vector<16xf32> to vector<1x16xf32>
      tpu.vector_store %arg13[%swap3A_597, %swap3A_598], %swap3A_601 {strides = array<i32>} : memref<4x128xf32, #tpu.memory_space<vmem>>, vector<1x16xf32>,
      %swap3A_602 = arith.constant 0 : i32
      %swap3A_603 = arith.index_cast %swap3A_602 : i32 to index
      %swap3A_604 = arith.constant 96 : index
      %swap3A_605 = tpu.vector_load %arg13[%swap3A_603, %swap3A_604] {strides = array<i32>} : memref<4x128xf32, #tpu.memory_space<vmem>>, vector<1x16xf32>,
      %swap3A_606 = vector.shape_cast %swap3A_605 : vector<1x16xf32> to vector<16xf32>
      %swap3A_607 = vector.shape_cast %scan3A_564#6 : vector<16xf32> to vector<1x16xf32>
      tpu.vector_store %arg13[%swap3A_603, %swap3A_604], %swap3A_607 {strides = array<i32>} : memref<4x128xf32, #tpu.memory_space<vmem>>, vector<1x16xf32>,
      %swap3A_608 = arith.constant 0 : i32
      %swap3A_609 = arith.index_cast %swap3A_608 : i32 to index
      %swap3A_610 = arith.constant 112 : index
      %swap3A_611 = tpu.vector_load %arg13[%swap3A_609, %swap3A_610] {strides = array<i32>} : memref<4x128xf32, #tpu.memory_space<vmem>>, vector<1x16xf32>,
      %swap3A_612 = vector.shape_cast %swap3A_611 : vector<1x16xf32> to vector<16xf32>
      %swap3A_613 = vector.shape_cast %scan3A_564#7 : vector<16xf32> to vector<1x16xf32>
      tpu.vector_store %arg13[%swap3A_609, %swap3A_610], %swap3A_613 {strides = array<i32>} : memref<4x128xf32, #tpu.memory_space<vmem>>, vector<1x16xf32>,
      %get3A_614 = arith.constant 32 : i32
      %get3A_615 = arith.index_cast %get3A_614 : i32 to index
      %get3A_616 = arith.constant 0 : index
      %get3A_617 = tpu.vector_load %arg11[%get3A_615, %get3A_616] {strides = array<i32>} : memref<128x128xf32, #tpu.memory_space<vmem>>, vector<1x16xf32>,
      %get3A_618 = vector.shape_cast %get3A_617 : vector<1x16xf32> to vector<16xf32>
      %get3A_619 = arith.constant 32 : i32
      %get3A_620 = arith.index_cast %get3A_619 : i32 to index
      %get3A_621 = arith.constant 16 : index
      %get3A_622 = tpu.vector_load %arg11[%get3A_620, %get3A_621] {strides = array<i32>} : memref<128x128xf32, #tpu.memory_space<vmem>>, vector<1x16xf32>,
      %get3A_623 = vector.shape_cast %get3A_622 : vector<1x16xf32> to vector<16xf32>
      %get3A_624 = arith.constant 32 : i32
      %get3A_625 = arith.index_cast %get3A_624 : i32 to index
      %get3A_626 = arith.constant 32 : index
      %get3A_627 = tpu.vector_load %arg11[%get3A_625, %get3A_626] {strides = array<i32>} : memref<128x128xf32, #tpu.memory_space<vmem>>, vector<1x16xf32>,
      %get3A_628 = vector.shape_cast %get3A_627 : vector<1x16xf32> to vector<16xf32>
      %get3A_629 = arith.constant 32 : i32
      %get3A_630 = arith.index_cast %get3A_629 : i32 to index
      %get3A_631 = arith.constant 48 : index
      %get3A_632 = tpu.vector_load %arg11[%get3A_630, %get3A_631] {strides = array<i32>} : memref<128x128xf32, #tpu.memory_space<vmem>>, vector<1x16xf32>,
      %get3A_633 = vector.shape_cast %get3A_632 : vector<1x16xf32> to vector<16xf32>
      %get3A_634 = arith.constant 32 : i32
      %get3A_635 = arith.index_cast %get3A_634 : i32 to index
      %get3A_636 = arith.constant 64 : index
      %get3A_637 = tpu.vector_load %arg11[%get3A_635, %get3A_636] {strides = array<i32>} : memref<128x128xf32, #tpu.memory_space<vmem>>, vector<1x16xf32>,
      %get3A_638 = vector.shape_cast %get3A_637 : vector<1x16xf32> to vector<16xf32>
      %get3A_639 = arith.constant 32 : i32
      %get3A_640 = arith.index_cast %get3A_639 : i32 to index
      %get3A_641 = arith.constant 80 : index
      %get3A_642 = tpu.vector_load %arg11[%get3A_640, %get3A_641] {strides = array<i32>} : memref<128x128xf32, #tpu.memory_space<vmem>>, vector<1x16xf32>,
      %get3A_643 = vector.shape_cast %get3A_642 : vector<1x16xf32> to vector<16xf32>
      %get3A_644 = arith.constant 32 : i32
      %get3A_645 = arith.index_cast %get3A_644 : i32 to index
      %get3A_646 = arith.constant 96 : index
      %get3A_647 = tpu.vector_load %arg11[%get3A_645, %get3A_646] {strides = array<i32>} : memref<128x128xf32, #tpu.memory_space<vmem>>, vector<1x16xf32>,
      %get3A_648 = vector.shape_cast %get3A_647 : vector<1x16xf32> to vector<16xf32>
      %get3A_649 = arith.constant 32 : i32
      %get3A_650 = arith.index_cast %get3A_649 : i32 to index
      %get3A_651 = arith.constant 112 : index
      %get3A_652 = tpu.vector_load %arg11[%get3A_650, %get3A_651] {strides = array<i32>} : memref<128x128xf32, #tpu.memory_space<vmem>>, vector<1x16xf32>,
      %get3A_653 = vector.shape_cast %get3A_652 : vector<1x16xf32> to vector<16xf32>
      %scan3A_654 = arith.constant 1 : i32
      %scan3A_655 = arith.constant 31 : i32
      %scan3A_656 = arith.addi %scan3A_654, %scan3A_655 : i32
      %scan3A_657 = arith.constant 1 : i32
      %scan3A_658:8 = scf.for %scan3A_1715 = %scan3A_654 to %scan3A_656 step %scan3A_657 iter_args(%scan3A_1716 = %get3A_618, %scan3A_1717 = %get3A_623, %scan3A_1718 = %get3A_628, %scan3A_1719 = %get3A_633, %scan3A_1720 = %get3A_638, %scan3A_1721 = %get3A_643, %scan3A_1722 = %get3A_648, %scan3A_1723 = %get3A_653) -> (vector<16xf32>, vector<16xf32>, vector<16xf32>, vector<16xf32>, vector<16xf32>, vector<16xf32>, vector<16xf32>, vector<16xf32>)  : i32 {
        %add3A_1724 = arith.constant 32 : i32
        %add3A_1725 = arith.addi %add3A_1724, %scan3A_1715 : i32
        %get3A_1726 = arith.index_cast %add3A_1725 : i32 to index
        %get3A_1727 = arith.constant 0 : index
        %get3A_1728 = tpu.vector_load %arg11[%get3A_1726, %get3A_1727] {strides = array<i32>} : memref<128x128xf32, #tpu.memory_space<vmem>>, vector<1x16xf32>,
        %get3A_1729 = vector.shape_cast %get3A_1728 : vector<1x16xf32> to vector<16xf32>
        %max3A = arith.maximumf %scan3A_1716, %get3A_1729 : vector<16xf32>
        %add3A_1730 = arith.constant 32 : i32
        %add3A_1731 = arith.addi %add3A_1730, %scan3A_1715 : i32
        %get3A_1732 = arith.index_cast %add3A_1731 : i32 to index
        %get3A_1733 = arith.constant 16 : index
        %get3A_1734 = tpu.vector_load %arg11[%get3A_1732, %get3A_1733] {strides = array<i32>} : memref<128x128xf32, #tpu.memory_space<vmem>>, vector<1x16xf32>,
        %get3A_1735 = vector.shape_cast %get3A_1734 : vector<1x16xf32> to vector<16xf32>
        %max3A_1736 = arith.maximumf %scan3A_1717, %get3A_1735 : vector<16xf32>
        %add3A_1737 = arith.constant 32 : i32
        %add3A_1738 = arith.addi %add3A_1737, %scan3A_1715 : i32
        %get3A_1739 = arith.index_cast %add3A_1738 : i32 to index
        %get3A_1740 = arith.constant 32 : index
        %get3A_1741 = tpu.vector_load %arg11[%get3A_1739, %get3A_1740] {strides = array<i32>} : memref<128x128xf32, #tpu.memory_space<vmem>>, vector<1x16xf32>,
        %get3A_1742 = vector.shape_cast %get3A_1741 : vector<1x16xf32> to vector<16xf32>
        %max3A_1743 = arith.maximumf %scan3A_1718, %get3A_1742 : vector<16xf32>
        %add3A_1744 = arith.constant 32 : i32
        %add3A_1745 = arith.addi %add3A_1744, %scan3A_1715 : i32
        %get3A_1746 = arith.index_cast %add3A_1745 : i32 to index
        %get3A_1747 = arith.constant 48 : index
        %get3A_1748 = tpu.vector_load %arg11[%get3A_1746, %get3A_1747] {strides = array<i32>} : memref<128x128xf32, #tpu.memory_space<vmem>>, vector<1x16xf32>,
        %get3A_1749 = vector.shape_cast %get3A_1748 : vector<1x16xf32> to vector<16xf32>
        %max3A_1750 = arith.maximumf %scan3A_1719, %get3A_1749 : vector<16xf32>
        %add3A_1751 = arith.constant 32 : i32
        %add3A_1752 = arith.addi %add3A_1751, %scan3A_1715 : i32
        %get3A_1753 = arith.index_cast %add3A_1752 : i32 to index
        %get3A_1754 = arith.constant 64 : index
        %get3A_1755 = tpu.vector_load %arg11[%get3A_1753, %get3A_1754] {strides = array<i32>} : memref<128x128xf32, #tpu.memory_space<vmem>>, vector<1x16xf32>,
        %get3A_1756 = vector.shape_cast %get3A_1755 : vector<1x16xf32> to vector<16xf32>
        %max3A_1757 = arith.maximumf %scan3A_1720, %get3A_1756 : vector<16xf32>
        %add3A_1758 = arith.constant 32 : i32
        %add3A_1759 = arith.addi %add3A_1758, %scan3A_1715 : i32
        %get3A_1760 = arith.index_cast %add3A_1759 : i32 to index
        %get3A_1761 = arith.constant 80 : index
        %get3A_1762 = tpu.vector_load %arg11[%get3A_1760, %get3A_1761] {strides = array<i32>} : memref<128x128xf32, #tpu.memory_space<vmem>>, vector<1x16xf32>,
        %get3A_1763 = vector.shape_cast %get3A_1762 : vector<1x16xf32> to vector<16xf32>
        %max3A_1764 = arith.maximumf %scan3A_1721, %get3A_1763 : vector<16xf32>
        %add3A_1765 = arith.constant 32 : i32
        %add3A_1766 = arith.addi %add3A_1765, %scan3A_1715 : i32
        %get3A_1767 = arith.index_cast %add3A_1766 : i32 to index
        %get3A_1768 = arith.constant 96 : index
        %get3A_1769 = tpu.vector_load %arg11[%get3A_1767, %get3A_1768] {strides = array<i32>} : memref<128x128xf32, #tpu.memory_space<vmem>>, vector<1x16xf32>,
        %get3A_1770 = vector.shape_cast %get3A_1769 : vector<1x16xf32> to vector<16xf32>
        %max3A_1771 = arith.maximumf %scan3A_1722, %get3A_1770 : vector<16xf32>
        %add3A_1772 = arith.constant 32 : i32
        %add3A_1773 = arith.addi %add3A_1772, %scan3A_1715 : i32
        %get3A_1774 = arith.index_cast %add3A_1773 : i32 to index
        %get3A_1775 = arith.constant 112 : index
        %get3A_1776 = tpu.vector_load %arg11[%get3A_1774, %get3A_1775] {strides = array<i32>} : memref<128x128xf32, #tpu.memory_space<vmem>>, vector<1x16xf32>,
        %get3A_1777 = vector.shape_cast %get3A_1776 : vector<1x16xf32> to vector<16xf32>
        %max3A_1778 = arith.maximumf %scan3A_1723, %get3A_1777 : vector<16xf32>
        scf.yield %max3A, %max3A_1736, %max3A_1743, %max3A_1750, %max3A_1757, %max3A_1764, %max3A_1771, %max3A_1778 : vector<16xf32>, vector<16xf32>, vector<16xf32>, vector<16xf32>, vector<16xf32>, vector<16xf32>, vector<16xf32>, vector<16xf32>
      }
      %scan3A_659 = arith.constant 31 : i32
      %swap3A_660 = arith.constant 1 : i32
      %swap3A_661 = arith.index_cast %swap3A_660 : i32 to index
      %swap3A_662 = arith.constant 0 : index
      %swap3A_663 = tpu.vector_load %arg13[%swap3A_661, %swap3A_662] {strides = array<i32>} : memref<4x128xf32, #tpu.memory_space<vmem>>, vector<1x16xf32>,
      %swap3A_664 = vector.shape_cast %swap3A_663 : vector<1x16xf32> to vector<16xf32>
      %swap3A_665 = vector.shape_cast %scan3A_658#0 : vector<16xf32> to vector<1x16xf32>
      tpu.vector_store %arg13[%swap3A_661, %swap3A_662], %swap3A_665 {strides = array<i32>} : memref<4x128xf32, #tpu.memory_space<vmem>>, vector<1x16xf32>,
      %swap3A_666 = arith.constant 1 : i32
      %swap3A_667 = arith.index_cast %swap3A_666 : i32 to index
      %swap3A_668 = arith.constant 16 : index
      %swap3A_669 = tpu.vector_load %arg13[%swap3A_667, %swap3A_668] {strides = array<i32>} : memref<4x128xf32, #tpu.memory_space<vmem>>, vector<1x16xf32>,
      %swap3A_670 = vector.shape_cast %swap3A_669 : vector<1x16xf32> to vector<16xf32>
      %swap3A_671 = vector.shape_cast %scan3A_658#1 : vector<16xf32> to vector<1x16xf32>
      tpu.vector_store %arg13[%swap3A_667, %swap3A_668], %swap3A_671 {strides = array<i32>} : memref<4x128xf32, #tpu.memory_space<vmem>>, vector<1x16xf32>,
      %swap3A_672 = arith.constant 1 : i32
      %swap3A_673 = arith.index_cast %swap3A_672 : i32 to index
      %swap3A_674 = arith.constant 32 : index
      %swap3A_675 = tpu.vector_load %arg13[%swap3A_673, %swap3A_674] {strides = array<i32>} : memref<4x128xf32, #tpu.memory_space<vmem>>, vector<1x16xf32>,
      %swap3A_676 = vector.shape_cast %swap3A_675 : vector<1x16xf32> to vector<16xf32>
      %swap3A_677 = vector.shape_cast %scan3A_658#2 : vector<16xf32> to vector<1x16xf32>
      tpu.vector_store %arg13[%swap3A_673, %swap3A_674], %swap3A_677 {strides = array<i32>} : memref<4x128xf32, #tpu.memory_space<vmem>>, vector<1x16xf32>,
      %swap3A_678 = arith.constant 1 : i32
      %swap3A_679 = arith.index_cast %swap3A_678 : i32 to index
      %swap3A_680 = arith.constant 48 : index
      %swap3A_681 = tpu.vector_load %arg13[%swap3A_679, %swap3A_680] {strides = array<i32>} : memref<4x128xf32, #tpu.memory_space<vmem>>, vector<1x16xf32>,
      %swap3A_682 = vector.shape_cast %swap3A_681 : vector<1x16xf32> to vector<16xf32>
      %swap3A_683 = vector.shape_cast %scan3A_658#3 : vector<16xf32> to vector<1x16xf32>
      tpu.vector_store %arg13[%swap3A_679, %swap3A_680], %swap3A_683 {strides = array<i32>} : memref<4x128xf32, #tpu.memory_space<vmem>>, vector<1x16xf32>,
      %swap3A_684 = arith.constant 1 : i32
      %swap3A_685 = arith.index_cast %swap3A_684 : i32 to index
      %swap3A_686 = arith.constant 64 : index
      %swap3A_687 = tpu.vector_load %arg13[%swap3A_685, %swap3A_686] {strides = array<i32>} : memref<4x128xf32, #tpu.memory_space<vmem>>, vector<1x16xf32>,
      %swap3A_688 = vector.shape_cast %swap3A_687 : vector<1x16xf32> to vector<16xf32>
      %swap3A_689 = vector.shape_cast %scan3A_658#4 : vector<16xf32> to vector<1x16xf32>
      tpu.vector_store %arg13[%swap3A_685, %swap3A_686], %swap3A_689 {strides = array<i32>} : memref<4x128xf32, #tpu.memory_space<vmem>>, vector<1x16xf32>,
      %swap3A_690 = arith.constant 1 : i32
      %swap3A_691 = arith.index_cast %swap3A_690 : i32 to index
      %swap3A_692 = arith.constant 80 : index
      %swap3A_693 = tpu.vector_load %arg13[%swap3A_691, %swap3A_692] {strides = array<i32>} : memref<4x128xf32, #tpu.memory_space<vmem>>, vector<1x16xf32>,
      %swap3A_694 = vector.shape_cast %swap3A_693 : vector<1x16xf32> to vector<16xf32>
      %swap3A_695 = vector.shape_cast %scan3A_658#5 : vector<16xf32> to vector<1x16xf32>
      tpu.vector_store %arg13[%swap3A_691, %swap3A_692], %swap3A_695 {strides = array<i32>} : memref<4x128xf32, #tpu.memory_space<vmem>>, vector<1x16xf32>,
      %swap3A_696 = arith.constant 1 : i32
      %swap3A_697 = arith.index_cast %swap3A_696 : i32 to index
      %swap3A_698 = arith.constant 96 : index
      %swap3A_699 = tpu.vector_load %arg13[%swap3A_697, %swap3A_698] {strides = array<i32>} : memref<4x128xf32, #tpu.memory_space<vmem>>, vector<1x16xf32>,
      %swap3A_700 = vector.shape_cast %swap3A_699 : vector<1x16xf32> to vector<16xf32>
      %swap3A_701 = vector.shape_cast %scan3A_658#6 : vector<16xf32> to vector<1x16xf32>
      tpu.vector_store %arg13[%swap3A_697, %swap3A_698], %swap3A_701 {strides = array<i32>} : memref<4x128xf32, #tpu.memory_space<vmem>>, vector<1x16xf32>,
      %swap3A_702 = arith.constant 1 : i32
      %swap3A_703 = arith.index_cast %swap3A_702 : i32 to index
      %swap3A_704 = arith.constant 112 : index
      %swap3A_705 = tpu.vector_load %arg13[%swap3A_703, %swap3A_704] {strides = array<i32>} : memref<4x128xf32, #tpu.memory_space<vmem>>, vector<1x16xf32>,
      %swap3A_706 = vector.shape_cast %swap3A_705 : vector<1x16xf32> to vector<16xf32>
      %swap3A_707 = vector.shape_cast %scan3A_658#7 : vector<16xf32> to vector<1x16xf32>
      tpu.vector_store %arg13[%swap3A_703, %swap3A_704], %swap3A_707 {strides = array<i32>} : memref<4x128xf32, #tpu.memory_space<vmem>>, vector<1x16xf32>,
      %get3A_708 = arith.constant 64 : i32
      %get3A_709 = arith.index_cast %get3A_708 : i32 to index
      %get3A_710 = arith.constant 0 : index
      %get3A_711 = tpu.vector_load %arg11[%get3A_709, %get3A_710] {strides = array<i32>} : memref<128x128xf32, #tpu.memory_space<vmem>>, vector<1x16xf32>,
      %get3A_712 = vector.shape_cast %get3A_711 : vector<1x16xf32> to vector<16xf32>
      %get3A_713 = arith.constant 64 : i32
      %get3A_714 = arith.index_cast %get3A_713 : i32 to index
      %get3A_715 = arith.constant 16 : index
      %get3A_716 = tpu.vector_load %arg11[%get3A_714, %get3A_715] {strides = array<i32>} : memref<128x128xf32, #tpu.memory_space<vmem>>, vector<1x16xf32>,
      %get3A_717 = vector.shape_cast %get3A_716 : vector<1x16xf32> to vector<16xf32>
      %get3A_718 = arith.constant 64 : i32
      %get3A_719 = arith.index_cast %get3A_718 : i32 to index
      %get3A_720 = arith.constant 32 : index
      %get3A_721 = tpu.vector_load %arg11[%get3A_719, %get3A_720] {strides = array<i32>} : memref<128x128xf32, #tpu.memory_space<vmem>>, vector<1x16xf32>,
      %get3A_722 = vector.shape_cast %get3A_721 : vector<1x16xf32> to vector<16xf32>
      %get3A_723 = arith.constant 64 : i32
      %get3A_724 = arith.index_cast %get3A_723 : i32 to index
      %get3A_725 = arith.constant 48 : index
      %get3A_726 = tpu.vector_load %arg11[%get3A_724, %get3A_725] {strides = array<i32>} : memref<128x128xf32, #tpu.memory_space<vmem>>, vector<1x16xf32>,
      %get3A_727 = vector.shape_cast %get3A_726 : vector<1x16xf32> to vector<16xf32>
      %get3A_728 = arith.constant 64 : i32
      %get3A_729 = arith.index_cast %get3A_728 : i32 to index
      %get3A_730 = arith.constant 64 : index
      %get3A_731 = tpu.vector_load %arg11[%get3A_729, %get3A_730] {strides = array<i32>} : memref<128x128xf32, #tpu.memory_space<vmem>>, vector<1x16xf32>,
      %get3A_732 = vector.shape_cast %get3A_731 : vector<1x16xf32> to vector<16xf32>
      %get3A_733 = arith.constant 64 : i32
      %get3A_734 = arith.index_cast %get3A_733 : i32 to index
      %get3A_735 = arith.constant 80 : index
      %get3A_736 = tpu.vector_load %arg11[%get3A_734, %get3A_735] {strides = array<i32>} : memref<128x128xf32, #tpu.memory_space<vmem>>, vector<1x16xf32>,
      %get3A_737 = vector.shape_cast %get3A_736 : vector<1x16xf32> to vector<16xf32>
      %get3A_738 = arith.constant 64 : i32
      %get3A_739 = arith.index_cast %get3A_738 : i32 to index
      %get3A_740 = arith.constant 96 : index
      %get3A_741 = tpu.vector_load %arg11[%get3A_739, %get3A_740] {strides = array<i32>} : memref<128x128xf32, #tpu.memory_space<vmem>>, vector<1x16xf32>,
      %get3A_742 = vector.shape_cast %get3A_741 : vector<1x16xf32> to vector<16xf32>
      %get3A_743 = arith.constant 64 : i32
      %get3A_744 = arith.index_cast %get3A_743 : i32 to index
      %get3A_745 = arith.constant 112 : index
      %get3A_746 = tpu.vector_load %arg11[%get3A_744, %get3A_745] {strides = array<i32>} : memref<128x128xf32, #tpu.memory_space<vmem>>, vector<1x16xf32>,
      %get3A_747 = vector.shape_cast %get3A_746 : vector<1x16xf32> to vector<16xf32>
      %scan3A_748 = arith.constant 1 : i32
      %scan3A_749 = arith.constant 31 : i32
      %scan3A_750 = arith.addi %scan3A_748, %scan3A_749 : i32
      %scan3A_751 = arith.constant 1 : i32
      %scan3A_752:8 = scf.for %scan3A_1715 = %scan3A_748 to %scan3A_750 step %scan3A_751 iter_args(%scan3A_1716 = %get3A_712, %scan3A_1717 = %get3A_717, %scan3A_1718 = %get3A_722, %scan3A_1719 = %get3A_727, %scan3A_1720 = %get3A_732, %scan3A_1721 = %get3A_737, %scan3A_1722 = %get3A_742, %scan3A_1723 = %get3A_747) -> (vector<16xf32>, vector<16xf32>, vector<16xf32>, vector<16xf32>, vector<16xf32>, vector<16xf32>, vector<16xf32>, vector<16xf32>)  : i32 {
        %add3A_1724 = arith.constant 64 : i32
        %add3A_1725 = arith.addi %add3A_1724, %scan3A_1715 : i32
        %get3A_1726 = arith.index_cast %add3A_1725 : i32 to index
        %get3A_1727 = arith.constant 0 : index
        %get3A_1728 = tpu.vector_load %arg11[%get3A_1726, %get3A_1727] {strides = array<i32>} : memref<128x128xf32, #tpu.memory_space<vmem>>, vector<1x16xf32>,
        %get3A_1729 = vector.shape_cast %get3A_1728 : vector<1x16xf32> to vector<16xf32>
        %max3A = arith.maximumf %scan3A_1716, %get3A_1729 : vector<16xf32>
        %add3A_1730 = arith.constant 64 : i32
        %add3A_1731 = arith.addi %add3A_1730, %scan3A_1715 : i32
        %get3A_1732 = arith.index_cast %add3A_1731 : i32 to index
        %get3A_1733 = arith.constant 16 : index
        %get3A_1734 = tpu.vector_load %arg11[%get3A_1732, %get3A_1733] {strides = array<i32>} : memref<128x128xf32, #tpu.memory_space<vmem>>, vector<1x16xf32>,
        %get3A_1735 = vector.shape_cast %get3A_1734 : vector<1x16xf32> to vector<16xf32>
        %max3A_1736 = arith.maximumf %scan3A_1717, %get3A_1735 : vector<16xf32>
        %add3A_1737 = arith.constant 64 : i32
        %add3A_1738 = arith.addi %add3A_1737, %scan3A_1715 : i32
        %get3A_1739 = arith.index_cast %add3A_1738 : i32 to index
        %get3A_1740 = arith.constant 32 : index
        %get3A_1741 = tpu.vector_load %arg11[%get3A_1739, %get3A_1740] {strides = array<i32>} : memref<128x128xf32, #tpu.memory_space<vmem>>, vector<1x16xf32>,
        %get3A_1742 = vector.shape_cast %get3A_1741 : vector<1x16xf32> to vector<16xf32>
        %max3A_1743 = arith.maximumf %scan3A_1718, %get3A_1742 : vector<16xf32>
        %add3A_1744 = arith.constant 64 : i32
        %add3A_1745 = arith.addi %add3A_1744, %scan3A_1715 : i32
        %get3A_1746 = arith.index_cast %add3A_1745 : i32 to index
        %get3A_1747 = arith.constant 48 : index
        %get3A_1748 = tpu.vector_load %arg11[%get3A_1746, %get3A_1747] {strides = array<i32>} : memref<128x128xf32, #tpu.memory_space<vmem>>, vector<1x16xf32>,
        %get3A_1749 = vector.shape_cast %get3A_1748 : vector<1x16xf32> to vector<16xf32>
        %max3A_1750 = arith.maximumf %scan3A_1719, %get3A_1749 : vector<16xf32>
        %add3A_1751 = arith.constant 64 : i32
        %add3A_1752 = arith.addi %add3A_1751, %scan3A_1715 : i32
        %get3A_1753 = arith.index_cast %add3A_1752 : i32 to index
        %get3A_1754 = arith.constant 64 : index
        %get3A_1755 = tpu.vector_load %arg11[%get3A_1753, %get3A_1754] {strides = array<i32>} : memref<128x128xf32, #tpu.memory_space<vmem>>, vector<1x16xf32>,
        %get3A_1756 = vector.shape_cast %get3A_1755 : vector<1x16xf32> to vector<16xf32>
        %max3A_1757 = arith.maximumf %scan3A_1720, %get3A_1756 : vector<16xf32>
        %add3A_1758 = arith.constant 64 : i32
        %add3A_1759 = arith.addi %add3A_1758, %scan3A_1715 : i32
        %get3A_1760 = arith.index_cast %add3A_1759 : i32 to index
        %get3A_1761 = arith.constant 80 : index
        %get3A_1762 = tpu.vector_load %arg11[%get3A_1760, %get3A_1761] {strides = array<i32>} : memref<128x128xf32, #tpu.memory_space<vmem>>, vector<1x16xf32>,
        %get3A_1763 = vector.shape_cast %get3A_1762 : vector<1x16xf32> to vector<16xf32>
        %max3A_1764 = arith.maximumf %scan3A_1721, %get3A_1763 : vector<16xf32>
        %add3A_1765 = arith.constant 64 : i32
        %add3A_1766 = arith.addi %add3A_1765, %scan3A_1715 : i32
        %get3A_1767 = arith.index_cast %add3A_1766 : i32 to index
        %get3A_1768 = arith.constant 96 : index
        %get3A_1769 = tpu.vector_load %arg11[%get3A_1767, %get3A_1768] {strides = array<i32>} : memref<128x128xf32, #tpu.memory_space<vmem>>, vector<1x16xf32>,
        %get3A_1770 = vector.shape_cast %get3A_1769 : vector<1x16xf32> to vector<16xf32>
        %max3A_1771 = arith.maximumf %scan3A_1722, %get3A_1770 : vector<16xf32>
        %add3A_1772 = arith.constant 64 : i32
        %add3A_1773 = arith.addi %add3A_1772, %scan3A_1715 : i32
        %get3A_1774 = arith.index_cast %add3A_1773 : i32 to index
        %get3A_1775 = arith.constant 112 : index
        %get3A_1776 = tpu.vector_load %arg11[%get3A_1774, %get3A_1775] {strides = array<i32>} : memref<128x128xf32, #tpu.memory_space<vmem>>, vector<1x16xf32>,
        %get3A_1777 = vector.shape_cast %get3A_1776 : vector<1x16xf32> to vector<16xf32>
        %max3A_1778 = arith.maximumf %scan3A_1723, %get3A_1777 : vector<16xf32>
        scf.yield %max3A, %max3A_1736, %max3A_1743, %max3A_1750, %max3A_1757, %max3A_1764, %max3A_1771, %max3A_1778 : vector<16xf32>, vector<16xf32>, vector<16xf32>, vector<16xf32>, vector<16xf32>, vector<16xf32>, vector<16xf32>, vector<16xf32>
      }
      %scan3A_753 = arith.constant 31 : i32
      %swap3A_754 = arith.constant 2 : i32
      %swap3A_755 = arith.index_cast %swap3A_754 : i32 to index
      %swap3A_756 = arith.constant 0 : index
      %swap3A_757 = tpu.vector_load %arg13[%swap3A_755, %swap3A_756] {strides = array<i32>} : memref<4x128xf32, #tpu.memory_space<vmem>>, vector<1x16xf32>,
      %swap3A_758 = vector.shape_cast %swap3A_757 : vector<1x16xf32> to vector<16xf32>
      %swap3A_759 = vector.shape_cast %scan3A_752#0 : vector<16xf32> to vector<1x16xf32>
      tpu.vector_store %arg13[%swap3A_755, %swap3A_756], %swap3A_759 {strides = array<i32>} : memref<4x128xf32, #tpu.memory_space<vmem>>, vector<1x16xf32>,
      %swap3A_760 = arith.constant 2 : i32
      %swap3A_761 = arith.index_cast %swap3A_760 : i32 to index
      %swap3A_762 = arith.constant 16 : index
      %swap3A_763 = tpu.vector_load %arg13[%swap3A_761, %swap3A_762] {strides = array<i32>} : memref<4x128xf32, #tpu.memory_space<vmem>>, vector<1x16xf32>,
      %swap3A_764 = vector.shape_cast %swap3A_763 : vector<1x16xf32> to vector<16xf32>
      %swap3A_765 = vector.shape_cast %scan3A_752#1 : vector<16xf32> to vector<1x16xf32>
      tpu.vector_store %arg13[%swap3A_761, %swap3A_762], %swap3A_765 {strides = array<i32>} : memref<4x128xf32, #tpu.memory_space<vmem>>, vector<1x16xf32>,
      %swap3A_766 = arith.constant 2 : i32
      %swap3A_767 = arith.index_cast %swap3A_766 : i32 to index
      %swap3A_768 = arith.constant 32 : index
      %swap3A_769 = tpu.vector_load %arg13[%swap3A_767, %swap3A_768] {strides = array<i32>} : memref<4x128xf32, #tpu.memory_space<vmem>>, vector<1x16xf32>,
      %swap3A_770 = vector.shape_cast %swap3A_769 : vector<1x16xf32> to vector<16xf32>
      %swap3A_771 = vector.shape_cast %scan3A_752#2 : vector<16xf32> to vector<1x16xf32>
      tpu.vector_store %arg13[%swap3A_767, %swap3A_768], %swap3A_771 {strides = array<i32>} : memref<4x128xf32, #tpu.memory_space<vmem>>, vector<1x16xf32>,
      %swap3A_772 = arith.constant 2 : i32
      %swap3A_773 = arith.index_cast %swap3A_772 : i32 to index
      %swap3A_774 = arith.constant 48 : index
      %swap3A_775 = tpu.vector_load %arg13[%swap3A_773, %swap3A_774] {strides = array<i32>} : memref<4x128xf32, #tpu.memory_space<vmem>>, vector<1x16xf32>,
      %swap3A_776 = vector.shape_cast %swap3A_775 : vector<1x16xf32> to vector<16xf32>
      %swap3A_777 = vector.shape_cast %scan3A_752#3 : vector<16xf32> to vector<1x16xf32>
      tpu.vector_store %arg13[%swap3A_773, %swap3A_774], %swap3A_777 {strides = array<i32>} : memref<4x128xf32, #tpu.memory_space<vmem>>, vector<1x16xf32>,
      %swap3A_778 = arith.constant 2 : i32
      %swap3A_779 = arith.index_cast %swap3A_778 : i32 to index
      %swap3A_780 = arith.constant 64 : index
      %swap3A_781 = tpu.vector_load %arg13[%swap3A_779, %swap3A_780] {strides = array<i32>} : memref<4x128xf32, #tpu.memory_space<vmem>>, vector<1x16xf32>,
      %swap3A_782 = vector.shape_cast %swap3A_781 : vector<1x16xf32> to vector<16xf32>
      %swap3A_783 = vector.shape_cast %scan3A_752#4 : vector<16xf32> to vector<1x16xf32>
      tpu.vector_store %arg13[%swap3A_779, %swap3A_780], %swap3A_783 {strides = array<i32>} : memref<4x128xf32, #tpu.memory_space<vmem>>, vector<1x16xf32>,
      %swap3A_784 = arith.constant 2 : i32
      %swap3A_785 = arith.index_cast %swap3A_784 : i32 to index
      %swap3A_786 = arith.constant 80 : index
      %swap3A_787 = tpu.vector_load %arg13[%swap3A_785, %swap3A_786] {strides = array<i32>} : memref<4x128xf32, #tpu.memory_space<vmem>>, vector<1x16xf32>,
      %swap3A_788 = vector.shape_cast %swap3A_787 : vector<1x16xf32> to vector<16xf32>
      %swap3A_789 = vector.shape_cast %scan3A_752#5 : vector<16xf32> to vector<1x16xf32>
      tpu.vector_store %arg13[%swap3A_785, %swap3A_786], %swap3A_789 {strides = array<i32>} : memref<4x128xf32, #tpu.memory_space<vmem>>, vector<1x16xf32>,
      %swap3A_790 = arith.constant 2 : i32
      %swap3A_791 = arith.index_cast %swap3A_790 : i32 to index
      %swap3A_792 = arith.constant 96 : index
      %swap3A_793 = tpu.vector_load %arg13[%swap3A_791, %swap3A_792] {strides = array<i32>} : memref<4x128xf32, #tpu.memory_space<vmem>>, vector<1x16xf32>,
      %swap3A_794 = vector.shape_cast %swap3A_793 : vector<1x16xf32> to vector<16xf32>
      %swap3A_795 = vector.shape_cast %scan3A_752#6 : vector<16xf32> to vector<1x16xf32>
      tpu.vector_store %arg13[%swap3A_791, %swap3A_792], %swap3A_795 {strides = array<i32>} : memref<4x128xf32, #tpu.memory_space<vmem>>, vector<1x16xf32>,
      %swap3A_796 = arith.constant 2 : i32
      %swap3A_797 = arith.index_cast %swap3A_796 : i32 to index
      %swap3A_798 = arith.constant 112 : index
      %swap3A_799 = tpu.vector_load %arg13[%swap3A_797, %swap3A_798] {strides = array<i32>} : memref<4x128xf32, #tpu.memory_space<vmem>>, vector<1x16xf32>,
      %swap3A_800 = vector.shape_cast %swap3A_799 : vector<1x16xf32> to vector<16xf32>
      %swap3A_801 = vector.shape_cast %scan3A_752#7 : vector<16xf32> to vector<1x16xf32>
      tpu.vector_store %arg13[%swap3A_797, %swap3A_798], %swap3A_801 {strides = array<i32>} : memref<4x128xf32, #tpu.memory_space<vmem>>, vector<1x16xf32>,
      %get3A_802 = arith.constant 96 : i32
      %get3A_803 = arith.index_cast %get3A_802 : i32 to index
      %get3A_804 = arith.constant 0 : index
      %get3A_805 = tpu.vector_load %arg11[%get3A_803, %get3A_804] {strides = array<i32>} : memref<128x128xf32, #tpu.memory_space<vmem>>, vector<1x16xf32>,
      %get3A_806 = vector.shape_cast %get3A_805 : vector<1x16xf32> to vector<16xf32>
      %get3A_807 = arith.constant 96 : i32
      %get3A_808 = arith.index_cast %get3A_807 : i32 to index
      %get3A_809 = arith.constant 16 : index
      %get3A_810 = tpu.vector_load %arg11[%get3A_808, %get3A_809] {strides = array<i32>} : memref<128x128xf32, #tpu.memory_space<vmem>>, vector<1x16xf32>,
      %get3A_811 = vector.shape_cast %get3A_810 : vector<1x16xf32> to vector<16xf32>
      %get3A_812 = arith.constant 96 : i32
      %get3A_813 = arith.index_cast %get3A_812 : i32 to index
      %get3A_814 = arith.constant 32 : index
      %get3A_815 = tpu.vector_load %arg11[%get3A_813, %get3A_814] {strides = array<i32>} : memref<128x128xf32, #tpu.memory_space<vmem>>, vector<1x16xf32>,
      %get3A_816 = vector.shape_cast %get3A_815 : vector<1x16xf32> to vector<16xf32>
      %get3A_817 = arith.constant 96 : i32
      %get3A_818 = arith.index_cast %get3A_817 : i32 to index
      %get3A_819 = arith.constant 48 : index
      %get3A_820 = tpu.vector_load %arg11[%get3A_818, %get3A_819] {strides = array<i32>} : memref<128x128xf32, #tpu.memory_space<vmem>>, vector<1x16xf32>,
      %get3A_821 = vector.shape_cast %get3A_820 : vector<1x16xf32> to vector<16xf32>
      %get3A_822 = arith.constant 96 : i32
      %get3A_823 = arith.index_cast %get3A_822 : i32 to index
      %get3A_824 = arith.constant 64 : index
      %get3A_825 = tpu.vector_load %arg11[%get3A_823, %get3A_824] {strides = array<i32>} : memref<128x128xf32, #tpu.memory_space<vmem>>, vector<1x16xf32>,
      %get3A_826 = vector.shape_cast %get3A_825 : vector<1x16xf32> to vector<16xf32>
      %get3A_827 = arith.constant 96 : i32
      %get3A_828 = arith.index_cast %get3A_827 : i32 to index
      %get3A_829 = arith.constant 80 : index
      %get3A_830 = tpu.vector_load %arg11[%get3A_828, %get3A_829] {strides = array<i32>} : memref<128x128xf32, #tpu.memory_space<vmem>>, vector<1x16xf32>,
      %get3A_831 = vector.shape_cast %get3A_830 : vector<1x16xf32> to vector<16xf32>
      %get3A_832 = arith.constant 96 : i32
      %get3A_833 = arith.index_cast %get3A_832 : i32 to index
      %get3A_834 = arith.constant 96 : index
      %get3A_835 = tpu.vector_load %arg11[%get3A_833, %get3A_834] {strides = array<i32>} : memref<128x128xf32, #tpu.memory_space<vmem>>, vector<1x16xf32>,
      %get3A_836 = vector.shape_cast %get3A_835 : vector<1x16xf32> to vector<16xf32>
      %get3A_837 = arith.constant 96 : i32
      %get3A_838 = arith.index_cast %get3A_837 : i32 to index
      %get3A_839 = arith.constant 112 : index
      %get3A_840 = tpu.vector_load %arg11[%get3A_838, %get3A_839] {strides = array<i32>} : memref<128x128xf32, #tpu.memory_space<vmem>>, vector<1x16xf32>,
      %get3A_841 = vector.shape_cast %get3A_840 : vector<1x16xf32> to vector<16xf32>
      %scan3A_842 = arith.constant 1 : i32
      %scan3A_843 = arith.constant 31 : i32
      %scan3A_844 = arith.addi %scan3A_842, %scan3A_843 : i32
      %scan3A_845 = arith.constant 1 : i32
      %scan3A_846:8 = scf.for %scan3A_1715 = %scan3A_842 to %scan3A_844 step %scan3A_845 iter_args(%scan3A_1716 = %get3A_806, %scan3A_1717 = %get3A_811, %scan3A_1718 = %get3A_816, %scan3A_1719 = %get3A_821, %scan3A_1720 = %get3A_826, %scan3A_1721 = %get3A_831, %scan3A_1722 = %get3A_836, %scan3A_1723 = %get3A_841) -> (vector<16xf32>, vector<16xf32>, vector<16xf32>, vector<16xf32>, vector<16xf32>, vector<16xf32>, vector<16xf32>, vector<16xf32>)  : i32 {
        %add3A_1724 = arith.constant 96 : i32
        %add3A_1725 = arith.addi %add3A_1724, %scan3A_1715 : i32
        %get3A_1726 = arith.index_cast %add3A_1725 : i32 to index
        %get3A_1727 = arith.constant 0 : index
        %get3A_1728 = tpu.vector_load %arg11[%get3A_1726, %get3A_1727] {strides = array<i32>} : memref<128x128xf32, #tpu.memory_space<vmem>>, vector<1x16xf32>,
        %get3A_1729 = vector.shape_cast %get3A_1728 : vector<1x16xf32> to vector<16xf32>
        %max3A = arith.maximumf %scan3A_1716, %get3A_1729 : vector<16xf32>
        %add3A_1730 = arith.constant 96 : i32
        %add3A_1731 = arith.addi %add3A_1730, %scan3A_1715 : i32
        %get3A_1732 = arith.index_cast %add3A_1731 : i32 to index
        %get3A_1733 = arith.constant 16 : index
        %get3A_1734 = tpu.vector_load %arg11[%get3A_1732, %get3A_1733] {strides = array<i32>} : memref<128x128xf32, #tpu.memory_space<vmem>>, vector<1x16xf32>,
        %get3A_1735 = vector.shape_cast %get3A_1734 : vector<1x16xf32> to vector<16xf32>
        %max3A_1736 = arith.maximumf %scan3A_1717, %get3A_1735 : vector<16xf32>
        %add3A_1737 = arith.constant 96 : i32
        %add3A_1738 = arith.addi %add3A_1737, %scan3A_1715 : i32
        %get3A_1739 = arith.index_cast %add3A_1738 : i32 to index
        %get3A_1740 = arith.constant 32 : index
        %get3A_1741 = tpu.vector_load %arg11[%get3A_1739, %get3A_1740] {strides = array<i32>} : memref<128x128xf32, #tpu.memory_space<vmem>>, vector<1x16xf32>,
        %get3A_1742 = vector.shape_cast %get3A_1741 : vector<1x16xf32> to vector<16xf32>
        %max3A_1743 = arith.maximumf %scan3A_1718, %get3A_1742 : vector<16xf32>
        %add3A_1744 = arith.constant 96 : i32
        %add3A_1745 = arith.addi %add3A_1744, %scan3A_1715 : i32
        %get3A_1746 = arith.index_cast %add3A_1745 : i32 to index
        %get3A_1747 = arith.constant 48 : index
        %get3A_1748 = tpu.vector_load %arg11[%get3A_1746, %get3A_1747] {strides = array<i32>} : memref<128x128xf32, #tpu.memory_space<vmem>>, vector<1x16xf32>,
        %get3A_1749 = vector.shape_cast %get3A_1748 : vector<1x16xf32> to vector<16xf32>
        %max3A_1750 = arith.maximumf %scan3A_1719, %get3A_1749 : vector<16xf32>
        %add3A_1751 = arith.constant 96 : i32
        %add3A_1752 = arith.addi %add3A_1751, %scan3A_1715 : i32
        %get3A_1753 = arith.index_cast %add3A_1752 : i32 to index
        %get3A_1754 = arith.constant 64 : index
        %get3A_1755 = tpu.vector_load %arg11[%get3A_1753, %get3A_1754] {strides = array<i32>} : memref<128x128xf32, #tpu.memory_space<vmem>>, vector<1x16xf32>,
        %get3A_1756 = vector.shape_cast %get3A_1755 : vector<1x16xf32> to vector<16xf32>
        %max3A_1757 = arith.maximumf %scan3A_1720, %get3A_1756 : vector<16xf32>
        %add3A_1758 = arith.constant 96 : i32
        %add3A_1759 = arith.addi %add3A_1758, %scan3A_1715 : i32
        %get3A_1760 = arith.index_cast %add3A_1759 : i32 to index
        %get3A_1761 = arith.constant 80 : index
        %get3A_1762 = tpu.vector_load %arg11[%get3A_1760, %get3A_1761] {strides = array<i32>} : memref<128x128xf32, #tpu.memory_space<vmem>>, vector<1x16xf32>,
        %get3A_1763 = vector.shape_cast %get3A_1762 : vector<1x16xf32> to vector<16xf32>
        %max3A_1764 = arith.maximumf %scan3A_1721, %get3A_1763 : vector<16xf32>
        %add3A_1765 = arith.constant 96 : i32
        %add3A_1766 = arith.addi %add3A_1765, %scan3A_1715 : i32
        %get3A_1767 = arith.index_cast %add3A_1766 : i32 to index
        %get3A_1768 = arith.constant 96 : index
        %get3A_1769 = tpu.vector_load %arg11[%get3A_1767, %get3A_1768] {strides = array<i32>} : memref<128x128xf32, #tpu.memory_space<vmem>>, vector<1x16xf32>,
        %get3A_1770 = vector.shape_cast %get3A_1769 : vector<1x16xf32> to vector<16xf32>
        %max3A_1771 = arith.maximumf %scan3A_1722, %get3A_1770 : vector<16xf32>
        %add3A_1772 = arith.constant 96 : i32
        %add3A_1773 = arith.addi %add3A_1772, %scan3A_1715 : i32
        %get3A_1774 = arith.index_cast %add3A_1773 : i32 to index
        %get3A_1775 = arith.constant 112 : index
        %get3A_1776 = tpu.vector_load %arg11[%get3A_1774, %get3A_1775] {strides = array<i32>} : memref<128x128xf32, #tpu.memory_space<vmem>>, vector<1x16xf32>,
        %get3A_1777 = vector.shape_cast %get3A_1776 : vector<1x16xf32> to vector<16xf32>
        %max3A_1778 = arith.maximumf %scan3A_1723, %get3A_1777 : vector<16xf32>
        scf.yield %max3A, %max3A_1736, %max3A_1743, %max3A_1750, %max3A_1757, %max3A_1764, %max3A_1771, %max3A_1778 : vector<16xf32>, vector<16xf32>, vector<16xf32>, vector<16xf32>, vector<16xf32>, vector<16xf32>, vector<16xf32>, vector<16xf32>
      }
      %scan3A_847 = arith.constant 31 : i32
      %swap3A_848 = arith.constant 3 : i32
      %swap3A_849 = arith.index_cast %swap3A_848 : i32 to index
      %swap3A_850 = arith.constant 0 : index
      %swap3A_851 = tpu.vector_load %arg13[%swap3A_849, %swap3A_850] {strides = array<i32>} : memref<4x128xf32, #tpu.memory_space<vmem>>, vector<1x16xf32>,
      %swap3A_852 = vector.shape_cast %swap3A_851 : vector<1x16xf32> to vector<16xf32>
      %swap3A_853 = vector.shape_cast %scan3A_846#0 : vector<16xf32> to vector<1x16xf32>
      tpu.vector_store %arg13[%swap3A_849, %swap3A_850], %swap3A_853 {strides = array<i32>} : memref<4x128xf32, #tpu.memory_space<vmem>>, vector<1x16xf32>,
      %swap3A_854 = arith.constant 3 : i32
      %swap3A_855 = arith.index_cast %swap3A_854 : i32 to index
      %swap3A_856 = arith.constant 16 : index
      %swap3A_857 = tpu.vector_load %arg13[%swap3A_855, %swap3A_856] {strides = array<i32>} : memref<4x128xf32, #tpu.memory_space<vmem>>, vector<1x16xf32>,
      %swap3A_858 = vector.shape_cast %swap3A_857 : vector<1x16xf32> to vector<16xf32>
      %swap3A_859 = vector.shape_cast %scan3A_846#1 : vector<16xf32> to vector<1x16xf32>
      tpu.vector_store %arg13[%swap3A_855, %swap3A_856], %swap3A_859 {strides = array<i32>} : memref<4x128xf32, #tpu.memory_space<vmem>>, vector<1x16xf32>,
      %swap3A_860 = arith.constant 3 : i32
      %swap3A_861 = arith.index_cast %swap3A_860 : i32 to index
      %swap3A_862 = arith.constant 32 : index
      %swap3A_863 = tpu.vector_load %arg13[%swap3A_861, %swap3A_862] {strides = array<i32>} : memref<4x128xf32, #tpu.memory_space<vmem>>, vector<1x16xf32>,
      %swap3A_864 = vector.shape_cast %swap3A_863 : vector<1x16xf32> to vector<16xf32>
      %swap3A_865 = vector.shape_cast %scan3A_846#2 : vector<16xf32> to vector<1x16xf32>
      tpu.vector_store %arg13[%swap3A_861, %swap3A_862], %swap3A_865 {strides = array<i32>} : memref<4x128xf32, #tpu.memory_space<vmem>>, vector<1x16xf32>,
      %swap3A_866 = arith.constant 3 : i32
      %swap3A_867 = arith.index_cast %swap3A_866 : i32 to index
      %swap3A_868 = arith.constant 48 : index
      %swap3A_869 = tpu.vector_load %arg13[%swap3A_867, %swap3A_868] {strides = array<i32>} : memref<4x128xf32, #tpu.memory_space<vmem>>, vector<1x16xf32>,
      %swap3A_870 = vector.shape_cast %swap3A_869 : vector<1x16xf32> to vector<16xf32>
      %swap3A_871 = vector.shape_cast %scan3A_846#3 : vector<16xf32> to vector<1x16xf32>
      tpu.vector_store %arg13[%swap3A_867, %swap3A_868], %swap3A_871 {strides = array<i32>} : memref<4x128xf32, #tpu.memory_space<vmem>>, vector<1x16xf32>,
      %swap3A_872 = arith.constant 3 : i32
      %swap3A_873 = arith.index_cast %swap3A_872 : i32 to index
      %swap3A_874 = arith.constant 64 : index
      %swap3A_875 = tpu.vector_load %arg13[%swap3A_873, %swap3A_874] {strides = array<i32>} : memref<4x128xf32, #tpu.memory_space<vmem>>, vector<1x16xf32>,
      %swap3A_876 = vector.shape_cast %swap3A_875 : vector<1x16xf32> to vector<16xf32>
      %swap3A_877 = vector.shape_cast %scan3A_846#4 : vector<16xf32> to vector<1x16xf32>
      tpu.vector_store %arg13[%swap3A_873, %swap3A_874], %swap3A_877 {strides = array<i32>} : memref<4x128xf32, #tpu.memory_space<vmem>>, vector<1x16xf32>,
      %swap3A_878 = arith.constant 3 : i32
      %swap3A_879 = arith.index_cast %swap3A_878 : i32 to index
      %swap3A_880 = arith.constant 80 : index
      %swap3A_881 = tpu.vector_load %arg13[%swap3A_879, %swap3A_880] {strides = array<i32>} : memref<4x128xf32, #tpu.memory_space<vmem>>, vector<1x16xf32>,
      %swap3A_882 = vector.shape_cast %swap3A_881 : vector<1x16xf32> to vector<16xf32>
      %swap3A_883 = vector.shape_cast %scan3A_846#5 : vector<16xf32> to vector<1x16xf32>
      tpu.vector_store %arg13[%swap3A_879, %swap3A_880], %swap3A_883 {strides = array<i32>} : memref<4x128xf32, #tpu.memory_space<vmem>>, vector<1x16xf32>,
      %swap3A_884 = arith.constant 3 : i32
      %swap3A_885 = arith.index_cast %swap3A_884 : i32 to index
      %swap3A_886 = arith.constant 96 : index
      %swap3A_887 = tpu.vector_load %arg13[%swap3A_885, %swap3A_886] {strides = array<i32>} : memref<4x128xf32, #tpu.memory_space<vmem>>, vector<1x16xf32>,
      %swap3A_888 = vector.shape_cast %swap3A_887 : vector<1x16xf32> to vector<16xf32>
      %swap3A_889 = vector.shape_cast %scan3A_846#6 : vector<16xf32> to vector<1x16xf32>
      tpu.vector_store %arg13[%swap3A_885, %swap3A_886], %swap3A_889 {strides = array<i32>} : memref<4x128xf32, #tpu.memory_space<vmem>>, vector<1x16xf32>,
      %swap3A_890 = arith.constant 3 : i32
      %swap3A_891 = arith.index_cast %swap3A_890 : i32 to index
      %swap3A_892 = arith.constant 112 : index
      %swap3A_893 = tpu.vector_load %arg13[%swap3A_891, %swap3A_892] {strides = array<i32>} : memref<4x128xf32, #tpu.memory_space<vmem>>, vector<1x16xf32>,
      %swap3A_894 = vector.shape_cast %swap3A_893 : vector<1x16xf32> to vector<16xf32>
      %swap3A_895 = vector.shape_cast %scan3A_846#7 : vector<16xf32> to vector<1x16xf32>
      tpu.vector_store %arg13[%swap3A_891, %swap3A_892], %swap3A_895 {strides = array<i32>} : memref<4x128xf32, #tpu.memory_space<vmem>>, vector<1x16xf32>,
      %mul3A_896 = arith.constant 4 : i32
      %mul3A_897 = arith.muli %add3A_500, %mul3A_896 : i32
      %add3A_898 = arith.addi %mul3A_2, %mul3A_897 : i32
      %dma_start3A_899 = arith.constant 0 : i32
      %dma_start3A_900 = tpu.memref_slice %arg5[%add3A_898, %dma_start3A_899] : memref<10240x128xf32, #tpu.memory_space<hbm>> -> memref<4x128xf32, #tpu.memory_space<hbm>>
      %dma_start3A_901 = arith.constant 0 : i32
      %dma_start3A_902 = tpu.memref_slice %arg5[%add3A_898, %dma_start3A_901] : memref<10240x128xf32, #tpu.memory_space<hbm>> -> memref<4x128xf32, #tpu.memory_space<hbm>>
      tpu.enqueue_dma source(%arg13 : memref<4x128xf32, #tpu.memory_space<vmem>>) target(%dma_start3A_902 : memref<4x128xf32, #tpu.memory_space<hbm>>) target_semaphore(%arg20 : memref<!tpu.dma_semaphore, #tpu.memory_space<semaphore_mem>>)
      %mul3A_903 = arith.constant 4 : i32
      %mul3A_904 = arith.muli %scan3A_93, %mul3A_903 : i32
      %add3A_905 = arith.constant 2 : i32
      %add3A_906 = arith.addi %mul3A_904, %add3A_905 : i32
      %add3A_907 = arith.constant 1 : i32
      %add3A_908 = arith.addi %add3A_906, %add3A_907 : i32
      %lt3A_909 = arith.constant 80 : i32
      %lt3A_910 = arith.cmpi slt, %add3A_908, %lt3A_909 : i32
      %convert_element_type3A_911 = arith.extui %lt3A_910 : i1 to i32
      %cond3A_912 = arith.constant 0 : i32
      %cond3A_913 = arith.cmpi ne, %convert_element_type3A_911, %cond3A_912 : i32
      scf.if %cond3A_913 {
        %add3A_1715 = arith.constant 1 : i32
        %add3A_1716 = arith.addi %add3A_906, %add3A_1715 : i32
        %dma_start3A_1717 = arith.constant 0 : i32
        %dma_start3A_1718 = tpu.memref_slice %arg7[%add3A_1716, %dma_start3A_1717] : memref<80x128xi32, #tpu.memory_space<vmem>> -> memref<1x128xi32, #tpu.memory_space<vmem>>
        %dma_start3A_1719 = tpu.memref_squeeze %dma_start3A_1718 : memref<1x128xi32, #tpu.memory_space<vmem>> -> memref<128xi32, #tpu.memory_space<vmem>>
        %dma_start3A_1720 = arith.constant 0 : i32
        %dma_start3A_1721 = arith.constant 0 : i32
        %dma_start3A_1722 = tpu.memref_slice %arg8[%dma_start3A_1720, %dma_start3A_1721] : memref<10240x128xf32, #tpu.memory_space<vmem_shared>> -> memref<10240x128xf32, #tpu.memory_space<vmem_shared>>
        tpu.enqueue_indirect_dma source(%dma_start3A_1722 : memref<10240x128xf32, #tpu.memory_space<vmem_shared>>) target(%arg11 : memref<128x128xf32, #tpu.memory_space<vmem>>) offsets(%dma_start3A_1719 : memref<128xi32, #tpu.memory_space<vmem>>) semaphore(%arg18 : memref<!tpu.dma_semaphore, #tpu.memory_space<semaphore_mem>>)
      } else {
      }
      %dma_wait3A_914 = arith.constant 0 : i32
      %dma_wait3A_915 = arith.constant 0 : i32
      %dma_wait3A_916 = tpu.memref_slice %arg7[%dma_wait3A_914, %dma_wait3A_915] : memref<80x128xi32, #tpu.memory_space<vmem>> -> memref<1x128xi32, #tpu.memory_space<vmem>>
      %dma_wait3A_917 = tpu.memref_squeeze %dma_wait3A_916 : memref<1x128xi32, #tpu.memory_space<vmem>> -> memref<128xi32, #tpu.memory_space<vmem>>
      %dma_wait3A_918 = arith.constant 0 : i32
      %dma_wait3A_919 = arith.constant 0 : i32
      %dma_wait3A_920 = tpu.memref_slice %arg8[%dma_wait3A_918, %dma_wait3A_919] : memref<10240x128xf32, #tpu.memory_space<vmem_shared>> -> memref<10240x128xf32, #tpu.memory_space<vmem_shared>>
      tpu.wait_indirect_dma semaphore(%arg17 : memref<!tpu.dma_semaphore, #tpu.memory_space<semaphore_mem>>) src(%dma_wait3A_920 : memref<10240x128xf32, #tpu.memory_space<vmem_shared>>) dst(%arg10 : memref<128x128xf32, #tpu.memory_space<vmem>>)
      %gt3A_921 = arith.constant 0 : i32
      %gt3A_922 = arith.cmpi sgt, %scan3A_93, %gt3A_921 : i32
      %convert_element_type3A_923 = arith.extui %gt3A_922 : i1 to i32
      %cond3A_924 = arith.constant 0 : i32
      %cond3A_925 = arith.cmpi ne, %convert_element_type3A_923, %cond3A_924 : i32
      scf.if %cond3A_925 {
        %dma_wait3A_1715 = arith.constant 0 : i32
        %dma_wait3A_1716 = tpu.memref_slice %arg5[%mul3A_2, %dma_wait3A_1715] : memref<10240x128xf32, #tpu.memory_space<hbm>> -> memref<4x128xf32, #tpu.memory_space<hbm>>
        %dma_wait3A_1717 = arith.constant 0 : i32
        %dma_wait3A_1718 = tpu.memref_slice %arg5[%mul3A_2, %dma_wait3A_1717] : memref<10240x128xf32, #tpu.memory_space<hbm>> -> memref<4x128xf32, #tpu.memory_space<hbm>>
        tpu.wait_dma2 semaphore(%arg21 : memref<!tpu.dma_semaphore, #tpu.memory_space<semaphore_mem>>) src(%arg14 : memref<4x128xf32, #tpu.memory_space<vmem>>) dst(%dma_wait3A_1718 : memref<4x128xf32, #tpu.memory_space<hbm>>)
      } else {
      }
      %get3A_926 = arith.constant 0 : i32
      %get3A_927 = arith.index_cast %get3A_926 : i32 to index
      %get3A_928 = arith.constant 0 : index
      %get3A_929 = tpu.vector_load %arg10[%get3A_927, %get3A_928] {strides = array<i32>} : memref<128x128xf32, #tpu.memory_space<vmem>>, vector<1x16xf32>,
      %get3A_930 = vector.shape_cast %get3A_929 : vector<1x16xf32> to vector<16xf32>
      %get3A_931 = arith.constant 0 : i32
      %get3A_932 = arith.index_cast %get3A_931 : i32 to index
      %get3A_933 = arith.constant 16 : index
      %get3A_934 = tpu.vector_load %arg10[%get3A_932, %get3A_933] {strides = array<i32>} : memref<128x128xf32, #tpu.memory_space<vmem>>, vector<1x16xf32>,
      %get3A_935 = vector.shape_cast %get3A_934 : vector<1x16xf32> to vector<16xf32>
      %get3A_936 = arith.constant 0 : i32
      %get3A_937 = arith.index_cast %get3A_936 : i32 to index
      %get3A_938 = arith.constant 32 : index
      %get3A_939 = tpu.vector_load %arg10[%get3A_937, %get3A_938] {strides = array<i32>} : memref<128x128xf32, #tpu.memory_space<vmem>>, vector<1x16xf32>,
      %get3A_940 = vector.shape_cast %get3A_939 : vector<1x16xf32> to vector<16xf32>
      %get3A_941 = arith.constant 0 : i32
      %get3A_942 = arith.index_cast %get3A_941 : i32 to index
      %get3A_943 = arith.constant 48 : index
      %get3A_944 = tpu.vector_load %arg10[%get3A_942, %get3A_943] {strides = array<i32>} : memref<128x128xf32, #tpu.memory_space<vmem>>, vector<1x16xf32>,
      %get3A_945 = vector.shape_cast %get3A_944 : vector<1x16xf32> to vector<16xf32>
      %get3A_946 = arith.constant 0 : i32
      %get3A_947 = arith.index_cast %get3A_946 : i32 to index
      %get3A_948 = arith.constant 64 : index
      %get3A_949 = tpu.vector_load %arg10[%get3A_947, %get3A_948] {strides = array<i32>} : memref<128x128xf32, #tpu.memory_space<vmem>>, vector<1x16xf32>,
      %get3A_950 = vector.shape_cast %get3A_949 : vector<1x16xf32> to vector<16xf32>
      %get3A_951 = arith.constant 0 : i32
      %get3A_952 = arith.index_cast %get3A_951 : i32 to index
      %get3A_953 = arith.constant 80 : index
      %get3A_954 = tpu.vector_load %arg10[%get3A_952, %get3A_953] {strides = array<i32>} : memref<128x128xf32, #tpu.memory_space<vmem>>, vector<1x16xf32>,
      %get3A_955 = vector.shape_cast %get3A_954 : vector<1x16xf32> to vector<16xf32>
      %get3A_956 = arith.constant 0 : i32
      %get3A_957 = arith.index_cast %get3A_956 : i32 to index
      %get3A_958 = arith.constant 96 : index
      %get3A_959 = tpu.vector_load %arg10[%get3A_957, %get3A_958] {strides = array<i32>} : memref<128x128xf32, #tpu.memory_space<vmem>>, vector<1x16xf32>,
      %get3A_960 = vector.shape_cast %get3A_959 : vector<1x16xf32> to vector<16xf32>
      %get3A_961 = arith.constant 0 : i32
      %get3A_962 = arith.index_cast %get3A_961 : i32 to index
      %get3A_963 = arith.constant 112 : index
      %get3A_964 = tpu.vector_load %arg10[%get3A_962, %get3A_963] {strides = array<i32>} : memref<128x128xf32, #tpu.memory_space<vmem>>, vector<1x16xf32>,
      %get3A_965 = vector.shape_cast %get3A_964 : vector<1x16xf32> to vector<16xf32>
      %scan3A_966 = arith.constant 1 : i32
      %scan3A_967 = arith.constant 31 : i32
      %scan3A_968 = arith.addi %scan3A_966, %scan3A_967 : i32
      %scan3A_969 = arith.constant 1 : i32
      %scan3A_970:8 = scf.for %scan3A_1715 = %scan3A_966 to %scan3A_968 step %scan3A_969 iter_args(%scan3A_1716 = %get3A_930, %scan3A_1717 = %get3A_935, %scan3A_1718 = %get3A_940, %scan3A_1719 = %get3A_945, %scan3A_1720 = %get3A_950, %scan3A_1721 = %get3A_955, %scan3A_1722 = %get3A_960, %scan3A_1723 = %get3A_965) -> (vector<16xf32>, vector<16xf32>, vector<16xf32>, vector<16xf32>, vector<16xf32>, vector<16xf32>, vector<16xf32>, vector<16xf32>)  : i32 {
        %add3A_1724 = arith.constant 0 : i32
        %add3A_1725 = arith.addi %add3A_1724, %scan3A_1715 : i32
        %get3A_1726 = arith.index_cast %add3A_1725 : i32 to index
        %get3A_1727 = arith.constant 0 : index
        %get3A_1728 = tpu.vector_load %arg10[%get3A_1726, %get3A_1727] {strides = array<i32>} : memref<128x128xf32, #tpu.memory_space<vmem>>, vector<1x16xf32>,
        %get3A_1729 = vector.shape_cast %get3A_1728 : vector<1x16xf32> to vector<16xf32>
        %max3A = arith.maximumf %scan3A_1716, %get3A_1729 : vector<16xf32>
        %add3A_1730 = arith.constant 0 : i32
        %add3A_1731 = arith.addi %add3A_1730, %scan3A_1715 : i32
        %get3A_1732 = arith.index_cast %add3A_1731 : i32 to index
        %get3A_1733 = arith.constant 16 : index
        %get3A_1734 = tpu.vector_load %arg10[%get3A_1732, %get3A_1733] {strides = array<i32>} : memref<128x128xf32, #tpu.memory_space<vmem>>, vector<1x16xf32>,
        %get3A_1735 = vector.shape_cast %get3A_1734 : vector<1x16xf32> to vector<16xf32>
        %max3A_1736 = arith.maximumf %scan3A_1717, %get3A_1735 : vector<16xf32>
        %add3A_1737 = arith.constant 0 : i32
        %add3A_1738 = arith.addi %add3A_1737, %scan3A_1715 : i32
        %get3A_1739 = arith.index_cast %add3A_1738 : i32 to index
        %get3A_1740 = arith.constant 32 : index
        %get3A_1741 = tpu.vector_load %arg10[%get3A_1739, %get3A_1740] {strides = array<i32>} : memref<128x128xf32, #tpu.memory_space<vmem>>, vector<1x16xf32>,
        %get3A_1742 = vector.shape_cast %get3A_1741 : vector<1x16xf32> to vector<16xf32>
        %max3A_1743 = arith.maximumf %scan3A_1718, %get3A_1742 : vector<16xf32>
        %add3A_1744 = arith.constant 0 : i32
        %add3A_1745 = arith.addi %add3A_1744, %scan3A_1715 : i32
        %get3A_1746 = arith.index_cast %add3A_1745 : i32 to index
        %get3A_1747 = arith.constant 48 : index
        %get3A_1748 = tpu.vector_load %arg10[%get3A_1746, %get3A_1747] {strides = array<i32>} : memref<128x128xf32, #tpu.memory_space<vmem>>, vector<1x16xf32>,
        %get3A_1749 = vector.shape_cast %get3A_1748 : vector<1x16xf32> to vector<16xf32>
        %max3A_1750 = arith.maximumf %scan3A_1719, %get3A_1749 : vector<16xf32>
        %add3A_1751 = arith.constant 0 : i32
        %add3A_1752 = arith.addi %add3A_1751, %scan3A_1715 : i32
        %get3A_1753 = arith.index_cast %add3A_1752 : i32 to index
        %get3A_1754 = arith.constant 64 : index
        %get3A_1755 = tpu.vector_load %arg10[%get3A_1753, %get3A_1754] {strides = array<i32>} : memref<128x128xf32, #tpu.memory_space<vmem>>, vector<1x16xf32>,
        %get3A_1756 = vector.shape_cast %get3A_1755 : vector<1x16xf32> to vector<16xf32>
        %max3A_1757 = arith.maximumf %scan3A_1720, %get3A_1756 : vector<16xf32>
        %add3A_1758 = arith.constant 0 : i32
        %add3A_1759 = arith.addi %add3A_1758, %scan3A_1715 : i32
        %get3A_1760 = arith.index_cast %add3A_1759 : i32 to index
        %get3A_1761 = arith.constant 80 : index
        %get3A_1762 = tpu.vector_load %arg10[%get3A_1760, %get3A_1761] {strides = array<i32>} : memref<128x128xf32, #tpu.memory_space<vmem>>, vector<1x16xf32>,
        %get3A_1763 = vector.shape_cast %get3A_1762 : vector<1x16xf32> to vector<16xf32>
        %max3A_1764 = arith.maximumf %scan3A_1721, %get3A_1763 : vector<16xf32>
        %add3A_1765 = arith.constant 0 : i32
        %add3A_1766 = arith.addi %add3A_1765, %scan3A_1715 : i32
        %get3A_1767 = arith.index_cast %add3A_1766 : i32 to index
        %get3A_1768 = arith.constant 96 : index
        %get3A_1769 = tpu.vector_load %arg10[%get3A_1767, %get3A_1768] {strides = array<i32>} : memref<128x128xf32, #tpu.memory_space<vmem>>, vector<1x16xf32>,
        %get3A_1770 = vector.shape_cast %get3A_1769 : vector<1x16xf32> to vector<16xf32>
        %max3A_1771 = arith.maximumf %scan3A_1722, %get3A_1770 : vector<16xf32>
        %add3A_1772 = arith.constant 0 : i32
        %add3A_1773 = arith.addi %add3A_1772, %scan3A_1715 : i32
        %get3A_1774 = arith.index_cast %add3A_1773 : i32 to index
        %get3A_1775 = arith.constant 112 : index
        %get3A_1776 = tpu.vector_load %arg10[%get3A_1774, %get3A_1775] {strides = array<i32>} : memref<128x128xf32, #tpu.memory_space<vmem>>, vector<1x16xf32>,
        %get3A_1777 = vector.shape_cast %get3A_1776 : vector<1x16xf32> to vector<16xf32>
        %max3A_1778 = arith.maximumf %scan3A_1723, %get3A_1777 : vector<16xf32>
        scf.yield %max3A, %max3A_1736, %max3A_1743, %max3A_1750, %max3A_1757, %max3A_1764, %max3A_1771, %max3A_1778 : vector<16xf32>, vector<16xf32>, vector<16xf32>, vector<16xf32>, vector<16xf32>, vector<16xf32>, vector<16xf32>, vector<16xf32>
      }
      %scan3A_971 = arith.constant 31 : i32
      %swap3A_972 = arith.constant 0 : i32
      %swap3A_973 = arith.index_cast %swap3A_972 : i32 to index
      %swap3A_974 = arith.constant 0 : index
      %swap3A_975 = tpu.vector_load %arg14[%swap3A_973, %swap3A_974] {strides = array<i32>} : memref<4x128xf32, #tpu.memory_space<vmem>>, vector<1x16xf32>,
      %swap3A_976 = vector.shape_cast %swap3A_975 : vector<1x16xf32> to vector<16xf32>
      %swap3A_977 = vector.shape_cast %scan3A_970#0 : vector<16xf32> to vector<1x16xf32>
      tpu.vector_store %arg14[%swap3A_973, %swap3A_974], %swap3A_977 {strides = array<i32>} : memref<4x128xf32, #tpu.memory_space<vmem>>, vector<1x16xf32>,
      %swap3A_978 = arith.constant 0 : i32
      %swap3A_979 = arith.index_cast %swap3A_978 : i32 to index
      %swap3A_980 = arith.constant 16 : index
      %swap3A_981 = tpu.vector_load %arg14[%swap3A_979, %swap3A_980] {strides = array<i32>} : memref<4x128xf32, #tpu.memory_space<vmem>>, vector<1x16xf32>,
      %swap3A_982 = vector.shape_cast %swap3A_981 : vector<1x16xf32> to vector<16xf32>
      %swap3A_983 = vector.shape_cast %scan3A_970#1 : vector<16xf32> to vector<1x16xf32>
      tpu.vector_store %arg14[%swap3A_979, %swap3A_980], %swap3A_983 {strides = array<i32>} : memref<4x128xf32, #tpu.memory_space<vmem>>, vector<1x16xf32>,
      %swap3A_984 = arith.constant 0 : i32
      %swap3A_985 = arith.index_cast %swap3A_984 : i32 to index
      %swap3A_986 = arith.constant 32 : index
      %swap3A_987 = tpu.vector_load %arg14[%swap3A_985, %swap3A_986] {strides = array<i32>} : memref<4x128xf32, #tpu.memory_space<vmem>>, vector<1x16xf32>,
      %swap3A_988 = vector.shape_cast %swap3A_987 : vector<1x16xf32> to vector<16xf32>
      %swap3A_989 = vector.shape_cast %scan3A_970#2 : vector<16xf32> to vector<1x16xf32>
      tpu.vector_store %arg14[%swap3A_985, %swap3A_986], %swap3A_989 {strides = array<i32>} : memref<4x128xf32, #tpu.memory_space<vmem>>, vector<1x16xf32>,
      %swap3A_990 = arith.constant 0 : i32
      %swap3A_991 = arith.index_cast %swap3A_990 : i32 to index
      %swap3A_992 = arith.constant 48 : index
      %swap3A_993 = tpu.vector_load %arg14[%swap3A_991, %swap3A_992] {strides = array<i32>} : memref<4x128xf32, #tpu.memory_space<vmem>>, vector<1x16xf32>,
      %swap3A_994 = vector.shape_cast %swap3A_993 : vector<1x16xf32> to vector<16xf32>
      %swap3A_995 = vector.shape_cast %scan3A_970#3 : vector<16xf32> to vector<1x16xf32>
      tpu.vector_store %arg14[%swap3A_991, %swap3A_992], %swap3A_995 {strides = array<i32>} : memref<4x128xf32, #tpu.memory_space<vmem>>, vector<1x16xf32>,
      %swap3A_996 = arith.constant 0 : i32
      %swap3A_997 = arith.index_cast %swap3A_996 : i32 to index
      %swap3A_998 = arith.constant 64 : index
      %swap3A_999 = tpu.vector_load %arg14[%swap3A_997, %swap3A_998] {strides = array<i32>} : memref<4x128xf32, #tpu.memory_space<vmem>>, vector<1x16xf32>,
      %swap3A_1000 = vector.shape_cast %swap3A_999 : vector<1x16xf32> to vector<16xf32>
      %swap3A_1001 = vector.shape_cast %scan3A_970#4 : vector<16xf32> to vector<1x16xf32>
      tpu.vector_store %arg14[%swap3A_997, %swap3A_998], %swap3A_1001 {strides = array<i32>} : memref<4x128xf32, #tpu.memory_space<vmem>>, vector<1x16xf32>,
      %swap3A_1002 = arith.constant 0 : i32
      %swap3A_1003 = arith.index_cast %swap3A_1002 : i32 to index
      %swap3A_1004 = arith.constant 80 : index
      %swap3A_1005 = tpu.vector_load %arg14[%swap3A_1003, %swap3A_1004] {strides = array<i32>} : memref<4x128xf32, #tpu.memory_space<vmem>>, vector<1x16xf32>,
      %swap3A_1006 = vector.shape_cast %swap3A_1005 : vector<1x16xf32> to vector<16xf32>
      %swap3A_1007 = vector.shape_cast %scan3A_970#5 : vector<16xf32> to vector<1x16xf32>
      tpu.vector_store %arg14[%swap3A_1003, %swap3A_1004], %swap3A_1007 {strides = array<i32>} : memref<4x128xf32, #tpu.memory_space<vmem>>, vector<1x16xf32>,
      %swap3A_1008 = arith.constant 0 : i32
      %swap3A_1009 = arith.index_cast %swap3A_1008 : i32 to index
      %swap3A_1010 = arith.constant 96 : index
      %swap3A_1011 = tpu.vector_load %arg14[%swap3A_1009, %swap3A_1010] {strides = array<i32>} : memref<4x128xf32, #tpu.memory_space<vmem>>, vector<1x16xf32>,
      %swap3A_1012 = vector.shape_cast %swap3A_1011 : vector<1x16xf32> to vector<16xf32>
      %swap3A_1013 = vector.shape_cast %scan3A_970#6 : vector<16xf32> to vector<1x16xf32>
      tpu.vector_store %arg14[%swap3A_1009, %swap3A_1010], %swap3A_1013 {strides = array<i32>} : memref<4x128xf32, #tpu.memory_space<vmem>>, vector<1x16xf32>,
      %swap3A_1014 = arith.constant 0 : i32
      %swap3A_1015 = arith.index_cast %swap3A_1014 : i32 to index
      %swap3A_1016 = arith.constant 112 : index
      %swap3A_1017 = tpu.vector_load %arg14[%swap3A_1015, %swap3A_1016] {strides = array<i32>} : memref<4x128xf32, #tpu.memory_space<vmem>>, vector<1x16xf32>,
      %swap3A_1018 = vector.shape_cast %swap3A_1017 : vector<1x16xf32> to vector<16xf32>
      %swap3A_1019 = vector.shape_cast %scan3A_970#7 : vector<16xf32> to vector<1x16xf32>
      tpu.vector_store %arg14[%swap3A_1015, %swap3A_1016], %swap3A_1019 {strides = array<i32>} : memref<4x128xf32, #tpu.memory_space<vmem>>, vector<1x16xf32>,
      %get3A_1020 = arith.constant 32 : i32
      %get3A_1021 = arith.index_cast %get3A_1020 : i32 to index
      %get3A_1022 = arith.constant 0 : index
      %get3A_1023 = tpu.vector_load %arg10[%get3A_1021, %get3A_1022] {strides = array<i32>} : memref<128x128xf32, #tpu.memory_space<vmem>>, vector<1x16xf32>,
      %get3A_1024 = vector.shape_cast %get3A_1023 : vector<1x16xf32> to vector<16xf32>
      %get3A_1025 = arith.constant 32 : i32
      %get3A_1026 = arith.index_cast %get3A_1025 : i32 to index
      %get3A_1027 = arith.constant 16 : index
      %get3A_1028 = tpu.vector_load %arg10[%get3A_1026, %get3A_1027] {strides = array<i32>} : memref<128x128xf32, #tpu.memory_space<vmem>>, vector<1x16xf32>,
      %get3A_1029 = vector.shape_cast %get3A_1028 : vector<1x16xf32> to vector<16xf32>
      %get3A_1030 = arith.constant 32 : i32
      %get3A_1031 = arith.index_cast %get3A_1030 : i32 to index
      %get3A_1032 = arith.constant 32 : index
      %get3A_1033 = tpu.vector_load %arg10[%get3A_1031, %get3A_1032] {strides = array<i32>} : memref<128x128xf32, #tpu.memory_space<vmem>>, vector<1x16xf32>,
      %get3A_1034 = vector.shape_cast %get3A_1033 : vector<1x16xf32> to vector<16xf32>
      %get3A_1035 = arith.constant 32 : i32
      %get3A_1036 = arith.index_cast %get3A_1035 : i32 to index
      %get3A_1037 = arith.constant 48 : index
      %get3A_1038 = tpu.vector_load %arg10[%get3A_1036, %get3A_1037] {strides = array<i32>} : memref<128x128xf32, #tpu.memory_space<vmem>>, vector<1x16xf32>,
      %get3A_1039 = vector.shape_cast %get3A_1038 : vector<1x16xf32> to vector<16xf32>
      %get3A_1040 = arith.constant 32 : i32
      %get3A_1041 = arith.index_cast %get3A_1040 : i32 to index
      %get3A_1042 = arith.constant 64 : index
      %get3A_1043 = tpu.vector_load %arg10[%get3A_1041, %get3A_1042] {strides = array<i32>} : memref<128x128xf32, #tpu.memory_space<vmem>>, vector<1x16xf32>,
      %get3A_1044 = vector.shape_cast %get3A_1043 : vector<1x16xf32> to vector<16xf32>
      %get3A_1045 = arith.constant 32 : i32
      %get3A_1046 = arith.index_cast %get3A_1045 : i32 to index
      %get3A_1047 = arith.constant 80 : index
      %get3A_1048 = tpu.vector_load %arg10[%get3A_1046, %get3A_1047] {strides = array<i32>} : memref<128x128xf32, #tpu.memory_space<vmem>>, vector<1x16xf32>,
      %get3A_1049 = vector.shape_cast %get3A_1048 : vector<1x16xf32> to vector<16xf32>
      %get3A_1050 = arith.constant 32 : i32
      %get3A_1051 = arith.index_cast %get3A_1050 : i32 to index
      %get3A_1052 = arith.constant 96 : index
      %get3A_1053 = tpu.vector_load %arg10[%get3A_1051, %get3A_1052] {strides = array<i32>} : memref<128x128xf32, #tpu.memory_space<vmem>>, vector<1x16xf32>,
      %get3A_1054 = vector.shape_cast %get3A_1053 : vector<1x16xf32> to vector<16xf32>
      %get3A_1055 = arith.constant 32 : i32
      %get3A_1056 = arith.index_cast %get3A_1055 : i32 to index
      %get3A_1057 = arith.constant 112 : index
      %get3A_1058 = tpu.vector_load %arg10[%get3A_1056, %get3A_1057] {strides = array<i32>} : memref<128x128xf32, #tpu.memory_space<vmem>>, vector<1x16xf32>,
      %get3A_1059 = vector.shape_cast %get3A_1058 : vector<1x16xf32> to vector<16xf32>
      %scan3A_1060 = arith.constant 1 : i32
      %scan3A_1061 = arith.constant 31 : i32
      %scan3A_1062 = arith.addi %scan3A_1060, %scan3A_1061 : i32
      %scan3A_1063 = arith.constant 1 : i32
      %scan3A_1064:8 = scf.for %scan3A_1715 = %scan3A_1060 to %scan3A_1062 step %scan3A_1063 iter_args(%scan3A_1716 = %get3A_1024, %scan3A_1717 = %get3A_1029, %scan3A_1718 = %get3A_1034, %scan3A_1719 = %get3A_1039, %scan3A_1720 = %get3A_1044, %scan3A_1721 = %get3A_1049, %scan3A_1722 = %get3A_1054, %scan3A_1723 = %get3A_1059) -> (vector<16xf32>, vector<16xf32>, vector<16xf32>, vector<16xf32>, vector<16xf32>, vector<16xf32>, vector<16xf32>, vector<16xf32>)  : i32 {
        %add3A_1724 = arith.constant 32 : i32
        %add3A_1725 = arith.addi %add3A_1724, %scan3A_1715 : i32
        %get3A_1726 = arith.index_cast %add3A_1725 : i32 to index
        %get3A_1727 = arith.constant 0 : index
        %get3A_1728 = tpu.vector_load %arg10[%get3A_1726, %get3A_1727] {strides = array<i32>} : memref<128x128xf32, #tpu.memory_space<vmem>>, vector<1x16xf32>,
        %get3A_1729 = vector.shape_cast %get3A_1728 : vector<1x16xf32> to vector<16xf32>
        %max3A = arith.maximumf %scan3A_1716, %get3A_1729 : vector<16xf32>
        %add3A_1730 = arith.constant 32 : i32
        %add3A_1731 = arith.addi %add3A_1730, %scan3A_1715 : i32
        %get3A_1732 = arith.index_cast %add3A_1731 : i32 to index
        %get3A_1733 = arith.constant 16 : index
        %get3A_1734 = tpu.vector_load %arg10[%get3A_1732, %get3A_1733] {strides = array<i32>} : memref<128x128xf32, #tpu.memory_space<vmem>>, vector<1x16xf32>,
        %get3A_1735 = vector.shape_cast %get3A_1734 : vector<1x16xf32> to vector<16xf32>
        %max3A_1736 = arith.maximumf %scan3A_1717, %get3A_1735 : vector<16xf32>
        %add3A_1737 = arith.constant 32 : i32
        %add3A_1738 = arith.addi %add3A_1737, %scan3A_1715 : i32
        %get3A_1739 = arith.index_cast %add3A_1738 : i32 to index
        %get3A_1740 = arith.constant 32 : index
        %get3A_1741 = tpu.vector_load %arg10[%get3A_1739, %get3A_1740] {strides = array<i32>} : memref<128x128xf32, #tpu.memory_space<vmem>>, vector<1x16xf32>,
        %get3A_1742 = vector.shape_cast %get3A_1741 : vector<1x16xf32> to vector<16xf32>
        %max3A_1743 = arith.maximumf %scan3A_1718, %get3A_1742 : vector<16xf32>
        %add3A_1744 = arith.constant 32 : i32
        %add3A_1745 = arith.addi %add3A_1744, %scan3A_1715 : i32
        %get3A_1746 = arith.index_cast %add3A_1745 : i32 to index
        %get3A_1747 = arith.constant 48 : index
        %get3A_1748 = tpu.vector_load %arg10[%get3A_1746, %get3A_1747] {strides = array<i32>} : memref<128x128xf32, #tpu.memory_space<vmem>>, vector<1x16xf32>,
        %get3A_1749 = vector.shape_cast %get3A_1748 : vector<1x16xf32> to vector<16xf32>
        %max3A_1750 = arith.maximumf %scan3A_1719, %get3A_1749 : vector<16xf32>
        %add3A_1751 = arith.constant 32 : i32
        %add3A_1752 = arith.addi %add3A_1751, %scan3A_1715 : i32
        %get3A_1753 = arith.index_cast %add3A_1752 : i32 to index
        %get3A_1754 = arith.constant 64 : index
        %get3A_1755 = tpu.vector_load %arg10[%get3A_1753, %get3A_1754] {strides = array<i32>} : memref<128x128xf32, #tpu.memory_space<vmem>>, vector<1x16xf32>,
        %get3A_1756 = vector.shape_cast %get3A_1755 : vector<1x16xf32> to vector<16xf32>
        %max3A_1757 = arith.maximumf %scan3A_1720, %get3A_1756 : vector<16xf32>
        %add3A_1758 = arith.constant 32 : i32
        %add3A_1759 = arith.addi %add3A_1758, %scan3A_1715 : i32
        %get3A_1760 = arith.index_cast %add3A_1759 : i32 to index
        %get3A_1761 = arith.constant 80 : index
        %get3A_1762 = tpu.vector_load %arg10[%get3A_1760, %get3A_1761] {strides = array<i32>} : memref<128x128xf32, #tpu.memory_space<vmem>>, vector<1x16xf32>,
        %get3A_1763 = vector.shape_cast %get3A_1762 : vector<1x16xf32> to vector<16xf32>
        %max3A_1764 = arith.maximumf %scan3A_1721, %get3A_1763 : vector<16xf32>
        %add3A_1765 = arith.constant 32 : i32
        %add3A_1766 = arith.addi %add3A_1765, %scan3A_1715 : i32
        %get3A_1767 = arith.index_cast %add3A_1766 : i32 to index
        %get3A_1768 = arith.constant 96 : index
        %get3A_1769 = tpu.vector_load %arg10[%get3A_1767, %get3A_1768] {strides = array<i32>} : memref<128x128xf32, #tpu.memory_space<vmem>>, vector<1x16xf32>,
        %get3A_1770 = vector.shape_cast %get3A_1769 : vector<1x16xf32> to vector<16xf32>
        %max3A_1771 = arith.maximumf %scan3A_1722, %get3A_1770 : vector<16xf32>
        %add3A_1772 = arith.constant 32 : i32
        %add3A_1773 = arith.addi %add3A_1772, %scan3A_1715 : i32
        %get3A_1774 = arith.index_cast %add3A_1773 : i32 to index
        %get3A_1775 = arith.constant 112 : index
        %get3A_1776 = tpu.vector_load %arg10[%get3A_1774, %get3A_1775] {strides = array<i32>} : memref<128x128xf32, #tpu.memory_space<vmem>>, vector<1x16xf32>,
        %get3A_1777 = vector.shape_cast %get3A_1776 : vector<1x16xf32> to vector<16xf32>
        %max3A_1778 = arith.maximumf %scan3A_1723, %get3A_1777 : vector<16xf32>
        scf.yield %max3A, %max3A_1736, %max3A_1743, %max3A_1750, %max3A_1757, %max3A_1764, %max3A_1771, %max3A_1778 : vector<16xf32>, vector<16xf32>, vector<16xf32>, vector<16xf32>, vector<16xf32>, vector<16xf32>, vector<16xf32>, vector<16xf32>
      }
      %scan3A_1065 = arith.constant 31 : i32
      %swap3A_1066 = arith.constant 1 : i32
      %swap3A_1067 = arith.index_cast %swap3A_1066 : i32 to index
      %swap3A_1068 = arith.constant 0 : index
      %swap3A_1069 = tpu.vector_load %arg14[%swap3A_1067, %swap3A_1068] {strides = array<i32>} : memref<4x128xf32, #tpu.memory_space<vmem>>, vector<1x16xf32>,
      %swap3A_1070 = vector.shape_cast %swap3A_1069 : vector<1x16xf32> to vector<16xf32>
      %swap3A_1071 = vector.shape_cast %scan3A_1064#0 : vector<16xf32> to vector<1x16xf32>
      tpu.vector_store %arg14[%swap3A_1067, %swap3A_1068], %swap3A_1071 {strides = array<i32>} : memref<4x128xf32, #tpu.memory_space<vmem>>, vector<1x16xf32>,
      %swap3A_1072 = arith.constant 1 : i32
      %swap3A_1073 = arith.index_cast %swap3A_1072 : i32 to index
      %swap3A_1074 = arith.constant 16 : index
      %swap3A_1075 = tpu.vector_load %arg14[%swap3A_1073, %swap3A_1074] {strides = array<i32>} : memref<4x128xf32, #tpu.memory_space<vmem>>, vector<1x16xf32>,
      %swap3A_1076 = vector.shape_cast %swap3A_1075 : vector<1x16xf32> to vector<16xf32>
      %swap3A_1077 = vector.shape_cast %scan3A_1064#1 : vector<16xf32> to vector<1x16xf32>
      tpu.vector_store %arg14[%swap3A_1073, %swap3A_1074], %swap3A_1077 {strides = array<i32>} : memref<4x128xf32, #tpu.memory_space<vmem>>, vector<1x16xf32>,
      %swap3A_1078 = arith.constant 1 : i32
      %swap3A_1079 = arith.index_cast %swap3A_1078 : i32 to index
      %swap3A_1080 = arith.constant 32 : index
      %swap3A_1081 = tpu.vector_load %arg14[%swap3A_1079, %swap3A_1080] {strides = array<i32>} : memref<4x128xf32, #tpu.memory_space<vmem>>, vector<1x16xf32>,
      %swap3A_1082 = vector.shape_cast %swap3A_1081 : vector<1x16xf32> to vector<16xf32>
      %swap3A_1083 = vector.shape_cast %scan3A_1064#2 : vector<16xf32> to vector<1x16xf32>
      tpu.vector_store %arg14[%swap3A_1079, %swap3A_1080], %swap3A_1083 {strides = array<i32>} : memref<4x128xf32, #tpu.memory_space<vmem>>, vector<1x16xf32>,
      %swap3A_1084 = arith.constant 1 : i32
      %swap3A_1085 = arith.index_cast %swap3A_1084 : i32 to index
      %swap3A_1086 = arith.constant 48 : index
      %swap3A_1087 = tpu.vector_load %arg14[%swap3A_1085, %swap3A_1086] {strides = array<i32>} : memref<4x128xf32, #tpu.memory_space<vmem>>, vector<1x16xf32>,
      %swap3A_1088 = vector.shape_cast %swap3A_1087 : vector<1x16xf32> to vector<16xf32>
      %swap3A_1089 = vector.shape_cast %scan3A_1064#3 : vector<16xf32> to vector<1x16xf32>
      tpu.vector_store %arg14[%swap3A_1085, %swap3A_1086], %swap3A_1089 {strides = array<i32>} : memref<4x128xf32, #tpu.memory_space<vmem>>, vector<1x16xf32>,
      %swap3A_1090 = arith.constant 1 : i32
      %swap3A_1091 = arith.index_cast %swap3A_1090 : i32 to index
      %swap3A_1092 = arith.constant 64 : index
      %swap3A_1093 = tpu.vector_load %arg14[%swap3A_1091, %swap3A_1092] {strides = array<i32>} : memref<4x128xf32, #tpu.memory_space<vmem>>, vector<1x16xf32>,
      %swap3A_1094 = vector.shape_cast %swap3A_1093 : vector<1x16xf32> to vector<16xf32>
      %swap3A_1095 = vector.shape_cast %scan3A_1064#4 : vector<16xf32> to vector<1x16xf32>
      tpu.vector_store %arg14[%swap3A_1091, %swap3A_1092], %swap3A_1095 {strides = array<i32>} : memref<4x128xf32, #tpu.memory_space<vmem>>, vector<1x16xf32>,
      %swap3A_1096 = arith.constant 1 : i32
      %swap3A_1097 = arith.index_cast %swap3A_1096 : i32 to index
      %swap3A_1098 = arith.constant 80 : index
      %swap3A_1099 = tpu.vector_load %arg14[%swap3A_1097, %swap3A_1098] {strides = array<i32>} : memref<4x128xf32, #tpu.memory_space<vmem>>, vector<1x16xf32>,
      %swap3A_1100 = vector.shape_cast %swap3A_1099 : vector<1x16xf32> to vector<16xf32>
      %swap3A_1101 = vector.shape_cast %scan3A_1064#5 : vector<16xf32> to vector<1x16xf32>
      tpu.vector_store %arg14[%swap3A_1097, %swap3A_1098], %swap3A_1101 {strides = array<i32>} : memref<4x128xf32, #tpu.memory_space<vmem>>, vector<1x16xf32>,
      %swap3A_1102 = arith.constant 1 : i32
      %swap3A_1103 = arith.index_cast %swap3A_1102 : i32 to index
      %swap3A_1104 = arith.constant 96 : index
      %swap3A_1105 = tpu.vector_load %arg14[%swap3A_1103, %swap3A_1104] {strides = array<i32>} : memref<4x128xf32, #tpu.memory_space<vmem>>, vector<1x16xf32>,
      %swap3A_1106 = vector.shape_cast %swap3A_1105 : vector<1x16xf32> to vector<16xf32>
      %swap3A_1107 = vector.shape_cast %scan3A_1064#6 : vector<16xf32> to vector<1x16xf32>
      tpu.vector_store %arg14[%swap3A_1103, %swap3A_1104], %swap3A_1107 {strides = array<i32>} : memref<4x128xf32, #tpu.memory_space<vmem>>, vector<1x16xf32>,
      %swap3A_1108 = arith.constant 1 : i32
      %swap3A_1109 = arith.index_cast %swap3A_1108 : i32 to index
      %swap3A_1110 = arith.constant 112 : index
      %swap3A_1111 = tpu.vector_load %arg14[%swap3A_1109, %swap3A_1110] {strides = array<i32>} : memref<4x128xf32, #tpu.memory_space<vmem>>, vector<1x16xf32>,
      %swap3A_1112 = vector.shape_cast %swap3A_1111 : vector<1x16xf32> to vector<16xf32>
      %swap3A_1113 = vector.shape_cast %scan3A_1064#7 : vector<16xf32> to vector<1x16xf32>
      tpu.vector_store %arg14[%swap3A_1109, %swap3A_1110], %swap3A_1113 {strides = array<i32>} : memref<4x128xf32, #tpu.memory_space<vmem>>, vector<1x16xf32>,
      %get3A_1114 = arith.constant 64 : i32
      %get3A_1115 = arith.index_cast %get3A_1114 : i32 to index
      %get3A_1116 = arith.constant 0 : index
      %get3A_1117 = tpu.vector_load %arg10[%get3A_1115, %get3A_1116] {strides = array<i32>} : memref<128x128xf32, #tpu.memory_space<vmem>>, vector<1x16xf32>,
      %get3A_1118 = vector.shape_cast %get3A_1117 : vector<1x16xf32> to vector<16xf32>
      %get3A_1119 = arith.constant 64 : i32
      %get3A_1120 = arith.index_cast %get3A_1119 : i32 to index
      %get3A_1121 = arith.constant 16 : index
      %get3A_1122 = tpu.vector_load %arg10[%get3A_1120, %get3A_1121] {strides = array<i32>} : memref<128x128xf32, #tpu.memory_space<vmem>>, vector<1x16xf32>,
      %get3A_1123 = vector.shape_cast %get3A_1122 : vector<1x16xf32> to vector<16xf32>
      %get3A_1124 = arith.constant 64 : i32
      %get3A_1125 = arith.index_cast %get3A_1124 : i32 to index
      %get3A_1126 = arith.constant 32 : index
      %get3A_1127 = tpu.vector_load %arg10[%get3A_1125, %get3A_1126] {strides = array<i32>} : memref<128x128xf32, #tpu.memory_space<vmem>>, vector<1x16xf32>,
      %get3A_1128 = vector.shape_cast %get3A_1127 : vector<1x16xf32> to vector<16xf32>
      %get3A_1129 = arith.constant 64 : i32
      %get3A_1130 = arith.index_cast %get3A_1129 : i32 to index
      %get3A_1131 = arith.constant 48 : index
      %get3A_1132 = tpu.vector_load %arg10[%get3A_1130, %get3A_1131] {strides = array<i32>} : memref<128x128xf32, #tpu.memory_space<vmem>>, vector<1x16xf32>,
      %get3A_1133 = vector.shape_cast %get3A_1132 : vector<1x16xf32> to vector<16xf32>
      %get3A_1134 = arith.constant 64 : i32
      %get3A_1135 = arith.index_cast %get3A_1134 : i32 to index
      %get3A_1136 = arith.constant 64 : index
      %get3A_1137 = tpu.vector_load %arg10[%get3A_1135, %get3A_1136] {strides = array<i32>} : memref<128x128xf32, #tpu.memory_space<vmem>>, vector<1x16xf32>,
      %get3A_1138 = vector.shape_cast %get3A_1137 : vector<1x16xf32> to vector<16xf32>
      %get3A_1139 = arith.constant 64 : i32
      %get3A_1140 = arith.index_cast %get3A_1139 : i32 to index
      %get3A_1141 = arith.constant 80 : index
      %get3A_1142 = tpu.vector_load %arg10[%get3A_1140, %get3A_1141] {strides = array<i32>} : memref<128x128xf32, #tpu.memory_space<vmem>>, vector<1x16xf32>,
      %get3A_1143 = vector.shape_cast %get3A_1142 : vector<1x16xf32> to vector<16xf32>
      %get3A_1144 = arith.constant 64 : i32
      %get3A_1145 = arith.index_cast %get3A_1144 : i32 to index
      %get3A_1146 = arith.constant 96 : index
      %get3A_1147 = tpu.vector_load %arg10[%get3A_1145, %get3A_1146] {strides = array<i32>} : memref<128x128xf32, #tpu.memory_space<vmem>>, vector<1x16xf32>,
      %get3A_1148 = vector.shape_cast %get3A_1147 : vector<1x16xf32> to vector<16xf32>
      %get3A_1149 = arith.constant 64 : i32
      %get3A_1150 = arith.index_cast %get3A_1149 : i32 to index
      %get3A_1151 = arith.constant 112 : index
      %get3A_1152 = tpu.vector_load %arg10[%get3A_1150, %get3A_1151] {strides = array<i32>} : memref<128x128xf32, #tpu.memory_space<vmem>>, vector<1x16xf32>,
      %get3A_1153 = vector.shape_cast %get3A_1152 : vector<1x16xf32> to vector<16xf32>
      %scan3A_1154 = arith.constant 1 : i32
      %scan3A_1155 = arith.constant 31 : i32
      %scan3A_1156 = arith.addi %scan3A_1154, %scan3A_1155 : i32
      %scan3A_1157 = arith.constant 1 : i32
      %scan3A_1158:8 = scf.for %scan3A_1715 = %scan3A_1154 to %scan3A_1156 step %scan3A_1157 iter_args(%scan3A_1716 = %get3A_1118, %scan3A_1717 = %get3A_1123, %scan3A_1718 = %get3A_1128, %scan3A_1719 = %get3A_1133, %scan3A_1720 = %get3A_1138, %scan3A_1721 = %get3A_1143, %scan3A_1722 = %get3A_1148, %scan3A_1723 = %get3A_1153) -> (vector<16xf32>, vector<16xf32>, vector<16xf32>, vector<16xf32>, vector<16xf32>, vector<16xf32>, vector<16xf32>, vector<16xf32>)  : i32 {
        %add3A_1724 = arith.constant 64 : i32
        %add3A_1725 = arith.addi %add3A_1724, %scan3A_1715 : i32
        %get3A_1726 = arith.index_cast %add3A_1725 : i32 to index
        %get3A_1727 = arith.constant 0 : index
        %get3A_1728 = tpu.vector_load %arg10[%get3A_1726, %get3A_1727] {strides = array<i32>} : memref<128x128xf32, #tpu.memory_space<vmem>>, vector<1x16xf32>,
        %get3A_1729 = vector.shape_cast %get3A_1728 : vector<1x16xf32> to vector<16xf32>
        %max3A = arith.maximumf %scan3A_1716, %get3A_1729 : vector<16xf32>
        %add3A_1730 = arith.constant 64 : i32
        %add3A_1731 = arith.addi %add3A_1730, %scan3A_1715 : i32
        %get3A_1732 = arith.index_cast %add3A_1731 : i32 to index
        %get3A_1733 = arith.constant 16 : index
        %get3A_1734 = tpu.vector_load %arg10[%get3A_1732, %get3A_1733] {strides = array<i32>} : memref<128x128xf32, #tpu.memory_space<vmem>>, vector<1x16xf32>,
        %get3A_1735 = vector.shape_cast %get3A_1734 : vector<1x16xf32> to vector<16xf32>
        %max3A_1736 = arith.maximumf %scan3A_1717, %get3A_1735 : vector<16xf32>
        %add3A_1737 = arith.constant 64 : i32
        %add3A_1738 = arith.addi %add3A_1737, %scan3A_1715 : i32
        %get3A_1739 = arith.index_cast %add3A_1738 : i32 to index
        %get3A_1740 = arith.constant 32 : index
        %get3A_1741 = tpu.vector_load %arg10[%get3A_1739, %get3A_1740] {strides = array<i32>} : memref<128x128xf32, #tpu.memory_space<vmem>>, vector<1x16xf32>,
        %get3A_1742 = vector.shape_cast %get3A_1741 : vector<1x16xf32> to vector<16xf32>
        %max3A_1743 = arith.maximumf %scan3A_1718, %get3A_1742 : vector<16xf32>
        %add3A_1744 = arith.constant 64 : i32
        %add3A_1745 = arith.addi %add3A_1744, %scan3A_1715 : i32
        %get3A_1746 = arith.index_cast %add3A_1745 : i32 to index
        %get3A_1747 = arith.constant 48 : index
        %get3A_1748 = tpu.vector_load %arg10[%get3A_1746, %get3A_1747] {strides = array<i32>} : memref<128x128xf32, #tpu.memory_space<vmem>>, vector<1x16xf32>,
        %get3A_1749 = vector.shape_cast %get3A_1748 : vector<1x16xf32> to vector<16xf32>
        %max3A_1750 = arith.maximumf %scan3A_1719, %get3A_1749 : vector<16xf32>
        %add3A_1751 = arith.constant 64 : i32
        %add3A_1752 = arith.addi %add3A_1751, %scan3A_1715 : i32
        %get3A_1753 = arith.index_cast %add3A_1752 : i32 to index
        %get3A_1754 = arith.constant 64 : index
        %get3A_1755 = tpu.vector_load %arg10[%get3A_1753, %get3A_1754] {strides = array<i32>} : memref<128x128xf32, #tpu.memory_space<vmem>>, vector<1x16xf32>,
        %get3A_1756 = vector.shape_cast %get3A_1755 : vector<1x16xf32> to vector<16xf32>
        %max3A_1757 = arith.maximumf %scan3A_1720, %get3A_1756 : vector<16xf32>
        %add3A_1758 = arith.constant 64 : i32
        %add3A_1759 = arith.addi %add3A_1758, %scan3A_1715 : i32
        %get3A_1760 = arith.index_cast %add3A_1759 : i32 to index
        %get3A_1761 = arith.constant 80 : index
        %get3A_1762 = tpu.vector_load %arg10[%get3A_1760, %get3A_1761] {strides = array<i32>} : memref<128x128xf32, #tpu.memory_space<vmem>>, vector<1x16xf32>,
        %get3A_1763 = vector.shape_cast %get3A_1762 : vector<1x16xf32> to vector<16xf32>
        %max3A_1764 = arith.maximumf %scan3A_1721, %get3A_1763 : vector<16xf32>
        %add3A_1765 = arith.constant 64 : i32
        %add3A_1766 = arith.addi %add3A_1765, %scan3A_1715 : i32
        %get3A_1767 = arith.index_cast %add3A_1766 : i32 to index
        %get3A_1768 = arith.constant 96 : index
        %get3A_1769 = tpu.vector_load %arg10[%get3A_1767, %get3A_1768] {strides = array<i32>} : memref<128x128xf32, #tpu.memory_space<vmem>>, vector<1x16xf32>,
        %get3A_1770 = vector.shape_cast %get3A_1769 : vector<1x16xf32> to vector<16xf32>
        %max3A_1771 = arith.maximumf %scan3A_1722, %get3A_1770 : vector<16xf32>
        %add3A_1772 = arith.constant 64 : i32
        %add3A_1773 = arith.addi %add3A_1772, %scan3A_1715 : i32
        %get3A_1774 = arith.index_cast %add3A_1773 : i32 to index
        %get3A_1775 = arith.constant 112 : index
        %get3A_1776 = tpu.vector_load %arg10[%get3A_1774, %get3A_1775] {strides = array<i32>} : memref<128x128xf32, #tpu.memory_space<vmem>>, vector<1x16xf32>,
        %get3A_1777 = vector.shape_cast %get3A_1776 : vector<1x16xf32> to vector<16xf32>
        %max3A_1778 = arith.maximumf %scan3A_1723, %get3A_1777 : vector<16xf32>
        scf.yield %max3A, %max3A_1736, %max3A_1743, %max3A_1750, %max3A_1757, %max3A_1764, %max3A_1771, %max3A_1778 : vector<16xf32>, vector<16xf32>, vector<16xf32>, vector<16xf32>, vector<16xf32>, vector<16xf32>, vector<16xf32>, vector<16xf32>
      }
      %scan3A_1159 = arith.constant 31 : i32
      %swap3A_1160 = arith.constant 2 : i32
      %swap3A_1161 = arith.index_cast %swap3A_1160 : i32 to index
      %swap3A_1162 = arith.constant 0 : index
      %swap3A_1163 = tpu.vector_load %arg14[%swap3A_1161, %swap3A_1162] {strides = array<i32>} : memref<4x128xf32, #tpu.memory_space<vmem>>, vector<1x16xf32>,
      %swap3A_1164 = vector.shape_cast %swap3A_1163 : vector<1x16xf32> to vector<16xf32>
      %swap3A_1165 = vector.shape_cast %scan3A_1158#0 : vector<16xf32> to vector<1x16xf32>
      tpu.vector_store %arg14[%swap3A_1161, %swap3A_1162], %swap3A_1165 {strides = array<i32>} : memref<4x128xf32, #tpu.memory_space<vmem>>, vector<1x16xf32>,
      %swap3A_1166 = arith.constant 2 : i32
      %swap3A_1167 = arith.index_cast %swap3A_1166 : i32 to index
      %swap3A_1168 = arith.constant 16 : index
      %swap3A_1169 = tpu.vector_load %arg14[%swap3A_1167, %swap3A_1168] {strides = array<i32>} : memref<4x128xf32, #tpu.memory_space<vmem>>, vector<1x16xf32>,
      %swap3A_1170 = vector.shape_cast %swap3A_1169 : vector<1x16xf32> to vector<16xf32>
      %swap3A_1171 = vector.shape_cast %scan3A_1158#1 : vector<16xf32> to vector<1x16xf32>
      tpu.vector_store %arg14[%swap3A_1167, %swap3A_1168], %swap3A_1171 {strides = array<i32>} : memref<4x128xf32, #tpu.memory_space<vmem>>, vector<1x16xf32>,
      %swap3A_1172 = arith.constant 2 : i32
      %swap3A_1173 = arith.index_cast %swap3A_1172 : i32 to index
      %swap3A_1174 = arith.constant 32 : index
      %swap3A_1175 = tpu.vector_load %arg14[%swap3A_1173, %swap3A_1174] {strides = array<i32>} : memref<4x128xf32, #tpu.memory_space<vmem>>, vector<1x16xf32>,
      %swap3A_1176 = vector.shape_cast %swap3A_1175 : vector<1x16xf32> to vector<16xf32>
      %swap3A_1177 = vector.shape_cast %scan3A_1158#2 : vector<16xf32> to vector<1x16xf32>
      tpu.vector_store %arg14[%swap3A_1173, %swap3A_1174], %swap3A_1177 {strides = array<i32>} : memref<4x128xf32, #tpu.memory_space<vmem>>, vector<1x16xf32>,
      %swap3A_1178 = arith.constant 2 : i32
      %swap3A_1179 = arith.index_cast %swap3A_1178 : i32 to index
      %swap3A_1180 = arith.constant 48 : index
      %swap3A_1181 = tpu.vector_load %arg14[%swap3A_1179, %swap3A_1180] {strides = array<i32>} : memref<4x128xf32, #tpu.memory_space<vmem>>, vector<1x16xf32>,
      %swap3A_1182 = vector.shape_cast %swap3A_1181 : vector<1x16xf32> to vector<16xf32>
      %swap3A_1183 = vector.shape_cast %scan3A_1158#3 : vector<16xf32> to vector<1x16xf32>
      tpu.vector_store %arg14[%swap3A_1179, %swap3A_1180], %swap3A_1183 {strides = array<i32>} : memref<4x128xf32, #tpu.memory_space<vmem>>, vector<1x16xf32>,
      %swap3A_1184 = arith.constant 2 : i32
      %swap3A_1185 = arith.index_cast %swap3A_1184 : i32 to index
      %swap3A_1186 = arith.constant 64 : index
      %swap3A_1187 = tpu.vector_load %arg14[%swap3A_1185, %swap3A_1186] {strides = array<i32>} : memref<4x128xf32, #tpu.memory_space<vmem>>, vector<1x16xf32>,
      %swap3A_1188 = vector.shape_cast %swap3A_1187 : vector<1x16xf32> to vector<16xf32>
      %swap3A_1189 = vector.shape_cast %scan3A_1158#4 : vector<16xf32> to vector<1x16xf32>
      tpu.vector_store %arg14[%swap3A_1185, %swap3A_1186], %swap3A_1189 {strides = array<i32>} : memref<4x128xf32, #tpu.memory_space<vmem>>, vector<1x16xf32>,
      %swap3A_1190 = arith.constant 2 : i32
      %swap3A_1191 = arith.index_cast %swap3A_1190 : i32 to index
      %swap3A_1192 = arith.constant 80 : index
      %swap3A_1193 = tpu.vector_load %arg14[%swap3A_1191, %swap3A_1192] {strides = array<i32>} : memref<4x128xf32, #tpu.memory_space<vmem>>, vector<1x16xf32>,
      %swap3A_1194 = vector.shape_cast %swap3A_1193 : vector<1x16xf32> to vector<16xf32>
      %swap3A_1195 = vector.shape_cast %scan3A_1158#5 : vector<16xf32> to vector<1x16xf32>
      tpu.vector_store %arg14[%swap3A_1191, %swap3A_1192], %swap3A_1195 {strides = array<i32>} : memref<4x128xf32, #tpu.memory_space<vmem>>, vector<1x16xf32>,
      %swap3A_1196 = arith.constant 2 : i32
      %swap3A_1197 = arith.index_cast %swap3A_1196 : i32 to index
      %swap3A_1198 = arith.constant 96 : index
      %swap3A_1199 = tpu.vector_load %arg14[%swap3A_1197, %swap3A_1198] {strides = array<i32>} : memref<4x128xf32, #tpu.memory_space<vmem>>, vector<1x16xf32>,
      %swap3A_1200 = vector.shape_cast %swap3A_1199 : vector<1x16xf32> to vector<16xf32>
      %swap3A_1201 = vector.shape_cast %scan3A_1158#6 : vector<16xf32> to vector<1x16xf32>
      tpu.vector_store %arg14[%swap3A_1197, %swap3A_1198], %swap3A_1201 {strides = array<i32>} : memref<4x128xf32, #tpu.memory_space<vmem>>, vector<1x16xf32>,
      %swap3A_1202 = arith.constant 2 : i32
      %swap3A_1203 = arith.index_cast %swap3A_1202 : i32 to index
      %swap3A_1204 = arith.constant 112 : index
      %swap3A_1205 = tpu.vector_load %arg14[%swap3A_1203, %swap3A_1204] {strides = array<i32>} : memref<4x128xf32, #tpu.memory_space<vmem>>, vector<1x16xf32>,
      %swap3A_1206 = vector.shape_cast %swap3A_1205 : vector<1x16xf32> to vector<16xf32>
      %swap3A_1207 = vector.shape_cast %scan3A_1158#7 : vector<16xf32> to vector<1x16xf32>
      tpu.vector_store %arg14[%swap3A_1203, %swap3A_1204], %swap3A_1207 {strides = array<i32>} : memref<4x128xf32, #tpu.memory_space<vmem>>, vector<1x16xf32>,
      %get3A_1208 = arith.constant 96 : i32
      %get3A_1209 = arith.index_cast %get3A_1208 : i32 to index
      %get3A_1210 = arith.constant 0 : index
      %get3A_1211 = tpu.vector_load %arg10[%get3A_1209, %get3A_1210] {strides = array<i32>} : memref<128x128xf32, #tpu.memory_space<vmem>>, vector<1x16xf32>,
      %get3A_1212 = vector.shape_cast %get3A_1211 : vector<1x16xf32> to vector<16xf32>
      %get3A_1213 = arith.constant 96 : i32
      %get3A_1214 = arith.index_cast %get3A_1213 : i32 to index
      %get3A_1215 = arith.constant 16 : index
      %get3A_1216 = tpu.vector_load %arg10[%get3A_1214, %get3A_1215] {strides = array<i32>} : memref<128x128xf32, #tpu.memory_space<vmem>>, vector<1x16xf32>,
      %get3A_1217 = vector.shape_cast %get3A_1216 : vector<1x16xf32> to vector<16xf32>
      %get3A_1218 = arith.constant 96 : i32
      %get3A_1219 = arith.index_cast %get3A_1218 : i32 to index
      %get3A_1220 = arith.constant 32 : index
      %get3A_1221 = tpu.vector_load %arg10[%get3A_1219, %get3A_1220] {strides = array<i32>} : memref<128x128xf32, #tpu.memory_space<vmem>>, vector<1x16xf32>,
      %get3A_1222 = vector.shape_cast %get3A_1221 : vector<1x16xf32> to vector<16xf32>
      %get3A_1223 = arith.constant 96 : i32
      %get3A_1224 = arith.index_cast %get3A_1223 : i32 to index
      %get3A_1225 = arith.constant 48 : index
      %get3A_1226 = tpu.vector_load %arg10[%get3A_1224, %get3A_1225] {strides = array<i32>} : memref<128x128xf32, #tpu.memory_space<vmem>>, vector<1x16xf32>,
      %get3A_1227 = vector.shape_cast %get3A_1226 : vector<1x16xf32> to vector<16xf32>
      %get3A_1228 = arith.constant 96 : i32
      %get3A_1229 = arith.index_cast %get3A_1228 : i32 to index
      %get3A_1230 = arith.constant 64 : index
      %get3A_1231 = tpu.vector_load %arg10[%get3A_1229, %get3A_1230] {strides = array<i32>} : memref<128x128xf32, #tpu.memory_space<vmem>>, vector<1x16xf32>,
      %get3A_1232 = vector.shape_cast %get3A_1231 : vector<1x16xf32> to vector<16xf32>
      %get3A_1233 = arith.constant 96 : i32
      %get3A_1234 = arith.index_cast %get3A_1233 : i32 to index
      %get3A_1235 = arith.constant 80 : index
      %get3A_1236 = tpu.vector_load %arg10[%get3A_1234, %get3A_1235] {strides = array<i32>} : memref<128x128xf32, #tpu.memory_space<vmem>>, vector<1x16xf32>,
      %get3A_1237 = vector.shape_cast %get3A_1236 : vector<1x16xf32> to vector<16xf32>
      %get3A_1238 = arith.constant 96 : i32
      %get3A_1239 = arith.index_cast %get3A_1238 : i32 to index
      %get3A_1240 = arith.constant 96 : index
      %get3A_1241 = tpu.vector_load %arg10[%get3A_1239, %get3A_1240] {strides = array<i32>} : memref<128x128xf32, #tpu.memory_space<vmem>>, vector<1x16xf32>,
      %get3A_1242 = vector.shape_cast %get3A_1241 : vector<1x16xf32> to vector<16xf32>
      %get3A_1243 = arith.constant 96 : i32
      %get3A_1244 = arith.index_cast %get3A_1243 : i32 to index
      %get3A_1245 = arith.constant 112 : index
      %get3A_1246 = tpu.vector_load %arg10[%get3A_1244, %get3A_1245] {strides = array<i32>} : memref<128x128xf32, #tpu.memory_space<vmem>>, vector<1x16xf32>,
      %get3A_1247 = vector.shape_cast %get3A_1246 : vector<1x16xf32> to vector<16xf32>
      %scan3A_1248 = arith.constant 1 : i32
      %scan3A_1249 = arith.constant 31 : i32
      %scan3A_1250 = arith.addi %scan3A_1248, %scan3A_1249 : i32
      %scan3A_1251 = arith.constant 1 : i32
      %scan3A_1252:8 = scf.for %scan3A_1715 = %scan3A_1248 to %scan3A_1250 step %scan3A_1251 iter_args(%scan3A_1716 = %get3A_1212, %scan3A_1717 = %get3A_1217, %scan3A_1718 = %get3A_1222, %scan3A_1719 = %get3A_1227, %scan3A_1720 = %get3A_1232, %scan3A_1721 = %get3A_1237, %scan3A_1722 = %get3A_1242, %scan3A_1723 = %get3A_1247) -> (vector<16xf32>, vector<16xf32>, vector<16xf32>, vector<16xf32>, vector<16xf32>, vector<16xf32>, vector<16xf32>, vector<16xf32>)  : i32 {
        %add3A_1724 = arith.constant 96 : i32
        %add3A_1725 = arith.addi %add3A_1724, %scan3A_1715 : i32
        %get3A_1726 = arith.index_cast %add3A_1725 : i32 to index
        %get3A_1727 = arith.constant 0 : index
        %get3A_1728 = tpu.vector_load %arg10[%get3A_1726, %get3A_1727] {strides = array<i32>} : memref<128x128xf32, #tpu.memory_space<vmem>>, vector<1x16xf32>,
        %get3A_1729 = vector.shape_cast %get3A_1728 : vector<1x16xf32> to vector<16xf32>
        %max3A = arith.maximumf %scan3A_1716, %get3A_1729 : vector<16xf32>
        %add3A_1730 = arith.constant 96 : i32
        %add3A_1731 = arith.addi %add3A_1730, %scan3A_1715 : i32
        %get3A_1732 = arith.index_cast %add3A_1731 : i32 to index
        %get3A_1733 = arith.constant 16 : index
        %get3A_1734 = tpu.vector_load %arg10[%get3A_1732, %get3A_1733] {strides = array<i32>} : memref<128x128xf32, #tpu.memory_space<vmem>>, vector<1x16xf32>,
        %get3A_1735 = vector.shape_cast %get3A_1734 : vector<1x16xf32> to vector<16xf32>
        %max3A_1736 = arith.maximumf %scan3A_1717, %get3A_1735 : vector<16xf32>
        %add3A_1737 = arith.constant 96 : i32
        %add3A_1738 = arith.addi %add3A_1737, %scan3A_1715 : i32
        %get3A_1739 = arith.index_cast %add3A_1738 : i32 to index
        %get3A_1740 = arith.constant 32 : index
        %get3A_1741 = tpu.vector_load %arg10[%get3A_1739, %get3A_1740] {strides = array<i32>} : memref<128x128xf32, #tpu.memory_space<vmem>>, vector<1x16xf32>,
        %get3A_1742 = vector.shape_cast %get3A_1741 : vector<1x16xf32> to vector<16xf32>
        %max3A_1743 = arith.maximumf %scan3A_1718, %get3A_1742 : vector<16xf32>
        %add3A_1744 = arith.constant 96 : i32
        %add3A_1745 = arith.addi %add3A_1744, %scan3A_1715 : i32
        %get3A_1746 = arith.index_cast %add3A_1745 : i32 to index
        %get3A_1747 = arith.constant 48 : index
        %get3A_1748 = tpu.vector_load %arg10[%get3A_1746, %get3A_1747] {strides = array<i32>} : memref<128x128xf32, #tpu.memory_space<vmem>>, vector<1x16xf32>,
        %get3A_1749 = vector.shape_cast %get3A_1748 : vector<1x16xf32> to vector<16xf32>
        %max3A_1750 = arith.maximumf %scan3A_1719, %get3A_1749 : vector<16xf32>
        %add3A_1751 = arith.constant 96 : i32
        %add3A_1752 = arith.addi %add3A_1751, %scan3A_1715 : i32
        %get3A_1753 = arith.index_cast %add3A_1752 : i32 to index
        %get3A_1754 = arith.constant 64 : index
        %get3A_1755 = tpu.vector_load %arg10[%get3A_1753, %get3A_1754] {strides = array<i32>} : memref<128x128xf32, #tpu.memory_space<vmem>>, vector<1x16xf32>,
        %get3A_1756 = vector.shape_cast %get3A_1755 : vector<1x16xf32> to vector<16xf32>
        %max3A_1757 = arith.maximumf %scan3A_1720, %get3A_1756 : vector<16xf32>
        %add3A_1758 = arith.constant 96 : i32
        %add3A_1759 = arith.addi %add3A_1758, %scan3A_1715 : i32
        %get3A_1760 = arith.index_cast %add3A_1759 : i32 to index
        %get3A_1761 = arith.constant 80 : index
        %get3A_1762 = tpu.vector_load %arg10[%get3A_1760, %get3A_1761] {strides = array<i32>} : memref<128x128xf32, #tpu.memory_space<vmem>>, vector<1x16xf32>,
        %get3A_1763 = vector.shape_cast %get3A_1762 : vector<1x16xf32> to vector<16xf32>
        %max3A_1764 = arith.maximumf %scan3A_1721, %get3A_1763 : vector<16xf32>
        %add3A_1765 = arith.constant 96 : i32
        %add3A_1766 = arith.addi %add3A_1765, %scan3A_1715 : i32
        %get3A_1767 = arith.index_cast %add3A_1766 : i32 to index
        %get3A_1768 = arith.constant 96 : index
        %get3A_1769 = tpu.vector_load %arg10[%get3A_1767, %get3A_1768] {strides = array<i32>} : memref<128x128xf32, #tpu.memory_space<vmem>>, vector<1x16xf32>,
        %get3A_1770 = vector.shape_cast %get3A_1769 : vector<1x16xf32> to vector<16xf32>
        %max3A_1771 = arith.maximumf %scan3A_1722, %get3A_1770 : vector<16xf32>
        %add3A_1772 = arith.constant 96 : i32
        %add3A_1773 = arith.addi %add3A_1772, %scan3A_1715 : i32
        %get3A_1774 = arith.index_cast %add3A_1773 : i32 to index
        %get3A_1775 = arith.constant 112 : index
        %get3A_1776 = tpu.vector_load %arg10[%get3A_1774, %get3A_1775] {strides = array<i32>} : memref<128x128xf32, #tpu.memory_space<vmem>>, vector<1x16xf32>,
        %get3A_1777 = vector.shape_cast %get3A_1776 : vector<1x16xf32> to vector<16xf32>
        %max3A_1778 = arith.maximumf %scan3A_1723, %get3A_1777 : vector<16xf32>
        scf.yield %max3A, %max3A_1736, %max3A_1743, %max3A_1750, %max3A_1757, %max3A_1764, %max3A_1771, %max3A_1778 : vector<16xf32>, vector<16xf32>, vector<16xf32>, vector<16xf32>, vector<16xf32>, vector<16xf32>, vector<16xf32>, vector<16xf32>
      }
      %scan3A_1253 = arith.constant 31 : i32
      %swap3A_1254 = arith.constant 3 : i32
      %swap3A_1255 = arith.index_cast %swap3A_1254 : i32 to index
      %swap3A_1256 = arith.constant 0 : index
      %swap3A_1257 = tpu.vector_load %arg14[%swap3A_1255, %swap3A_1256] {strides = array<i32>} : memref<4x128xf32, #tpu.memory_space<vmem>>, vector<1x16xf32>,
      %swap3A_1258 = vector.shape_cast %swap3A_1257 : vector<1x16xf32> to vector<16xf32>
      %swap3A_1259 = vector.shape_cast %scan3A_1252#0 : vector<16xf32> to vector<1x16xf32>
      tpu.vector_store %arg14[%swap3A_1255, %swap3A_1256], %swap3A_1259 {strides = array<i32>} : memref<4x128xf32, #tpu.memory_space<vmem>>, vector<1x16xf32>,
      %swap3A_1260 = arith.constant 3 : i32
      %swap3A_1261 = arith.index_cast %swap3A_1260 : i32 to index
      %swap3A_1262 = arith.constant 16 : index
      %swap3A_1263 = tpu.vector_load %arg14[%swap3A_1261, %swap3A_1262] {strides = array<i32>} : memref<4x128xf32, #tpu.memory_space<vmem>>, vector<1x16xf32>,
      %swap3A_1264 = vector.shape_cast %swap3A_1263 : vector<1x16xf32> to vector<16xf32>
      %swap3A_1265 = vector.shape_cast %scan3A_1252#1 : vector<16xf32> to vector<1x16xf32>
      tpu.vector_store %arg14[%swap3A_1261, %swap3A_1262], %swap3A_1265 {strides = array<i32>} : memref<4x128xf32, #tpu.memory_space<vmem>>, vector<1x16xf32>,
      %swap3A_1266 = arith.constant 3 : i32
      %swap3A_1267 = arith.index_cast %swap3A_1266 : i32 to index
      %swap3A_1268 = arith.constant 32 : index
      %swap3A_1269 = tpu.vector_load %arg14[%swap3A_1267, %swap3A_1268] {strides = array<i32>} : memref<4x128xf32, #tpu.memory_space<vmem>>, vector<1x16xf32>,
      %swap3A_1270 = vector.shape_cast %swap3A_1269 : vector<1x16xf32> to vector<16xf32>
      %swap3A_1271 = vector.shape_cast %scan3A_1252#2 : vector<16xf32> to vector<1x16xf32>
      tpu.vector_store %arg14[%swap3A_1267, %swap3A_1268], %swap3A_1271 {strides = array<i32>} : memref<4x128xf32, #tpu.memory_space<vmem>>, vector<1x16xf32>,
      %swap3A_1272 = arith.constant 3 : i32
      %swap3A_1273 = arith.index_cast %swap3A_1272 : i32 to index
      %swap3A_1274 = arith.constant 48 : index
      %swap3A_1275 = tpu.vector_load %arg14[%swap3A_1273, %swap3A_1274] {strides = array<i32>} : memref<4x128xf32, #tpu.memory_space<vmem>>, vector<1x16xf32>,
      %swap3A_1276 = vector.shape_cast %swap3A_1275 : vector<1x16xf32> to vector<16xf32>
      %swap3A_1277 = vector.shape_cast %scan3A_1252#3 : vector<16xf32> to vector<1x16xf32>
      tpu.vector_store %arg14[%swap3A_1273, %swap3A_1274], %swap3A_1277 {strides = array<i32>} : memref<4x128xf32, #tpu.memory_space<vmem>>, vector<1x16xf32>,
      %swap3A_1278 = arith.constant 3 : i32
      %swap3A_1279 = arith.index_cast %swap3A_1278 : i32 to index
      %swap3A_1280 = arith.constant 64 : index
      %swap3A_1281 = tpu.vector_load %arg14[%swap3A_1279, %swap3A_1280] {strides = array<i32>} : memref<4x128xf32, #tpu.memory_space<vmem>>, vector<1x16xf32>,
      %swap3A_1282 = vector.shape_cast %swap3A_1281 : vector<1x16xf32> to vector<16xf32>
      %swap3A_1283 = vector.shape_cast %scan3A_1252#4 : vector<16xf32> to vector<1x16xf32>
      tpu.vector_store %arg14[%swap3A_1279, %swap3A_1280], %swap3A_1283 {strides = array<i32>} : memref<4x128xf32, #tpu.memory_space<vmem>>, vector<1x16xf32>,
      %swap3A_1284 = arith.constant 3 : i32
      %swap3A_1285 = arith.index_cast %swap3A_1284 : i32 to index
      %swap3A_1286 = arith.constant 80 : index
      %swap3A_1287 = tpu.vector_load %arg14[%swap3A_1285, %swap3A_1286] {strides = array<i32>} : memref<4x128xf32, #tpu.memory_space<vmem>>, vector<1x16xf32>,
      %swap3A_1288 = vector.shape_cast %swap3A_1287 : vector<1x16xf32> to vector<16xf32>
      %swap3A_1289 = vector.shape_cast %scan3A_1252#5 : vector<16xf32> to vector<1x16xf32>
      tpu.vector_store %arg14[%swap3A_1285, %swap3A_1286], %swap3A_1289 {strides = array<i32>} : memref<4x128xf32, #tpu.memory_space<vmem>>, vector<1x16xf32>,
      %swap3A_1290 = arith.constant 3 : i32
      %swap3A_1291 = arith.index_cast %swap3A_1290 : i32 to index
      %swap3A_1292 = arith.constant 96 : index
      %swap3A_1293 = tpu.vector_load %arg14[%swap3A_1291, %swap3A_1292] {strides = array<i32>} : memref<4x128xf32, #tpu.memory_space<vmem>>, vector<1x16xf32>,
      %swap3A_1294 = vector.shape_cast %swap3A_1293 : vector<1x16xf32> to vector<16xf32>
      %swap3A_1295 = vector.shape_cast %scan3A_1252#6 : vector<16xf32> to vector<1x16xf32>
      tpu.vector_store %arg14[%swap3A_1291, %swap3A_1292], %swap3A_1295 {strides = array<i32>} : memref<4x128xf32, #tpu.memory_space<vmem>>, vector<1x16xf32>,
      %swap3A_1296 = arith.constant 3 : i32
      %swap3A_1297 = arith.index_cast %swap3A_1296 : i32 to index
      %swap3A_1298 = arith.constant 112 : index
      %swap3A_1299 = tpu.vector_load %arg14[%swap3A_1297, %swap3A_1298] {strides = array<i32>} : memref<4x128xf32, #tpu.memory_space<vmem>>, vector<1x16xf32>,
      %swap3A_1300 = vector.shape_cast %swap3A_1299 : vector<1x16xf32> to vector<16xf32>
      %swap3A_1301 = vector.shape_cast %scan3A_1252#7 : vector<16xf32> to vector<1x16xf32>
      tpu.vector_store %arg14[%swap3A_1297, %swap3A_1298], %swap3A_1301 {strides = array<i32>} : memref<4x128xf32, #tpu.memory_space<vmem>>, vector<1x16xf32>,
      %mul3A_1302 = arith.constant 4 : i32
      %mul3A_1303 = arith.muli %add3A_906, %mul3A_1302 : i32
      %add3A_1304 = arith.addi %mul3A_2, %mul3A_1303 : i32
      %dma_start3A_1305 = arith.constant 0 : i32
      %dma_start3A_1306 = tpu.memref_slice %arg5[%add3A_1304, %dma_start3A_1305] : memref<10240x128xf32, #tpu.memory_space<hbm>> -> memref<4x128xf32, #tpu.memory_space<hbm>>
      %dma_start3A_1307 = arith.constant 0 : i32
      %dma_start3A_1308 = tpu.memref_slice %arg5[%add3A_1304, %dma_start3A_1307] : memref<10240x128xf32, #tpu.memory_space<hbm>> -> memref<4x128xf32, #tpu.memory_space<hbm>>
      tpu.enqueue_dma source(%arg14 : memref<4x128xf32, #tpu.memory_space<vmem>>) target(%dma_start3A_1308 : memref<4x128xf32, #tpu.memory_space<hbm>>) target_semaphore(%arg21 : memref<!tpu.dma_semaphore, #tpu.memory_space<semaphore_mem>>)
      %mul3A_1309 = arith.constant 4 : i32
      %mul3A_1310 = arith.muli %scan3A_93, %mul3A_1309 : i32
      %add3A_1311 = arith.constant 3 : i32
      %add3A_1312 = arith.addi %mul3A_1310, %add3A_1311 : i32
      %add3A_1313 = arith.constant 1 : i32
      %add3A_1314 = arith.addi %add3A_1312, %add3A_1313 : i32
      %lt3A_1315 = arith.constant 80 : i32
      %lt3A_1316 = arith.cmpi slt, %add3A_1314, %lt3A_1315 : i32
      %convert_element_type3A_1317 = arith.extui %lt3A_1316 : i1 to i32
      %cond3A_1318 = arith.constant 0 : i32
      %cond3A_1319 = arith.cmpi ne, %convert_element_type3A_1317, %cond3A_1318 : i32
      scf.if %cond3A_1319 {
        %add3A_1715 = arith.constant 1 : i32
        %add3A_1716 = arith.addi %add3A_1312, %add3A_1715 : i32
        %dma_start3A_1717 = arith.constant 0 : i32
        %dma_start3A_1718 = tpu.memref_slice %arg7[%add3A_1716, %dma_start3A_1717] : memref<80x128xi32, #tpu.memory_space<vmem>> -> memref<1x128xi32, #tpu.memory_space<vmem>>
        %dma_start3A_1719 = tpu.memref_squeeze %dma_start3A_1718 : memref<1x128xi32, #tpu.memory_space<vmem>> -> memref<128xi32, #tpu.memory_space<vmem>>
        %dma_start3A_1720 = arith.constant 0 : i32
        %dma_start3A_1721 = arith.constant 0 : i32
        %dma_start3A_1722 = tpu.memref_slice %arg8[%dma_start3A_1720, %dma_start3A_1721] : memref<10240x128xf32, #tpu.memory_space<vmem_shared>> -> memref<10240x128xf32, #tpu.memory_space<vmem_shared>>
        tpu.enqueue_indirect_dma source(%dma_start3A_1722 : memref<10240x128xf32, #tpu.memory_space<vmem_shared>>) target(%arg10 : memref<128x128xf32, #tpu.memory_space<vmem>>) offsets(%dma_start3A_1719 : memref<128xi32, #tpu.memory_space<vmem>>) semaphore(%arg17 : memref<!tpu.dma_semaphore, #tpu.memory_space<semaphore_mem>>)
      } else {
      }
      %dma_wait3A_1320 = arith.constant 0 : i32
      %dma_wait3A_1321 = arith.constant 0 : i32
      %dma_wait3A_1322 = tpu.memref_slice %arg7[%dma_wait3A_1320, %dma_wait3A_1321] : memref<80x128xi32, #tpu.memory_space<vmem>> -> memref<1x128xi32, #tpu.memory_space<vmem>>
      %dma_wait3A_1323 = tpu.memref_squeeze %dma_wait3A_1322 : memref<1x128xi32, #tpu.memory_space<vmem>> -> memref<128xi32, #tpu.memory_space<vmem>>
      %dma_wait3A_1324 = arith.constant 0 : i32
      %dma_wait3A_1325 = arith.constant 0 : i32
      %dma_wait3A_1326 = tpu.memref_slice %arg8[%dma_wait3A_1324, %dma_wait3A_1325] : memref<10240x128xf32, #tpu.memory_space<vmem_shared>> -> memref<10240x128xf32, #tpu.memory_space<vmem_shared>>
      tpu.wait_indirect_dma semaphore(%arg18 : memref<!tpu.dma_semaphore, #tpu.memory_space<semaphore_mem>>) src(%dma_wait3A_1326 : memref<10240x128xf32, #tpu.memory_space<vmem_shared>>) dst(%arg11 : memref<128x128xf32, #tpu.memory_space<vmem>>)
      %gt3A_1327 = arith.constant 0 : i32
      %gt3A_1328 = arith.cmpi sgt, %scan3A_93, %gt3A_1327 : i32
      %convert_element_type3A_1329 = arith.extui %gt3A_1328 : i1 to i32
      %cond3A_1330 = arith.constant 0 : i32
      %cond3A_1331 = arith.cmpi ne, %convert_element_type3A_1329, %cond3A_1330 : i32
      scf.if %cond3A_1331 {
        %dma_wait3A_1715 = arith.constant 0 : i32
        %dma_wait3A_1716 = tpu.memref_slice %arg5[%mul3A_2, %dma_wait3A_1715] : memref<10240x128xf32, #tpu.memory_space<hbm>> -> memref<4x128xf32, #tpu.memory_space<hbm>>
        %dma_wait3A_1717 = arith.constant 0 : i32
        %dma_wait3A_1718 = tpu.memref_slice %arg5[%mul3A_2, %dma_wait3A_1717] : memref<10240x128xf32, #tpu.memory_space<hbm>> -> memref<4x128xf32, #tpu.memory_space<hbm>>
        tpu.wait_dma2 semaphore(%arg22 : memref<!tpu.dma_semaphore, #tpu.memory_space<semaphore_mem>>) src(%arg15 : memref<4x128xf32, #tpu.memory_space<vmem>>) dst(%dma_wait3A_1718 : memref<4x128xf32, #tpu.memory_space<hbm>>)
      } else {
      }
      %get3A_1332 = arith.constant 0 : i32
      %get3A_1333 = arith.index_cast %get3A_1332 : i32 to index
      %get3A_1334 = arith.constant 0 : index
      %get3A_1335 = tpu.vector_load %arg11[%get3A_1333, %get3A_1334] {strides = array<i32>} : memref<128x128xf32, #tpu.memory_space<vmem>>, vector<1x16xf32>,
      %get3A_1336 = vector.shape_cast %get3A_1335 : vector<1x16xf32> to vector<16xf32>
      %get3A_1337 = arith.constant 0 : i32
      %get3A_1338 = arith.index_cast %get3A_1337 : i32 to index
      %get3A_1339 = arith.constant 16 : index
      %get3A_1340 = tpu.vector_load %arg11[%get3A_1338, %get3A_1339] {strides = array<i32>} : memref<128x128xf32, #tpu.memory_space<vmem>>, vector<1x16xf32>,
      %get3A_1341 = vector.shape_cast %get3A_1340 : vector<1x16xf32> to vector<16xf32>
      %get3A_1342 = arith.constant 0 : i32
      %get3A_1343 = arith.index_cast %get3A_1342 : i32 to index
      %get3A_1344 = arith.constant 32 : index
      %get3A_1345 = tpu.vector_load %arg11[%get3A_1343, %get3A_1344] {strides = array<i32>} : memref<128x128xf32, #tpu.memory_space<vmem>>, vector<1x16xf32>,
      %get3A_1346 = vector.shape_cast %get3A_1345 : vector<1x16xf32> to vector<16xf32>
      %get3A_1347 = arith.constant 0 : i32
      %get3A_1348 = arith.index_cast %get3A_1347 : i32 to index
      %get3A_1349 = arith.constant 48 : index
      %get3A_1350 = tpu.vector_load %arg11[%get3A_1348, %get3A_1349] {strides = array<i32>} : memref<128x128xf32, #tpu.memory_space<vmem>>, vector<1x16xf32>,
      %get3A_1351 = vector.shape_cast %get3A_1350 : vector<1x16xf32> to vector<16xf32>
      %get3A_1352 = arith.constant 0 : i32
      %get3A_1353 = arith.index_cast %get3A_1352 : i32 to index
      %get3A_1354 = arith.constant 64 : index
      %get3A_1355 = tpu.vector_load %arg11[%get3A_1353, %get3A_1354] {strides = array<i32>} : memref<128x128xf32, #tpu.memory_space<vmem>>, vector<1x16xf32>,
      %get3A_1356 = vector.shape_cast %get3A_1355 : vector<1x16xf32> to vector<16xf32>
      %get3A_1357 = arith.constant 0 : i32
      %get3A_1358 = arith.index_cast %get3A_1357 : i32 to index
      %get3A_1359 = arith.constant 80 : index
      %get3A_1360 = tpu.vector_load %arg11[%get3A_1358, %get3A_1359] {strides = array<i32>} : memref<128x128xf32, #tpu.memory_space<vmem>>, vector<1x16xf32>,
      %get3A_1361 = vector.shape_cast %get3A_1360 : vector<1x16xf32> to vector<16xf32>
      %get3A_1362 = arith.constant 0 : i32
      %get3A_1363 = arith.index_cast %get3A_1362 : i32 to index
      %get3A_1364 = arith.constant 96 : index
      %get3A_1365 = tpu.vector_load %arg11[%get3A_1363, %get3A_1364] {strides = array<i32>} : memref<128x128xf32, #tpu.memory_space<vmem>>, vector<1x16xf32>,
      %get3A_1366 = vector.shape_cast %get3A_1365 : vector<1x16xf32> to vector<16xf32>
      %get3A_1367 = arith.constant 0 : i32
      %get3A_1368 = arith.index_cast %get3A_1367 : i32 to index
      %get3A_1369 = arith.constant 112 : index
      %get3A_1370 = tpu.vector_load %arg11[%get3A_1368, %get3A_1369] {strides = array<i32>} : memref<128x128xf32, #tpu.memory_space<vmem>>, vector<1x16xf32>,
      %get3A_1371 = vector.shape_cast %get3A_1370 : vector<1x16xf32> to vector<16xf32>
      %scan3A_1372 = arith.constant 1 : i32
      %scan3A_1373 = arith.constant 31 : i32
      %scan3A_1374 = arith.addi %scan3A_1372, %scan3A_1373 : i32
      %scan3A_1375 = arith.constant 1 : i32
      %scan3A_1376:8 = scf.for %scan3A_1715 = %scan3A_1372 to %scan3A_1374 step %scan3A_1375 iter_args(%scan3A_1716 = %get3A_1336, %scan3A_1717 = %get3A_1341, %scan3A_1718 = %get3A_1346, %scan3A_1719 = %get3A_1351, %scan3A_1720 = %get3A_1356, %scan3A_1721 = %get3A_1361, %scan3A_1722 = %get3A_1366, %scan3A_1723 = %get3A_1371) -> (vector<16xf32>, vector<16xf32>, vector<16xf32>, vector<16xf32>, vector<16xf32>, vector<16xf32>, vector<16xf32>, vector<16xf32>)  : i32 {
        %add3A_1724 = arith.constant 0 : i32
        %add3A_1725 = arith.addi %add3A_1724, %scan3A_1715 : i32
        %get3A_1726 = arith.index_cast %add3A_1725 : i32 to index
        %get3A_1727 = arith.constant 0 : index
        %get3A_1728 = tpu.vector_load %arg11[%get3A_1726, %get3A_1727] {strides = array<i32>} : memref<128x128xf32, #tpu.memory_space<vmem>>, vector<1x16xf32>,
        %get3A_1729 = vector.shape_cast %get3A_1728 : vector<1x16xf32> to vector<16xf32>
        %max3A = arith.maximumf %scan3A_1716, %get3A_1729 : vector<16xf32>
        %add3A_1730 = arith.constant 0 : i32
        %add3A_1731 = arith.addi %add3A_1730, %scan3A_1715 : i32
        %get3A_1732 = arith.index_cast %add3A_1731 : i32 to index
        %get3A_1733 = arith.constant 16 : index
        %get3A_1734 = tpu.vector_load %arg11[%get3A_1732, %get3A_1733] {strides = array<i32>} : memref<128x128xf32, #tpu.memory_space<vmem>>, vector<1x16xf32>,
        %get3A_1735 = vector.shape_cast %get3A_1734 : vector<1x16xf32> to vector<16xf32>
        %max3A_1736 = arith.maximumf %scan3A_1717, %get3A_1735 : vector<16xf32>
        %add3A_1737 = arith.constant 0 : i32
        %add3A_1738 = arith.addi %add3A_1737, %scan3A_1715 : i32
        %get3A_1739 = arith.index_cast %add3A_1738 : i32 to index
        %get3A_1740 = arith.constant 32 : index
        %get3A_1741 = tpu.vector_load %arg11[%get3A_1739, %get3A_1740] {strides = array<i32>} : memref<128x128xf32, #tpu.memory_space<vmem>>, vector<1x16xf32>,
        %get3A_1742 = vector.shape_cast %get3A_1741 : vector<1x16xf32> to vector<16xf32>
        %max3A_1743 = arith.maximumf %scan3A_1718, %get3A_1742 : vector<16xf32>
        %add3A_1744 = arith.constant 0 : i32
        %add3A_1745 = arith.addi %add3A_1744, %scan3A_1715 : i32
        %get3A_1746 = arith.index_cast %add3A_1745 : i32 to index
        %get3A_1747 = arith.constant 48 : index
        %get3A_1748 = tpu.vector_load %arg11[%get3A_1746, %get3A_1747] {strides = array<i32>} : memref<128x128xf32, #tpu.memory_space<vmem>>, vector<1x16xf32>,
        %get3A_1749 = vector.shape_cast %get3A_1748 : vector<1x16xf32> to vector<16xf32>
        %max3A_1750 = arith.maximumf %scan3A_1719, %get3A_1749 : vector<16xf32>
        %add3A_1751 = arith.constant 0 : i32
        %add3A_1752 = arith.addi %add3A_1751, %scan3A_1715 : i32
        %get3A_1753 = arith.index_cast %add3A_1752 : i32 to index
        %get3A_1754 = arith.constant 64 : index
        %get3A_1755 = tpu.vector_load %arg11[%get3A_1753, %get3A_1754] {strides = array<i32>} : memref<128x128xf32, #tpu.memory_space<vmem>>, vector<1x16xf32>,
        %get3A_1756 = vector.shape_cast %get3A_1755 : vector<1x16xf32> to vector<16xf32>
        %max3A_1757 = arith.maximumf %scan3A_1720, %get3A_1756 : vector<16xf32>
        %add3A_1758 = arith.constant 0 : i32
        %add3A_1759 = arith.addi %add3A_1758, %scan3A_1715 : i32
        %get3A_1760 = arith.index_cast %add3A_1759 : i32 to index
        %get3A_1761 = arith.constant 80 : index
        %get3A_1762 = tpu.vector_load %arg11[%get3A_1760, %get3A_1761] {strides = array<i32>} : memref<128x128xf32, #tpu.memory_space<vmem>>, vector<1x16xf32>,
        %get3A_1763 = vector.shape_cast %get3A_1762 : vector<1x16xf32> to vector<16xf32>
        %max3A_1764 = arith.maximumf %scan3A_1721, %get3A_1763 : vector<16xf32>
        %add3A_1765 = arith.constant 0 : i32
        %add3A_1766 = arith.addi %add3A_1765, %scan3A_1715 : i32
        %get3A_1767 = arith.index_cast %add3A_1766 : i32 to index
        %get3A_1768 = arith.constant 96 : index
        %get3A_1769 = tpu.vector_load %arg11[%get3A_1767, %get3A_1768] {strides = array<i32>} : memref<128x128xf32, #tpu.memory_space<vmem>>, vector<1x16xf32>,
        %get3A_1770 = vector.shape_cast %get3A_1769 : vector<1x16xf32> to vector<16xf32>
        %max3A_1771 = arith.maximumf %scan3A_1722, %get3A_1770 : vector<16xf32>
        %add3A_1772 = arith.constant 0 : i32
        %add3A_1773 = arith.addi %add3A_1772, %scan3A_1715 : i32
        %get3A_1774 = arith.index_cast %add3A_1773 : i32 to index
        %get3A_1775 = arith.constant 112 : index
        %get3A_1776 = tpu.vector_load %arg11[%get3A_1774, %get3A_1775] {strides = array<i32>} : memref<128x128xf32, #tpu.memory_space<vmem>>, vector<1x16xf32>,
        %get3A_1777 = vector.shape_cast %get3A_1776 : vector<1x16xf32> to vector<16xf32>
        %max3A_1778 = arith.maximumf %scan3A_1723, %get3A_1777 : vector<16xf32>
        scf.yield %max3A, %max3A_1736, %max3A_1743, %max3A_1750, %max3A_1757, %max3A_1764, %max3A_1771, %max3A_1778 : vector<16xf32>, vector<16xf32>, vector<16xf32>, vector<16xf32>, vector<16xf32>, vector<16xf32>, vector<16xf32>, vector<16xf32>
      }
      %scan3A_1377 = arith.constant 31 : i32
      %swap3A_1378 = arith.constant 0 : i32
      %swap3A_1379 = arith.index_cast %swap3A_1378 : i32 to index
      %swap3A_1380 = arith.constant 0 : index
      %swap3A_1381 = tpu.vector_load %arg15[%swap3A_1379, %swap3A_1380] {strides = array<i32>} : memref<4x128xf32, #tpu.memory_space<vmem>>, vector<1x16xf32>,
      %swap3A_1382 = vector.shape_cast %swap3A_1381 : vector<1x16xf32> to vector<16xf32>
      %swap3A_1383 = vector.shape_cast %scan3A_1376#0 : vector<16xf32> to vector<1x16xf32>
      tpu.vector_store %arg15[%swap3A_1379, %swap3A_1380], %swap3A_1383 {strides = array<i32>} : memref<4x128xf32, #tpu.memory_space<vmem>>, vector<1x16xf32>,
      %swap3A_1384 = arith.constant 0 : i32
      %swap3A_1385 = arith.index_cast %swap3A_1384 : i32 to index
      %swap3A_1386 = arith.constant 16 : index
      %swap3A_1387 = tpu.vector_load %arg15[%swap3A_1385, %swap3A_1386] {strides = array<i32>} : memref<4x128xf32, #tpu.memory_space<vmem>>, vector<1x16xf32>,
      %swap3A_1388 = vector.shape_cast %swap3A_1387 : vector<1x16xf32> to vector<16xf32>
      %swap3A_1389 = vector.shape_cast %scan3A_1376#1 : vector<16xf32> to vector<1x16xf32>
      tpu.vector_store %arg15[%swap3A_1385, %swap3A_1386], %swap3A_1389 {strides = array<i32>} : memref<4x128xf32, #tpu.memory_space<vmem>>, vector<1x16xf32>,
      %swap3A_1390 = arith.constant 0 : i32
      %swap3A_1391 = arith.index_cast %swap3A_1390 : i32 to index
      %swap3A_1392 = arith.constant 32 : index
      %swap3A_1393 = tpu.vector_load %arg15[%swap3A_1391, %swap3A_1392] {strides = array<i32>} : memref<4x128xf32, #tpu.memory_space<vmem>>, vector<1x16xf32>,
      %swap3A_1394 = vector.shape_cast %swap3A_1393 : vector<1x16xf32> to vector<16xf32>
      %swap3A_1395 = vector.shape_cast %scan3A_1376#2 : vector<16xf32> to vector<1x16xf32>
      tpu.vector_store %arg15[%swap3A_1391, %swap3A_1392], %swap3A_1395 {strides = array<i32>} : memref<4x128xf32, #tpu.memory_space<vmem>>, vector<1x16xf32>,
      %swap3A_1396 = arith.constant 0 : i32
      %swap3A_1397 = arith.index_cast %swap3A_1396 : i32 to index
      %swap3A_1398 = arith.constant 48 : index
      %swap3A_1399 = tpu.vector_load %arg15[%swap3A_1397, %swap3A_1398] {strides = array<i32>} : memref<4x128xf32, #tpu.memory_space<vmem>>, vector<1x16xf32>,
      %swap3A_1400 = vector.shape_cast %swap3A_1399 : vector<1x16xf32> to vector<16xf32>
      %swap3A_1401 = vector.shape_cast %scan3A_1376#3 : vector<16xf32> to vector<1x16xf32>
      tpu.vector_store %arg15[%swap3A_1397, %swap3A_1398], %swap3A_1401 {strides = array<i32>} : memref<4x128xf32, #tpu.memory_space<vmem>>, vector<1x16xf32>,
      %swap3A_1402 = arith.constant 0 : i32
      %swap3A_1403 = arith.index_cast %swap3A_1402 : i32 to index
      %swap3A_1404 = arith.constant 64 : index
      %swap3A_1405 = tpu.vector_load %arg15[%swap3A_1403, %swap3A_1404] {strides = array<i32>} : memref<4x128xf32, #tpu.memory_space<vmem>>, vector<1x16xf32>,
      %swap3A_1406 = vector.shape_cast %swap3A_1405 : vector<1x16xf32> to vector<16xf32>
      %swap3A_1407 = vector.shape_cast %scan3A_1376#4 : vector<16xf32> to vector<1x16xf32>
      tpu.vector_store %arg15[%swap3A_1403, %swap3A_1404], %swap3A_1407 {strides = array<i32>} : memref<4x128xf32, #tpu.memory_space<vmem>>, vector<1x16xf32>,
      %swap3A_1408 = arith.constant 0 : i32
      %swap3A_1409 = arith.index_cast %swap3A_1408 : i32 to index
      %swap3A_1410 = arith.constant 80 : index
      %swap3A_1411 = tpu.vector_load %arg15[%swap3A_1409, %swap3A_1410] {strides = array<i32>} : memref<4x128xf32, #tpu.memory_space<vmem>>, vector<1x16xf32>,
      %swap3A_1412 = vector.shape_cast %swap3A_1411 : vector<1x16xf32> to vector<16xf32>
      %swap3A_1413 = vector.shape_cast %scan3A_1376#5 : vector<16xf32> to vector<1x16xf32>
      tpu.vector_store %arg15[%swap3A_1409, %swap3A_1410], %swap3A_1413 {strides = array<i32>} : memref<4x128xf32, #tpu.memory_space<vmem>>, vector<1x16xf32>,
      %swap3A_1414 = arith.constant 0 : i32
      %swap3A_1415 = arith.index_cast %swap3A_1414 : i32 to index
      %swap3A_1416 = arith.constant 96 : index
      %swap3A_1417 = tpu.vector_load %arg15[%swap3A_1415, %swap3A_1416] {strides = array<i32>} : memref<4x128xf32, #tpu.memory_space<vmem>>, vector<1x16xf32>,
      %swap3A_1418 = vector.shape_cast %swap3A_1417 : vector<1x16xf32> to vector<16xf32>
      %swap3A_1419 = vector.shape_cast %scan3A_1376#6 : vector<16xf32> to vector<1x16xf32>
      tpu.vector_store %arg15[%swap3A_1415, %swap3A_1416], %swap3A_1419 {strides = array<i32>} : memref<4x128xf32, #tpu.memory_space<vmem>>, vector<1x16xf32>,
      %swap3A_1420 = arith.constant 0 : i32
      %swap3A_1421 = arith.index_cast %swap3A_1420 : i32 to index
      %swap3A_1422 = arith.constant 112 : index
      %swap3A_1423 = tpu.vector_load %arg15[%swap3A_1421, %swap3A_1422] {strides = array<i32>} : memref<4x128xf32, #tpu.memory_space<vmem>>, vector<1x16xf32>,
      %swap3A_1424 = vector.shape_cast %swap3A_1423 : vector<1x16xf32> to vector<16xf32>
      %swap3A_1425 = vector.shape_cast %scan3A_1376#7 : vector<16xf32> to vector<1x16xf32>
      tpu.vector_store %arg15[%swap3A_1421, %swap3A_1422], %swap3A_1425 {strides = array<i32>} : memref<4x128xf32, #tpu.memory_space<vmem>>, vector<1x16xf32>,
      %get3A_1426 = arith.constant 32 : i32
      %get3A_1427 = arith.index_cast %get3A_1426 : i32 to index
      %get3A_1428 = arith.constant 0 : index
      %get3A_1429 = tpu.vector_load %arg11[%get3A_1427, %get3A_1428] {strides = array<i32>} : memref<128x128xf32, #tpu.memory_space<vmem>>, vector<1x16xf32>,
      %get3A_1430 = vector.shape_cast %get3A_1429 : vector<1x16xf32> to vector<16xf32>
      %get3A_1431 = arith.constant 32 : i32
      %get3A_1432 = arith.index_cast %get3A_1431 : i32 to index
      %get3A_1433 = arith.constant 16 : index
      %get3A_1434 = tpu.vector_load %arg11[%get3A_1432, %get3A_1433] {strides = array<i32>} : memref<128x128xf32, #tpu.memory_space<vmem>>, vector<1x16xf32>,
      %get3A_1435 = vector.shape_cast %get3A_1434 : vector<1x16xf32> to vector<16xf32>
      %get3A_1436 = arith.constant 32 : i32
      %get3A_1437 = arith.index_cast %get3A_1436 : i32 to index
      %get3A_1438 = arith.constant 32 : index
      %get3A_1439 = tpu.vector_load %arg11[%get3A_1437, %get3A_1438] {strides = array<i32>} : memref<128x128xf32, #tpu.memory_space<vmem>>, vector<1x16xf32>,
      %get3A_1440 = vector.shape_cast %get3A_1439 : vector<1x16xf32> to vector<16xf32>
      %get3A_1441 = arith.constant 32 : i32
      %get3A_1442 = arith.index_cast %get3A_1441 : i32 to index
      %get3A_1443 = arith.constant 48 : index
      %get3A_1444 = tpu.vector_load %arg11[%get3A_1442, %get3A_1443] {strides = array<i32>} : memref<128x128xf32, #tpu.memory_space<vmem>>, vector<1x16xf32>,
      %get3A_1445 = vector.shape_cast %get3A_1444 : vector<1x16xf32> to vector<16xf32>
      %get3A_1446 = arith.constant 32 : i32
      %get3A_1447 = arith.index_cast %get3A_1446 : i32 to index
      %get3A_1448 = arith.constant 64 : index
      %get3A_1449 = tpu.vector_load %arg11[%get3A_1447, %get3A_1448] {strides = array<i32>} : memref<128x128xf32, #tpu.memory_space<vmem>>, vector<1x16xf32>,
      %get3A_1450 = vector.shape_cast %get3A_1449 : vector<1x16xf32> to vector<16xf32>
      %get3A_1451 = arith.constant 32 : i32
      %get3A_1452 = arith.index_cast %get3A_1451 : i32 to index
      %get3A_1453 = arith.constant 80 : index
      %get3A_1454 = tpu.vector_load %arg11[%get3A_1452, %get3A_1453] {strides = array<i32>} : memref<128x128xf32, #tpu.memory_space<vmem>>, vector<1x16xf32>,
      %get3A_1455 = vector.shape_cast %get3A_1454 : vector<1x16xf32> to vector<16xf32>
      %get3A_1456 = arith.constant 32 : i32
      %get3A_1457 = arith.index_cast %get3A_1456 : i32 to index
      %get3A_1458 = arith.constant 96 : index
      %get3A_1459 = tpu.vector_load %arg11[%get3A_1457, %get3A_1458] {strides = array<i32>} : memref<128x128xf32, #tpu.memory_space<vmem>>, vector<1x16xf32>,
      %get3A_1460 = vector.shape_cast %get3A_1459 : vector<1x16xf32> to vector<16xf32>
      %get3A_1461 = arith.constant 32 : i32
      %get3A_1462 = arith.index_cast %get3A_1461 : i32 to index
      %get3A_1463 = arith.constant 112 : index
      %get3A_1464 = tpu.vector_load %arg11[%get3A_1462, %get3A_1463] {strides = array<i32>} : memref<128x128xf32, #tpu.memory_space<vmem>>, vector<1x16xf32>,
      %get3A_1465 = vector.shape_cast %get3A_1464 : vector<1x16xf32> to vector<16xf32>
      %scan3A_1466 = arith.constant 1 : i32
      %scan3A_1467 = arith.constant 31 : i32
      %scan3A_1468 = arith.addi %scan3A_1466, %scan3A_1467 : i32
      %scan3A_1469 = arith.constant 1 : i32
      %scan3A_1470:8 = scf.for %scan3A_1715 = %scan3A_1466 to %scan3A_1468 step %scan3A_1469 iter_args(%scan3A_1716 = %get3A_1430, %scan3A_1717 = %get3A_1435, %scan3A_1718 = %get3A_1440, %scan3A_1719 = %get3A_1445, %scan3A_1720 = %get3A_1450, %scan3A_1721 = %get3A_1455, %scan3A_1722 = %get3A_1460, %scan3A_1723 = %get3A_1465) -> (vector<16xf32>, vector<16xf32>, vector<16xf32>, vector<16xf32>, vector<16xf32>, vector<16xf32>, vector<16xf32>, vector<16xf32>)  : i32 {
        %add3A_1724 = arith.constant 32 : i32
        %add3A_1725 = arith.addi %add3A_1724, %scan3A_1715 : i32
        %get3A_1726 = arith.index_cast %add3A_1725 : i32 to index
        %get3A_1727 = arith.constant 0 : index
        %get3A_1728 = tpu.vector_load %arg11[%get3A_1726, %get3A_1727] {strides = array<i32>} : memref<128x128xf32, #tpu.memory_space<vmem>>, vector<1x16xf32>,
        %get3A_1729 = vector.shape_cast %get3A_1728 : vector<1x16xf32> to vector<16xf32>
        %max3A = arith.maximumf %scan3A_1716, %get3A_1729 : vector<16xf32>
        %add3A_1730 = arith.constant 32 : i32
        %add3A_1731 = arith.addi %add3A_1730, %scan3A_1715 : i32
        %get3A_1732 = arith.index_cast %add3A_1731 : i32 to index
        %get3A_1733 = arith.constant 16 : index
        %get3A_1734 = tpu.vector_load %arg11[%get3A_1732, %get3A_1733] {strides = array<i32>} : memref<128x128xf32, #tpu.memory_space<vmem>>, vector<1x16xf32>,
        %get3A_1735 = vector.shape_cast %get3A_1734 : vector<1x16xf32> to vector<16xf32>
        %max3A_1736 = arith.maximumf %scan3A_1717, %get3A_1735 : vector<16xf32>
        %add3A_1737 = arith.constant 32 : i32
        %add3A_1738 = arith.addi %add3A_1737, %scan3A_1715 : i32
        %get3A_1739 = arith.index_cast %add3A_1738 : i32 to index
        %get3A_1740 = arith.constant 32 : index
        %get3A_1741 = tpu.vector_load %arg11[%get3A_1739, %get3A_1740] {strides = array<i32>} : memref<128x128xf32, #tpu.memory_space<vmem>>, vector<1x16xf32>,
        %get3A_1742 = vector.shape_cast %get3A_1741 : vector<1x16xf32> to vector<16xf32>
        %max3A_1743 = arith.maximumf %scan3A_1718, %get3A_1742 : vector<16xf32>
        %add3A_1744 = arith.constant 32 : i32
        %add3A_1745 = arith.addi %add3A_1744, %scan3A_1715 : i32
        %get3A_1746 = arith.index_cast %add3A_1745 : i32 to index
        %get3A_1747 = arith.constant 48 : index
        %get3A_1748 = tpu.vector_load %arg11[%get3A_1746, %get3A_1747] {strides = array<i32>} : memref<128x128xf32, #tpu.memory_space<vmem>>, vector<1x16xf32>,
        %get3A_1749 = vector.shape_cast %get3A_1748 : vector<1x16xf32> to vector<16xf32>
        %max3A_1750 = arith.maximumf %scan3A_1719, %get3A_1749 : vector<16xf32>
        %add3A_1751 = arith.constant 32 : i32
        %add3A_1752 = arith.addi %add3A_1751, %scan3A_1715 : i32
        %get3A_1753 = arith.index_cast %add3A_1752 : i32 to index
        %get3A_1754 = arith.constant 64 : index
        %get3A_1755 = tpu.vector_load %arg11[%get3A_1753, %get3A_1754] {strides = array<i32>} : memref<128x128xf32, #tpu.memory_space<vmem>>, vector<1x16xf32>,
        %get3A_1756 = vector.shape_cast %get3A_1755 : vector<1x16xf32> to vector<16xf32>
        %max3A_1757 = arith.maximumf %scan3A_1720, %get3A_1756 : vector<16xf32>
        %add3A_1758 = arith.constant 32 : i32
        %add3A_1759 = arith.addi %add3A_1758, %scan3A_1715 : i32
        %get3A_1760 = arith.index_cast %add3A_1759 : i32 to index
        %get3A_1761 = arith.constant 80 : index
        %get3A_1762 = tpu.vector_load %arg11[%get3A_1760, %get3A_1761] {strides = array<i32>} : memref<128x128xf32, #tpu.memory_space<vmem>>, vector<1x16xf32>,
        %get3A_1763 = vector.shape_cast %get3A_1762 : vector<1x16xf32> to vector<16xf32>
        %max3A_1764 = arith.maximumf %scan3A_1721, %get3A_1763 : vector<16xf32>
        %add3A_1765 = arith.constant 32 : i32
        %add3A_1766 = arith.addi %add3A_1765, %scan3A_1715 : i32
        %get3A_1767 = arith.index_cast %add3A_1766 : i32 to index
        %get3A_1768 = arith.constant 96 : index
        %get3A_1769 = tpu.vector_load %arg11[%get3A_1767, %get3A_1768] {strides = array<i32>} : memref<128x128xf32, #tpu.memory_space<vmem>>, vector<1x16xf32>,
        %get3A_1770 = vector.shape_cast %get3A_1769 : vector<1x16xf32> to vector<16xf32>
        %max3A_1771 = arith.maximumf %scan3A_1722, %get3A_1770 : vector<16xf32>
        %add3A_1772 = arith.constant 32 : i32
        %add3A_1773 = arith.addi %add3A_1772, %scan3A_1715 : i32
        %get3A_1774 = arith.index_cast %add3A_1773 : i32 to index
        %get3A_1775 = arith.constant 112 : index
        %get3A_1776 = tpu.vector_load %arg11[%get3A_1774, %get3A_1775] {strides = array<i32>} : memref<128x128xf32, #tpu.memory_space<vmem>>, vector<1x16xf32>,
        %get3A_1777 = vector.shape_cast %get3A_1776 : vector<1x16xf32> to vector<16xf32>
        %max3A_1778 = arith.maximumf %scan3A_1723, %get3A_1777 : vector<16xf32>
        scf.yield %max3A, %max3A_1736, %max3A_1743, %max3A_1750, %max3A_1757, %max3A_1764, %max3A_1771, %max3A_1778 : vector<16xf32>, vector<16xf32>, vector<16xf32>, vector<16xf32>, vector<16xf32>, vector<16xf32>, vector<16xf32>, vector<16xf32>
      }
      %scan3A_1471 = arith.constant 31 : i32
      %swap3A_1472 = arith.constant 1 : i32
      %swap3A_1473 = arith.index_cast %swap3A_1472 : i32 to index
      %swap3A_1474 = arith.constant 0 : index
      %swap3A_1475 = tpu.vector_load %arg15[%swap3A_1473, %swap3A_1474] {strides = array<i32>} : memref<4x128xf32, #tpu.memory_space<vmem>>, vector<1x16xf32>,
      %swap3A_1476 = vector.shape_cast %swap3A_1475 : vector<1x16xf32> to vector<16xf32>
      %swap3A_1477 = vector.shape_cast %scan3A_1470#0 : vector<16xf32> to vector<1x16xf32>
      tpu.vector_store %arg15[%swap3A_1473, %swap3A_1474], %swap3A_1477 {strides = array<i32>} : memref<4x128xf32, #tpu.memory_space<vmem>>, vector<1x16xf32>,
      %swap3A_1478 = arith.constant 1 : i32
      %swap3A_1479 = arith.index_cast %swap3A_1478 : i32 to index
      %swap3A_1480 = arith.constant 16 : index
      %swap3A_1481 = tpu.vector_load %arg15[%swap3A_1479, %swap3A_1480] {strides = array<i32>} : memref<4x128xf32, #tpu.memory_space<vmem>>, vector<1x16xf32>,
      %swap3A_1482 = vector.shape_cast %swap3A_1481 : vector<1x16xf32> to vector<16xf32>
      %swap3A_1483 = vector.shape_cast %scan3A_1470#1 : vector<16xf32> to vector<1x16xf32>
      tpu.vector_store %arg15[%swap3A_1479, %swap3A_1480], %swap3A_1483 {strides = array<i32>} : memref<4x128xf32, #tpu.memory_space<vmem>>, vector<1x16xf32>,
      %swap3A_1484 = arith.constant 1 : i32
      %swap3A_1485 = arith.index_cast %swap3A_1484 : i32 to index
      %swap3A_1486 = arith.constant 32 : index
      %swap3A_1487 = tpu.vector_load %arg15[%swap3A_1485, %swap3A_1486] {strides = array<i32>} : memref<4x128xf32, #tpu.memory_space<vmem>>, vector<1x16xf32>,
      %swap3A_1488 = vector.shape_cast %swap3A_1487 : vector<1x16xf32> to vector<16xf32>
      %swap3A_1489 = vector.shape_cast %scan3A_1470#2 : vector<16xf32> to vector<1x16xf32>
      tpu.vector_store %arg15[%swap3A_1485, %swap3A_1486], %swap3A_1489 {strides = array<i32>} : memref<4x128xf32, #tpu.memory_space<vmem>>, vector<1x16xf32>,
      %swap3A_1490 = arith.constant 1 : i32
      %swap3A_1491 = arith.index_cast %swap3A_1490 : i32 to index
      %swap3A_1492 = arith.constant 48 : index
      %swap3A_1493 = tpu.vector_load %arg15[%swap3A_1491, %swap3A_1492] {strides = array<i32>} : memref<4x128xf32, #tpu.memory_space<vmem>>, vector<1x16xf32>,
      %swap3A_1494 = vector.shape_cast %swap3A_1493 : vector<1x16xf32> to vector<16xf32>
      %swap3A_1495 = vector.shape_cast %scan3A_1470#3 : vector<16xf32> to vector<1x16xf32>
      tpu.vector_store %arg15[%swap3A_1491, %swap3A_1492], %swap3A_1495 {strides = array<i32>} : memref<4x128xf32, #tpu.memory_space<vmem>>, vector<1x16xf32>,
      %swap3A_1496 = arith.constant 1 : i32
      %swap3A_1497 = arith.index_cast %swap3A_1496 : i32 to index
      %swap3A_1498 = arith.constant 64 : index
      %swap3A_1499 = tpu.vector_load %arg15[%swap3A_1497, %swap3A_1498] {strides = array<i32>} : memref<4x128xf32, #tpu.memory_space<vmem>>, vector<1x16xf32>,
      %swap3A_1500 = vector.shape_cast %swap3A_1499 : vector<1x16xf32> to vector<16xf32>
      %swap3A_1501 = vector.shape_cast %scan3A_1470#4 : vector<16xf32> to vector<1x16xf32>
      tpu.vector_store %arg15[%swap3A_1497, %swap3A_1498], %swap3A_1501 {strides = array<i32>} : memref<4x128xf32, #tpu.memory_space<vmem>>, vector<1x16xf32>,
      %swap3A_1502 = arith.constant 1 : i32
      %swap3A_1503 = arith.index_cast %swap3A_1502 : i32 to index
      %swap3A_1504 = arith.constant 80 : index
      %swap3A_1505 = tpu.vector_load %arg15[%swap3A_1503, %swap3A_1504] {strides = array<i32>} : memref<4x128xf32, #tpu.memory_space<vmem>>, vector<1x16xf32>,
      %swap3A_1506 = vector.shape_cast %swap3A_1505 : vector<1x16xf32> to vector<16xf32>
      %swap3A_1507 = vector.shape_cast %scan3A_1470#5 : vector<16xf32> to vector<1x16xf32>
      tpu.vector_store %arg15[%swap3A_1503, %swap3A_1504], %swap3A_1507 {strides = array<i32>} : memref<4x128xf32, #tpu.memory_space<vmem>>, vector<1x16xf32>,
      %swap3A_1508 = arith.constant 1 : i32
      %swap3A_1509 = arith.index_cast %swap3A_1508 : i32 to index
      %swap3A_1510 = arith.constant 96 : index
      %swap3A_1511 = tpu.vector_load %arg15[%swap3A_1509, %swap3A_1510] {strides = array<i32>} : memref<4x128xf32, #tpu.memory_space<vmem>>, vector<1x16xf32>,
      %swap3A_1512 = vector.shape_cast %swap3A_1511 : vector<1x16xf32> to vector<16xf32>
      %swap3A_1513 = vector.shape_cast %scan3A_1470#6 : vector<16xf32> to vector<1x16xf32>
      tpu.vector_store %arg15[%swap3A_1509, %swap3A_1510], %swap3A_1513 {strides = array<i32>} : memref<4x128xf32, #tpu.memory_space<vmem>>, vector<1x16xf32>,
      %swap3A_1514 = arith.constant 1 : i32
      %swap3A_1515 = arith.index_cast %swap3A_1514 : i32 to index
      %swap3A_1516 = arith.constant 112 : index
      %swap3A_1517 = tpu.vector_load %arg15[%swap3A_1515, %swap3A_1516] {strides = array<i32>} : memref<4x128xf32, #tpu.memory_space<vmem>>, vector<1x16xf32>,
      %swap3A_1518 = vector.shape_cast %swap3A_1517 : vector<1x16xf32> to vector<16xf32>
      %swap3A_1519 = vector.shape_cast %scan3A_1470#7 : vector<16xf32> to vector<1x16xf32>
      tpu.vector_store %arg15[%swap3A_1515, %swap3A_1516], %swap3A_1519 {strides = array<i32>} : memref<4x128xf32, #tpu.memory_space<vmem>>, vector<1x16xf32>,
      %get3A_1520 = arith.constant 64 : i32
      %get3A_1521 = arith.index_cast %get3A_1520 : i32 to index
      %get3A_1522 = arith.constant 0 : index
      %get3A_1523 = tpu.vector_load %arg11[%get3A_1521, %get3A_1522] {strides = array<i32>} : memref<128x128xf32, #tpu.memory_space<vmem>>, vector<1x16xf32>,
      %get3A_1524 = vector.shape_cast %get3A_1523 : vector<1x16xf32> to vector<16xf32>
      %get3A_1525 = arith.constant 64 : i32
      %get3A_1526 = arith.index_cast %get3A_1525 : i32 to index
      %get3A_1527 = arith.constant 16 : index
      %get3A_1528 = tpu.vector_load %arg11[%get3A_1526, %get3A_1527] {strides = array<i32>} : memref<128x128xf32, #tpu.memory_space<vmem>>, vector<1x16xf32>,
      %get3A_1529 = vector.shape_cast %get3A_1528 : vector<1x16xf32> to vector<16xf32>
      %get3A_1530 = arith.constant 64 : i32
      %get3A_1531 = arith.index_cast %get3A_1530 : i32 to index
      %get3A_1532 = arith.constant 32 : index
      %get3A_1533 = tpu.vector_load %arg11[%get3A_1531, %get3A_1532] {strides = array<i32>} : memref<128x128xf32, #tpu.memory_space<vmem>>, vector<1x16xf32>,
      %get3A_1534 = vector.shape_cast %get3A_1533 : vector<1x16xf32> to vector<16xf32>
      %get3A_1535 = arith.constant 64 : i32
      %get3A_1536 = arith.index_cast %get3A_1535 : i32 to index
      %get3A_1537 = arith.constant 48 : index
      %get3A_1538 = tpu.vector_load %arg11[%get3A_1536, %get3A_1537] {strides = array<i32>} : memref<128x128xf32, #tpu.memory_space<vmem>>, vector<1x16xf32>,
      %get3A_1539 = vector.shape_cast %get3A_1538 : vector<1x16xf32> to vector<16xf32>
      %get3A_1540 = arith.constant 64 : i32
      %get3A_1541 = arith.index_cast %get3A_1540 : i32 to index
      %get3A_1542 = arith.constant 64 : index
      %get3A_1543 = tpu.vector_load %arg11[%get3A_1541, %get3A_1542] {strides = array<i32>} : memref<128x128xf32, #tpu.memory_space<vmem>>, vector<1x16xf32>,
      %get3A_1544 = vector.shape_cast %get3A_1543 : vector<1x16xf32> to vector<16xf32>
      %get3A_1545 = arith.constant 64 : i32
      %get3A_1546 = arith.index_cast %get3A_1545 : i32 to index
      %get3A_1547 = arith.constant 80 : index
      %get3A_1548 = tpu.vector_load %arg11[%get3A_1546, %get3A_1547] {strides = array<i32>} : memref<128x128xf32, #tpu.memory_space<vmem>>, vector<1x16xf32>,
      %get3A_1549 = vector.shape_cast %get3A_1548 : vector<1x16xf32> to vector<16xf32>
      %get3A_1550 = arith.constant 64 : i32
      %get3A_1551 = arith.index_cast %get3A_1550 : i32 to index
      %get3A_1552 = arith.constant 96 : index
      %get3A_1553 = tpu.vector_load %arg11[%get3A_1551, %get3A_1552] {strides = array<i32>} : memref<128x128xf32, #tpu.memory_space<vmem>>, vector<1x16xf32>,
      %get3A_1554 = vector.shape_cast %get3A_1553 : vector<1x16xf32> to vector<16xf32>
      %get3A_1555 = arith.constant 64 : i32
      %get3A_1556 = arith.index_cast %get3A_1555 : i32 to index
      %get3A_1557 = arith.constant 112 : index
      %get3A_1558 = tpu.vector_load %arg11[%get3A_1556, %get3A_1557] {strides = array<i32>} : memref<128x128xf32, #tpu.memory_space<vmem>>, vector<1x16xf32>,
      %get3A_1559 = vector.shape_cast %get3A_1558 : vector<1x16xf32> to vector<16xf32>
      %scan3A_1560 = arith.constant 1 : i32
      %scan3A_1561 = arith.constant 31 : i32
      %scan3A_1562 = arith.addi %scan3A_1560, %scan3A_1561 : i32
      %scan3A_1563 = arith.constant 1 : i32
      %scan3A_1564:8 = scf.for %scan3A_1715 = %scan3A_1560 to %scan3A_1562 step %scan3A_1563 iter_args(%scan3A_1716 = %get3A_1524, %scan3A_1717 = %get3A_1529, %scan3A_1718 = %get3A_1534, %scan3A_1719 = %get3A_1539, %scan3A_1720 = %get3A_1544, %scan3A_1721 = %get3A_1549, %scan3A_1722 = %get3A_1554, %scan3A_1723 = %get3A_1559) -> (vector<16xf32>, vector<16xf32>, vector<16xf32>, vector<16xf32>, vector<16xf32>, vector<16xf32>, vector<16xf32>, vector<16xf32>)  : i32 {
        %add3A_1724 = arith.constant 64 : i32
        %add3A_1725 = arith.addi %add3A_1724, %scan3A_1715 : i32
        %get3A_1726 = arith.index_cast %add3A_1725 : i32 to index
        %get3A_1727 = arith.constant 0 : index
        %get3A_1728 = tpu.vector_load %arg11[%get3A_1726, %get3A_1727] {strides = array<i32>} : memref<128x128xf32, #tpu.memory_space<vmem>>, vector<1x16xf32>,
        %get3A_1729 = vector.shape_cast %get3A_1728 : vector<1x16xf32> to vector<16xf32>
        %max3A = arith.maximumf %scan3A_1716, %get3A_1729 : vector<16xf32>
        %add3A_1730 = arith.constant 64 : i32
        %add3A_1731 = arith.addi %add3A_1730, %scan3A_1715 : i32
        %get3A_1732 = arith.index_cast %add3A_1731 : i32 to index
        %get3A_1733 = arith.constant 16 : index
        %get3A_1734 = tpu.vector_load %arg11[%get3A_1732, %get3A_1733] {strides = array<i32>} : memref<128x128xf32, #tpu.memory_space<vmem>>, vector<1x16xf32>,
        %get3A_1735 = vector.shape_cast %get3A_1734 : vector<1x16xf32> to vector<16xf32>
        %max3A_1736 = arith.maximumf %scan3A_1717, %get3A_1735 : vector<16xf32>
        %add3A_1737 = arith.constant 64 : i32
        %add3A_1738 = arith.addi %add3A_1737, %scan3A_1715 : i32
        %get3A_1739 = arith.index_cast %add3A_1738 : i32 to index
        %get3A_1740 = arith.constant 32 : index
        %get3A_1741 = tpu.vector_load %arg11[%get3A_1739, %get3A_1740] {strides = array<i32>} : memref<128x128xf32, #tpu.memory_space<vmem>>, vector<1x16xf32>,
        %get3A_1742 = vector.shape_cast %get3A_1741 : vector<1x16xf32> to vector<16xf32>
        %max3A_1743 = arith.maximumf %scan3A_1718, %get3A_1742 : vector<16xf32>
        %add3A_1744 = arith.constant 64 : i32
        %add3A_1745 = arith.addi %add3A_1744, %scan3A_1715 : i32
        %get3A_1746 = arith.index_cast %add3A_1745 : i32 to index
        %get3A_1747 = arith.constant 48 : index
        %get3A_1748 = tpu.vector_load %arg11[%get3A_1746, %get3A_1747] {strides = array<i32>} : memref<128x128xf32, #tpu.memory_space<vmem>>, vector<1x16xf32>,
        %get3A_1749 = vector.shape_cast %get3A_1748 : vector<1x16xf32> to vector<16xf32>
        %max3A_1750 = arith.maximumf %scan3A_1719, %get3A_1749 : vector<16xf32>
        %add3A_1751 = arith.constant 64 : i32
        %add3A_1752 = arith.addi %add3A_1751, %scan3A_1715 : i32
        %get3A_1753 = arith.index_cast %add3A_1752 : i32 to index
        %get3A_1754 = arith.constant 64 : index
        %get3A_1755 = tpu.vector_load %arg11[%get3A_1753, %get3A_1754] {strides = array<i32>} : memref<128x128xf32, #tpu.memory_space<vmem>>, vector<1x16xf32>,
        %get3A_1756 = vector.shape_cast %get3A_1755 : vector<1x16xf32> to vector<16xf32>
        %max3A_1757 = arith.maximumf %scan3A_1720, %get3A_1756 : vector<16xf32>
        %add3A_1758 = arith.constant 64 : i32
        %add3A_1759 = arith.addi %add3A_1758, %scan3A_1715 : i32
        %get3A_1760 = arith.index_cast %add3A_1759 : i32 to index
        %get3A_1761 = arith.constant 80 : index
        %get3A_1762 = tpu.vector_load %arg11[%get3A_1760, %get3A_1761] {strides = array<i32>} : memref<128x128xf32, #tpu.memory_space<vmem>>, vector<1x16xf32>,
        %get3A_1763 = vector.shape_cast %get3A_1762 : vector<1x16xf32> to vector<16xf32>
        %max3A_1764 = arith.maximumf %scan3A_1721, %get3A_1763 : vector<16xf32>
        %add3A_1765 = arith.constant 64 : i32
        %add3A_1766 = arith.addi %add3A_1765, %scan3A_1715 : i32
        %get3A_1767 = arith.index_cast %add3A_1766 : i32 to index
        %get3A_1768 = arith.constant 96 : index
        %get3A_1769 = tpu.vector_load %arg11[%get3A_1767, %get3A_1768] {strides = array<i32>} : memref<128x128xf32, #tpu.memory_space<vmem>>, vector<1x16xf32>,
        %get3A_1770 = vector.shape_cast %get3A_1769 : vector<1x16xf32> to vector<16xf32>
        %max3A_1771 = arith.maximumf %scan3A_1722, %get3A_1770 : vector<16xf32>
        %add3A_1772 = arith.constant 64 : i32
        %add3A_1773 = arith.addi %add3A_1772, %scan3A_1715 : i32
        %get3A_1774 = arith.index_cast %add3A_1773 : i32 to index
        %get3A_1775 = arith.constant 112 : index
        %get3A_1776 = tpu.vector_load %arg11[%get3A_1774, %get3A_1775] {strides = array<i32>} : memref<128x128xf32, #tpu.memory_space<vmem>>, vector<1x16xf32>,
        %get3A_1777 = vector.shape_cast %get3A_1776 : vector<1x16xf32> to vector<16xf32>
        %max3A_1778 = arith.maximumf %scan3A_1723, %get3A_1777 : vector<16xf32>
        scf.yield %max3A, %max3A_1736, %max3A_1743, %max3A_1750, %max3A_1757, %max3A_1764, %max3A_1771, %max3A_1778 : vector<16xf32>, vector<16xf32>, vector<16xf32>, vector<16xf32>, vector<16xf32>, vector<16xf32>, vector<16xf32>, vector<16xf32>
      }
      %scan3A_1565 = arith.constant 31 : i32
      %swap3A_1566 = arith.constant 2 : i32
      %swap3A_1567 = arith.index_cast %swap3A_1566 : i32 to index
      %swap3A_1568 = arith.constant 0 : index
      %swap3A_1569 = tpu.vector_load %arg15[%swap3A_1567, %swap3A_1568] {strides = array<i32>} : memref<4x128xf32, #tpu.memory_space<vmem>>, vector<1x16xf32>,
      %swap3A_1570 = vector.shape_cast %swap3A_1569 : vector<1x16xf32> to vector<16xf32>
      %swap3A_1571 = vector.shape_cast %scan3A_1564#0 : vector<16xf32> to vector<1x16xf32>
      tpu.vector_store %arg15[%swap3A_1567, %swap3A_1568], %swap3A_1571 {strides = array<i32>} : memref<4x128xf32, #tpu.memory_space<vmem>>, vector<1x16xf32>,
      %swap3A_1572 = arith.constant 2 : i32
      %swap3A_1573 = arith.index_cast %swap3A_1572 : i32 to index
      %swap3A_1574 = arith.constant 16 : index
      %swap3A_1575 = tpu.vector_load %arg15[%swap3A_1573, %swap3A_1574] {strides = array<i32>} : memref<4x128xf32, #tpu.memory_space<vmem>>, vector<1x16xf32>,
      %swap3A_1576 = vector.shape_cast %swap3A_1575 : vector<1x16xf32> to vector<16xf32>
      %swap3A_1577 = vector.shape_cast %scan3A_1564#1 : vector<16xf32> to vector<1x16xf32>
      tpu.vector_store %arg15[%swap3A_1573, %swap3A_1574], %swap3A_1577 {strides = array<i32>} : memref<4x128xf32, #tpu.memory_space<vmem>>, vector<1x16xf32>,
      %swap3A_1578 = arith.constant 2 : i32
      %swap3A_1579 = arith.index_cast %swap3A_1578 : i32 to index
      %swap3A_1580 = arith.constant 32 : index
      %swap3A_1581 = tpu.vector_load %arg15[%swap3A_1579, %swap3A_1580] {strides = array<i32>} : memref<4x128xf32, #tpu.memory_space<vmem>>, vector<1x16xf32>,
      %swap3A_1582 = vector.shape_cast %swap3A_1581 : vector<1x16xf32> to vector<16xf32>
      %swap3A_1583 = vector.shape_cast %scan3A_1564#2 : vector<16xf32> to vector<1x16xf32>
      tpu.vector_store %arg15[%swap3A_1579, %swap3A_1580], %swap3A_1583 {strides = array<i32>} : memref<4x128xf32, #tpu.memory_space<vmem>>, vector<1x16xf32>,
      %swap3A_1584 = arith.constant 2 : i32
      %swap3A_1585 = arith.index_cast %swap3A_1584 : i32 to index
      %swap3A_1586 = arith.constant 48 : index
      %swap3A_1587 = tpu.vector_load %arg15[%swap3A_1585, %swap3A_1586] {strides = array<i32>} : memref<4x128xf32, #tpu.memory_space<vmem>>, vector<1x16xf32>,
      %swap3A_1588 = vector.shape_cast %swap3A_1587 : vector<1x16xf32> to vector<16xf32>
      %swap3A_1589 = vector.shape_cast %scan3A_1564#3 : vector<16xf32> to vector<1x16xf32>
      tpu.vector_store %arg15[%swap3A_1585, %swap3A_1586], %swap3A_1589 {strides = array<i32>} : memref<4x128xf32, #tpu.memory_space<vmem>>, vector<1x16xf32>,
      %swap3A_1590 = arith.constant 2 : i32
      %swap3A_1591 = arith.index_cast %swap3A_1590 : i32 to index
      %swap3A_1592 = arith.constant 64 : index
      %swap3A_1593 = tpu.vector_load %arg15[%swap3A_1591, %swap3A_1592] {strides = array<i32>} : memref<4x128xf32, #tpu.memory_space<vmem>>, vector<1x16xf32>,
      %swap3A_1594 = vector.shape_cast %swap3A_1593 : vector<1x16xf32> to vector<16xf32>
      %swap3A_1595 = vector.shape_cast %scan3A_1564#4 : vector<16xf32> to vector<1x16xf32>
      tpu.vector_store %arg15[%swap3A_1591, %swap3A_1592], %swap3A_1595 {strides = array<i32>} : memref<4x128xf32, #tpu.memory_space<vmem>>, vector<1x16xf32>,
      %swap3A_1596 = arith.constant 2 : i32
      %swap3A_1597 = arith.index_cast %swap3A_1596 : i32 to index
      %swap3A_1598 = arith.constant 80 : index
      %swap3A_1599 = tpu.vector_load %arg15[%swap3A_1597, %swap3A_1598] {strides = array<i32>} : memref<4x128xf32, #tpu.memory_space<vmem>>, vector<1x16xf32>,
      %swap3A_1600 = vector.shape_cast %swap3A_1599 : vector<1x16xf32> to vector<16xf32>
      %swap3A_1601 = vector.shape_cast %scan3A_1564#5 : vector<16xf32> to vector<1x16xf32>
      tpu.vector_store %arg15[%swap3A_1597, %swap3A_1598], %swap3A_1601 {strides = array<i32>} : memref<4x128xf32, #tpu.memory_space<vmem>>, vector<1x16xf32>,
      %swap3A_1602 = arith.constant 2 : i32
      %swap3A_1603 = arith.index_cast %swap3A_1602 : i32 to index
      %swap3A_1604 = arith.constant 96 : index
      %swap3A_1605 = tpu.vector_load %arg15[%swap3A_1603, %swap3A_1604] {strides = array<i32>} : memref<4x128xf32, #tpu.memory_space<vmem>>, vector<1x16xf32>,
      %swap3A_1606 = vector.shape_cast %swap3A_1605 : vector<1x16xf32> to vector<16xf32>
      %swap3A_1607 = vector.shape_cast %scan3A_1564#6 : vector<16xf32> to vector<1x16xf32>
      tpu.vector_store %arg15[%swap3A_1603, %swap3A_1604], %swap3A_1607 {strides = array<i32>} : memref<4x128xf32, #tpu.memory_space<vmem>>, vector<1x16xf32>,
      %swap3A_1608 = arith.constant 2 : i32
      %swap3A_1609 = arith.index_cast %swap3A_1608 : i32 to index
      %swap3A_1610 = arith.constant 112 : index
      %swap3A_1611 = tpu.vector_load %arg15[%swap3A_1609, %swap3A_1610] {strides = array<i32>} : memref<4x128xf32, #tpu.memory_space<vmem>>, vector<1x16xf32>,
      %swap3A_1612 = vector.shape_cast %swap3A_1611 : vector<1x16xf32> to vector<16xf32>
      %swap3A_1613 = vector.shape_cast %scan3A_1564#7 : vector<16xf32> to vector<1x16xf32>
      tpu.vector_store %arg15[%swap3A_1609, %swap3A_1610], %swap3A_1613 {strides = array<i32>} : memref<4x128xf32, #tpu.memory_space<vmem>>, vector<1x16xf32>,
      %get3A_1614 = arith.constant 96 : i32
      %get3A_1615 = arith.index_cast %get3A_1614 : i32 to index
      %get3A_1616 = arith.constant 0 : index
      %get3A_1617 = tpu.vector_load %arg11[%get3A_1615, %get3A_1616] {strides = array<i32>} : memref<128x128xf32, #tpu.memory_space<vmem>>, vector<1x16xf32>,
      %get3A_1618 = vector.shape_cast %get3A_1617 : vector<1x16xf32> to vector<16xf32>
      %get3A_1619 = arith.constant 96 : i32
      %get3A_1620 = arith.index_cast %get3A_1619 : i32 to index
      %get3A_1621 = arith.constant 16 : index
      %get3A_1622 = tpu.vector_load %arg11[%get3A_1620, %get3A_1621] {strides = array<i32>} : memref<128x128xf32, #tpu.memory_space<vmem>>, vector<1x16xf32>,
      %get3A_1623 = vector.shape_cast %get3A_1622 : vector<1x16xf32> to vector<16xf32>
      %get3A_1624 = arith.constant 96 : i32
      %get3A_1625 = arith.index_cast %get3A_1624 : i32 to index
      %get3A_1626 = arith.constant 32 : index
      %get3A_1627 = tpu.vector_load %arg11[%get3A_1625, %get3A_1626] {strides = array<i32>} : memref<128x128xf32, #tpu.memory_space<vmem>>, vector<1x16xf32>,
      %get3A_1628 = vector.shape_cast %get3A_1627 : vector<1x16xf32> to vector<16xf32>
      %get3A_1629 = arith.constant 96 : i32
      %get3A_1630 = arith.index_cast %get3A_1629 : i32 to index
      %get3A_1631 = arith.constant 48 : index
      %get3A_1632 = tpu.vector_load %arg11[%get3A_1630, %get3A_1631] {strides = array<i32>} : memref<128x128xf32, #tpu.memory_space<vmem>>, vector<1x16xf32>,
      %get3A_1633 = vector.shape_cast %get3A_1632 : vector<1x16xf32> to vector<16xf32>
      %get3A_1634 = arith.constant 96 : i32
      %get3A_1635 = arith.index_cast %get3A_1634 : i32 to index
      %get3A_1636 = arith.constant 64 : index
      %get3A_1637 = tpu.vector_load %arg11[%get3A_1635, %get3A_1636] {strides = array<i32>} : memref<128x128xf32, #tpu.memory_space<vmem>>, vector<1x16xf32>,
      %get3A_1638 = vector.shape_cast %get3A_1637 : vector<1x16xf32> to vector<16xf32>
      %get3A_1639 = arith.constant 96 : i32
      %get3A_1640 = arith.index_cast %get3A_1639 : i32 to index
      %get3A_1641 = arith.constant 80 : index
      %get3A_1642 = tpu.vector_load %arg11[%get3A_1640, %get3A_1641] {strides = array<i32>} : memref<128x128xf32, #tpu.memory_space<vmem>>, vector<1x16xf32>,
      %get3A_1643 = vector.shape_cast %get3A_1642 : vector<1x16xf32> to vector<16xf32>
      %get3A_1644 = arith.constant 96 : i32
      %get3A_1645 = arith.index_cast %get3A_1644 : i32 to index
      %get3A_1646 = arith.constant 96 : index
      %get3A_1647 = tpu.vector_load %arg11[%get3A_1645, %get3A_1646] {strides = array<i32>} : memref<128x128xf32, #tpu.memory_space<vmem>>, vector<1x16xf32>,
      %get3A_1648 = vector.shape_cast %get3A_1647 : vector<1x16xf32> to vector<16xf32>
      %get3A_1649 = arith.constant 96 : i32
      %get3A_1650 = arith.index_cast %get3A_1649 : i32 to index
      %get3A_1651 = arith.constant 112 : index
      %get3A_1652 = tpu.vector_load %arg11[%get3A_1650, %get3A_1651] {strides = array<i32>} : memref<128x128xf32, #tpu.memory_space<vmem>>, vector<1x16xf32>,
      %get3A_1653 = vector.shape_cast %get3A_1652 : vector<1x16xf32> to vector<16xf32>
      %scan3A_1654 = arith.constant 1 : i32
      %scan3A_1655 = arith.constant 31 : i32
      %scan3A_1656 = arith.addi %scan3A_1654, %scan3A_1655 : i32
      %scan3A_1657 = arith.constant 1 : i32
      %scan3A_1658:8 = scf.for %scan3A_1715 = %scan3A_1654 to %scan3A_1656 step %scan3A_1657 iter_args(%scan3A_1716 = %get3A_1618, %scan3A_1717 = %get3A_1623, %scan3A_1718 = %get3A_1628, %scan3A_1719 = %get3A_1633, %scan3A_1720 = %get3A_1638, %scan3A_1721 = %get3A_1643, %scan3A_1722 = %get3A_1648, %scan3A_1723 = %get3A_1653) -> (vector<16xf32>, vector<16xf32>, vector<16xf32>, vector<16xf32>, vector<16xf32>, vector<16xf32>, vector<16xf32>, vector<16xf32>)  : i32 {
        %add3A_1724 = arith.constant 96 : i32
        %add3A_1725 = arith.addi %add3A_1724, %scan3A_1715 : i32
        %get3A_1726 = arith.index_cast %add3A_1725 : i32 to index
        %get3A_1727 = arith.constant 0 : index
        %get3A_1728 = tpu.vector_load %arg11[%get3A_1726, %get3A_1727] {strides = array<i32>} : memref<128x128xf32, #tpu.memory_space<vmem>>, vector<1x16xf32>,
        %get3A_1729 = vector.shape_cast %get3A_1728 : vector<1x16xf32> to vector<16xf32>
        %max3A = arith.maximumf %scan3A_1716, %get3A_1729 : vector<16xf32>
        %add3A_1730 = arith.constant 96 : i32
        %add3A_1731 = arith.addi %add3A_1730, %scan3A_1715 : i32
        %get3A_1732 = arith.index_cast %add3A_1731 : i32 to index
        %get3A_1733 = arith.constant 16 : index
        %get3A_1734 = tpu.vector_load %arg11[%get3A_1732, %get3A_1733] {strides = array<i32>} : memref<128x128xf32, #tpu.memory_space<vmem>>, vector<1x16xf32>,
        %get3A_1735 = vector.shape_cast %get3A_1734 : vector<1x16xf32> to vector<16xf32>
        %max3A_1736 = arith.maximumf %scan3A_1717, %get3A_1735 : vector<16xf32>
        %add3A_1737 = arith.constant 96 : i32
        %add3A_1738 = arith.addi %add3A_1737, %scan3A_1715 : i32
        %get3A_1739 = arith.index_cast %add3A_1738 : i32 to index
        %get3A_1740 = arith.constant 32 : index
        %get3A_1741 = tpu.vector_load %arg11[%get3A_1739, %get3A_1740] {strides = array<i32>} : memref<128x128xf32, #tpu.memory_space<vmem>>, vector<1x16xf32>,
        %get3A_1742 = vector.shape_cast %get3A_1741 : vector<1x16xf32> to vector<16xf32>
        %max3A_1743 = arith.maximumf %scan3A_1718, %get3A_1742 : vector<16xf32>
        %add3A_1744 = arith.constant 96 : i32
        %add3A_1745 = arith.addi %add3A_1744, %scan3A_1715 : i32
        %get3A_1746 = arith.index_cast %add3A_1745 : i32 to index
        %get3A_1747 = arith.constant 48 : index
        %get3A_1748 = tpu.vector_load %arg11[%get3A_1746, %get3A_1747] {strides = array<i32>} : memref<128x128xf32, #tpu.memory_space<vmem>>, vector<1x16xf32>,
        %get3A_1749 = vector.shape_cast %get3A_1748 : vector<1x16xf32> to vector<16xf32>
        %max3A_1750 = arith.maximumf %scan3A_1719, %get3A_1749 : vector<16xf32>
        %add3A_1751 = arith.constant 96 : i32
        %add3A_1752 = arith.addi %add3A_1751, %scan3A_1715 : i32
        %get3A_1753 = arith.index_cast %add3A_1752 : i32 to index
        %get3A_1754 = arith.constant 64 : index
        %get3A_1755 = tpu.vector_load %arg11[%get3A_1753, %get3A_1754] {strides = array<i32>} : memref<128x128xf32, #tpu.memory_space<vmem>>, vector<1x16xf32>,
        %get3A_1756 = vector.shape_cast %get3A_1755 : vector<1x16xf32> to vector<16xf32>
        %max3A_1757 = arith.maximumf %scan3A_1720, %get3A_1756 : vector<16xf32>
        %add3A_1758 = arith.constant 96 : i32
        %add3A_1759 = arith.addi %add3A_1758, %scan3A_1715 : i32
        %get3A_1760 = arith.index_cast %add3A_1759 : i32 to index
        %get3A_1761 = arith.constant 80 : index
        %get3A_1762 = tpu.vector_load %arg11[%get3A_1760, %get3A_1761] {strides = array<i32>} : memref<128x128xf32, #tpu.memory_space<vmem>>, vector<1x16xf32>,
        %get3A_1763 = vector.shape_cast %get3A_1762 : vector<1x16xf32> to vector<16xf32>
        %max3A_1764 = arith.maximumf %scan3A_1721, %get3A_1763 : vector<16xf32>
        %add3A_1765 = arith.constant 96 : i32
        %add3A_1766 = arith.addi %add3A_1765, %scan3A_1715 : i32
        %get3A_1767 = arith.index_cast %add3A_1766 : i32 to index
        %get3A_1768 = arith.constant 96 : index
        %get3A_1769 = tpu.vector_load %arg11[%get3A_1767, %get3A_1768] {strides = array<i32>} : memref<128x128xf32, #tpu.memory_space<vmem>>, vector<1x16xf32>,
        %get3A_1770 = vector.shape_cast %get3A_1769 : vector<1x16xf32> to vector<16xf32>
        %max3A_1771 = arith.maximumf %scan3A_1722, %get3A_1770 : vector<16xf32>
        %add3A_1772 = arith.constant 96 : i32
        %add3A_1773 = arith.addi %add3A_1772, %scan3A_1715 : i32
        %get3A_1774 = arith.index_cast %add3A_1773 : i32 to index
        %get3A_1775 = arith.constant 112 : index
        %get3A_1776 = tpu.vector_load %arg11[%get3A_1774, %get3A_1775] {strides = array<i32>} : memref<128x128xf32, #tpu.memory_space<vmem>>, vector<1x16xf32>,
        %get3A_1777 = vector.shape_cast %get3A_1776 : vector<1x16xf32> to vector<16xf32>
        %max3A_1778 = arith.maximumf %scan3A_1723, %get3A_1777 : vector<16xf32>
        scf.yield %max3A, %max3A_1736, %max3A_1743, %max3A_1750, %max3A_1757, %max3A_1764, %max3A_1771, %max3A_1778 : vector<16xf32>, vector<16xf32>, vector<16xf32>, vector<16xf32>, vector<16xf32>, vector<16xf32>, vector<16xf32>, vector<16xf32>
      }
      %scan3A_1659 = arith.constant 31 : i32
      %swap3A_1660 = arith.constant 3 : i32
      %swap3A_1661 = arith.index_cast %swap3A_1660 : i32 to index
      %swap3A_1662 = arith.constant 0 : index
      %swap3A_1663 = tpu.vector_load %arg15[%swap3A_1661, %swap3A_1662] {strides = array<i32>} : memref<4x128xf32, #tpu.memory_space<vmem>>, vector<1x16xf32>,
      %swap3A_1664 = vector.shape_cast %swap3A_1663 : vector<1x16xf32> to vector<16xf32>
      %swap3A_1665 = vector.shape_cast %scan3A_1658#0 : vector<16xf32> to vector<1x16xf32>
      tpu.vector_store %arg15[%swap3A_1661, %swap3A_1662], %swap3A_1665 {strides = array<i32>} : memref<4x128xf32, #tpu.memory_space<vmem>>, vector<1x16xf32>,
      %swap3A_1666 = arith.constant 3 : i32
      %swap3A_1667 = arith.index_cast %swap3A_1666 : i32 to index
      %swap3A_1668 = arith.constant 16 : index
      %swap3A_1669 = tpu.vector_load %arg15[%swap3A_1667, %swap3A_1668] {strides = array<i32>} : memref<4x128xf32, #tpu.memory_space<vmem>>, vector<1x16xf32>,
      %swap3A_1670 = vector.shape_cast %swap3A_1669 : vector<1x16xf32> to vector<16xf32>
      %swap3A_1671 = vector.shape_cast %scan3A_1658#1 : vector<16xf32> to vector<1x16xf32>
      tpu.vector_store %arg15[%swap3A_1667, %swap3A_1668], %swap3A_1671 {strides = array<i32>} : memref<4x128xf32, #tpu.memory_space<vmem>>, vector<1x16xf32>,
      %swap3A_1672 = arith.constant 3 : i32
      %swap3A_1673 = arith.index_cast %swap3A_1672 : i32 to index
      %swap3A_1674 = arith.constant 32 : index
      %swap3A_1675 = tpu.vector_load %arg15[%swap3A_1673, %swap3A_1674] {strides = array<i32>} : memref<4x128xf32, #tpu.memory_space<vmem>>, vector<1x16xf32>,
      %swap3A_1676 = vector.shape_cast %swap3A_1675 : vector<1x16xf32> to vector<16xf32>
      %swap3A_1677 = vector.shape_cast %scan3A_1658#2 : vector<16xf32> to vector<1x16xf32>
      tpu.vector_store %arg15[%swap3A_1673, %swap3A_1674], %swap3A_1677 {strides = array<i32>} : memref<4x128xf32, #tpu.memory_space<vmem>>, vector<1x16xf32>,
      %swap3A_1678 = arith.constant 3 : i32
      %swap3A_1679 = arith.index_cast %swap3A_1678 : i32 to index
      %swap3A_1680 = arith.constant 48 : index
      %swap3A_1681 = tpu.vector_load %arg15[%swap3A_1679, %swap3A_1680] {strides = array<i32>} : memref<4x128xf32, #tpu.memory_space<vmem>>, vector<1x16xf32>,
      %swap3A_1682 = vector.shape_cast %swap3A_1681 : vector<1x16xf32> to vector<16xf32>
      %swap3A_1683 = vector.shape_cast %scan3A_1658#3 : vector<16xf32> to vector<1x16xf32>
      tpu.vector_store %arg15[%swap3A_1679, %swap3A_1680], %swap3A_1683 {strides = array<i32>} : memref<4x128xf32, #tpu.memory_space<vmem>>, vector<1x16xf32>,
      %swap3A_1684 = arith.constant 3 : i32
      %swap3A_1685 = arith.index_cast %swap3A_1684 : i32 to index
      %swap3A_1686 = arith.constant 64 : index
      %swap3A_1687 = tpu.vector_load %arg15[%swap3A_1685, %swap3A_1686] {strides = array<i32>} : memref<4x128xf32, #tpu.memory_space<vmem>>, vector<1x16xf32>,
      %swap3A_1688 = vector.shape_cast %swap3A_1687 : vector<1x16xf32> to vector<16xf32>
      %swap3A_1689 = vector.shape_cast %scan3A_1658#4 : vector<16xf32> to vector<1x16xf32>
      tpu.vector_store %arg15[%swap3A_1685, %swap3A_1686], %swap3A_1689 {strides = array<i32>} : memref<4x128xf32, #tpu.memory_space<vmem>>, vector<1x16xf32>,
      %swap3A_1690 = arith.constant 3 : i32
      %swap3A_1691 = arith.index_cast %swap3A_1690 : i32 to index
      %swap3A_1692 = arith.constant 80 : index
      %swap3A_1693 = tpu.vector_load %arg15[%swap3A_1691, %swap3A_1692] {strides = array<i32>} : memref<4x128xf32, #tpu.memory_space<vmem>>, vector<1x16xf32>,
      %swap3A_1694 = vector.shape_cast %swap3A_1693 : vector<1x16xf32> to vector<16xf32>
      %swap3A_1695 = vector.shape_cast %scan3A_1658#5 : vector<16xf32> to vector<1x16xf32>
      tpu.vector_store %arg15[%swap3A_1691, %swap3A_1692], %swap3A_1695 {strides = array<i32>} : memref<4x128xf32, #tpu.memory_space<vmem>>, vector<1x16xf32>,
      %swap3A_1696 = arith.constant 3 : i32
      %swap3A_1697 = arith.index_cast %swap3A_1696 : i32 to index
      %swap3A_1698 = arith.constant 96 : index
      %swap3A_1699 = tpu.vector_load %arg15[%swap3A_1697, %swap3A_1698] {strides = array<i32>} : memref<4x128xf32, #tpu.memory_space<vmem>>, vector<1x16xf32>,
      %swap3A_1700 = vector.shape_cast %swap3A_1699 : vector<1x16xf32> to vector<16xf32>
      %swap3A_1701 = vector.shape_cast %scan3A_1658#6 : vector<16xf32> to vector<1x16xf32>
      tpu.vector_store %arg15[%swap3A_1697, %swap3A_1698], %swap3A_1701 {strides = array<i32>} : memref<4x128xf32, #tpu.memory_space<vmem>>, vector<1x16xf32>,
      %swap3A_1702 = arith.constant 3 : i32
      %swap3A_1703 = arith.index_cast %swap3A_1702 : i32 to index
      %swap3A_1704 = arith.constant 112 : index
      %swap3A_1705 = tpu.vector_load %arg15[%swap3A_1703, %swap3A_1704] {strides = array<i32>} : memref<4x128xf32, #tpu.memory_space<vmem>>, vector<1x16xf32>,
      %swap3A_1706 = vector.shape_cast %swap3A_1705 : vector<1x16xf32> to vector<16xf32>
      %swap3A_1707 = vector.shape_cast %scan3A_1658#7 : vector<16xf32> to vector<1x16xf32>
      tpu.vector_store %arg15[%swap3A_1703, %swap3A_1704], %swap3A_1707 {strides = array<i32>} : memref<4x128xf32, #tpu.memory_space<vmem>>, vector<1x16xf32>,
      %mul3A_1708 = arith.constant 4 : i32
      %mul3A_1709 = arith.muli %add3A_1312, %mul3A_1708 : i32
      %add3A_1710 = arith.addi %mul3A_2, %mul3A_1709 : i32
      %dma_start3A_1711 = arith.constant 0 : i32
      %dma_start3A_1712 = tpu.memref_slice %arg5[%add3A_1710, %dma_start3A_1711] : memref<10240x128xf32, #tpu.memory_space<hbm>> -> memref<4x128xf32, #tpu.memory_space<hbm>>
      %dma_start3A_1713 = arith.constant 0 : i32
      %dma_start3A_1714 = tpu.memref_slice %arg5[%add3A_1710, %dma_start3A_1713] : memref<10240x128xf32, #tpu.memory_space<hbm>> -> memref<4x128xf32, #tpu.memory_space<hbm>>
      tpu.enqueue_dma source(%arg15 : memref<4x128xf32, #tpu.memory_space<vmem>>) target(%dma_start3A_1714 : memref<4x128xf32, #tpu.memory_space<hbm>>) target_semaphore(%arg22 : memref<!tpu.dma_semaphore, #tpu.memory_space<semaphore_mem>>)
    }
    %scan3A_77 = arith.constant 20 : i32
    %dma_wait3A = arith.constant 0 : i32
    %dma_wait3A_78 = tpu.memref_slice %arg5[%mul3A_2, %dma_wait3A] : memref<10240x128xf32, #tpu.memory_space<hbm>> -> memref<4x128xf32, #tpu.memory_space<hbm>>
    %dma_wait3A_79 = arith.constant 0 : i32
    %dma_wait3A_80 = tpu.memref_slice %arg5[%mul3A_2, %dma_wait3A_79] : memref<10240x128xf32, #tpu.memory_space<hbm>> -> memref<4x128xf32, #tpu.memory_space<hbm>>
    tpu.wait_dma2 semaphore(%arg19 : memref<!tpu.dma_semaphore, #tpu.memory_space<semaphore_mem>>) src(%arg12 : memref<4x128xf32, #tpu.memory_space<vmem>>) dst(%dma_wait3A_80 : memref<4x128xf32, #tpu.memory_space<hbm>>)
    %dma_wait3A_81 = arith.constant 0 : i32
    %dma_wait3A_82 = tpu.memref_slice %arg5[%mul3A_2, %dma_wait3A_81] : memref<10240x128xf32, #tpu.memory_space<hbm>> -> memref<4x128xf32, #tpu.memory_space<hbm>>
    %dma_wait3A_83 = arith.constant 0 : i32
    %dma_wait3A_84 = tpu.memref_slice %arg5[%mul3A_2, %dma_wait3A_83] : memref<10240x128xf32, #tpu.memory_space<hbm>> -> memref<4x128xf32, #tpu.memory_space<hbm>>
    tpu.wait_dma2 semaphore(%arg20 : memref<!tpu.dma_semaphore, #tpu.memory_space<semaphore_mem>>) src(%arg13 : memref<4x128xf32, #tpu.memory_space<vmem>>) dst(%dma_wait3A_84 : memref<4x128xf32, #tpu.memory_space<hbm>>)
    %dma_wait3A_85 = arith.constant 0 : i32
    %dma_wait3A_86 = tpu.memref_slice %arg5[%mul3A_2, %dma_wait3A_85] : memref<10240x128xf32, #tpu.memory_space<hbm>> -> memref<4x128xf32, #tpu.memory_space<hbm>>
    %dma_wait3A_87 = arith.constant 0 : i32
    %dma_wait3A_88 = tpu.memref_slice %arg5[%mul3A_2, %dma_wait3A_87] : memref<10240x128xf32, #tpu.memory_space<hbm>> -> memref<4x128xf32, #tpu.memory_space<hbm>>
    tpu.wait_dma2 semaphore(%arg21 : memref<!tpu.dma_semaphore, #tpu.memory_space<semaphore_mem>>) src(%arg14 : memref<4x128xf32, #tpu.memory_space<vmem>>) dst(%dma_wait3A_88 : memref<4x128xf32, #tpu.memory_space<hbm>>)
    %dma_wait3A_89 = arith.constant 0 : i32
    %dma_wait3A_90 = tpu.memref_slice %arg5[%mul3A_2, %dma_wait3A_89] : memref<10240x128xf32, #tpu.memory_space<hbm>> -> memref<4x128xf32, #tpu.memory_space<hbm>>
    %dma_wait3A_91 = arith.constant 0 : i32
    %dma_wait3A_92 = tpu.memref_slice %arg5[%mul3A_2, %dma_wait3A_91] : memref<10240x128xf32, #tpu.memory_space<hbm>> -> memref<4x128xf32, #tpu.memory_space<hbm>>
    tpu.wait_dma2 semaphore(%arg22 : memref<!tpu.dma_semaphore, #tpu.memory_space<semaphore_mem>>) src(%arg15 : memref<4x128xf32, #tpu.memory_space<vmem>>) dst(%dma_wait3A_92 : memref<4x128xf32, #tpu.memory_space<hbm>>)
    return
  }
}

module attributes {stable_mosaic.version = 14 : i64} {
  func.func @_conv1_body(%arg0: memref<10240x128xf32, #tpu.memory_space<vmem>>, %arg1: memref<128x128xf32, #tpu.memory_space<vmem>>, %arg2: memref<1x128xf32, #tpu.memory_space<vmem>>, %arg3: memref<10240x128xf32, #tpu.memory_space<vmem>>) attributes {dimension_semantics = [], scalar_prefetch = 0 : i64, scratch_operands = 0 : i64, tpu.core_type = #tpu.core_type<tc>} {
    %get3A = arith.constant 0 : index
    %get3A_0 = arith.constant 0 : index
    %get3A_1 = vector.load %arg0[%get3A, %get3A_0] : memref<10240x128xf32, #tpu.memory_space<vmem>>, vector<10240x128xf32>
    %get3A_2 = arith.constant 0 : index
    %get3A_3 = arith.constant 0 : index
    %get3A_4 = vector.load %arg1[%get3A_2, %get3A_3] : memref<128x128xf32, #tpu.memory_space<vmem>>, vector<128x128xf32>
    %dot_general3A = arith.constant dense<0.000000e+00> : vector<10240x128xf32>
    %dot_general3A_5 = tpu.matmul %get3A_1, %get3A_4, %dot_general3A {dimension_numbers = #tpu.dot_dimension_numbers<[1], [0], [0], [1], [0, 0, 1, 1], [], []>, transpose_lhs_hint = false} : vector<10240x128xf32>, vector<128x128xf32>, vector<10240x128xf32> -> vector<10240x128xf32>
    %get3A_6 = arith.constant 0 : index
    %get3A_7 = arith.constant 0 : index
    %get3A_8 = vector.load %arg2[%get3A_6, %get3A_7] : memref<1x128xf32, #tpu.memory_space<vmem>>, vector<1x128xf32>
    %add3A = vector.broadcast %get3A_8 : vector<1x128xf32> to vector<10240x128xf32>
    %add3A_9 = arith.addf %dot_general3A_5, %add3A : vector<10240x128xf32>
    %iota3A = tpu.iota {dimensions = array<i32: 0>} : vector<10240x128xi32>
    %lt3A = arith.constant 10000 : i32
    %lt3A_10 = vector.broadcast %lt3A : i32 to vector<10240x128xi32>
    %lt3A_11 = arith.cmpi slt, %iota3A, %lt3A_10 : vector<10240x128xi32>
    %jit3A = arith.constant 0.000000e+00 : f32
    %broadcast_in_dim3A = vector.broadcast %jit3A : f32 to vector<10240x128xf32>
    %select_n3A = arith.select %lt3A_11, %add3A_9, %broadcast_in_dim3A : vector<10240x128xi1>, vector<10240x128xf32>
    %swap3A = arith.constant 0 : index
    %swap3A_12 = arith.constant 0 : index
    %swap3A_13 = vector.load %arg3[%swap3A, %swap3A_12] : memref<10240x128xf32, #tpu.memory_space<vmem>>, vector<10240x128xf32>
    tpu.vector_store %arg3[%swap3A, %swap3A_12], %select_n3A {strides = array<i32>} : memref<10240x128xf32, #tpu.memory_space<vmem>>, vector<10240x128xf32>,
    return
  }
}

module attributes {stable_mosaic.version = 14 : i64} {
  func.func @_fin_body(%arg0: memref<128x10000xf32, #tpu.memory_space<vmem>>, %arg1: memref<10240x128xf32, #tpu.memory_space<vmem>>, %arg2: memref<2x10240xi32, #tpu.memory_space<vmem>>, %arg3: memref<10240x128xf32, #tpu.memory_space<vmem>>, %arg4: memref<128x64xf32, #tpu.memory_space<vmem>>, %arg5: memref<128x64xf32, #tpu.memory_space<vmem>>, %arg6: memref<1x128xf32, #tpu.memory_space<vmem>>, %arg7: memref<1x128xf32, #tpu.memory_space<vmem>>, %arg8: memref<1x128xf32, #tpu.memory_space<vmem>>, %arg9: memref<1x128xf32, #tpu.memory_space<vmem>>, %arg10: memref<1x128xf32, #tpu.memory_space<vmem>>, %arg11: memref<10000x128xf32, #tpu.memory_space<vmem>>) attributes {dimension_semantics = [], scalar_prefetch = 0 : i64, scratch_operands = 0 : i64, tpu.core_type = #tpu.core_type<tc>} {
    %get3A = arith.constant 0 : index
    %get3A_0 = arith.constant 0 : index
    %get3A_1 = vector.load %arg2[%get3A, %get3A_0] : memref<2x10240xi32, #tpu.memory_space<vmem>>, vector<2x10240xi32>
    %reduce_sum3A = arith.constant dense<0> : vector<10240xi32>
    %reduce_sum3A_2 = vector.multi_reduction <add>, %get3A_1, %reduce_sum3A [0] : vector<2x10240xi32> to vector<10240xi32>
    %broadcast_in_dim3A = vector.shape_cast %reduce_sum3A_2 : vector<10240xi32> to vector<1x10240xi32>
    %convert_element_type3A = arith.sitofp %broadcast_in_dim3A : vector<1x10240xi32> to vector<1x10240xf32>
    %get3A_3 = arith.constant 0 : index
    %get3A_4 = arith.constant 0 : index
    %get3A_5 = vector.load %arg3[%get3A_3, %get3A_4] : memref<10240x128xf32, #tpu.memory_space<vmem>>, vector<10240x128xf32>
    %dot_general3A = arith.constant dense<0.000000e+00> : vector<1x128xf32>
    %dot_general3A_6 = tpu.matmul %convert_element_type3A, %get3A_5, %dot_general3A {dimension_numbers = #tpu.dot_dimension_numbers<[1], [0], [0], [1], [0, 0, 1, 1], [], []>, transpose_lhs_hint = false} : vector<1x10240xf32>, vector<10240x128xf32>, vector<1x128xf32> -> vector<1x128xf32>
    %mul3A = arith.mulf %get3A_5, %get3A_5 : vector<10240x128xf32>
    %dot_general3A_7 = arith.constant dense<0.000000e+00> : vector<1x128xf32>
    %dot_general3A_8 = tpu.matmul %convert_element_type3A, %mul3A, %dot_general3A_7 {dimension_numbers = #tpu.dot_dimension_numbers<[1], [0], [0], [1], [0, 0, 1, 1], [], []>, transpose_lhs_hint = false} : vector<1x10240xf32>, vector<10240x128xf32>, vector<1x128xf32> -> vector<1x128xf32>
    %div3A = arith.constant 3.200000e+05 : f32
    %div3A_9 = vector.broadcast %div3A : f32 to vector<1x128xf32>
    %div3A_10 = arith.divf %dot_general3A_6, %div3A_9 : vector<1x128xf32>
    %div3A_11 = arith.constant 3.200000e+05 : f32
    %div3A_12 = vector.broadcast %div3A_11 : f32 to vector<1x128xf32>
    %div3A_13 = arith.divf %dot_general3A_8, %div3A_12 : vector<1x128xf32>
    %mul3A_14 = arith.mulf %div3A_10, %div3A_10 : vector<1x128xf32>
    %sub3A = arith.subf %div3A_13, %mul3A_14 : vector<1x128xf32>
    %get3A_15 = arith.constant 0 : index
    %get3A_16 = arith.constant 0 : index
    %get3A_17 = vector.load %arg7[%get3A_15, %get3A_16] : memref<1x128xf32, #tpu.memory_space<vmem>>, vector<1x128xf32>
    %add3A = arith.constant 9.99999974E-6 : f32
    %add3A_18 = vector.broadcast %add3A : f32 to vector<1x128xf32>
    %add3A_19 = arith.addf %sub3A, %add3A_18 : vector<1x128xf32>
    %rsqrt3A = math.rsqrt %add3A_19 : vector<1x128xf32>
    %mul3A_20 = arith.mulf %get3A_17, %rsqrt3A : vector<1x128xf32>
    %get3A_21 = arith.constant 0 : index
    %get3A_22 = arith.constant 0 : index
    %get3A_23 = vector.load %arg8[%get3A_21, %get3A_22] : memref<1x128xf32, #tpu.memory_space<vmem>>, vector<1x128xf32>
    %mul3A_24 = arith.mulf %mul3A_20, %div3A_10 : vector<1x128xf32>
    %sub3A_25 = arith.subf %get3A_23, %mul3A_24 : vector<1x128xf32>
    %get3A_26 = arith.constant 0 : index
    %get3A_27 = arith.constant 0 : index
    %get3A_28 = vector.load %arg1[%get3A_26, %get3A_27] : memref<10240x128xf32, #tpu.memory_space<vmem>>, vector<10000x128xf32>
    %mul3A_29 = vector.broadcast %mul3A_20 : vector<1x128xf32> to vector<10000x128xf32>
    %mul3A_30 = arith.mulf %mul3A_29, %get3A_28 : vector<10000x128xf32>
    %add3A_31 = vector.broadcast %sub3A_25 : vector<1x128xf32> to vector<10000x128xf32>
    %add3A_32 = arith.addf %mul3A_30, %add3A_31 : vector<10000x128xf32>
    %max3A = arith.constant 0.000000e+00 : f32
    %max3A_33 = vector.broadcast %max3A : f32 to vector<10000x128xf32>
    %max3A_34 = arith.maximumf %add3A_32, %max3A_33 : vector<10000x128xf32>
    %get3A_35 = arith.constant 0 : index
    %get3A_36 = arith.constant 0 : index
    %get3A_37 = vector.load %arg0[%get3A_35, %get3A_36] : memref<128x10000xf32, #tpu.memory_space<vmem>>, vector<128x10000xf32>
    %get3A_38 = arith.constant 0 : index
    %get3A_39 = arith.constant 0 : index
    %get3A_40 = vector.load %arg4[%get3A_38, %get3A_39] : memref<128x64xf32, #tpu.memory_space<vmem>>, vector<128x64xf32>
    %dot_general3A_41 = arith.constant dense<0.000000e+00> : vector<10000x64xf32>
    %dot_general3A_42 = tpu.matmul %get3A_37, %get3A_40, %dot_general3A_41 {dimension_numbers = #tpu.dot_dimension_numbers<[0], [0], [1], [1], [0, 1, 1, 1], [], []>, transpose_lhs_hint = false} : vector<128x10000xf32>, vector<128x64xf32>, vector<10000x64xf32> -> vector<10000x64xf32>
    %get3A_43 = arith.constant 0 : index
    %get3A_44 = arith.constant 0 : index
    %get3A_45 = vector.load %arg5[%get3A_43, %get3A_44] : memref<128x64xf32, #tpu.memory_space<vmem>>, vector<128x64xf32>
    %dot_general3A_46 = arith.constant dense<0.000000e+00> : vector<10000x64xf32>
    %dot_general3A_47 = tpu.matmul %max3A_34, %get3A_45, %dot_general3A_46 {dimension_numbers = #tpu.dot_dimension_numbers<[1], [0], [0], [1], [0, 0, 1, 1], [], []>, transpose_lhs_hint = false} : vector<10000x128xf32>, vector<128x64xf32>, vector<10000x64xf32> -> vector<10000x64xf32>
    %concatenate3A = tpu.concatenate %dot_general3A_42, %dot_general3A_47 in 1 : vector<10000x64xf32>, vector<10000x64xf32> -> vector<10000x128xf32>
    %get3A_48 = arith.constant 0 : index
    %get3A_49 = arith.constant 0 : index
    %get3A_50 = vector.load %arg6[%get3A_48, %get3A_49] : memref<1x128xf32, #tpu.memory_space<vmem>>, vector<1x128xf32>
    %add3A_51 = vector.broadcast %get3A_50 : vector<1x128xf32> to vector<10000x128xf32>
    %add3A_52 = arith.addf %concatenate3A, %add3A_51 : vector<10000x128xf32>
    %reduce_sum3A_53 = arith.constant dense<0.000000e+00> : vector<128xf32>
    %reduce_sum3A_54 = vector.multi_reduction <add>, %add3A_52, %reduce_sum3A_53 [0] : vector<10000x128xf32> to vector<128xf32>
    %broadcast_in_dim3A_55 = vector.shape_cast %reduce_sum3A_54 : vector<128xf32> to vector<1x128xf32>
    %div3A_56 = arith.constant 1.000000e+04 : f32
    %div3A_57 = vector.broadcast %div3A_56 : f32 to vector<1x128xf32>
    %div3A_58 = arith.divf %broadcast_in_dim3A_55, %div3A_57 : vector<1x128xf32>
    %sub3A_59 = vector.broadcast %div3A_58 : vector<1x128xf32> to vector<10000x128xf32>
    %sub3A_60 = arith.subf %add3A_52, %sub3A_59 : vector<10000x128xf32>
    %mul3A_61 = arith.mulf %sub3A_60, %sub3A_60 : vector<10000x128xf32>
    %reduce_sum3A_62 = arith.constant dense<0.000000e+00> : vector<128xf32>
    %reduce_sum3A_63 = vector.multi_reduction <add>, %mul3A_61, %reduce_sum3A_62 [0] : vector<10000x128xf32> to vector<128xf32>
    %broadcast_in_dim3A_64 = vector.shape_cast %reduce_sum3A_63 : vector<128xf32> to vector<1x128xf32>
    %div3A_65 = arith.constant 1.000000e+04 : f32
    %div3A_66 = vector.broadcast %div3A_65 : f32 to vector<1x128xf32>
    %div3A_67 = arith.divf %broadcast_in_dim3A_64, %div3A_66 : vector<1x128xf32>
    %get3A_68 = arith.constant 0 : index
    %get3A_69 = arith.constant 0 : index
    %get3A_70 = vector.load %arg9[%get3A_68, %get3A_69] : memref<1x128xf32, #tpu.memory_space<vmem>>, vector<1x128xf32>
    %mul3A_71 = vector.broadcast %get3A_70 : vector<1x128xf32> to vector<10000x128xf32>
    %mul3A_72 = arith.mulf %mul3A_71, %sub3A_60 : vector<10000x128xf32>
    %add3A_73 = arith.constant 9.99999974E-6 : f32
    %add3A_74 = vector.broadcast %add3A_73 : f32 to vector<1x128xf32>
    %add3A_75 = arith.addf %div3A_67, %add3A_74 : vector<1x128xf32>
    %rsqrt3A_76 = math.rsqrt %add3A_75 : vector<1x128xf32>
    %mul3A_77 = vector.broadcast %rsqrt3A_76 : vector<1x128xf32> to vector<10000x128xf32>
    %mul3A_78 = arith.mulf %mul3A_72, %mul3A_77 : vector<10000x128xf32>
    %get3A_79 = arith.constant 0 : index
    %get3A_80 = arith.constant 0 : index
    %get3A_81 = vector.load %arg10[%get3A_79, %get3A_80] : memref<1x128xf32, #tpu.memory_space<vmem>>, vector<1x128xf32>
    %add3A_82 = vector.broadcast %get3A_81 : vector<1x128xf32> to vector<10000x128xf32>
    %add3A_83 = arith.addf %mul3A_78, %add3A_82 : vector<10000x128xf32>
    %max3A_84 = arith.constant 0.000000e+00 : f32
    %max3A_85 = vector.broadcast %max3A_84 : f32 to vector<10000x128xf32>
    %max3A_86 = arith.maximumf %add3A_83, %max3A_85 : vector<10000x128xf32>
    %swap3A = arith.constant 0 : index
    %swap3A_87 = arith.constant 0 : index
    %swap3A_88 = vector.load %arg11[%swap3A, %swap3A_87] : memref<10000x128xf32, #tpu.memory_space<vmem>>, vector<10000x128xf32>
    tpu.vector_store %arg11[%swap3A, %swap3A_87], %max3A_86 {strides = array<i32>} : memref<10000x128xf32, #tpu.memory_space<vmem>>, vector<10000x128xf32>,
    return
  }
}

</mosaic_0001>

<sc_bundles>
// kernel: kernel.5.cloned.1.call-start
scs
__scs_entry_jumppad:
0x0: {  	(pc) =	sbr.rel $0x88, $3  }
0x1: {  	(tag) =	ssettag $0x0;
	lr =	simm.s32 $0x1  }
0x2: {  	[smem:$0x3F96] =	sst lr;
	_ =	strace $0xD0000000  }
0x3: {  	_ = 	snop  }
0x4: {  	_ = 	snop  }
0x5: {  	_ = 	snop  }
0x6: {  	_ = 	snop  }
0x7: {  	_ = 	snop  }
__scs_overlays_trampoline_lowered:
0x8: {  	[smem:$0x3FA5] =	sst s0  }
0x9: {  	[smem:$0x3FA6] =	sst s1  }
0xa: {  	[smem:$0x3FA7] =	sst s2  }
0xb: {  	[smem:$0x3FA8] =	sst s3  }
0xc: {  	[smem:$0x3FA9] =	sst s4  }
0xd: {  	[smem:$0x3FAA] =	sst s5  }
0xe: {  	[smem:$0x3FAB] =	sst s6  }
0xf: {  	[smem:$0x3FAC] =	sst s7  }
0x10: {  	[smem:$0x3FAD] =	sst s8  }
0x11: {  	[smem:$0x3FAE] =	sst s9;
	s0 =	simm.s32 @!p0 $0x0  }
0x12: {  	s1 =	sld [smem:$0x3F94];
	s0 =	simm.s32 @p0 $0x1  }
0x13: {  	[smem:$0x3FAF] =	sst s0;
	s0 =	simm.s32 @!p1 $0x0  }
0x14: {  	s2 =	sld [smem:$0x3F93];
	s0 =	simm.s32 @p1 $0x1  }
0x15: {  	[smem:$0x3FB0] =	sst s0;
	s0 =	simm.s32 @!p2 $0x0  }
0x16: {  	s3 =	sld [smem:$0x3FDB];
	s0 =	simm.s32 @p2 $0x1  }
0x17: {  	s4 =	simm.s32 $0x1BF5;
	[smem:$0x3FB2] =	sst s0  }
0x18: {  	s0 =	sld [smem:$0x3F95];
	_ =	swait.ge [sflag:s4], $0x0  }
0x19: {  	s7 =	sld [smem:$0x3F96]  }
0x1a: {  	s8 =	sadd.s32 $0xFFFFE003, lr  }
0x1b: {  	s9 =	sadd.s32 $0xFFFFFEF7, lr;
	s5 =	simm.s32 $0xFFFFFFFF;
	p2 =	slt.u32 s8, $0xFFFFF086  }
0x1c: {  	p1 =	slt.u32 s9, $0xF7A;
	s5 =	simm.s32 @!p2 $0x0  }
0x1d: {  	s5 =	simm.s32 @p1 $0x1;
	p0 =	seq.s32 s7, s2  }
0x1e: {  	s7 =	smul.u32 @!p0 $0xF7A, s2;
	p2 =	seq.s32 @!p0 s5, $0x0  }
0x1f: {  	s9 =	smul.u32 $0xF7A, s1;
	s8 =	simm.s32 @!p0 $0x1BF5;
	p2 =	por !p2, p0  }
0x20: {  	[sflag:s8] =	ssyncset.s32 @!p0 $0xFFFFF086;
	s6 =	sadd.s32 @!p0 s3, s7;
	s7 =	simm.s32 @!p0 $0x108  }
0x21: {  	s3 =	sadd.s32 s3, s9;
	s6 =	sadd.s32 @!p0 $0x88, s6;
	s7 =	simm.s32 @p2 $0x1082  }
0x22: {  	[simem:s7], [sflag:s8] =	dma.local @!p0 [hbm:s6], $0xF7A  }
0x23: {  	s9 =	sor.u32 $0xD0000000, s2;
	s6 =	simm.s32 $0x108;
	_ =	swait.ge @!p0 [sflag:s8], $0x0  }
0x24: {  	s3 =	sadd.s32 $0x88, s3;
	s6 =	simm.s32 @!p1 $0x1082;
	[sflag:s4] =	ssyncset.s32 $0xFFFFF086  }
0x25: {  	[simem:s6], [sflag:s4] =	dma.local [hbm:s3], $0xF7A  }
0x26: {  	[smem:$0x3F96] =	sst s1;
	(tag) =	ssettag s2;
	_ =	strace s9  }
0x27: {  	s1 =	sld [smem:$0x3FA6]  }
0x28: {  	s2 =	sld [smem:$0x3FA7]  }
0x29: {  	s4 =	sld [smem:$0x3FA9]  }
0x2a: {  	p0 =	seq.s32 s5, $0x0;
	s5 =	sld [smem:$0x3FAA]  }
0x2b: {  	s6 =	sld [smem:$0x3FAB]  }
0x2c: {  	s7 =	sld [smem:$0x3FAC]  }
0x2d: {  	s3 =	simm.s32 $0x108;
	s8 =	sld [smem:$0x3FAD]  }
0x2e: {  	s3 =	simm.s32 @!p0 $0x1082;
	s9 =	sld [smem:$0x3FAE]  }
0x2f: {  	lr =	sadd.s32 s0, s3;
	s0 =	sld [smem:$0x3FA5]  }
0x30: {  	s3 =	sld [smem:$0x3FA8]  }
0x31: {  	[smem:$0x3FB1] =	sst s10  }
0x32: {  	s10 =	sld [smem:$0x3FAF];
	_ =	sdelay $0x3  }
0x33: {  	p0 =	seq.s32 s10, $0x1;
	s10 =	sld [smem:$0x3FB1];
	_ =	sdelay $0x3  }
0x34: {  	[smem:$0x3FB1] =	sst s10  }
0x35: {  	s10 =	sld [smem:$0x3FB0];
	_ =	sdelay $0x3  }
0x36: {  	p1 =	seq.s32 s10, $0x1;
	s10 =	sld [smem:$0x3FB1];
	_ =	sdelay $0x3  }
0x37: {  	[smem:$0x3FB1] =	sst s10  }
0x38: {  	s10 =	sld [smem:$0x3FB2]  }
0x39: {  	_ = 	snop;
	(pc) =	sbr.ind lr, $3  }
0x3a: {  	_ = 	snop  }
0x3b: {  	_ = 	snop  }
0x3c: {  	p2 =	seq.s32 s10, $0x1;
	s10 =	sld [smem:$0x3FB1]  }
0x3d: {  	_ =	shalt  }
0x3e: {  	_ =	shalt  }
0x3f: {  	_ =	shalt  }
0x40: {  	_ =	shalt  }
0x41: {  	_ =	shalt  }
0x42: {  	_ =	shalt  }
0x43: {  	_ =	shalt  }
0x44: {  	_ =	shalt  }
0x45: {  	_ =	shalt  }
0x46: {  	_ =	shalt  }
0x47: {  	_ =	shalt  }
0x48: {  	_ =	shalt  }
0x49: {  	_ =	shalt  }
0x4a: {  	_ =	shalt  }
0x4b: {  	_ =	shalt  }
0x4c: {  	_ =	shalt  }
0x4d: {  	_ =	shalt  }
0x4e: {  	_ =	shalt  }
0x4f: {  	_ =	shalt  }
0x50: {  	_ =	shalt  }
0x51: {  	_ =	shalt  }
0x52: {  	_ =	shalt  }
0x53: {  	_ =	shalt  }
0x54: {  	_ =	shalt  }
0x55: {  	_ =	shalt  }
0x56: {  	_ =	shalt  }
0x57: {  	_ =	shalt  }
0x58: {  	_ =	shalt  }
0x59: {  	_ =	shalt  }
0x5a: {  	_ =	shalt  }
0x5b: {  	_ =	shalt  }
0x5c: {  	_ =	shalt  }
0x5d: {  	_ =	shalt  }
0x5e: {  	_ =	shalt  }
0x5f: {  	_ =	shalt  }
0x60: {  	_ =	shalt  }
0x61: {  	_ =	shalt  }
0x62: {  	_ =	shalt  }
0x63: {  	_ =	shalt  }
0x64: {  	_ =	shalt  }
0x65: {  	_ =	shalt  }
0x66: {  	_ =	shalt  }
0x67: {  	_ =	shalt  }
0x68: {  	_ =	shalt  }
0x69: {  	_ =	shalt  }
0x6a: {  	_ =	shalt  }
0x6b: {  	_ =	shalt  }
0x6c: {  	_ =	shalt  }
0x6d: {  	_ =	shalt  }
0x6e: {  	_ =	shalt  }
0x6f: {  	_ =	shalt  }
0x70: {  	_ =	shalt  }
0x71: {  	_ =	shalt  }
0x72: {  	_ =	shalt  }
0x73: {  	_ =	shalt  }
0x74: {  	_ =	shalt  }
0x75: {  	_ =	shalt  }
0x76: {  	_ =	shalt  }
0x77: {  	_ =	shalt  }
0x78: {  	_ =	shalt  }
0x79: {  	_ =	shalt  }
0x7a: {  	_ =	shalt  }
0x7b: {  	_ =	shalt  }
0x7c: {  	_ =	shalt  }
0x7d: {  	_ =	shalt  }
0x7e: {  	_ =	shalt  }
0x7f: {  	_ =	shalt  }
0x80: {  	_ =	shalt  }
0x81: {  	_ =	shalt  }
0x82: {  	_ =	shalt  }
0x83: {  	_ =	shalt  }
0x84: {  	_ =	shalt  }
0x85: {  	_ =	shalt  }
0x86: {  	_ =	shalt  }
0x87: {  	_ =	shalt  }
.Lfunc_end0:
.L_simem_size_0:
called_computation_lowered:
.L_overlay_start_0:
0x88: {  	s2 =	sld [smem:$0x3FD9]  }
0x89: {  	s3 =	sld [smem:$0x3FFE];
	_ =	sdelay $0x1  }
0x8a: {  	s1 =	srdreg.scid  }
0x8b: {  	s0 =	sand.u32 $0x1, s1  }
0x8c: {  	s17 =	sshll.u32 s0, $0xA;
	s2 =	sadd.s32 s3, s2  }
0x8d: {  	s2 =	sadd.s32 s2, s17  }
0x8e: {  	[smem:$0x3FBD] =	sst s2  }
0x8f: {  	_ = 	snop  }
0x90: {  	s2 =	sld [smem:$0x3FD0];
	(tm) =	ssettm $0x1  }
0x91: {  	s18 =	sld [smem:$0x3FFB];
	_ =	sdelay $0x3  }
0x92: {  	_ =	strace s18  }
0x93: {  	s3 =	sld [smem:$0x3FFC];
	_ =	sdelay $0x3  }
0x94: {  	_ =	strace s3  }
0x95: {  	s3 =	sld [smem:$0x3FFD];
	_ =	sdelay $0x3  }
0x96: {  	_ =	strace s3  }
0x97: {  	_ =	strace $0x8FFFFFFF  }
0x98: {  	s19 =	sld [smem:$0x3FDB];
	_ =	sdelay $0x1  }
0x99: {  	s4 =	simm.s32 $_scs_section_size  }
0x9a: {  	s5 =	simm.s32 $_size__tile_overlayer_lowered;
	s6 =	simm.s32 $_tile_overlayer_lowered  }
0x9b: {  	s22 =	simm.s32 $0x1BFF;
	s21 =	sshll.u32 s6, $0x1;
	s3 =	sadd.s32 s4, s19  }
0x9c: {  	s7 =	simm.s32 $0x0;
	s20 =	sshll.u32 s5, $0x1;
	s5 =	sadd.s32 s21, s3  }
0x9d: {  	[timem:s7], [sflag:s22] =	dma.local [hbm:s5], s20  }
0x9e: {  	_ =	swait.ge [sflag:s22], s20  }
0x9f: {  	s4 =	ssub.s32 $0x0, s20;
	[sflag:s22] =	ssyncset.done $0x0  }
0xa0: {  	[sflag:s22] =	ssyncadd.s32 s4;
	_ =	sdelay $0x1  }
0xa1: {  	s23 =	simm.s32 $0x1B8B  }
0xa2: {  	_ =	swait.ge [sflag:s23], $0x1  }
0xa3: {  	[sflag:s23] =	ssyncset.done $0x0  }
0xa4: {  	s25 =	simm.s32 $0x1B8E;
	s24 =	sld [smem:$0x3FFE];
	[sflag:s23] =	ssyncadd.s32 $0xFFFFFFFF  }
0xa5: {  	s26 =	simm.s32 $execute0_lowered;
	[smem:$0x3FD2] =	sst s25  }
0xa6: {  	s5 =	sshll.u32 s26, $0x1;
	_ =	strace $0x80000046;
	[dreg:$0x1] =	wrdreg $0xFFFFFFFF  }
0xa7: {  	s28 =	simm.s32 $_size_execute0_lowered;
	s3 =	sadd.s32 s3, s5;
	[dreg:$0x0] =	wrdreg $0x0  }
0xa8: {  	s5 =	sshll.u32 s28, $0x1;
	[dreg:$0x2] =	wrdreg s3  }
0xa9: {  	[dreg:$0x3] =	wrdreg s5  }
0xaa: {  	[dreg:$0x4] =	wrdreg $0xC0  }
0xab: {  	_ =	task [dreg:s7], $0x5FFFF  }
0xac: {  	[dreg:$0x1] =	wrdreg $0xFFFFFFFF  }
0xad: {  	[dreg:$0x0] =	wrdreg $0x60  }
0xae: {  	[dreg:$0x2] =	wrdreg s24  }
0xaf: {  	[dreg:$0x3] =	wrdreg s2  }
0xb0: {  	[dreg:$0x4] =	wrdreg $0x28000  }
0xb1: {  	[dreg:$0x5] =	wrdreg $0x168000  }
0xb2: {  	[dreg:$0x6] =	wrdreg $0x9  }
0xb3: {  	_ =	task.clear_ibuf [dreg:s7], $0x7FFFF;
	_ =	strace $0x90000046  }
0xb4: {  	s29 =	simm.s32 $0x9;
	_ =	strace $0x80000048  }
0xb5: {  	_ =	swait.ge [sflag:s29], $0x1  }
0xb6: {  	[sflag:s29] =	ssyncadd.s32 $0xFFFFFFFF  }
0xb7: {  	_ =	strace $0x90000048  }
0xb8: {  	_ =	sfence  }
0xb9: {  	s30 =	sld [smem:$0x0];
	_ =	sdelay $0x2  }
0xba: {  	s31 =	sshll.u32 s1, $0xD;
	s1 =	sshrl.u32 s1, $0x2  }
0xbb: {  	s3 =	sand.u32 $0x4000, s31;
	s1 =	sadd.s32 s1, s30  }
0xbc: {  	s0 =	sor.u32 s3, s0;
	s1 =	sshll.u32 s1, $0x11  }
0xbd: {  	s0 =	sor.u32 s1, s0  }
0xbe: {  	s0 =	sadd.s32 $0x8F2B, s0  }
0xbf: {  	[sflag:s0] =	ssyncadd.remote.s32 $0x1  }
0xc0: {  	_ =	sfence.sel $0xFFFF  }
0xc1: {  	[dreg:$0x0] =	wrdreg $0xFFFFFFFF;
	(pc) =	sbr.abs _section_cstart, $3  }
0xc2: {  	[dreg:$0x1] =	wrdreg $0xFFFFFFFF  }
0xc3: {  	_ =	task.clear_ibuf [dreg:s7], $0x2FFFF;
	_ =	strace $0x9FFFFFFF  }
0xc4: {  	(tm) =	ssettm $0x7FFFFFFF  }
0xc5: {  	_ =	shalt  }
tec
execute0_lowered:
.L_overlay_start_1:
0x0: {  	(tag) =	ssettag $0x1  }
0x1: {  	s0 =	rddreg [dreg:$0x0]  }
0x2: {  	s4 =	rddreg [dreg:$0x1]  }
0x3: {  	s1 =	rddreg [dreg:$0x2]  }
0x4: {  	s2 =	rddreg [dreg:$0x3];
	s3 =	simm.s32 $0x0;
	s6 =	stileid.u32  }
0x5: {  	s7 =	srdreg.scid;
	s16 =	simm.s32 $0x80;
	s17 =	simm.s32 $0x1F280  }
0x6: {  	s18 =	simm.s32 $0x16A80;
	s19 =	simm.s32 $0x1AA80;
	s29 =	simm.s32 $0x4  }
0x7: {  	s30 =	simm.s32 $0x5;
	s31 =	simm.s32 $0x0;
	[smem:$0x7FF] =	sst s3  }
0x8: {  	s5 =	smul.u32 $0x2800, s6;
	s20 =	sadd.s32 $0x2B800, s0;
	s7 =	sand.u32 $0x1, s7  }
0x9: {  	s12 =	sshll.u32 s6, $0x1;
	s13 =	smul.u32 $0x50000, s6;
	s23 =	sshll.u32 s6, $0x6  }
0xa: {  	p0 =	sne.s32 s6, $0x0;
	_ =	strace $0x80000047;
	[dreg:$0x5] =	wrdreg s20  }
0xb: {  	s9 =	sshll.u32 s7, $0x4;
	s10 =	ssub.s32 $0x2, s7;
	s21 =	sor.u32 s7, s12  }
0xc: {  	s7 =	sor.u32 $0x1C07, s23;
	s15 =	sshrl.u32 @!p0 s2, $0x3;
	s20 =	simm.s32 $0x1  }
0xd: {  	s23 =	simm.s32 $0x1EC80;
	s8 =	sadd.s32 s5, s0;
	s5 =	sadd.s32 $0x2BE00, s0  }
0xe: {  	s11 =	sshrl.u32 s10, $0x1;
	s9 =	sadd.s32 s9, s0;
	s22 =	sshrl.u32 s13, $0x2  }
0xf: {  	s12 =	smul.u32 $0x500, s21;
	s14 =	ssub.s32 s10, s11;
	s13 =	sadd.s32 s22, s1  }
0x10: {  	s24 =	sadd.s32 $0x3800, s8;
	s25 =	sadd.s32 $0x53E00, s9;
	s10 =	smul.u32 $0xA000, s21  }
0x11: {  	s11 =	sadd.s32 $0x2BE40, s0;
	s21 =	simm.s32 $0x1EA80;
	[dreg:$0x6] =	wrdreg s24  }
0x12: {  	s22 =	simm.s32 $0x2;
	s4 =	sadd.s32 s4, s12;
	[dreg:$0x8] =	wrdreg s25  }
0x13: {  	s26 =	smax.u32 s14, $0x1;
	s28 =	sshrl.u32 s13, $0x3;
	[dreg:$0x7] =	wrdreg s4  }
0x14: {  	s14 =	simm.s32 $0x7;
	s24 =	simm.s32 $0x1EE80;
	[dreg:$0x9] =	wrdreg s26  }
0x15: {  	v0 =	vimm.s32 $0x1;
	s25 =	simm.s32 $0x6;
	[dreg:$0xa] =	wrdreg s28;
	s26 =	simm.s32 $0x1F080  }
.LBB2_1:
0x16: {  	s0 =	rddreg [dreg:$0x6]  }
0x17: {  	s4 =	rddreg [dreg:$0xa]  }
0x18: {  	[spmem:s4], [sflag:s7] =	dma.local [hbm:s0], $0x2800  }
0x19: {  	_ =	swait.ge [sflag:s14], $0x2800  }
0x1a: {  	[sflag:s14] =	ssyncset.done $0x0  }
0x1b: {  	s0 =	rddreg [dreg:$0x5];
	[sflag:s14] =	ssyncadd.s32 $0xFFFFD800  }
0x1c: {  	[spmem:s15], [sflag:s7] =	dma.local @!p0 [hbm:s0], $0x500  }
0x1d: {  	s0 =	simm.s32 @!p0 $0x7  }
0x1e: {  	_ =	swait.ge @!p0 [sflag:s0], $0x500  }
0x1f: {  	[sflag:s0] =	ssyncset.done @!p0 $0x0  }
0x20: {  	s13 =	rddreg [dreg:$0x7];
	[sflag:s0] =	ssyncadd.s32 @!p0 $0xFFFFFB00  }
0x21: {  	[tilespmem:s3], [sflag:$0x7] =	stream.linear.gather [hbm4b:s13+s3], $0x2800, $0x38;
	[tilespmem:$0x1F300] =	vst v63  }
0x22: {  	_ =	swait.ge [sflag:s14], $0x2800  }
0x23: {  	[sflag:s14] =	ssyncset.done $0x0  }
0x24: {  	[sflag:s14] =	ssyncadd.s32 $0xFFFFD800  }
0x25: {  	[tilespmem:$0x1F280] =	vst v0  }
0x26: {  	[tilespmem:$0x1F290] =	vst v0  }
0x27: {  	[tilespmem:$0x1F2A0] =	vst v0  }
0x28: {  	[tilespmem:$0x1F2B0] =	vst v0  }
0x29: {  	[tilespmem:$0x1F2C0] =	vst v0  }
0x2a: {  	[tilespmem:$0x1F2D0] =	vst v0  }
0x2b: {  	[tilespmem:$0x1F2E0] =	vst v0  }
0x2c: {  	[tilespmem:$0x1F2F0] =	vst v0  }
0x2d: {  	s28 =	simm.s32 $0x0;
	[bflag:$0x0] =	sbarrier.arrive $0xFFFF  }
0x2e: {  	[spmem:s2] =	stream.indirect.scatter.add.s32 [tilespmem:s17], [sflag:$0x7], $0x1, s28, s16, $0xb8;
	[tilespmem:$0x1F300] =	vst v63  }
0x2f: {  	_ =	swait.ge [sflag:s14], $0x80  }
0x30: {  	s0 =	simm.s32 $0x200;
	[sflag:s14] =	ssyncset.done $0x0  }
.LBB2_2:
0x31: {  	s4 =	sshra.s32 s0, $0x2;
	[sflag:s14] =	ssyncadd.s32 $0xFFFFFF80;
	p1 =	sne.s32 s0, $0x9E00  }
0x32: {  	[spmem:s2] =	stream.indirect.scatter.add.s32 [tilespmem:s17], [sflag:$0x7], $0x1, s4, s16, $0xb8;
	[tilespmem:$0x1F300] =	vst v63  }
.Ltmp0:
0x33: {  	_ = 	snop;
	(pc) =	sbr.rel @p1 .LBB2_2-.Ltmp0, $4  }
0x34: {  	_ = 	snop  }
0x35: {  	s0 =	sadd.s32 $0x200, s0  }
0x36: {  	_ =	swait.ge [sflag:s14], $0x80  }
0x37: {  	[sflag:s14] =	ssyncset.done $0x0  }
0x38: {  	[sflag:s14] =	ssyncadd.s32 $0xFFFFFF80  }
0x39: {  	s0 =	simm.s32 @!p0 $0x1;
	[bflag:$0x0] =	sbarrier.arrive $0xFFFF  }
0x3a: {  	s4 =	simm.s32 @!p0 $0x20;
	s6 =	simm.s32 @!p0 $0x10;
	s8 =	rddreg [dreg:$0x8]  }
0x3b: {  	[hbm:s8@s4], [sflag:s7] =	dma.strided @!p0 [spmem:s15@s6], $0x500, s0, $0x10   }
0x3c: {  	s0 =	simm.s32 @!p0 $0x7  }
0x3d: {  	_ =	swait.ge @!p0 [sflag:s0], $0x500  }
0x3e: {  	[sflag:s0] =	ssyncset.done @!p0 $0x0  }
0x3f: {  	[sflag:s0] =	ssyncadd.s32 @!p0 $0xFFFFFB00;
	s0 =	simm.s32 $0x0  }
0x40: {  	[tilespmem:s18], [sflag:$0x1] =	stream.indirect.gather [spmem:s1], $0x80, s0, s16, $0xb8;
	[tilespmem:$0x1F300] =	vst v63  }
.LBB2_4:
0x41: {  	s6 =	sshll.u32 s0, $0xB  }
0x42: {  	s4 =	sshrl.u32 s6, $0x2  }
0x43: {  	s8 =	sor.u32 $0x80, s4  }
0x44: {  	[tilespmem:s19], [sflag:$0x2] =	stream.indirect.gather [spmem:s1], $0x80, s8, s16, $0xb8;
	[tilespmem:$0x1F300] =	vst v63  }
0x45: {  	_ =	swait.ge [sflag:s20], $0x4000  }
0x46: {  	p1 =	seq.s32 s0, $0x0;
	[sflag:s20] =	ssyncset.done $0x0  }
0x47: {  	s8 =	simm.s32 @!p1 $0x3;
	[sflag:s20] =	ssyncadd.s32 $0xFFFFC000  }
0x48: {  	_ =	swait.ge @!p1 [sflag:s8], $0x200  }
0x49: {  	[sflag:s8] =	ssyncset.done @!p1 $0x0  }
0x4a: {  	[sflag:s8] =	ssyncadd.s32 @!p1 $0xFFFFFE00  }
0x4b: {  	v9 =	vld [tilespmem:$0x16A80]  }
0x4c: {  	v12 =	vld [tilespmem:$0x16A90]  }
0x4d: {  	v5 =	vld [tilespmem:$0x16AA0]  }
0x4e: {  	v4 =	vld [tilespmem:$0x16AB0]  }
0x4f: {  	v3 =	vld [tilespmem:$0x16AC0]  }
0x50: {  	v2 =	vld [tilespmem:$0x16AD0]  }
0x51: {  	v1 =	vld [tilespmem:$0x16AE0]  }
0x52: {  	s12 =	simm.s32 $0x0;
	v6 =	vld [tilespmem:$0x16AF0]  }
0x53: {  	v11 =	vld [tilespmem:s12+$0x16B70]  }
0x54: {  	v14 =	vld [tilespmem:s12+$0x16B00]  }
0x55: {  	v15 =	vld [tilespmem:s12+$0x16B10]  }
0x56: {  	v13 =	vld [tilespmem:s12+$0x16B20]  }
0x57: {  	v10 =	vld [tilespmem:s12+$0x16B30]  }
0x58: {  	v8 =	vld [tilespmem:s12+$0x16B40]  }
0x59: {  	v7 =	vld [tilespmem:s12+$0x16B50]  }
0x5a: {  	s9 =	simm.s32 $0x400;
	s8 =	simm.s32 $0x80;
	v6 =	vmax.f32 v6, v11;
	v11 =	vmax.f32 v9, v14;
	v12 =	vmax.f32 v12, v15;
	v9 =	vld [tilespmem:s12+$0x16B60]  }
.LBB2_5:
0x5b: {  	p2 =	sne.s32 s9, $0x3C00;
	v14 =	vld [tilespmem:s8+$0x16B70];
	v5 =	vmax.f32 v5, v13  }
0x5c: {  	v15 =	vld [tilespmem:s8+$0x16B00];
	v4 =	vmax.f32 v4, v10  }
0x5d: {  	v16 =	vld [tilespmem:s8+$0x16B10];
	v3 =	vmax.f32 v3, v8  }
.Ltmp1:
0x5e: {  	v13 =	vld [tilespmem:s8+$0x16B20];
	v2 =	vmax.f32 v2, v7;
	(pc) =	sbr.rel @p2 .LBB2_5-.Ltmp1, $4  }
0x5f: {  	v10 =	vld [tilespmem:s8+$0x16B30];
	v1 =	vmax.f32 v1, v9  }
0x60: {  	v8 =	vld [tilespmem:s8+$0x16B40];
	v6 =	vmax.f32 v6, v14  }
0x61: {  	v11 =	vmax.f32 v11, v15;
	v7 =	vld [tilespmem:s8+$0x16B50]  }
0x62: {  	v12 =	vmax.f32 v12, v16;
	v9 =	vld [tilespmem:s8+$0x16B60];
	s8 =	sshra.s32 s9, $0x2;
	s9 =	sadd.s32 $0x200, s9  }
0x63: {  	v14 =	vld [tilespmem:s8+$0x16B70]  }
0x64: {  	v15 =	vld [tilespmem:s8+$0x16B00]  }
0x65: {  	v16 =	vld [tilespmem:s8+$0x16B10]  }
0x66: {  	v17 =	vld [tilespmem:s8+$0x16B20]  }
0x67: {  	v18 =	vld [tilespmem:s8+$0x16B30]  }
0x68: {  	v19 =	vld [tilespmem:s8+$0x16B40]  }
0x69: {  	v20 =	vld [tilespmem:s8+$0x16B50]  }
0x6a: {  	v8 =	vmax.f32 v3, v8;
	v3 =	vld [tilespmem:$0x17AA0];
	v11 =	vmax.f32 v11, v15  }
0x6b: {  	v5 =	vmax.f32 v5, v13;
	v15 =	vld [tilespmem:s8+$0x16B60];
	v12 =	vmax.f32 v12, v16;
	[tilespmem:$0x1EA80] =	vst v11  }
0x6c: {  	v4 =	vmax.f32 v4, v10;
	v5 =	vmax.f32 v5, v17;
	v11 =	vld [tilespmem:$0x17A80];
	[tilespmem:$0x1EA90] =	vst v12  }
0x6d: {  	v2 =	vmax.f32 v2, v7;
	v4 =	vmax.f32 v4, v18;
	v12 =	vld [tilespmem:$0x17A90];
	[tilespmem:$0x1EAA0] =	vst v5  }
0x6e: {  	v2 =	vmax.f32 v2, v20;
	[tilespmem:$0x1EAB0] =	vst v4;
	v4 =	vld [tilespmem:$0x17AB0]  }
0x6f: {  	v6 =	vmax.f32 v6, v14;
	[tilespmem:$0x1EAD0] =	vst v2;
	v2 =	vld [tilespmem:$0x17AD0]  }
0x70: {  	v1 =	vmax.f32 v1, v9;
	v5 =	vmax.f32 v8, v19;
	[tilespmem:$0x1EAF0] =	vst v6;
	v6 =	vld [tilespmem:$0x17AF0]  }
0x71: {  	[tilespmem:$0x1EAC0] =	vst v5;
	v5 =	vld [tilespmem:$0x17AC0];
	v1 =	vmax.f32 v1, v15  }
0x72: {  	s12 =	simm.s32 $0x0;
	[tilespmem:$0x1EAE0] =	vst v1;
	v1 =	vld [tilespmem:$0x17AE0]  }
0x73: {  	v9 =	vld [tilespmem:s12+$0x17B70]  }
0x74: {  	v14 =	vld [tilespmem:s12+$0x17B00]  }
0x75: {  	v15 =	vld [tilespmem:s12+$0x17B10]  }
0x76: {  	v13 =	vld [tilespmem:s12+$0x17B20]  }
0x77: {  	v10 =	vld [tilespmem:s12+$0x17B30]  }
0x78: {  	v8 =	vld [tilespmem:s12+$0x17B40]  }
0x79: {  	v7 =	vld [tilespmem:s12+$0x17B50]  }
0x7a: {  	s9 =	simm.s32 $0x400;
	s8 =	simm.s32 $0x80;
	v6 =	vmax.f32 v6, v9;
	v11 =	vmax.f32 v11, v14;
	v12 =	vmax.f32 v12, v15;
	v9 =	vld [tilespmem:s12+$0x17B60]  }
.LBB2_7:
0x7b: {  	p2 =	sne.s32 s9, $0x3C00;
	v14 =	vld [tilespmem:s8+$0x17B70];
	v3 =	vmax.f32 v3, v13  }
0x7c: {  	v15 =	vld [tilespmem:s8+$0x17B00];
	v4 =	vmax.f32 v4, v10  }
0x7d: {  	v16 =	vld [tilespmem:s8+$0x17B10];
	v5 =	vmax.f32 v5, v8  }
.Ltmp2:
0x7e: {  	v13 =	vld [tilespmem:s8+$0x17B20];
	v2 =	vmax.f32 v2, v7;
	(pc) =	sbr.rel @p2 .LBB2_7-.Ltmp2, $4  }
0x7f: {  	v10 =	vld [tilespmem:s8+$0x17B30];
	v1 =	vmax.f32 v1, v9  }
0x80: {  	v8 =	vld [tilespmem:s8+$0x17B40];
	v6 =	vmax.f32 v6, v14  }
0x81: {  	v11 =	vmax.f32 v11, v15;
	v7 =	vld [tilespmem:s8+$0x17B50]  }
0x82: {  	v12 =	vmax.f32 v12, v16;
	v9 =	vld [tilespmem:s8+$0x17B60];
	s8 =	sshra.s32 s9, $0x2;
	s9 =	sadd.s32 $0x200, s9  }
0x83: {  	v14 =	vld [tilespmem:s8+$0x17B70]  }
0x84: {  	v15 =	vld [tilespmem:s8+$0x17B00]  }
0x85: {  	v16 =	vld [tilespmem:s8+$0x17B10]  }
0x86: {  	v17 =	vld [tilespmem:s8+$0x17B20]  }
0x87: {  	v18 =	vld [tilespmem:s8+$0x17B30]  }
0x88: {  	v19 =	vld [tilespmem:s8+$0x17B40]  }
0x89: {  	v20 =	vld [tilespmem:s8+$0x17B50]  }
0x8a: {  	v11 =	vmax.f32 v11, v15;
	v15 =	vld [tilespmem:s8+$0x17B60]  }
0x8b: {  	v3 =	vmax.f32 v3, v13;
	v12 =	vmax.f32 v12, v16;
	[tilespmem:$0x1EB00] =	vst v11;
	v11 =	vld [tilespmem:$0x18A80]  }
0x8c: {  	v4 =	vmax.f32 v4, v10;
	v3 =	vmax.f32 v3, v17;
	[tilespmem:$0x1EB10] =	vst v12;
	v12 =	vld [tilespmem:$0x18A90]  }
0x8d: {  	v5 =	vmax.f32 v5, v8;
	v4 =	vmax.f32 v4, v18;
	[tilespmem:$0x1EB20] =	vst v3;
	v3 =	vld [tilespmem:$0x18AA0]  }
0x8e: {  	v2 =	vmax.f32 v2, v7;
	v5 =	vmax.f32 v5, v19;
	[tilespmem:$0x1EB30] =	vst v4;
	v4 =	vld [tilespmem:$0x18AB0]  }
0x8f: {  	v2 =	vmax.f32 v2, v20;
	[tilespmem:$0x1EB40] =	vst v5;
	v5 =	vld [tilespmem:$0x18AC0]  }
0x90: {  	v1 =	vmax.f32 v1, v9;
	v6 =	vmax.f32 v6, v14;
	[tilespmem:$0x1EB50] =	vst v2;
	v2 =	vld [tilespmem:$0x18AD0]  }
0x91: {  	[tilespmem:$0x1EB70] =	vst v6;
	v6 =	vld [tilespmem:$0x18AF0];
	v1 =	vmax.f32 v1, v15  }
0x92: {  	s12 =	simm.s32 $0x0;
	[tilespmem:$0x1EB60] =	vst v1;
	v1 =	vld [tilespmem:$0x18AE0]  }
0x93: {  	v9 =	vld [tilespmem:s12+$0x18B70]  }
0x94: {  	v14 =	vld [tilespmem:s12+$0x18B00]  }
0x95: {  	v15 =	vld [tilespmem:s12+$0x18B10]  }
0x96: {  	v13 =	vld [tilespmem:s12+$0x18B20]  }
0x97: {  	v10 =	vld [tilespmem:s12+$0x18B30]  }
0x98: {  	v8 =	vld [tilespmem:s12+$0x18B40]  }
0x99: {  	v7 =	vld [tilespmem:s12+$0x18B50]  }
0x9a: {  	s9 =	simm.s32 $0x400;
	s8 =	simm.s32 $0x80;
	v6 =	vmax.f32 v6, v9;
	v11 =	vmax.f32 v11, v14;
	v12 =	vmax.f32 v12, v15;
	v9 =	vld [tilespmem:s12+$0x18B60]  }
.LBB2_9:
0x9b: {  	p2 =	sne.s32 s9, $0x3C00;
	v14 =	vld [tilespmem:s8+$0x18B70];
	v3 =	vmax.f32 v3, v13  }
0x9c: {  	v15 =	vld [tilespmem:s8+$0x18B00];
	v4 =	vmax.f32 v4, v10  }
0x9d: {  	v16 =	vld [tilespmem:s8+$0x18B10];
	v5 =	vmax.f32 v5, v8  }
.Ltmp3:
0x9e: {  	v13 =	vld [tilespmem:s8+$0x18B20];
	v2 =	vmax.f32 v2, v7;
	(pc) =	sbr.rel @p2 .LBB2_9-.Ltmp3, $4  }
0x9f: {  	v10 =	vld [tilespmem:s8+$0x18B30];
	v1 =	vmax.f32 v1, v9  }
0xa0: {  	v8 =	vld [tilespmem:s8+$0x18B40];
	v6 =	vmax.f32 v6, v14  }
0xa1: {  	v11 =	vmax.f32 v11, v15;
	v7 =	vld [tilespmem:s8+$0x18B50]  }
0xa2: {  	v12 =	vmax.f32 v12, v16;
	v9 =	vld [tilespmem:s8+$0x18B60];
	s8 =	sshra.s32 s9, $0x2;
	s9 =	sadd.s32 $0x200, s9  }
0xa3: {  	v14 =	vld [tilespmem:s8+$0x18B70]  }
0xa4: {  	v15 =	vld [tilespmem:s8+$0x18B00]  }
0xa5: {  	v16 =	vld [tilespmem:s8+$0x18B10]  }
0xa6: {  	v17 =	vld [tilespmem:s8+$0x18B20]  }
0xa7: {  	v18 =	vld [tilespmem:s8+$0x18B30]  }
0xa8: {  	v19 =	vld [tilespmem:s8+$0x18B40]  }
0xa9: {  	v20 =	vld [tilespmem:s8+$0x18B50]  }
0xaa: {  	v4 =	vmax.f32 v4, v10;
	v10 =	vld [tilespmem:$0x19A90];
	v11 =	vmax.f32 v11, v15  }
0xab: {  	v3 =	vmax.f32 v3, v13;
	v15 =	vld [tilespmem:s8+$0x18B60];
	v12 =	vmax.f32 v12, v16;
	[tilespmem:$0x1EB80] =	vst v11  }
0xac: {  	v7 =	vmax.f32 v2, v7;
	v2 =	vld [tilespmem:$0x19AB0];
	v3 =	vmax.f32 v3, v17;
	[tilespmem:$0x1EB90] =	vst v12  }
0xad: {  	v5 =	vmax.f32 v5, v8;
	v4 =	vmax.f32 v4, v18;
	v11 =	vld [tilespmem:$0x19A80];
	[tilespmem:$0x1EBA0] =	vst v3  }
0xae: {  	v5 =	vmax.f32 v5, v19;
	v3 =	vld [tilespmem:$0x19AA0];
	[tilespmem:$0x1EBB0] =	vst v4  }
0xaf: {  	v6 =	vmax.f32 v6, v14;
	v4 =	vmax.f32 v1, v9;
	[tilespmem:$0x1EBC0] =	vst v5;
	v1 =	vld [tilespmem:$0x19AC0]  }
0xb0: {  	v7 =	vmax.f32 v7, v20;
	[tilespmem:$0x1EBF0] =	vst v6;
	v6 =	vld [tilespmem:$0x19AF0]  }
0xb1: {  	[tilespmem:$0x1EBD0] =	vst v7;
	v5 =	vmax.f32 v4, v15;
	v4 =	vld [tilespmem:$0x19AD0]  }
0xb2: {  	s12 =	simm.s32 $0x0;
	[tilespmem:$0x1EBE0] =	vst v5;
	v5 =	vld [tilespmem:$0x19AE0]  }
0xb3: {  	v12 =	vld [tilespmem:s12+$0x19B70]  }
0xb4: {  	v14 =	vld [tilespmem:s12+$0x19B00]  }
0xb5: {  	v15 =	vld [tilespmem:s12+$0x19B10]  }
0xb6: {  	v13 =	vld [tilespmem:s12+$0x19B20]  }
0xb7: {  	v9 =	vld [tilespmem:s12+$0x19B30]  }
0xb8: {  	v8 =	vld [tilespmem:s12+$0x19B40]  }
0xb9: {  	v7 =	vld [tilespmem:s12+$0x19B50]  }
0xba: {  	s9 =	simm.s32 $0x400;
	s8 =	simm.s32 $0x80;
	v6 =	vmax.f32 v6, v12;
	v11 =	vmax.f32 v11, v14;
	v12 =	vmax.f32 v10, v15;
	v10 =	vld [tilespmem:s12+$0x19B60]  }
.LBB2_11:
0xbb: {  	p2 =	sne.s32 s9, $0x3C00;
	v14 =	vld [tilespmem:s8+$0x19B70];
	v3 =	vmax.f32 v3, v13  }
0xbc: {  	v15 =	vld [tilespmem:s8+$0x19B00];
	v2 =	vmax.f32 v2, v9  }
0xbd: {  	v16 =	vld [tilespmem:s8+$0x19B10];
	v1 =	vmax.f32 v1, v8  }
.Ltmp4:
0xbe: {  	v13 =	vld [tilespmem:s8+$0x19B20];
	v4 =	vmax.f32 v4, v7;
	(pc) =	sbr.rel @p2 .LBB2_11-.Ltmp4, $4  }
0xbf: {  	v9 =	vld [tilespmem:s8+$0x19B30];
	v5 =	vmax.f32 v5, v10  }
0xc0: {  	v8 =	vld [tilespmem:s8+$0x19B40];
	v6 =	vmax.f32 v6, v14  }
0xc1: {  	v11 =	vmax.f32 v11, v15;
	v7 =	vld [tilespmem:s8+$0x19B50]  }
0xc2: {  	v12 =	vmax.f32 v12, v16;
	v10 =	vld [tilespmem:s8+$0x19B60];
	s8 =	sshra.s32 s9, $0x2;
	s9 =	sadd.s32 $0x200, s9  }
0xc3: {  	v14 =	vld [tilespmem:s8+$0x19B70]  }
0xc4: {  	v15 =	vld [tilespmem:s8+$0x19B00]  }
0xc5: {  	v16 =	vld [tilespmem:s8+$0x19B10]  }
0xc6: {  	v17 =	vld [tilespmem:s8+$0x19B20]  }
0xc7: {  	v18 =	vld [tilespmem:s8+$0x19B30]  }
0xc8: {  	v19 =	vld [tilespmem:s8+$0x19B40]  }
0xc9: {  	v20 =	vld [tilespmem:s8+$0x19B50];
	v11 =	vmax.f32 v11, v15  }
0xca: {  	v3 =	vmax.f32 v3, v13;
	v15 =	vld [tilespmem:s8+$0x19B60];
	v12 =	vmax.f32 v12, v16;
	[tilespmem:$0x1EC00] =	vst v11  }
0xcb: {  	v2 =	vmax.f32 v2, v9;
	v3 =	vmax.f32 v3, v17;
	[tilespmem:$0x1EC10] =	vst v12  }
0xcc: {  	v1 =	vmax.f32 v1, v8;
	v2 =	vmax.f32 v2, v18;
	[tilespmem:$0x1EC20] =	vst v3  }
0xcd: {  	v1 =	vmax.f32 v1, v19;
	v3 =	vmax.f32 v4, v7;
	[tilespmem:$0x1EC30] =	vst v2  }
0xce: {  	v2 =	vmax.f32 v5, v10;
	[tilespmem:$0x1EC40] =	vst v1;
	v3 =	vmax.f32 v3, v20  }
0xcf: {  	s28 =	sadd.s32 s10, s6;
	[tilespmem:$0x1EC50] =	vst v3;
	v1 =	vmax.f32 v2, v15  }
0xd0: {  	s9 =	sshrl.u32 s28, $0x3;
	v2 =	vmax.f32 v6, v14;
	[tilespmem:$0x1EC60] =	vst v1  }
0xd1: {  	s8 =	sadd.s32 s5, s9;
	[tilespmem:$0x1EC70] =	vst v2  }
0xd2: {  	[hbm4b:s8+s3] =	stream.linear.scatter [tilespmem:s21], [sflag:$0x3], $0x200, $0x38;
	[tilespmem:$0x1F300] =	vst v63  }
0xd3: {  	s8 =	sor.u32 $0x400, s6  }
0xd4: {  	s12 =	sshrl.u32 s8, $0x2  }
0xd5: {  	[tilespmem:s18], [sflag:$0x1] =	stream.indirect.gather [spmem:s1], $0x80, s12, s16, $0xb8;
	[tilespmem:$0x1F300] =	vst v63  }
0xd6: {  	_ =	swait.ge [sflag:s22], $0x4000  }
0xd7: {  	[sflag:s22] =	ssyncset.done $0x0  }
0xd8: {  	s12 =	simm.s32 @!p1 $0x4;
	[sflag:s22] =	ssyncadd.s32 $0xFFFFC000  }
0xd9: {  	_ =	swait.ge @!p1 [sflag:s12], $0x200  }
0xda: {  	[sflag:s12] =	ssyncset.done @!p1 $0x0  }
0xdb: {  	[sflag:s12] =	ssyncadd.s32 @!p1 $0xFFFFFE00  }
0xdc: {  	v9 =	vld [tilespmem:$0x1AA80]  }
0xdd: {  	v12 =	vld [tilespmem:$0x1AA90]  }
0xde: {  	v5 =	vld [tilespmem:$0x1AAA0]  }
0xdf: {  	v4 =	vld [tilespmem:$0x1AAB0]  }
0xe0: {  	v3 =	vld [tilespmem:$0x1AAC0]  }
0xe1: {  	v2 =	vld [tilespmem:$0x1AAD0]  }
0xe2: {  	v1 =	vld [tilespmem:$0x1AAE0]  }
0xe3: {  	s28 =	simm.s32 $0x0;
	v6 =	vld [tilespmem:$0x1AAF0]  }
0xe4: {  	v11 =	vld [tilespmem:s28+$0x1AB70]  }
0xe5: {  	v14 =	vld [tilespmem:s28+$0x1AB00]  }
0xe6: {  	v15 =	vld [tilespmem:s28+$0x1AB10]  }
0xe7: {  	v13 =	vld [tilespmem:s28+$0x1AB20]  }
0xe8: {  	v10 =	vld [tilespmem:s28+$0x1AB30]  }
0xe9: {  	v8 =	vld [tilespmem:s28+$0x1AB40]  }
0xea: {  	v7 =	vld [tilespmem:s28+$0x1AB50]  }
0xeb: {  	s13 =	simm.s32 $0x400;
	s12 =	simm.s32 $0x80;
	v6 =	vmax.f32 v6, v11;
	v11 =	vmax.f32 v9, v14;
	v12 =	vmax.f32 v12, v15;
	v9 =	vld [tilespmem:s28+$0x1AB60]  }
.LBB2_13:
0xec: {  	p2 =	sne.s32 s13, $0x3C00;
	v14 =	vld [tilespmem:s12+$0x1AB70];
	v5 =	vmax.f32 v5, v13  }
0xed: {  	v15 =	vld [tilespmem:s12+$0x1AB00];
	v4 =	vmax.f32 v4, v10  }
0xee: {  	v16 =	vld [tilespmem:s12+$0x1AB10];
	v3 =	vmax.f32 v3, v8  }
.Ltmp5:
0xef: {  	v13 =	vld [tilespmem:s12+$0x1AB20];
	v2 =	vmax.f32 v2, v7;
	(pc) =	sbr.rel @p2 .LBB2_13-.Ltmp5, $4  }
0xf0: {  	v10 =	vld [tilespmem:s12+$0x1AB30];
	v1 =	vmax.f32 v1, v9  }
0xf1: {  	v8 =	vld [tilespmem:s12+$0x1AB40];
	v6 =	vmax.f32 v6, v14  }
0xf2: {  	v11 =	vmax.f32 v11, v15;
	v7 =	vld [tilespmem:s12+$0x1AB50]  }
0xf3: {  	v12 =	vmax.f32 v12, v16;
	v9 =	vld [tilespmem:s12+$0x1AB60];
	s12 =	sshra.s32 s13, $0x2;
	s13 =	sadd.s32 $0x200, s13  }
0xf4: {  	v14 =	vld [tilespmem:s12+$0x1AB70]  }
0xf5: {  	v15 =	vld [tilespmem:s12+$0x1AB00]  }
0xf6: {  	v16 =	vld [tilespmem:s12+$0x1AB10]  }
0xf7: {  	v17 =	vld [tilespmem:s12+$0x1AB20]  }
0xf8: {  	v18 =	vld [tilespmem:s12+$0x1AB30]  }
0xf9: {  	v19 =	vld [tilespmem:s12+$0x1AB40]  }
0xfa: {  	v20 =	vld [tilespmem:s12+$0x1AB50]  }
0xfb: {  	v8 =	vmax.f32 v3, v8;
	v3 =	vld [tilespmem:$0x1BAA0];
	v11 =	vmax.f32 v11, v15  }
0xfc: {  	v5 =	vmax.f32 v5, v13;
	v15 =	vld [tilespmem:s12+$0x1AB60];
	v12 =	vmax.f32 v12, v16;
	[tilespmem:$0x1EC80] =	vst v11  }
0xfd: {  	v4 =	vmax.f32 v4, v10;
	v5 =	vmax.f32 v5, v17;
	v11 =	vld [tilespmem:$0x1BA80];
	[tilespmem:$0x1EC90] =	vst v12  }
0xfe: {  	v2 =	vmax.f32 v2, v7;
	v4 =	vmax.f32 v4, v18;
	v12 =	vld [tilespmem:$0x1BA90];
	[tilespmem:$0x1ECA0] =	vst v5  }
0xff: {  	v2 =	vmax.f32 v2, v20;
	[tilespmem:$0x1ECB0] =	vst v4;
	v4 =	vld [tilespmem:$0x1BAB0]  }
0x100: {  	v6 =	vmax.f32 v6, v14;
	[tilespmem:$0x1ECD0] =	vst v2;
	v2 =	vld [tilespmem:$0x1BAD0]  }
0x101: {  	v1 =	vmax.f32 v1, v9;
	v5 =	vmax.f32 v8, v19;
	[tilespmem:$0x1ECF0] =	vst v6;
	v6 =	vld [tilespmem:$0x1BAF0]  }
0x102: {  	[tilespmem:$0x1ECC0] =	vst v5;
	v5 =	vld [tilespmem:$0x1BAC0];
	v1 =	vmax.f32 v1, v15  }
0x103: {  	s28 =	simm.s32 $0x0;
	[tilespmem:$0x1ECE0] =	vst v1;
	v1 =	vld [tilespmem:$0x1BAE0]  }
0x104: {  	v9 =	vld [tilespmem:s28+$0x1BB70]  }
0x105: {  	v14 =	vld [tilespmem:s28+$0x1BB00]  }
0x106: {  	v15 =	vld [tilespmem:s28+$0x1BB10]  }
0x107: {  	v13 =	vld [tilespmem:s28+$0x1BB20]  }
0x108: {  	v10 =	vld [tilespmem:s28+$0x1BB30]  }
0x109: {  	v8 =	vld [tilespmem:s28+$0x1BB40]  }
0x10a: {  	v7 =	vld [tilespmem:s28+$0x1BB50]  }
0x10b: {  	s13 =	simm.s32 $0x400;
	s12 =	simm.s32 $0x80;
	v6 =	vmax.f32 v6, v9;
	v11 =	vmax.f32 v11, v14;
	v12 =	vmax.f32 v12, v15;
	v9 =	vld [tilespmem:s28+$0x1BB60]  }
.LBB2_15:
0x10c: {  	p2 =	sne.s32 s13, $0x3C00;
	v14 =	vld [tilespmem:s12+$0x1BB70];
	v3 =	vmax.f32 v3, v13  }
0x10d: {  	v15 =	vld [tilespmem:s12+$0x1BB00];
	v4 =	vmax.f32 v4, v10  }
0x10e: {  	v16 =	vld [tilespmem:s12+$0x1BB10];
	v5 =	vmax.f32 v5, v8  }
.Ltmp6:
0x10f: {  	v13 =	vld [tilespmem:s12+$0x1BB20];
	v2 =	vmax.f32 v2, v7;
	(pc) =	sbr.rel @p2 .LBB2_15-.Ltmp6, $4  }
0x110: {  	v10 =	vld [tilespmem:s12+$0x1BB30];
	v1 =	vmax.f32 v1, v9  }
0x111: {  	v8 =	vld [tilespmem:s12+$0x1BB40];
	v6 =	vmax.f32 v6, v14  }
0x112: {  	v11 =	vmax.f32 v11, v15;
	v7 =	vld [tilespmem:s12+$0x1BB50]  }
0x113: {  	v12 =	vmax.f32 v12, v16;
	v9 =	vld [tilespmem:s12+$0x1BB60];
	s12 =	sshra.s32 s13, $0x2;
	s13 =	sadd.s32 $0x200, s13  }
0x114: {  	v14 =	vld [tilespmem:s12+$0x1BB70]  }
0x115: {  	v15 =	vld [tilespmem:s12+$0x1BB00]  }
0x116: {  	v16 =	vld [tilespmem:s12+$0x1BB10]  }
0x117: {  	v17 =	vld [tilespmem:s12+$0x1BB20]  }
0x118: {  	v18 =	vld [tilespmem:s12+$0x1BB30]  }
0x119: {  	v19 =	vld [tilespmem:s12+$0x1BB40]  }
0x11a: {  	v20 =	vld [tilespmem:s12+$0x1BB50]  }
0x11b: {  	v11 =	vmax.f32 v11, v15;
	v15 =	vld [tilespmem:s12+$0x1BB60]  }
0x11c: {  	v3 =	vmax.f32 v3, v13;
	v12 =	vmax.f32 v12, v16;
	[tilespmem:$0x1ED00] =	vst v11;
	v11 =	vld [tilespmem:$0x1CA80]  }
0x11d: {  	v4 =	vmax.f32 v4, v10;
	v3 =	vmax.f32 v3, v17;
	[tilespmem:$0x1ED10] =	vst v12;
	v12 =	vld [tilespmem:$0x1CA90]  }
0x11e: {  	v5 =	vmax.f32 v5, v8;
	v4 =	vmax.f32 v4, v18;
	[tilespmem:$0x1ED20] =	vst v3;
	v3 =	vld [tilespmem:$0x1CAA0]  }
0x11f: {  	v2 =	vmax.f32 v2, v7;
	v5 =	vmax.f32 v5, v19;
	[tilespmem:$0x1ED30] =	vst v4;
	v4 =	vld [tilespmem:$0x1CAB0]  }
0x120: {  	v2 =	vmax.f32 v2, v20;
	[tilespmem:$0x1ED40] =	vst v5;
	v5 =	vld [tilespmem:$0x1CAC0]  }
0x121: {  	v1 =	vmax.f32 v1, v9;
	v6 =	vmax.f32 v6, v14;
	[tilespmem:$0x1ED50] =	vst v2;
	v2 =	vld [tilespmem:$0x1CAD0]  }
0x122: {  	[tilespmem:$0x1ED70] =	vst v6;
	v6 =	vld [tilespmem:$0x1CAF0];
	v1 =	vmax.f32 v1, v15  }
0x123: {  	s28 =	simm.s32 $0x0;
	[tilespmem:$0x1ED60] =	vst v1;
	v1 =	vld [tilespmem:$0x1CAE0]  }
0x124: {  	v9 =	vld [tilespmem:s28+$0x1CB70]  }
0x125: {  	v14 =	vld [tilespmem:s28+$0x1CB00]  }
0x126: {  	v15 =	vld [tilespmem:s28+$0x1CB10]  }
0x127: {  	v13 =	vld [tilespmem:s28+$0x1CB20]  }
0x128: {  	v10 =	vld [tilespmem:s28+$0x1CB30]  }
0x129: {  	v8 =	vld [tilespmem:s28+$0x1CB40]  }
0x12a: {  	v7 =	vld [tilespmem:s28+$0x1CB50]  }
0x12b: {  	s13 =	simm.s32 $0x400;
	s12 =	simm.s32 $0x80;
	v6 =	vmax.f32 v6, v9;
	v11 =	vmax.f32 v11, v14;
	v12 =	vmax.f32 v12, v15;
	v9 =	vld [tilespmem:s28+$0x1CB60]  }
.LBB2_17:
0x12c: {  	p2 =	sne.s32 s13, $0x3C00;
	v14 =	vld [tilespmem:s12+$0x1CB70];
	v3 =	vmax.f32 v3, v13  }
0x12d: {  	v15 =	vld [tilespmem:s12+$0x1CB00];
	v4 =	vmax.f32 v4, v10  }
0x12e: {  	v16 =	vld [tilespmem:s12+$0x1CB10];
	v5 =	vmax.f32 v5, v8  }
.Ltmp7:
0x12f: {  	v13 =	vld [tilespmem:s12+$0x1CB20];
	v2 =	vmax.f32 v2, v7;
	(pc) =	sbr.rel @p2 .LBB2_17-.Ltmp7, $4  }
0x130: {  	v10 =	vld [tilespmem:s12+$0x1CB30];
	v1 =	vmax.f32 v1, v9  }
0x131: {  	v8 =	vld [tilespmem:s12+$0x1CB40];
	v6 =	vmax.f32 v6, v14  }
0x132: {  	v11 =	vmax.f32 v11, v15;
	v7 =	vld [tilespmem:s12+$0x1CB50]  }
0x133: {  	v12 =	vmax.f32 v12, v16;
	v9 =	vld [tilespmem:s12+$0x1CB60];
	s12 =	sshra.s32 s13, $0x2;
	s13 =	sadd.s32 $0x200, s13  }
0x134: {  	v14 =	vld [tilespmem:s12+$0x1CB70]  }
0x135: {  	v15 =	vld [tilespmem:s12+$0x1CB00]  }
0x136: {  	v16 =	vld [tilespmem:s12+$0x1CB10]  }
0x137: {  	v17 =	vld [tilespmem:s12+$0x1CB20]  }
0x138: {  	v18 =	vld [tilespmem:s12+$0x1CB30]  }
0x139: {  	v19 =	vld [tilespmem:s12+$0x1CB40]  }
0x13a: {  	v20 =	vld [tilespmem:s12+$0x1CB50]  }
0x13b: {  	v4 =	vmax.f32 v4, v10;
	v10 =	vld [tilespmem:$0x1DA90];
	v11 =	vmax.f32 v11, v15  }
0x13c: {  	v3 =	vmax.f32 v3, v13;
	v15 =	vld [tilespmem:s12+$0x1CB60];
	v12 =	vmax.f32 v12, v16;
	[tilespmem:$0x1ED80] =	vst v11  }
0x13d: {  	v7 =	vmax.f32 v2, v7;
	v2 =	vld [tilespmem:$0x1DAB0];
	v3 =	vmax.f32 v3, v17;
	[tilespmem:$0x1ED90] =	vst v12  }
0x13e: {  	v5 =	vmax.f32 v5, v8;
	v4 =	vmax.f32 v4, v18;
	v11 =	vld [tilespmem:$0x1DA80];
	[tilespmem:$0x1EDA0] =	vst v3  }
0x13f: {  	v5 =	vmax.f32 v5, v19;
	v3 =	vld [tilespmem:$0x1DAA0];
	[tilespmem:$0x1EDB0] =	vst v4  }
0x140: {  	v6 =	vmax.f32 v6, v14;
	v4 =	vmax.f32 v1, v9;
	[tilespmem:$0x1EDC0] =	vst v5;
	v1 =	vld [tilespmem:$0x1DAC0]  }
0x141: {  	v7 =	vmax.f32 v7, v20;
	[tilespmem:$0x1EDF0] =	vst v6;
	v6 =	vld [tilespmem:$0x1DAF0]  }
0x142: {  	[tilespmem:$0x1EDD0] =	vst v7;
	v5 =	vmax.f32 v4, v15;
	v4 =	vld [tilespmem:$0x1DAD0]  }
0x143: {  	s28 =	simm.s32 $0x0;
	[tilespmem:$0x1EDE0] =	vst v5;
	v5 =	vld [tilespmem:$0x1DAE0]  }
0x144: {  	v12 =	vld [tilespmem:s28+$0x1DB70]  }
0x145: {  	v14 =	vld [tilespmem:s28+$0x1DB00]  }
0x146: {  	v15 =	vld [tilespmem:s28+$0x1DB10]  }
0x147: {  	v13 =	vld [tilespmem:s28+$0x1DB20]  }
0x148: {  	v9 =	vld [tilespmem:s28+$0x1DB30]  }
0x149: {  	v8 =	vld [tilespmem:s28+$0x1DB40]  }
0x14a: {  	v7 =	vld [tilespmem:s28+$0x1DB50]  }
0x14b: {  	s13 =	simm.s32 $0x400;
	s12 =	simm.s32 $0x80;
	v6 =	vmax.f32 v6, v12;
	v11 =	vmax.f32 v11, v14;
	v12 =	vmax.f32 v10, v15;
	v10 =	vld [tilespmem:s28+$0x1DB60]  }
.LBB2_19:
0x14c: {  	p2 =	sne.s32 s13, $0x3C00;
	v14 =	vld [tilespmem:s12+$0x1DB70];
	v3 =	vmax.f32 v3, v13  }
0x14d: {  	v15 =	vld [tilespmem:s12+$0x1DB00];
	v2 =	vmax.f32 v2, v9  }
0x14e: {  	v16 =	vld [tilespmem:s12+$0x1DB10];
	v1 =	vmax.f32 v1, v8  }
.Ltmp8:
0x14f: {  	v13 =	vld [tilespmem:s12+$0x1DB20];
	v4 =	vmax.f32 v4, v7;
	(pc) =	sbr.rel @p2 .LBB2_19-.Ltmp8, $4  }
0x150: {  	v9 =	vld [tilespmem:s12+$0x1DB30];
	v5 =	vmax.f32 v5, v10  }
0x151: {  	v8 =	vld [tilespmem:s12+$0x1DB40];
	v6 =	vmax.f32 v6, v14  }
0x152: {  	v11 =	vmax.f32 v11, v15;
	v7 =	vld [tilespmem:s12+$0x1DB50]  }
0x153: {  	v12 =	vmax.f32 v12, v16;
	v10 =	vld [tilespmem:s12+$0x1DB60];
	s12 =	sshra.s32 s13, $0x2;
	s13 =	sadd.s32 $0x200, s13  }
0x154: {  	v14 =	vld [tilespmem:s12+$0x1DB70]  }
0x155: {  	v15 =	vld [tilespmem:s12+$0x1DB00]  }
0x156: {  	v16 =	vld [tilespmem:s12+$0x1DB10]  }
0x157: {  	v17 =	vld [tilespmem:s12+$0x1DB20]  }
0x158: {  	v18 =	vld [tilespmem:s12+$0x1DB30]  }
0x159: {  	v19 =	vld [tilespmem:s12+$0x1DB40]  }
0x15a: {  	v20 =	vld [tilespmem:s12+$0x1DB50];
	v11 =	vmax.f32 v11, v15  }
0x15b: {  	v3 =	vmax.f32 v3, v13;
	v15 =	vld [tilespmem:s12+$0x1DB60];
	v12 =	vmax.f32 v12, v16;
	[tilespmem:$0x1EE00] =	vst v11  }
0x15c: {  	v2 =	vmax.f32 v2, v9;
	v3 =	vmax.f32 v3, v17;
	[tilespmem:$0x1EE10] =	vst v12  }
0x15d: {  	v1 =	vmax.f32 v1, v8;
	v2 =	vmax.f32 v2, v18;
	[tilespmem:$0x1EE20] =	vst v3  }
0x15e: {  	v1 =	vmax.f32 v1, v19;
	v3 =	vmax.f32 v4, v7;
	[tilespmem:$0x1EE30] =	vst v2  }
0x15f: {  	v2 =	vmax.f32 v5, v10;
	[tilespmem:$0x1EE40] =	vst v1;
	v3 =	vmax.f32 v3, v20  }
0x160: {  	[tilespmem:$0x1EE50] =	vst v3;
	v1 =	vmax.f32 v2, v15  }
0x161: {  	v2 =	vmax.f32 v6, v14;
	[tilespmem:$0x1EE60] =	vst v1  }
0x162: {  	s9 =	sadd.s32 s9, s11;
	s6 =	sor.u32 $0x600, s6;
	[tilespmem:$0x1EE70] =	vst v2  }
0x163: {  	[hbm4b:s9+s3] =	stream.linear.scatter [tilespmem:s23], [sflag:$0x4], $0x200, $0x38;
	[tilespmem:$0x1F300] =	vst v63  }
0x164: {  	s28 =	sshrl.u32 s6, $0x2  }
0x165: {  	[tilespmem:s19], [sflag:$0x2] =	stream.indirect.gather [spmem:s1], $0x80, s28, s16, $0xb8;
	[tilespmem:$0x1F300] =	vst v63  }
0x166: {  	_ =	swait.ge [sflag:s20], $0x4000  }
0x167: {  	[sflag:s20] =	ssyncset.done $0x0  }
0x168: {  	s9 =	simm.s32 @!p1 $0x5;
	[sflag:s20] =	ssyncadd.s32 $0xFFFFC000  }
0x169: {  	_ =	swait.ge @!p1 [sflag:s9], $0x200  }
0x16a: {  	[sflag:s9] =	ssyncset.done @!p1 $0x0  }
0x16b: {  	[sflag:s9] =	ssyncadd.s32 @!p1 $0xFFFFFE00  }
0x16c: {  	v9 =	vld [tilespmem:$0x16A80]  }
0x16d: {  	v12 =	vld [tilespmem:$0x16A90]  }
0x16e: {  	v5 =	vld [tilespmem:$0x16AA0]  }
0x16f: {  	v4 =	vld [tilespmem:$0x16AB0]  }
0x170: {  	v3 =	vld [tilespmem:$0x16AC0]  }
0x171: {  	v2 =	vld [tilespmem:$0x16AD0]  }
0x172: {  	v1 =	vld [tilespmem:$0x16AE0]  }
0x173: {  	s13 =	simm.s32 $0x0;
	v6 =	vld [tilespmem:$0x16AF0]  }
0x174: {  	v11 =	vld [tilespmem:s13+$0x16B70]  }
0x175: {  	v14 =	vld [tilespmem:s13+$0x16B00]  }
0x176: {  	v15 =	vld [tilespmem:s13+$0x16B10]  }
0x177: {  	v13 =	vld [tilespmem:s13+$0x16B20]  }
0x178: {  	v10 =	vld [tilespmem:s13+$0x16B30]  }
0x179: {  	v8 =	vld [tilespmem:s13+$0x16B40]  }
0x17a: {  	v7 =	vld [tilespmem:s13+$0x16B50]  }
0x17b: {  	s12 =	simm.s32 $0x400;
	s9 =	simm.s32 $0x80;
	v6 =	vmax.f32 v6, v11;
	v11 =	vmax.f32 v9, v14;
	v12 =	vmax.f32 v12, v15;
	v9 =	vld [tilespmem:s13+$0x16B60]  }
.LBB2_21:
0x17c: {  	p2 =	sne.s32 s12, $0x3C00;
	v14 =	vld [tilespmem:s9+$0x16B70];
	v5 =	vmax.f32 v5, v13  }
0x17d: {  	v15 =	vld [tilespmem:s9+$0x16B00];
	v4 =	vmax.f32 v4, v10  }
0x17e: {  	v16 =	vld [tilespmem:s9+$0x16B10];
	v3 =	vmax.f32 v3, v8  }
.Ltmp9:
0x17f: {  	v13 =	vld [tilespmem:s9+$0x16B20];
	v2 =	vmax.f32 v2, v7;
	(pc) =	sbr.rel @p2 .LBB2_21-.Ltmp9, $4  }
0x180: {  	v10 =	vld [tilespmem:s9+$0x16B30];
	v1 =	vmax.f32 v1, v9  }
0x181: {  	v8 =	vld [tilespmem:s9+$0x16B40];
	v6 =	vmax.f32 v6, v14  }
0x182: {  	v11 =	vmax.f32 v11, v15;
	v7 =	vld [tilespmem:s9+$0x16B50]  }
0x183: {  	v12 =	vmax.f32 v12, v16;
	v9 =	vld [tilespmem:s9+$0x16B60];
	s9 =	sshra.s32 s12, $0x2;
	s12 =	sadd.s32 $0x200, s12  }
0x184: {  	v14 =	vld [tilespmem:s9+$0x16B70]  }
0x185: {  	v15 =	vld [tilespmem:s9+$0x16B00]  }
0x186: {  	v16 =	vld [tilespmem:s9+$0x16B10]  }
0x187: {  	v17 =	vld [tilespmem:s9+$0x16B20]  }
0x188: {  	v18 =	vld [tilespmem:s9+$0x16B30]  }
0x189: {  	v19 =	vld [tilespmem:s9+$0x16B40]  }
0x18a: {  	v20 =	vld [tilespmem:s9+$0x16B50]  }
0x18b: {  	v8 =	vmax.f32 v3, v8;
	v3 =	vld [tilespmem:$0x17AA0];
	v11 =	vmax.f32 v11, v15  }
0x18c: {  	v5 =	vmax.f32 v5, v13;
	v15 =	vld [tilespmem:s9+$0x16B60];
	v12 =	vmax.f32 v12, v16;
	[tilespmem:$0x1EE80] =	vst v11  }
0x18d: {  	v4 =	vmax.f32 v4, v10;
	v5 =	vmax.f32 v5, v17;
	v11 =	vld [tilespmem:$0x17A80];
	[tilespmem:$0x1EE90] =	vst v12  }
0x18e: {  	v2 =	vmax.f32 v2, v7;
	v4 =	vmax.f32 v4, v18;
	v12 =	vld [tilespmem:$0x17A90];
	[tilespmem:$0x1EEA0] =	vst v5  }
0x18f: {  	v2 =	vmax.f32 v2, v20;
	[tilespmem:$0x1EEB0] =	vst v4;
	v4 =	vld [tilespmem:$0x17AB0]  }
0x190: {  	v6 =	vmax.f32 v6, v14;
	[tilespmem:$0x1EED0] =	vst v2;
	v2 =	vld [tilespmem:$0x17AD0]  }
0x191: {  	v1 =	vmax.f32 v1, v9;
	v5 =	vmax.f32 v8, v19;
	[tilespmem:$0x1EEF0] =	vst v6;
	v6 =	vld [tilespmem:$0x17AF0]  }
0x192: {  	[tilespmem:$0x1EEC0] =	vst v5;
	v5 =	vld [tilespmem:$0x17AC0];
	v1 =	vmax.f32 v1, v15  }
0x193: {  	s13 =	simm.s32 $0x0;
	[tilespmem:$0x1EEE0] =	vst v1;
	v1 =	vld [tilespmem:$0x17AE0]  }
0x194: {  	v9 =	vld [tilespmem:s13+$0x17B70]  }
0x195: {  	v14 =	vld [tilespmem:s13+$0x17B00]  }
0x196: {  	v15 =	vld [tilespmem:s13+$0x17B10]  }
0x197: {  	v13 =	vld [tilespmem:s13+$0x17B20]  }
0x198: {  	v10 =	vld [tilespmem:s13+$0x17B30]  }
0x199: {  	v8 =	vld [tilespmem:s13+$0x17B40]  }
0x19a: {  	v7 =	vld [tilespmem:s13+$0x17B50]  }
0x19b: {  	s12 =	simm.s32 $0x400;
	s9 =	simm.s32 $0x80;
	v6 =	vmax.f32 v6, v9;
	v11 =	vmax.f32 v11, v14;
	v12 =	vmax.f32 v12, v15;
	v9 =	vld [tilespmem:s13+$0x17B60]  }
.LBB2_23:
0x19c: {  	p2 =	sne.s32 s12, $0x3C00;
	v14 =	vld [tilespmem:s9+$0x17B70];
	v3 =	vmax.f32 v3, v13  }
0x19d: {  	v15 =	vld [tilespmem:s9+$0x17B00];
	v4 =	vmax.f32 v4, v10  }
0x19e: {  	v16 =	vld [tilespmem:s9+$0x17B10];
	v5 =	vmax.f32 v5, v8  }
.Ltmp10:
0x19f: {  	v13 =	vld [tilespmem:s9+$0x17B20];
	v2 =	vmax.f32 v2, v7;
	(pc) =	sbr.rel @p2 .LBB2_23-.Ltmp10, $4  }
0x1a0: {  	v10 =	vld [tilespmem:s9+$0x17B30];
	v1 =	vmax.f32 v1, v9  }
0x1a1: {  	v8 =	vld [tilespmem:s9+$0x17B40];
	v6 =	vmax.f32 v6, v14  }
0x1a2: {  	v11 =	vmax.f32 v11, v15;
	v7 =	vld [tilespmem:s9+$0x17B50]  }
0x1a3: {  	v12 =	vmax.f32 v12, v16;
	v9 =	vld [tilespmem:s9+$0x17B60];
	s9 =	sshra.s32 s12, $0x2;
	s12 =	sadd.s32 $0x200, s12  }
0x1a4: {  	v14 =	vld [tilespmem:s9+$0x17B70]  }
0x1a5: {  	v15 =	vld [tilespmem:s9+$0x17B00]  }
0x1a6: {  	v16 =	vld [tilespmem:s9+$0x17B10]  }
0x1a7: {  	v17 =	vld [tilespmem:s9+$0x17B20]  }
0x1a8: {  	v18 =	vld [tilespmem:s9+$0x17B30]  }
0x1a9: {  	v19 =	vld [tilespmem:s9+$0x17B40]  }
0x1aa: {  	v20 =	vld [tilespmem:s9+$0x17B50]  }
0x1ab: {  	v11 =	vmax.f32 v11, v15;
	v15 =	vld [tilespmem:s9+$0x17B60]  }
0x1ac: {  	v3 =	vmax.f32 v3, v13;
	v12 =	vmax.f32 v12, v16;
	[tilespmem:$0x1EF00] =	vst v11;
	v11 =	vld [tilespmem:$0x18A80]  }
0x1ad: {  	v4 =	vmax.f32 v4, v10;
	v3 =	vmax.f32 v3, v17;
	[tilespmem:$0x1EF10] =	vst v12;
	v12 =	vld [tilespmem:$0x18A90]  }
0x1ae: {  	v5 =	vmax.f32 v5, v8;
	v4 =	vmax.f32 v4, v18;
	[tilespmem:$0x1EF20] =	vst v3;
	v3 =	vld [tilespmem:$0x18AA0]  }
0x1af: {  	v2 =	vmax.f32 v2, v7;
	v5 =	vmax.f32 v5, v19;
	[tilespmem:$0x1EF30] =	vst v4;
	v4 =	vld [tilespmem:$0x18AB0]  }
0x1b0: {  	v2 =	vmax.f32 v2, v20;
	[tilespmem:$0x1EF40] =	vst v5;
	v5 =	vld [tilespmem:$0x18AC0]  }
0x1b1: {  	v1 =	vmax.f32 v1, v9;
	v6 =	vmax.f32 v6, v14;
	[tilespmem:$0x1EF50] =	vst v2;
	v2 =	vld [tilespmem:$0x18AD0]  }
0x1b2: {  	[tilespmem:$0x1EF70] =	vst v6;
	v6 =	vld [tilespmem:$0x18AF0];
	v1 =	vmax.f32 v1, v15  }
0x1b3: {  	s13 =	simm.s32 $0x0;
	[tilespmem:$0x1EF60] =	vst v1;
	v1 =	vld [tilespmem:$0x18AE0]  }
0x1b4: {  	v9 =	vld [tilespmem:s13+$0x18B70]  }
0x1b5: {  	v14 =	vld [tilespmem:s13+$0x18B00]  }
0x1b6: {  	v15 =	vld [tilespmem:s13+$0x18B10]  }
0x1b7: {  	v13 =	vld [tilespmem:s13+$0x18B20]  }
0x1b8: {  	v10 =	vld [tilespmem:s13+$0x18B30]  }
0x1b9: {  	v8 =	vld [tilespmem:s13+$0x18B40]  }
0x1ba: {  	v7 =	vld [tilespmem:s13+$0x18B50]  }
0x1bb: {  	s12 =	simm.s32 $0x400;
	s9 =	simm.s32 $0x80;
	v6 =	vmax.f32 v6, v9;
	v11 =	vmax.f32 v11, v14;
	v12 =	vmax.f32 v12, v15;
	v9 =	vld [tilespmem:s13+$0x18B60]  }
.LBB2_25:
0x1bc: {  	p2 =	sne.s32 s12, $0x3C00;
	v14 =	vld [tilespmem:s9+$0x18B70];
	v3 =	vmax.f32 v3, v13  }
0x1bd: {  	v15 =	vld [tilespmem:s9+$0x18B00];
	v4 =	vmax.f32 v4, v10  }
0x1be: {  	v16 =	vld [tilespmem:s9+$0x18B10];
	v5 =	vmax.f32 v5, v8  }
.Ltmp11:
0x1bf: {  	v13 =	vld [tilespmem:s9+$0x18B20];
	v2 =	vmax.f32 v2, v7;
	(pc) =	sbr.rel @p2 .LBB2_25-.Ltmp11, $4  }
0x1c0: {  	v10 =	vld [tilespmem:s9+$0x18B30];
	v1 =	vmax.f32 v1, v9  }
0x1c1: {  	v8 =	vld [tilespmem:s9+$0x18B40];
	v6 =	vmax.f32 v6, v14  }
0x1c2: {  	v11 =	vmax.f32 v11, v15;
	v7 =	vld [tilespmem:s9+$0x18B50]  }
0x1c3: {  	v12 =	vmax.f32 v12, v16;
	v9 =	vld [tilespmem:s9+$0x18B60];
	s9 =	sshra.s32 s12, $0x2;
	s12 =	sadd.s32 $0x200, s12  }
0x1c4: {  	v14 =	vld [tilespmem:s9+$0x18B70]  }
0x1c5: {  	v15 =	vld [tilespmem:s9+$0x18B00]  }
0x1c6: {  	v16 =	vld [tilespmem:s9+$0x18B10]  }
0x1c7: {  	v17 =	vld [tilespmem:s9+$0x18B20]  }
0x1c8: {  	v18 =	vld [tilespmem:s9+$0x18B30]  }
0x1c9: {  	v19 =	vld [tilespmem:s9+$0x18B40]  }
0x1ca: {  	v20 =	vld [tilespmem:s9+$0x18B50]  }
0x1cb: {  	v4 =	vmax.f32 v4, v10;
	v10 =	vld [tilespmem:$0x19A90];
	v11 =	vmax.f32 v11, v15  }
0x1cc: {  	v3 =	vmax.f32 v3, v13;
	v15 =	vld [tilespmem:s9+$0x18B60];
	v12 =	vmax.f32 v12, v16;
	[tilespmem:$0x1EF80] =	vst v11  }
0x1cd: {  	v7 =	vmax.f32 v2, v7;
	v2 =	vld [tilespmem:$0x19AB0];
	v3 =	vmax.f32 v3, v17;
	[tilespmem:$0x1EF90] =	vst v12  }
0x1ce: {  	v5 =	vmax.f32 v5, v8;
	v4 =	vmax.f32 v4, v18;
	v11 =	vld [tilespmem:$0x19A80];
	[tilespmem:$0x1EFA0] =	vst v3  }
0x1cf: {  	v5 =	vmax.f32 v5, v19;
	v3 =	vld [tilespmem:$0x19AA0];
	[tilespmem:$0x1EFB0] =	vst v4  }
0x1d0: {  	v6 =	vmax.f32 v6, v14;
	v4 =	vmax.f32 v1, v9;
	[tilespmem:$0x1EFC0] =	vst v5;
	v1 =	vld [tilespmem:$0x19AC0]  }
0x1d1: {  	v7 =	vmax.f32 v7, v20;
	[tilespmem:$0x1EFF0] =	vst v6;
	v6 =	vld [tilespmem:$0x19AF0]  }
0x1d2: {  	[tilespmem:$0x1EFD0] =	vst v7;
	v5 =	vmax.f32 v4, v15;
	v4 =	vld [tilespmem:$0x19AD0]  }
0x1d3: {  	s13 =	simm.s32 $0x0;
	[tilespmem:$0x1EFE0] =	vst v5;
	v5 =	vld [tilespmem:$0x19AE0]  }
0x1d4: {  	v12 =	vld [tilespmem:s13+$0x19B70]  }
0x1d5: {  	v14 =	vld [tilespmem:s13+$0x19B00]  }
0x1d6: {  	v15 =	vld [tilespmem:s13+$0x19B10]  }
0x1d7: {  	v13 =	vld [tilespmem:s13+$0x19B20]  }
0x1d8: {  	v9 =	vld [tilespmem:s13+$0x19B30]  }
0x1d9: {  	v8 =	vld [tilespmem:s13+$0x19B40]  }
0x1da: {  	v7 =	vld [tilespmem:s13+$0x19B50]  }
0x1db: {  	s12 =	simm.s32 $0x400;
	s9 =	simm.s32 $0x80;
	v6 =	vmax.f32 v6, v12;
	v11 =	vmax.f32 v11, v14;
	v12 =	vmax.f32 v10, v15;
	v10 =	vld [tilespmem:s13+$0x19B60]  }
.LBB2_27:
0x1dc: {  	p2 =	sne.s32 s12, $0x3C00;
	v14 =	vld [tilespmem:s9+$0x19B70];
	v3 =	vmax.f32 v3, v13  }
0x1dd: {  	v15 =	vld [tilespmem:s9+$0x19B00];
	v2 =	vmax.f32 v2, v9  }
0x1de: {  	v16 =	vld [tilespmem:s9+$0x19B10];
	v1 =	vmax.f32 v1, v8  }
.Ltmp12:
0x1df: {  	v13 =	vld [tilespmem:s9+$0x19B20];
	v4 =	vmax.f32 v4, v7;
	(pc) =	sbr.rel @p2 .LBB2_27-.Ltmp12, $4  }
0x1e0: {  	v9 =	vld [tilespmem:s9+$0x19B30];
	v5 =	vmax.f32 v5, v10  }
0x1e1: {  	v8 =	vld [tilespmem:s9+$0x19B40];
	v6 =	vmax.f32 v6, v14  }
0x1e2: {  	v11 =	vmax.f32 v11, v15;
	v7 =	vld [tilespmem:s9+$0x19B50]  }
0x1e3: {  	v12 =	vmax.f32 v12, v16;
	v10 =	vld [tilespmem:s9+$0x19B60];
	s9 =	sshra.s32 s12, $0x2;
	s12 =	sadd.s32 $0x200, s12  }
0x1e4: {  	v14 =	vld [tilespmem:s9+$0x19B70]  }
0x1e5: {  	v15 =	vld [tilespmem:s9+$0x19B00]  }
0x1e6: {  	v16 =	vld [tilespmem:s9+$0x19B10]  }
0x1e7: {  	v17 =	vld [tilespmem:s9+$0x19B20]  }
0x1e8: {  	v18 =	vld [tilespmem:s9+$0x19B30]  }
0x1e9: {  	v19 =	vld [tilespmem:s9+$0x19B40]  }
0x1ea: {  	v20 =	vld [tilespmem:s9+$0x19B50];
	v11 =	vmax.f32 v11, v15  }
0x1eb: {  	v63 =	vld [tilespmem:s9+$0x19B60];
	v3 =	vmax.f32 v3, v13;
	v12 =	vmax.f32 v12, v16;
	[tilespmem:$0x1F000] =	vst v11  }
0x1ec: {  	v2 =	vmax.f32 v2, v9;
	v3 =	vmax.f32 v3, v17;
	[tilespmem:$0x1F010] =	vst v12  }
0x1ed: {  	v1 =	vmax.f32 v1, v8;
	v2 =	vmax.f32 v2, v18;
	[tilespmem:$0x1F020] =	vst v3  }
0x1ee: {  	p2 =	sne.s32 s0, $0x13;
	v1 =	vmax.f32 v1, v19;
	v3 =	vmax.f32 v4, v7;
	[tilespmem:$0x1F030] =	vst v2  }
.Ltmp13:
0x1ef: {  	v2 =	vmax.f32 v5, v10;
	[tilespmem:$0x1F040] =	vst v1;
	v3 =	vmax.f32 v3, v20;
	(pc) =	sbr.rel @p2 .LBB2_30-.Ltmp13, $4  }
0x1f0: {  	s8 =	sadd.s32 s10, s8;
	v1 =	vmax.f32 v2, v63;
	[tilespmem:$0x1F050] =	vst v3  }
0x1f1: {  	s8 =	sshrl.u32 s8, $0x3;
	v2 =	vmax.f32 v6, v14;
	[tilespmem:$0x1F060] =	vst v1  }
0x1f2: {  	s8 =	sadd.s32 s5, s8;
	[tilespmem:$0x1F070] =	vst v2  }
0x1f3: {  	[hbm4b:s8+s3] =	stream.linear.scatter [tilespmem:s24], [sflag:$0x5], $0x200, $0x38;
	[tilespmem:$0x1F300] =	vst v63  }
.Ltmp14:
0x1f4: {  	(pc) =	sbr.rel .LBB2_31-.Ltmp14, $4  }
0x1f5: {  	_ = 	snop  }
0x1f6: {  	_ =	swait.ge [sflag:s22], $0x4000  }
0x1f7: {  	[sflag:s22] =	ssyncset.done $0x0  }
0x1f8: {  	[sflag:s22] =	ssyncadd.s32 $0xFFFFC000  }
.LBB2_30:
.Ltmp15:
0x1f9: {  	s4 =	sadd.s32 $0x200, s4;
	(pc) =	sbr.rel @p1 .LBB2_32-.Ltmp15, $4  }
0x1fa: {  	[tilespmem:s18], [sflag:$0x1] =	stream.indirect.gather [spmem:s1], $0x80, s4, s16, $0xb8;
	[tilespmem:$0x1F300] =	vst v63  }
0x1fb: {  	_ =	swait.ge [sflag:s22], $0x4000  }
0x1fc: {  	[sflag:s22] =	ssyncset.done $0x0  }
0x1fd: {  	[sflag:s22] =	ssyncadd.s32 $0xFFFFC000  }
.LBB2_31:
0x1fe: {  	_ =	swait.ge [sflag:s25], $0x200  }
0x1ff: {  	[sflag:s25] =	ssyncset.done $0x0  }
0x200: {  	[sflag:s25] =	ssyncadd.s32 $0xFFFFFE00  }
.LBB2_32:
0x201: {  	v9 =	vld [tilespmem:$0x1AA80]  }
0x202: {  	v12 =	vld [tilespmem:$0x1AA90]  }
0x203: {  	v5 =	vld [tilespmem:$0x1AAA0]  }
0x204: {  	v4 =	vld [tilespmem:$0x1AAB0]  }
0x205: {  	v3 =	vld [tilespmem:$0x1AAC0]  }
0x206: {  	v2 =	vld [tilespmem:$0x1AAD0]  }
0x207: {  	v1 =	vld [tilespmem:$0x1AAE0]  }
0x208: {  	v6 =	vld [tilespmem:$0x1AAF0];
	s9 =	simm.s32 $0x0  }
0x209: {  	v11 =	vld [tilespmem:s9+$0x1AB70]  }
0x20a: {  	v14 =	vld [tilespmem:s9+$0x1AB00]  }
0x20b: {  	v15 =	vld [tilespmem:s9+$0x1AB10]  }
0x20c: {  	v13 =	vld [tilespmem:s9+$0x1AB20]  }
0x20d: {  	v10 =	vld [tilespmem:s9+$0x1AB30]  }
0x20e: {  	v8 =	vld [tilespmem:s9+$0x1AB40]  }
0x20f: {  	v7 =	vld [tilespmem:s9+$0x1AB50]  }
0x210: {  	s4 =	simm.s32 $0x80;
	s8 =	simm.s32 $0x400;
	v6 =	vmax.f32 v6, v11;
	v11 =	vmax.f32 v9, v14;
	v12 =	vmax.f32 v12, v15;
	v9 =	vld [tilespmem:s9+$0x1AB60]  }
.LBB2_33:
0x211: {  	p1 =	sne.s32 s8, $0x3C00;
	v14 =	vld [tilespmem:s4+$0x1AB70];
	v5 =	vmax.f32 v5, v13  }
0x212: {  	v15 =	vld [tilespmem:s4+$0x1AB00];
	v4 =	vmax.f32 v4, v10  }
0x213: {  	v16 =	vld [tilespmem:s4+$0x1AB10];
	v3 =	vmax.f32 v3, v8  }
.Ltmp16:
0x214: {  	v13 =	vld [tilespmem:s4+$0x1AB20];
	v2 =	vmax.f32 v2, v7;
	(pc) =	sbr.rel @p1 .LBB2_33-.Ltmp16, $4  }
0x215: {  	v10 =	vld [tilespmem:s4+$0x1AB30];
	v1 =	vmax.f32 v1, v9  }
0x216: {  	v8 =	vld [tilespmem:s4+$0x1AB40];
	v6 =	vmax.f32 v6, v14  }
0x217: {  	v11 =	vmax.f32 v11, v15;
	v7 =	vld [tilespmem:s4+$0x1AB50]  }
0x218: {  	v12 =	vmax.f32 v12, v16;
	v9 =	vld [tilespmem:s4+$0x1AB60];
	s4 =	sshra.s32 s8, $0x2;
	s8 =	sadd.s32 $0x200, s8  }
0x219: {  	v14 =	vld [tilespmem:s4+$0x1AB70]  }
0x21a: {  	v15 =	vld [tilespmem:s4+$0x1AB00]  }
0x21b: {  	v16 =	vld [tilespmem:s4+$0x1AB10]  }
0x21c: {  	v17 =	vld [tilespmem:s4+$0x1AB20]  }
0x21d: {  	v18 =	vld [tilespmem:s4+$0x1AB30]  }
0x21e: {  	v19 =	vld [tilespmem:s4+$0x1AB40]  }
0x21f: {  	v20 =	vld [tilespmem:s4+$0x1AB50]  }
0x220: {  	v8 =	vmax.f32 v3, v8;
	v3 =	vld [tilespmem:$0x1BAA0];
	v11 =	vmax.f32 v11, v15  }
0x221: {  	v5 =	vmax.f32 v5, v13;
	v15 =	vld [tilespmem:s4+$0x1AB60];
	v12 =	vmax.f32 v12, v16;
	[tilespmem:$0x1F080] =	vst v11  }
0x222: {  	v4 =	vmax.f32 v4, v10;
	v5 =	vmax.f32 v5, v17;
	v11 =	vld [tilespmem:$0x1BA80];
	[tilespmem:$0x1F090] =	vst v12  }
0x223: {  	v2 =	vmax.f32 v2, v7;
	v4 =	vmax.f32 v4, v18;
	v12 =	vld [tilespmem:$0x1BA90];
	[tilespmem:$0x1F0A0] =	vst v5  }
0x224: {  	v2 =	vmax.f32 v2, v20;
	[tilespmem:$0x1F0B0] =	vst v4;
	v4 =	vld [tilespmem:$0x1BAB0]  }
0x225: {  	v6 =	vmax.f32 v6, v14;
	[tilespmem:$0x1F0D0] =	vst v2;
	v2 =	vld [tilespmem:$0x1BAD0]  }
0x226: {  	v1 =	vmax.f32 v1, v9;
	v5 =	vmax.f32 v8, v19;
	[tilespmem:$0x1F0F0] =	vst v6;
	v6 =	vld [tilespmem:$0x1BAF0]  }
0x227: {  	[tilespmem:$0x1F0C0] =	vst v5;
	v5 =	vld [tilespmem:$0x1BAC0];
	v1 =	vmax.f32 v1, v15  }
0x228: {  	s9 =	simm.s32 $0x0;
	[tilespmem:$0x1F0E0] =	vst v1;
	v1 =	vld [tilespmem:$0x1BAE0]  }
0x229: {  	v9 =	vld [tilespmem:s9+$0x1BB70]  }
0x22a: {  	v14 =	vld [tilespmem:s9+$0x1BB00]  }
0x22b: {  	v15 =	vld [tilespmem:s9+$0x1BB10]  }
0x22c: {  	v13 =	vld [tilespmem:s9+$0x1BB20]  }
0x22d: {  	v10 =	vld [tilespmem:s9+$0x1BB30]  }
0x22e: {  	v8 =	vld [tilespmem:s9+$0x1BB40]  }
0x22f: {  	v7 =	vld [tilespmem:s9+$0x1BB50]  }
0x230: {  	s8 =	simm.s32 $0x400;
	s4 =	simm.s32 $0x80;
	v6 =	vmax.f32 v6, v9;
	v11 =	vmax.f32 v11, v14;
	v12 =	vmax.f32 v12, v15;
	v9 =	vld [tilespmem:s9+$0x1BB60]  }
.LBB2_35:
0x231: {  	p1 =	sne.s32 s8, $0x3C00;
	v14 =	vld [tilespmem:s4+$0x1BB70];
	v3 =	vmax.f32 v3, v13  }
0x232: {  	v15 =	vld [tilespmem:s4+$0x1BB00];
	v4 =	vmax.f32 v4, v10  }
0x233: {  	v16 =	vld [tilespmem:s4+$0x1BB10];
	v5 =	vmax.f32 v5, v8  }
.Ltmp17:
0x234: {  	v13 =	vld [tilespmem:s4+$0x1BB20];
	v2 =	vmax.f32 v2, v7;
	(pc) =	sbr.rel @p1 .LBB2_35-.Ltmp17, $4  }
0x235: {  	v10 =	vld [tilespmem:s4+$0x1BB30];
	v1 =	vmax.f32 v1, v9  }
0x236: {  	v8 =	vld [tilespmem:s4+$0x1BB40];
	v6 =	vmax.f32 v6, v14  }
0x237: {  	v11 =	vmax.f32 v11, v15;
	v7 =	vld [tilespmem:s4+$0x1BB50]  }
0x238: {  	v12 =	vmax.f32 v12, v16;
	v9 =	vld [tilespmem:s4+$0x1BB60];
	s4 =	sshra.s32 s8, $0x2;
	s8 =	sadd.s32 $0x200, s8  }
0x239: {  	v14 =	vld [tilespmem:s4+$0x1BB70]  }
0x23a: {  	v15 =	vld [tilespmem:s4+$0x1BB00]  }
0x23b: {  	v16 =	vld [tilespmem:s4+$0x1BB10]  }
0x23c: {  	v17 =	vld [tilespmem:s4+$0x1BB20]  }
0x23d: {  	v18 =	vld [tilespmem:s4+$0x1BB30]  }
0x23e: {  	v19 =	vld [tilespmem:s4+$0x1BB40]  }
0x23f: {  	v20 =	vld [tilespmem:s4+$0x1BB50]  }
0x240: {  	v11 =	vmax.f32 v11, v15;
	v15 =	vld [tilespmem:s4+$0x1BB60]  }
0x241: {  	v3 =	vmax.f32 v3, v13;
	v12 =	vmax.f32 v12, v16;
	[tilespmem:$0x1F100] =	vst v11;
	v11 =	vld [tilespmem:$0x1CA80]  }
0x242: {  	v4 =	vmax.f32 v4, v10;
	v3 =	vmax.f32 v3, v17;
	[tilespmem:$0x1F110] =	vst v12;
	v12 =	vld [tilespmem:$0x1CA90]  }
0x243: {  	v5 =	vmax.f32 v5, v8;
	v4 =	vmax.f32 v4, v18;
	[tilespmem:$0x1F120] =	vst v3;
	v3 =	vld [tilespmem:$0x1CAA0]  }
0x244: {  	v2 =	vmax.f32 v2, v7;
	v5 =	vmax.f32 v5, v19;
	[tilespmem:$0x1F130] =	vst v4;
	v4 =	vld [tilespmem:$0x1CAB0]  }
0x245: {  	v2 =	vmax.f32 v2, v20;
	[tilespmem:$0x1F140] =	vst v5;
	v5 =	vld [tilespmem:$0x1CAC0]  }
0x246: {  	v1 =	vmax.f32 v1, v9;
	v6 =	vmax.f32 v6, v14;
	[tilespmem:$0x1F150] =	vst v2;
	v2 =	vld [tilespmem:$0x1CAD0]  }
0x247: {  	[tilespmem:$0x1F170] =	vst v6;
	v6 =	vld [tilespmem:$0x1CAF0];
	v1 =	vmax.f32 v1, v15  }
0x248: {  	s9 =	simm.s32 $0x0;
	[tilespmem:$0x1F160] =	vst v1;
	v1 =	vld [tilespmem:$0x1CAE0]  }
0x249: {  	v9 =	vld [tilespmem:s9+$0x1CB70]  }
0x24a: {  	v14 =	vld [tilespmem:s9+$0x1CB00]  }
0x24b: {  	v15 =	vld [tilespmem:s9+$0x1CB10]  }
0x24c: {  	v13 =	vld [tilespmem:s9+$0x1CB20]  }
0x24d: {  	v10 =	vld [tilespmem:s9+$0x1CB30]  }
0x24e: {  	v8 =	vld [tilespmem:s9+$0x1CB40]  }
0x24f: {  	v7 =	vld [tilespmem:s9+$0x1CB50]  }
0x250: {  	s8 =	simm.s32 $0x400;
	s4 =	simm.s32 $0x80;
	v6 =	vmax.f32 v6, v9;
	v11 =	vmax.f32 v11, v14;
	v12 =	vmax.f32 v12, v15;
	v9 =	vld [tilespmem:s9+$0x1CB60]  }
.LBB2_37:
0x251: {  	p1 =	sne.s32 s8, $0x3C00;
	v14 =	vld [tilespmem:s4+$0x1CB70];
	v3 =	vmax.f32 v3, v13  }
0x252: {  	v15 =	vld [tilespmem:s4+$0x1CB00];
	v4 =	vmax.f32 v4, v10  }
0x253: {  	v16 =	vld [tilespmem:s4+$0x1CB10];
	v5 =	vmax.f32 v5, v8  }
.Ltmp18:
0x254: {  	v13 =	vld [tilespmem:s4+$0x1CB20];
	v2 =	vmax.f32 v2, v7;
	(pc) =	sbr.rel @p1 .LBB2_37-.Ltmp18, $4  }
0x255: {  	v10 =	vld [tilespmem:s4+$0x1CB30];
	v1 =	vmax.f32 v1, v9  }
0x256: {  	v8 =	vld [tilespmem:s4+$0x1CB40];
	v6 =	vmax.f32 v6, v14  }
0x257: {  	v11 =	vmax.f32 v11, v15;
	v7 =	vld [tilespmem:s4+$0x1CB50]  }
0x258: {  	v12 =	vmax.f32 v12, v16;
	v9 =	vld [tilespmem:s4+$0x1CB60];
	s4 =	sshra.s32 s8, $0x2;
	s8 =	sadd.s32 $0x200, s8  }
0x259: {  	v14 =	vld [tilespmem:s4+$0x1CB70]  }
0x25a: {  	v15 =	vld [tilespmem:s4+$0x1CB00]  }
0x25b: {  	v16 =	vld [tilespmem:s4+$0x1CB10]  }
0x25c: {  	v17 =	vld [tilespmem:s4+$0x1CB20]  }
0x25d: {  	v18 =	vld [tilespmem:s4+$0x1CB30]  }
0x25e: {  	v19 =	vld [tilespmem:s4+$0x1CB40]  }
0x25f: {  	v20 =	vld [tilespmem:s4+$0x1CB50]  }
0x260: {  	v4 =	vmax.f32 v4, v10;
	v10 =	vld [tilespmem:$0x1DA90];
	v11 =	vmax.f32 v11, v15  }
0x261: {  	v3 =	vmax.f32 v3, v13;
	v15 =	vld [tilespmem:s4+$0x1CB60];
	v12 =	vmax.f32 v12, v16;
	[tilespmem:$0x1F180] =	vst v11  }
0x262: {  	v7 =	vmax.f32 v2, v7;
	v2 =	vld [tilespmem:$0x1DAB0];
	v3 =	vmax.f32 v3, v17;
	[tilespmem:$0x1F190] =	vst v12  }
0x263: {  	v5 =	vmax.f32 v5, v8;
	v4 =	vmax.f32 v4, v18;
	v11 =	vld [tilespmem:$0x1DA80];
	[tilespmem:$0x1F1A0] =	vst v3  }
0x264: {  	v5 =	vmax.f32 v5, v19;
	v3 =	vld [tilespmem:$0x1DAA0];
	[tilespmem:$0x1F1B0] =	vst v4  }
0x265: {  	v6 =	vmax.f32 v6, v14;
	v4 =	vmax.f32 v1, v9;
	[tilespmem:$0x1F1C0] =	vst v5;
	v1 =	vld [tilespmem:$0x1DAC0]  }
0x266: {  	v7 =	vmax.f32 v7, v20;
	[tilespmem:$0x1F1F0] =	vst v6;
	v6 =	vld [tilespmem:$0x1DAF0]  }
0x267: {  	[tilespmem:$0x1F1D0] =	vst v7;
	v5 =	vmax.f32 v4, v15;
	v4 =	vld [tilespmem:$0x1DAD0]  }
0x268: {  	s9 =	simm.s32 $0x0;
	[tilespmem:$0x1F1E0] =	vst v5;
	v5 =	vld [tilespmem:$0x1DAE0]  }
0x269: {  	v12 =	vld [tilespmem:s9+$0x1DB70]  }
0x26a: {  	v14 =	vld [tilespmem:s9+$0x1DB00]  }
0x26b: {  	v15 =	vld [tilespmem:s9+$0x1DB10]  }
0x26c: {  	v13 =	vld [tilespmem:s9+$0x1DB20]  }
0x26d: {  	v9 =	vld [tilespmem:s9+$0x1DB30]  }
0x26e: {  	v8 =	vld [tilespmem:s9+$0x1DB40]  }
0x26f: {  	v7 =	vld [tilespmem:s9+$0x1DB50]  }
0x270: {  	s8 =	simm.s32 $0x400;
	s4 =	simm.s32 $0x80;
	v6 =	vmax.f32 v6, v12;
	v11 =	vmax.f32 v11, v14;
	v12 =	vmax.f32 v10, v15;
	v10 =	vld [tilespmem:s9+$0x1DB60]  }
.LBB2_39:
0x271: {  	p1 =	sne.s32 s8, $0x3C00;
	v14 =	vld [tilespmem:s4+$0x1DB70];
	v3 =	vmax.f32 v3, v13  }
0x272: {  	v15 =	vld [tilespmem:s4+$0x1DB00];
	v2 =	vmax.f32 v2, v9  }
0x273: {  	v16 =	vld [tilespmem:s4+$0x1DB10];
	v1 =	vmax.f32 v1, v8  }
.Ltmp19:
0x274: {  	v13 =	vld [tilespmem:s4+$0x1DB20];
	v4 =	vmax.f32 v4, v7;
	(pc) =	sbr.rel @p1 .LBB2_39-.Ltmp19, $4  }
0x275: {  	v9 =	vld [tilespmem:s4+$0x1DB30];
	v5 =	vmax.f32 v5, v10  }
0x276: {  	v8 =	vld [tilespmem:s4+$0x1DB40];
	v6 =	vmax.f32 v6, v14  }
0x277: {  	v11 =	vmax.f32 v11, v15;
	v7 =	vld [tilespmem:s4+$0x1DB50]  }
0x278: {  	v12 =	vmax.f32 v12, v16;
	v10 =	vld [tilespmem:s4+$0x1DB60];
	s4 =	sshra.s32 s8, $0x2;
	s8 =	sadd.s32 $0x200, s8  }
0x279: {  	v14 =	vld [tilespmem:s4+$0x1DB70]  }
0x27a: {  	v15 =	vld [tilespmem:s4+$0x1DB00]  }
0x27b: {  	v16 =	vld [tilespmem:s4+$0x1DB10]  }
0x27c: {  	v17 =	vld [tilespmem:s4+$0x1DB20]  }
0x27d: {  	v18 =	vld [tilespmem:s4+$0x1DB30]  }
0x27e: {  	v19 =	vld [tilespmem:s4+$0x1DB40]  }
0x27f: {  	v20 =	vld [tilespmem:s4+$0x1DB50];
	v11 =	vmax.f32 v11, v15  }
0x280: {  	v63 =	vld [tilespmem:s4+$0x1DB60];
	v3 =	vmax.f32 v3, v13;
	v12 =	vmax.f32 v12, v16;
	[tilespmem:$0x1F200] =	vst v11  }
0x281: {  	v2 =	vmax.f32 v2, v9;
	v3 =	vmax.f32 v3, v17;
	[tilespmem:$0x1F210] =	vst v12  }
0x282: {  	s0 =	sadd.s32 $0x1, s0;
	v1 =	vmax.f32 v1, v8;
	v2 =	vmax.f32 v2, v18;
	[tilespmem:$0x1F220] =	vst v3  }
0x283: {  	p1 =	sne.s32 s0, $0x14;
	v1 =	vmax.f32 v1, v19;
	v3 =	vmax.f32 v4, v7;
	[tilespmem:$0x1F230] =	vst v2  }
.Ltmp20:
0x284: {  	v2 =	vmax.f32 v5, v10;
	[tilespmem:$0x1F240] =	vst v1;
	v3 =	vmax.f32 v3, v20;
	(pc) =	sbr.rel @p1 .LBB2_4-.Ltmp20, $4  }
0x285: {  	s28 =	sadd.s32 s10, s6;
	v1 =	vmax.f32 v2, v63;
	[tilespmem:$0x1F250] =	vst v3  }
0x286: {  	s4 =	sshrl.u32 s28, $0x3;
	v2 =	vmax.f32 v6, v14;
	[tilespmem:$0x1F260] =	vst v1  }
0x287: {  	s4 =	sadd.s32 s5, s4;
	[tilespmem:$0x1F270] =	vst v2  }
0x288: {  	[hbm4b:s4+s3] =	stream.linear.scatter [tilespmem:s26], [sflag:$0x6], $0x200, $0x38;
	[tilespmem:$0x1F300] =	vst v63  }
0x289: {  	s0 =	simm.s32 $0x3  }
0x28a: {  	_ =	swait.ge [sflag:s0], $0x200  }
0x28b: {  	[sflag:s0] =	ssyncset.done $0x0  }
0x28c: {  	[sflag:s0] =	ssyncadd.s32 $0xFFFFFE00  }
0x28d: {  	_ =	swait.ge [sflag:s29], $0x200  }
0x28e: {  	[sflag:s29] =	ssyncset.done $0x0  }
0x28f: {  	[sflag:s29] =	ssyncadd.s32 $0xFFFFFE00  }
0x290: {  	_ =	swait.ge [sflag:s30], $0x200  }
0x291: {  	[sflag:s30] =	ssyncset.done $0x0  }
0x292: {  	[sflag:s30] =	ssyncadd.s32 $0xFFFFFE00  }
0x293: {  	_ =	swait.ge [sflag:s25], $0x200  }
0x294: {  	s31 =	sadd.s32 $0x1, s31;
	s28 =	rddreg [dreg:$0x9]  }
0x295: {  	p1 =	sne.s32 s31, s28  }
.Ltmp21:
0x296: {  	_ = 	snop;
	(pc) =	sbr.rel @p1 .LBB2_1-.Ltmp21, $3  }
0x297: {  	_ =	sdelay $0x1  }
0x298: {  	[sflag:s25] =	ssyncset.done $0x0  }
0x299: {  	[sflag:s25] =	ssyncadd.s32 $0xFFFFFE00  }
0x29a: {  	_ =	sfence.sel $0x180000  }
0x29b: {  	[bflag:$0x0] =	sbarrier.arrive $0xFFFF  }
0x29c: {  	_ =	strace $0x90000047  }
0x29d: {  	[bflag:$0x2] =	sbarrier.arrive $0xFFFF  }
0x29e: {  	s0 =	rddreg [dreg:$0x4]  }
0x29f: {  	s0 =	sadd.s32 @!p0 $0x100000, s0  }
0x2a0: {  	[sflag:s0] =	ssyncadd.tile.s32 @!p0 $0x1;
	_ =	shalt  }
.Lfunc_end2:
_tile_overlayer_lowered:
.L_overlay_start_2:
0x2a1: {  	(tag) =	ssettag $0x2  }
0x2a2: {  	s0 =	rddreg [dreg:$0x0];
	s2 =	stileid.u32  }
0x2a3: {  	s1 =	rddreg [dreg:$0x1];
	p0 =	sne.s32 s2, $0x0  }
0x2a4: {  	s3 =	rddreg [dreg:$0x2];
	[bflag:$0x3] =	sbarrier.arrive $0xFFFF;
	s2 =	simm.s32 @!p0 $0x1C07  }
0x2a5: {  	[timem:s3], [sflag:s2] =	dma.local @!p0 [hbm:s0], s1  }
0x2a6: {  	s0 =	simm.s32 @!p0 $0x7  }
0x2a7: {  	_ =	swait.ge @!p0 [sflag:s0], s1  }
0x2a8: {  	s1 =	ssub.s32 @!p0 $0x0, s1;
	[sflag:s0] =	ssyncset.done @!p0 $0x0  }
0x2a9: {  	[sflag:s0] =	ssyncadd.s32 @!p0 s1  }
0x2aa: {  	[bflag:$0x3] =	sbarrier.arrive $0xFFFF  }
0x2ab: {  	_ =	shalt  }

</sc_bundles>
